<compile_context>
chip_gen: v7x
topology: tpu7x:2x2x1
jax: 0.10.2.dev20260603
libtpu: 0.0.44.dev20260713+nightly
codegen_flags: <defaults>
</compile_context>

<pallas_src>
import jax
import jax.numpy as jnp
from jax import lax
from jax.experimental import pallas as pl
from jax.experimental.pallas import tpu as pltpu
from jax.experimental.pallas import tpu_sc as plsc

_N = 10000
_E = 320000
_H = 128
_C = 6

_NS = 16
_B = 125
_EPS = _E // _NS
_CH = _EPS // _B
_NB = 2
_NP = 10240
_RPT = _NP // _NS
_HH = _H // 2

_BN1 = 1024
_BN2 = 2000



def _pass(sid, xref, yref, zfeat, sidx, didx, acc, rings, sems, degp):
    ra, rb = rings
    gsa, gsb, ssa, ssb, sd = sems
    pltpu.sync_copy(zfeat, acc.at[pl.ds(sid * _RPT, _RPT)])
    if degp is not None:
        ones_h, zdeg, degy, onesv, accd = degp
        pltpu.sync_copy(zdeg, accd.at[pl.ds(sid * _RPT, _RPT)])
        pltpu.sync_copy(ones_h, onesv)
    plsc.subcore_barrier()

    def gather(i, buf, sem):
        pltpu.async_copy(xref.at[sidx.at[i]], buf, sem)

    def gwait(buf, sem):
        pltpu.make_async_copy(xref.at[sidx.at[0]], buf, sem).wait()

    for b in range(_NB):
        gather(b, ra[b], gsa)

    def superstep(base, rs, rg, gs_s, gs_g, ss_s):
        for b in range(_NB):
            gwait(rs[b], gs_s)
        for b in range(_NB):
            pltpu.async_copy(rs[b], acc.at[didx.at[base + b]], ss_s,
                             add=True)
        if degp is not None:
            for b in range(_NB):
                pltpu.async_copy(degp[3], degp[4].at[didx.at[base + b]],
                                 sd, add=True)
        for b in range(_NB):
            nxt = jnp.minimum(base + _NB + b, _CH - 1)
            gather(nxt, rg[b], gs_g)
        for b in range(_NB):
            pltpu.make_async_copy(rs[b], acc.at[didx.at[base + b]],
                                  ss_s).wait()
        if degp is not None:
            for b in range(_NB):
                pltpu.make_async_copy(degp[3],
                                      degp[4].at[didx.at[base + b]],
                                      sd).wait()

    def two_steps(k, carry):
        superstep(2 * _NB * k, ra, rb, gsa, gsb, ssa)
        superstep(2 * _NB * k + _NB, rb, ra, gsb, gsa, ssb)
        return carry

    lax.fori_loop(0, _CH // (2 * _NB), two_steps, 0)
    for b in range(_NB):
        gwait(ra[b], gsa)
    plsc.subcore_barrier()
    pltpu.sync_copy(acc.at[pl.ds(sid * _RPT, _RPT)],
                    yref.at[pl.ds(sid * _RPT, _RPT)])
    if degp is not None:
        pltpu.sync_copy(degp[4].at[pl.ds(sid * _RPT, _RPT)],
                        degp[2].at[pl.ds(sid * _RPT, _RPT)])


def _make_agg2():
    mesh = plsc.VectorSubcoreMesh(core_axis_name="c", subcore_axis_name="s",
                                  num_cores=2, num_subcores=_NS)
    outs = [jax.ShapeDtypeStruct((_NP, _HH), jnp.float32)
            for _ in range(4)]
    scratch = [
        pltpu.VMEM((_CH, _B), jnp.int32),
        pltpu.VMEM((_CH, _B), jnp.int32),
        pltpu.VMEM_SHARED((_NP, _HH), jnp.float32),
    ]
    scratch += [pltpu.VMEM((_B, _HH), jnp.float32) for _ in range(2 * _NB)]
    scratch += [pltpu.SemaphoreType.DMA for _ in range(5)]

    def _core(sid, xa, xb, ya, yb, zfeat, sidx, didx, acc, rings, sems):
        _pass(sid, xa, ya, zfeat, sidx, didx, acc, rings, sems, None)
        plsc.subcore_barrier()
        _pass(sid, xb, yb, zfeat, sidx, didx, acc, rings, sems, None)

    def body(x0a, x0b, x1a, x1b, src2, dst2, zfeat,
             y0a, y0b, y1a, y1b,
             sidx, didx, acc, *rest):
        bufs = rest[:2 * _NB]
        sems = rest[2 * _NB:2 * _NB + 5]
        rings = (bufs[:_NB], bufs[_NB:])
        cid = lax.axis_index("c")
        sid = lax.axis_index("s")
        pltpu.sync_copy(src2.at[sid], sidx)
        pltpu.sync_copy(dst2.at[sid], didx)

        @pl.when(cid == 0)
        def _():
            _core(sid, x0a, x0b, y0a, y0b, zfeat, sidx, didx, acc, rings,
                  sems)

        @pl.when(cid == 1)
        def _():
            _core(sid, x1a, x1b, y1a, y1b, zfeat, sidx, didx, acc, rings,
                  sems)

    return pl.kernel(body, out_type=tuple(outs), mesh=mesh,
                     scratch_types=tuple(scratch),
                     compiler_params=pltpu.CompilerParams(
                         use_tc_tiling_on_sc=False))


def _make_agg1(with_deg):
    mesh = plsc.VectorSubcoreMesh(core_axis_name="c", subcore_axis_name="s",
                                  num_cores=2, num_subcores=_NS)
    outs = [jax.ShapeDtypeStruct((_NP, _HH), jnp.float32) for _ in range(2)]
    scratch = [
        pltpu.VMEM((_CH, _B), jnp.int32),
        pltpu.VMEM((_CH, _B), jnp.int32),
        pltpu.VMEM_SHARED((_NP, _HH), jnp.float32),
    ]
    scratch += [pltpu.VMEM((_B, _HH), jnp.float32) for _ in range(2 * _NB)]
    scratch += [pltpu.SemaphoreType.DMA for _ in range(5)]
    if with_deg:
        outs.append(jax.ShapeDtypeStruct((_NP, 16), jnp.float32))
        scratch += [
            pltpu.VMEM((_B, 16), jnp.float32),
            pltpu.VMEM_SHARED((_NP, 16), jnp.float32),
        ]

    def _body1(xa, xb, src2, dst2, zfeat, *rest):
        if with_deg:
            ones_h, zdeg, ya, yb, degy = rest[:5]
            rest = rest[5:]
        else:
            ya, yb = rest[:2]
            rest = rest[2:]
        sidx, didx, acc = rest[:3]
        bufs = rest[3:3 + 2 * _NB]
        sems = rest[3 + 2 * _NB:3 + 2 * _NB + 5]
        rings = (bufs[:_NB], bufs[_NB:])
        if with_deg:
            onesv = rest[3 + 2 * _NB + 5]
            accd = rest[3 + 2 * _NB + 6]
            degp = (ones_h, zdeg, degy, onesv, accd)
        else:
            degp = None
        cid = lax.axis_index("c")
        sid = lax.axis_index("s")
        pltpu.sync_copy(src2.at[sid], sidx)
        pltpu.sync_copy(dst2.at[sid], didx)

        @pl.when(cid == 0)
        def _():
            _pass(sid, xa, ya, zfeat, sidx, didx, acc, rings, sems, degp)

        @pl.when(cid == 1)
        def _():
            _pass(sid, xb, yb, zfeat, sidx, didx, acc, rings, sems, None)

    return pl.kernel(_body1, out_type=tuple(outs), mesh=mesh,
                     scratch_types=tuple(scratch),
                     compiler_params=pltpu.CompilerParams(
                         use_tc_tiling_on_sc=False))



def _dot(a, b):
    return jnp.dot(a, b, preferred_element_type=jnp.float32)



def _tc1_body(dt_ref, of_ref, *refs):
    wa1, wl1, wv1, b1_ = refs[:4]
    refs = refs[4:]
    (wa2, ba2, ga, gba,
     wl2, bl2, gl, gbl,
     wv2, bv2, gv, gbv,
     p1c, b1c, p2c, b2c, fc, bfc,
     p1a, b1a, p2a, b2a, fa, bfa,
     p1l, b1l, p2l, b2l, fl, bfl,
     p1v, b1v, p2v, b2v, fv, bfv,
     gwca, gwxa, gba2, gwcl, gwxl, gbl2, gwcv, gwxv, gbv2) = refs[:-2]
    ja_ref, jb_ref = refs[-2:]

    t = dt_ref[...]

    def blk(lo, hi, w):
        return lax.dot_general(t[lo:hi].astype(jnp.bfloat16),
                               w[...].astype(jnp.bfloat16),
                               (((0,), (0,)), ((), ())),
                               preferred_element_type=jnp.float32)

    h1 = jnp.maximum(
        jnp.concatenate([blk(0, 100, wa1), blk(100, 868, wl1),
                         blk(868, 1380, wv1)], axis=1) + b1_[...], 0.0)
    of = of_ref[...]

    def enc(h, w2, b2, g, bb):
        h = _dot(h, w2[...]) + b2[...]
        mu = jnp.mean(h, axis=-1, keepdims=True)
        var = jnp.mean((h - mu) * (h - mu), axis=-1, keepdims=True)
        return (h - mu) * lax.rsqrt(var + 1e-5) * g[...] + bb[...]

    ea = enc(h1[:, 0:256], wa2, ba2, ga, gba)
    el = enc(h1[:, 256:512], wl2, bl2, gl, gbl)
    ev = enc(h1[:, 512:768], wv2, bv2, gv, gbv)

    def projfus(x, p1, b1, p2, b2, f, bf):
        j = _dot(jnp.maximum(_dot(x, p1[...]) + b1[...], 0.0), p2[...]) + b2[...]
        return _dot(j, f[...]) + bf[...]

    d_con = projfus(of, p1c, b1c, p2c, b2c, fc, bfc)
    d_a = projfus(ea, p1a, b1a, p2a, b2a, fa, bfa)
    d_l = projfus(el, p1l, b1l, p2l, b2l, fl, bfl)
    d_v = projfus(ev, p1v, b1v, p2v, b2v, fv, bfv)

    def gate(dx, gwc, gwx, gb):
        return (jnp.sum(d_con * gwc[...], axis=-1, keepdims=True)
                + jnp.sum(dx * gwx[...], axis=-1, keepdims=True) + gb[...])

    sa = gate(d_a, gwca, gwxa, gba2)
    sl = gate(d_l, gwcl, gwxl, gbl2)
    sv = gate(d_v, gwcv, gwxv, gbv2)
    m = jnp.maximum(jnp.maximum(sa, sl), sv)
    ea_ = jnp.exp(sa - m)
    el_ = jnp.exp(sl - m)
    ev_ = jnp.exp(sv - m)
    s = ea_ + el_ + ev_
    jf = (ea_ * d_a + el_ * d_l + ev_ * d_v) / s
    ja_ref[...] = jf[:, :_HH]
    jb_ref[...] = jf[:, _HH:]


def _full_spec(a):
    nd = a.ndim
    return pl.BlockSpec(a.shape, lambda i, _nd=nd: (0,) * _nd)


def _row_spec(bn, d):
    return pl.BlockSpec((bn, d), lambda i: (i, 0))


def _half_struct():
    return jax.ShapeDtypeStruct((_N, _HH), jnp.float32)


def _tc1(dT, of, wlist):
    in_specs = [pl.BlockSpec((1380, _BN1), lambda i: (0, i)),
                _row_spec(_BN1, _H)]
    in_specs += [_full_spec(w) for w in wlist]
    return pl.pallas_call(
        _tc1_body,
        grid=(_N // _BN1,),
        in_specs=in_specs,
        out_specs=tuple(_row_spec(_BN1, _HH) for _ in range(2)),
        out_shape=tuple(_half_struct() for _ in range(2)),
    )(dT, of, *wlist)



def _tc2_body(aja_ref, ajb_ref, aza_ref, azb_ref, dg_ref,
              wja, wjb, bj, wza, wzb, bz,
              oja_ref, ojb_ref, oza_ref, ozb_ref):
    d = jnp.maximum(dg_ref[:, 0:1], 1.0)
    r = 1.0 / d
    hj = jnp.maximum(_dot(aja_ref[...] * r, wja[...])
                     + _dot(ajb_ref[...] * r, wjb[...]) + bj[...], 0.0)
    hz = jnp.maximum(_dot(aza_ref[...] * r, wza[...])
                     + _dot(azb_ref[...] * r, wzb[...]) + bz[...], 0.0)
    oja_ref[...] = hj[:, :_HH]
    ojb_ref[...] = hj[:, _HH:]
    oza_ref[...] = hz[:, :_HH]
    ozb_ref[...] = hz[:, _HH:]


def _tc2(aggs, deg16, wj, bj, wz, bz):
    wl = [wj[:_HH], wj[_HH:], bj, wz[:_HH], wz[_HH:], bz]
    in_specs = [_row_spec(_BN2, _HH)] * 4 + [_row_spec(_BN2, 16)]
    in_specs += [_full_spec(w) for w in wl]
    return pl.pallas_call(
        _tc2_body,
        grid=(_N // _BN2,),
        in_specs=in_specs,
        out_specs=tuple(_row_spec(_BN2, _HH) for _ in range(4)),
        out_shape=tuple(_half_struct() for _ in range(4)),
    )(*aggs, deg16, *wl)



def _tc3_body(aja_ref, ajb_ref, aza_ref, azb_ref, dg_ref,
              wja, wjb, bj, wza, wzb, bz,
              p1a, p1b, b1, p2, b2, ow, ob, o_ref):
    d = jnp.maximum(dg_ref[:, 0:1], 1.0)
    r = 1.0 / d
    hj = jnp.maximum(_dot(aja_ref[...] * r, wja[...])
                     + _dot(ajb_ref[...] * r, wjb[...]) + bj[...], 0.0)
    hz = jnp.maximum(_dot(aza_ref[...] * r, wza[...])
                     + _dot(azb_ref[...] * r, wzb[...]) + bz[...], 0.0)
    h = jnp.maximum(_dot(hj, p1a[...]) + _dot(hz, p1b[...]) + b1[...], 0.0)
    h = _dot(h, p2[...]) + b2[...]
    z = _dot(h, ow[...]) + ob[...]
    m = jnp.max(z, axis=-1, keepdims=True)
    lse = m + jnp.log(jnp.sum(jnp.exp(z - m), axis=-1, keepdims=True))
    o_ref[...] = z - lse


def _tc3(aggs, deg16, wl):
    in_specs = [_row_spec(_BN2, _HH)] * 4 + [_row_spec(_BN2, 16)]
    in_specs += [_full_spec(w) for w in wl]
    return pl.pallas_call(
        _tc3_body,
        grid=(_N // _BN2,),
        in_specs=in_specs,
        out_specs=_row_spec(_BN2, _H),
        out_shape=jax.ShapeDtypeStruct((_N, _H), jnp.float32),
    )(*aggs, deg16, *wl)



def kernel(out_features, data_input, edge_index, params):
    f32 = jnp.float32
    src2 = edge_index[0].reshape(_NS, _CH, _B)
    dst2 = edge_index[1].reshape(_NS, _CH, _B)

    def b2d(b):
        return b.reshape(1, -1)

    p = params
    bbig = jnp.concatenate([p['enc_a']['l1'][1], p['enc_l']['l1'][1],
                            p['enc_v']['l1'][1]]).reshape(1, 768)
    w1list = [p['enc_a']['l1'][0], p['enc_l']['l1'][0],
              p['enc_v']['l1'][0], bbig]

    def encw(name):
        e = p[name]
        return [e['l2'][0], b2d(e['l2'][1]), b2d(e['ln_g']), b2d(e['ln_b'])]

    def pfw(tag):
        return [p['proj1_' + tag][0], b2d(p['proj1_' + tag][1]),
                p['proj2_' + tag][0], b2d(p['proj2_' + tag][1]),
                p['fus_' + tag][0], b2d(p['fus_' + tag][1])]

    def gatew(tag):
        w = p['w_' + tag][0]
        return [w[:_H].reshape(1, _H), w[_H:].reshape(1, _H),
                p['w_' + tag][1].reshape(1, 1)]

    wlist = (w1list + encw('enc_a') + encw('enc_l') + encw('enc_v')
             + pfw('con') + pfw('a') + pfw('l') + pfw('v')
             + gatew('a') + gatew('l') + gatew('v'))

    zfeat = jnp.zeros((_RPT, _HH), f32)
    zdeg = jnp.zeros((_RPT, 16), f32)
    ones_h = jnp.ones((_B, 16), f32)

    aza, azb, deg16 = _make_agg1(True)(
        out_features[:, :_HH], out_features[:, _HH:], src2, dst2,
        zfeat, ones_h, zdeg)

    ja, jb = _tc1(data_input.T, out_features, wlist)

    aja, ajb = _make_agg1(False)(ja, jb, src2, dst2, zfeat)

    h1 = _tc2((aja, ajb, aza, azb), deg16,
              p['gcn_j1'][0], b2d(p['gcn_j1'][1]),
              p['gcn_z1'][0], b2d(p['gcn_z1'][1]))

    a2 = _make_agg2()(*h1, src2, dst2, zfeat)

    ow = jnp.pad(p['out_layer'][0], ((0, 0), (0, _H - _C)))
    ob = jnp.concatenate([p['out_layer'][1],
                          jnp.full((_H - _C,), -1e30, f32)]).reshape(1, _H)
    p1 = p['proj1_out'][0]
    w3 = [p['gcn_j2'][0][:_HH], p['gcn_j2'][0][_HH:], b2d(p['gcn_j2'][1]),
          p['gcn_z2'][0][:_HH], p['gcn_z2'][0][_HH:], b2d(p['gcn_z2'][1]),
          p1[:_H], p1[_H:], b2d(p['proj1_out'][1]),
          p['proj2_out'][0], b2d(p['proj2_out'][1]),
          ow, ob]

    out128 = _tc3(a2, deg16, w3)
    return out128[:, :_C]

# --- scband reference (transcript-rebuilt; emitter-appended) ---
"""Pipeline reference for scband-d2-gnn-67542655697255 (READ-ONLY COPY).

The authoritative reference and input builder live on the scoring server;
editing this copy changes nothing except your own understanding.
"""

import jax, jax.numpy as jnp
import numpy as np

N = 10000
E = 320000
H = 128
C = 6

def _lin(x, p):
    return x @ p[0] + p[1]

def _ln(x, g, b):
    mu = jnp.mean(x, axis=-1, keepdims=True)
    var = jnp.var(x, axis=-1, keepdims=True)
    return (x - mu) / jnp.sqrt(var + 1e-5) * g + b

def _encoder(x, p):
    h = jax.nn.relu(_lin(x, p['l1']))
    h = _lin(h, p['l2'])
    return _ln(h, p['ln_g'], p['ln_b'])

def _forward(out_features, data_input, params, edge_index):
    feat_a = data_input[:, :100]
    feat_l = data_input[:, 100:868]
    feat_v = data_input[:, 868:]
    ea = _encoder(feat_a, params['enc_a'])
    el = _encoder(feat_l, params['enc_l'])
    ev = _encoder(feat_v, params['enc_v'])
    def proj(x, p1, p2):
        return _lin(jax.nn.relu(_lin(x, params[p1])), params[p2])
    j_con = proj(out_features, 'proj1_con', 'proj2_con')
    j_a = proj(ea, 'proj1_a', 'proj2_a')
    j_l = proj(el, 'proj1_l', 'proj2_l')
    j_v = proj(ev, 'proj1_v', 'proj2_v')
    d_con = _lin(j_con, params['fus_con'])
    d_a = _lin(j_a, params['fus_a'])
    d_l = _lin(j_l, params['fus_l'])
    d_v = _lin(j_v, params['fus_v'])
    wa = _lin(jnp.concatenate([d_con, d_a], 1), params['w_a'])
    wl = _lin(jnp.concatenate([d_con, d_l], 1), params['w_l'])
    wv = _lin(jnp.concatenate([d_con, d_v], 1), params['w_v'])
    ws = jax.nn.softmax(jnp.concatenate([wa, wl, wv], 1), axis=1)
    j_fused = ws[:, 0:1] * d_a + ws[:, 1:2] * d_l + ws[:, 2:3] * d_v
    src = edge_index[0]
    dst = edge_index[1]
    deg = jnp.clip(jax.ops.segment_sum(jnp.ones((E,), jnp.float32), dst, num_segments=N), 1.0)[:, None]
    def gcn(x, p1, p2):
        a1 = jax.ops.segment_sum(jnp.take(x, src, axis=0), dst, num_segments=N) / deg
        h1 = jax.nn.relu(_lin(a1, params[p1]))
        a2 = jax.ops.segment_sum(jnp.take(h1, src, axis=0), dst, num_segments=N) / deg
        return jax.nn.relu(_lin(a2, params[p2]))
    hj = gcn(j_fused, 'gcn_j1', 'gcn_j2')
    hz = gcn(out_features, 'gcn_z1', 'gcn_z2')
    hcat = jnp.concatenate([hj, hz], 1)
    h = jax.nn.relu(_lin(hcat, params['proj1_out']))
    h = _lin(h, params['proj2_out'])
    logits = _lin(h, params['out_layer'])
    return jax.nn.log_softmax(logits, axis=-1)

def setup_inputs(seed: int = 0):
    key = jax.random.key(seed)
    ks = iter(jax.random.split(key, 80))
    def w(shape):
        return (jax.random.normal(next(ks), shape) * 0.02).astype(jnp.float32)
    def lin_p(i, o):
        return (w((i, o)), jnp.zeros((o,), jnp.float32))
    def enc_p(i):
        return {'l1': lin_p(i, 2 * H), 'l2': lin_p(2 * H, H),
                'ln_g': jnp.ones((H,), jnp.float32), 'ln_b': jnp.zeros((H,), jnp.float32)}
    out_features = jax.random.normal(next(ks), (N, H), dtype=jnp.float32)
    data_input = jax.random.normal(next(ks), (N, 1380), dtype=jnp.float32)
    edge_index = jax.random.randint(next(ks), (2, E), 0, N, dtype=jnp.int32)
    params = {
        'enc_a': enc_p(100), 'enc_l': enc_p(768), 'enc_v': enc_p(512),
        'proj1_con': lin_p(H, H), 'proj2_con': lin_p(H, H),
        'proj1_a': lin_p(H, H), 'proj2_a': lin_p(H, H),
        'proj1_l': lin_p(H, H), 'proj2_l': lin_p(H, H),
        'proj1_v': lin_p(H, H), 'proj2_v': lin_p(H, H),
        'fus_con': lin_p(H, H), 'fus_a': lin_p(H, H), 'fus_l': lin_p(H, H), 'fus_v': lin_p(H, H),
        'w_a': lin_p(2 * H, 1), 'w_l': lin_p(2 * H, 1), 'w_v': lin_p(2 * H, 1),
        'gcn_j1': lin_p(H, H), 'gcn_j2': lin_p(H, H),
        'gcn_z1': lin_p(H, H), 'gcn_z2': lin_p(H, H),
        'proj1_out': lin_p(2 * H, H), 'proj2_out': lin_p(H, H), 'out_layer': lin_p(H, C),
    }
    return {'out_features': out_features, 'data_input': data_input,
            'edge_index': edge_index, 'params': params}

def reference(out_features, data_input, edge_index, params):
    return _forward(out_features, data_input, params, edge_index)

if __name__ == "__main__":
    import jax
    _d = setup_inputs()
    print(jax.jit(kernel)(*tuple(_d.values())))

</pallas_src>

<mosaic_0001>
#map = affine_map<(d0, d1) -> (0, 0)>
#map1 = affine_map<(d0, d1) -> (0, 0, 0)>
module attributes {stable_mosaic.version = 14 : i64} {
  func.func @body(%arg0: i32, %arg1: i32, %arg2: memref<10000x64xf32, #tpu.memory_space<hbm>>, %arg3: memref<10000x64xf32, #tpu.memory_space<hbm>>, %arg4: memref<10000x64xf32, #tpu.memory_space<hbm>>, %arg5: memref<10000x64xf32, #tpu.memory_space<hbm>>, %arg6: memref<16x160x125xi32, #tpu.memory_space<hbm>>, %arg7: memref<16x160x125xi32, #tpu.memory_space<hbm>>, %arg8: memref<640x64xf32, #tpu.memory_space<hbm>>, %arg9: memref<10240x64xf32, #tpu.memory_space<hbm>>, %arg10: memref<10240x64xf32, #tpu.memory_space<hbm>>, %arg11: memref<10240x64xf32, #tpu.memory_space<hbm>>, %arg12: memref<10240x64xf32, #tpu.memory_space<hbm>>, %arg13: memref<160x125xi32, #tpu.memory_space<vmem>>, %arg14: memref<160x125xi32, #tpu.memory_space<vmem>>, %arg15: memref<10240x64xf32, #tpu.memory_space<vmem_shared>>, %arg16: memref<125x64xf32, #tpu.memory_space<vmem>>, %arg17: memref<125x64xf32, #tpu.memory_space<vmem>>, %arg18: memref<125x64xf32, #tpu.memory_space<vmem>>, %arg19: memref<125x64xf32, #tpu.memory_space<vmem>>, %arg20: memref<!tpu.dma_semaphore, #tpu.memory_space<semaphore_mem>>, %arg21: memref<!tpu.dma_semaphore, #tpu.memory_space<semaphore_mem>>, %arg22: memref<!tpu.dma_semaphore, #tpu.memory_space<semaphore_mem>>, %arg23: memref<!tpu.dma_semaphore, #tpu.memory_space<semaphore_mem>>, %arg24: memref<!tpu.dma_semaphore, #tpu.memory_space<semaphore_mem>>) attributes {dimension_semantics = [#tpu.dimension_semantics<core_parallel>, #tpu.dimension_semantics<subcore_parallel>], iteration_bounds = array<i64: 2, 16>, scalar_prefetch = 0 : i64, scratch_operands = 12 : i64, tpu.core_type = #tpu.core_type<sc_vector_subcore>, window_params = [{transform_indices = #map}, {transform_indices = #map}, {transform_indices = #map}, {transform_indices = #map}, {transform_indices = #map1}, {transform_indices = #map1}, {transform_indices = #map}, {transform_indices = #map}, {transform_indices = #map}, {transform_indices = #map}, {transform_indices = #map}]} {
    "tpu.region"() ({
      %run_scoped3A = tpu.sem_alloc : memref<!tpu.dma_semaphore, #tpu.memory_space<semaphore_mem>>
      %dma_start3A = arith.constant 0 : i32
      %dma_start3A_7 = arith.constant 0 : i32
      %dma_start3A_8 = tpu.memref_slice %arg6[%arg1, %dma_start3A, %dma_start3A_7] : memref<16x160x125xi32, #tpu.memory_space<hbm>> -> memref<1x160x125xi32, #tpu.memory_space<hbm>>
      %dma_start3A_9 = tpu.memref_squeeze %dma_start3A_8 : memref<1x160x125xi32, #tpu.memory_space<hbm>> -> memref<160x125xi32, #tpu.memory_space<hbm>>
      %dma_start3A_10 = arith.constant 0 : i32
      %dma_start3A_11 = arith.constant 0 : i32
      %dma_start3A_12 = tpu.memref_slice %arg6[%arg1, %dma_start3A_10, %dma_start3A_11] : memref<16x160x125xi32, #tpu.memory_space<hbm>> -> memref<1x160x125xi32, #tpu.memory_space<hbm>>
      %dma_start3A_13 = tpu.memref_squeeze %dma_start3A_12 : memref<1x160x125xi32, #tpu.memory_space<hbm>> -> memref<160x125xi32, #tpu.memory_space<hbm>>
      tpu.enqueue_dma source(%dma_start3A_13 : memref<160x125xi32, #tpu.memory_space<hbm>>) target(%arg13 : memref<160x125xi32, #tpu.memory_space<vmem>>) target_semaphore(%run_scoped3A : memref<!tpu.dma_semaphore, #tpu.memory_space<semaphore_mem>>)
      %dma_wait3A = arith.constant 0 : i32
      %dma_wait3A_14 = arith.constant 0 : i32
      %dma_wait3A_15 = tpu.memref_slice %arg6[%arg1, %dma_wait3A, %dma_wait3A_14] : memref<16x160x125xi32, #tpu.memory_space<hbm>> -> memref<1x160x125xi32, #tpu.memory_space<hbm>>
      %dma_wait3A_16 = tpu.memref_squeeze %dma_wait3A_15 : memref<1x160x125xi32, #tpu.memory_space<hbm>> -> memref<160x125xi32, #tpu.memory_space<hbm>>
      %dma_wait3A_17 = arith.constant 0 : i32
      %dma_wait3A_18 = arith.constant 0 : i32
      %dma_wait3A_19 = tpu.memref_slice %arg6[%arg1, %dma_wait3A_17, %dma_wait3A_18] : memref<16x160x125xi32, #tpu.memory_space<hbm>> -> memref<1x160x125xi32, #tpu.memory_space<hbm>>
      %dma_wait3A_20 = tpu.memref_squeeze %dma_wait3A_19 : memref<1x160x125xi32, #tpu.memory_space<hbm>> -> memref<160x125xi32, #tpu.memory_space<hbm>>
      tpu.wait_dma2 semaphore(%run_scoped3A : memref<!tpu.dma_semaphore, #tpu.memory_space<semaphore_mem>>) src(%dma_wait3A_20 : memref<160x125xi32, #tpu.memory_space<hbm>>) dst(%arg13 : memref<160x125xi32, #tpu.memory_space<vmem>>)
      tpu.yield
    }) : () -> ()
    "tpu.region"() ({
      %run_scoped3A = tpu.sem_alloc : memref<!tpu.dma_semaphore, #tpu.memory_space<semaphore_mem>>
      %dma_start3A = arith.constant 0 : i32
      %dma_start3A_7 = arith.constant 0 : i32
      %dma_start3A_8 = tpu.memref_slice %arg7[%arg1, %dma_start3A, %dma_start3A_7] : memref<16x160x125xi32, #tpu.memory_space<hbm>> -> memref<1x160x125xi32, #tpu.memory_space<hbm>>
      %dma_start3A_9 = tpu.memref_squeeze %dma_start3A_8 : memref<1x160x125xi32, #tpu.memory_space<hbm>> -> memref<160x125xi32, #tpu.memory_space<hbm>>
      %dma_start3A_10 = arith.constant 0 : i32
      %dma_start3A_11 = arith.constant 0 : i32
      %dma_start3A_12 = tpu.memref_slice %arg7[%arg1, %dma_start3A_10, %dma_start3A_11] : memref<16x160x125xi32, #tpu.memory_space<hbm>> -> memref<1x160x125xi32, #tpu.memory_space<hbm>>
      %dma_start3A_13 = tpu.memref_squeeze %dma_start3A_12 : memref<1x160x125xi32, #tpu.memory_space<hbm>> -> memref<160x125xi32, #tpu.memory_space<hbm>>
      tpu.enqueue_dma source(%dma_start3A_13 : memref<160x125xi32, #tpu.memory_space<hbm>>) target(%arg14 : memref<160x125xi32, #tpu.memory_space<vmem>>) target_semaphore(%run_scoped3A : memref<!tpu.dma_semaphore, #tpu.memory_space<semaphore_mem>>)
      %dma_wait3A = arith.constant 0 : i32
      %dma_wait3A_14 = arith.constant 0 : i32
      %dma_wait3A_15 = tpu.memref_slice %arg7[%arg1, %dma_wait3A, %dma_wait3A_14] : memref<16x160x125xi32, #tpu.memory_space<hbm>> -> memref<1x160x125xi32, #tpu.memory_space<hbm>>
      %dma_wait3A_16 = tpu.memref_squeeze %dma_wait3A_15 : memref<1x160x125xi32, #tpu.memory_space<hbm>> -> memref<160x125xi32, #tpu.memory_space<hbm>>
      %dma_wait3A_17 = arith.constant 0 : i32
      %dma_wait3A_18 = arith.constant 0 : i32
      %dma_wait3A_19 = tpu.memref_slice %arg7[%arg1, %dma_wait3A_17, %dma_wait3A_18] : memref<16x160x125xi32, #tpu.memory_space<hbm>> -> memref<1x160x125xi32, #tpu.memory_space<hbm>>
      %dma_wait3A_20 = tpu.memref_squeeze %dma_wait3A_19 : memref<1x160x125xi32, #tpu.memory_space<hbm>> -> memref<160x125xi32, #tpu.memory_space<hbm>>
      tpu.wait_dma2 semaphore(%run_scoped3A : memref<!tpu.dma_semaphore, #tpu.memory_space<semaphore_mem>>) src(%dma_wait3A_20 : memref<160x125xi32, #tpu.memory_space<hbm>>) dst(%arg14 : memref<160x125xi32, #tpu.memory_space<vmem>>)
      tpu.yield
    }) : () -> ()
    %eq3A = arith.constant 0 : i32
    %eq3A_0 = arith.cmpi eq, %arg0, %eq3A : i32
    %convert_element_type3A = arith.extui %eq3A_0 : i1 to i32
    %cond3A = arith.constant 0 : i32
    %cond3A_1 = arith.cmpi ne, %convert_element_type3A, %cond3A : i32
    scf.if %cond3A_1 {
      %mul3A = arith.constant 640 : i32
      %mul3A_7 = arith.muli %arg1, %mul3A : i32
      "tpu.region"() ({
        %run_scoped3A = tpu.sem_alloc : memref<!tpu.dma_semaphore, #tpu.memory_space<semaphore_mem>>
        %dma_start3A_87 = arith.constant 0 : i32
        %dma_start3A_88 = tpu.memref_slice %arg15[%mul3A_7, %dma_start3A_87] : memref<10240x64xf32, #tpu.memory_space<vmem_shared>> -> memref<640x64xf32, #tpu.memory_space<vmem_shared>>
        tpu.enqueue_dma source(%arg8 : memref<640x64xf32, #tpu.memory_space<hbm>>) target(%dma_start3A_88 : memref<640x64xf32, #tpu.memory_space<vmem_shared>>) target_semaphore(%run_scoped3A : memref<!tpu.dma_semaphore, #tpu.memory_space<semaphore_mem>>)
        %dma_wait3A_89 = arith.constant 0 : i32
        %dma_wait3A_90 = tpu.memref_slice %arg15[%mul3A_7, %dma_wait3A_89] : memref<10240x64xf32, #tpu.memory_space<vmem_shared>> -> memref<640x64xf32, #tpu.memory_space<vmem_shared>>
        tpu.wait_dma2 semaphore(%run_scoped3A : memref<!tpu.dma_semaphore, #tpu.memory_space<semaphore_mem>>) src(%arg8 : memref<640x64xf32, #tpu.memory_space<hbm>>) dst(%dma_wait3A_90 : memref<640x64xf32, #tpu.memory_space<vmem_shared>>)
        tpu.yield
      }) : () -> ()
      %barrier3A = arith.constant 0 : index
      tpu.barrier barrier_id(%barrier3A)
      %dma_start3A = arith.constant 0 : i32
      %dma_start3A_8 = arith.constant 0 : i32
      %dma_start3A_9 = tpu.memref_slice %arg13[%dma_start3A, %dma_start3A_8] : memref<160x125xi32, #tpu.memory_space<vmem>> -> memref<1x125xi32, #tpu.memory_space<vmem>>
      %dma_start3A_10 = tpu.memref_squeeze %dma_start3A_9 : memref<1x125xi32, #tpu.memory_space<vmem>> -> memref<125xi32, #tpu.memory_space<vmem>>
      %dma_start3A_11 = arith.constant 0 : i32
      %dma_start3A_12 = arith.constant 0 : i32
      %dma_start3A_13 = tpu.memref_slice %arg2[%dma_start3A_11, %dma_start3A_12] : memref<10000x64xf32, #tpu.memory_space<hbm>> -> memref<10000x64xf32, #tpu.memory_space<hbm>>
      tpu.enqueue_indirect_dma source(%dma_start3A_13 : memref<10000x64xf32, #tpu.memory_space<hbm>>) target(%arg16 : memref<125x64xf32, #tpu.memory_space<vmem>>) offsets(%dma_start3A_10 : memref<125xi32, #tpu.memory_space<vmem>>) semaphore(%arg20 : memref<!tpu.dma_semaphore, #tpu.memory_space<semaphore_mem>>)
      %dma_start3A_14 = arith.constant 1 : i32
      %dma_start3A_15 = arith.constant 0 : i32
      %dma_start3A_16 = tpu.memref_slice %arg13[%dma_start3A_14, %dma_start3A_15] : memref<160x125xi32, #tpu.memory_space<vmem>> -> memref<1x125xi32, #tpu.memory_space<vmem>>
      %dma_start3A_17 = tpu.memref_squeeze %dma_start3A_16 : memref<1x125xi32, #tpu.memory_space<vmem>> -> memref<125xi32, #tpu.memory_space<vmem>>
      %dma_start3A_18 = arith.constant 0 : i32
      %dma_start3A_19 = arith.constant 0 : i32
      %dma_start3A_20 = tpu.memref_slice %arg2[%dma_start3A_18, %dma_start3A_19] : memref<10000x64xf32, #tpu.memory_space<hbm>> -> memref<10000x64xf32, #tpu.memory_space<hbm>>
      tpu.enqueue_indirect_dma source(%dma_start3A_20 : memref<10000x64xf32, #tpu.memory_space<hbm>>) target(%arg17 : memref<125x64xf32, #tpu.memory_space<vmem>>) offsets(%dma_start3A_17 : memref<125xi32, #tpu.memory_space<vmem>>) semaphore(%arg20 : memref<!tpu.dma_semaphore, #tpu.memory_space<semaphore_mem>>)
      %scan3A = arith.constant 0 : i32
      %scan3A_21 = arith.constant 0 : i32
      %scan3A_22 = arith.constant 40 : i32
      %scan3A_23 = arith.addi %scan3A_21, %scan3A_22 : i32
      %scan3A_24 = arith.constant 1 : i32
      scf.for %scan3A_87 = %scan3A_21 to %scan3A_23 step %scan3A_24  : i32 {
        %mul3A_88 = arith.constant 4 : i32
        %mul3A_89 = arith.muli %mul3A_88, %scan3A_87 : i32
        %dma_wait3A_90 = arith.constant 0 : i32
        %dma_wait3A_91 = arith.constant 0 : i32
        %dma_wait3A_92 = tpu.memref_slice %arg13[%dma_wait3A_90, %dma_wait3A_91] : memref<160x125xi32, #tpu.memory_space<vmem>> -> memref<1x125xi32, #tpu.memory_space<vmem>>
        %dma_wait3A_93 = tpu.memref_squeeze %dma_wait3A_92 : memref<1x125xi32, #tpu.memory_space<vmem>> -> memref<125xi32, #tpu.memory_space<vmem>>
        %dma_wait3A_94 = arith.constant 0 : i32
        %dma_wait3A_95 = arith.constant 0 : i32
        %dma_wait3A_96 = tpu.memref_slice %arg2[%dma_wait3A_94, %dma_wait3A_95] : memref<10000x64xf32, #tpu.memory_space<hbm>> -> memref<10000x64xf32, #tpu.memory_space<hbm>>
        tpu.wait_indirect_dma semaphore(%arg20 : memref<!tpu.dma_semaphore, #tpu.memory_space<semaphore_mem>>) src(%dma_wait3A_96 : memref<10000x64xf32, #tpu.memory_space<hbm>>) dst(%arg16 : memref<125x64xf32, #tpu.memory_space<vmem>>)
        %dma_wait3A_97 = arith.constant 0 : i32
        %dma_wait3A_98 = arith.constant 0 : i32
        %dma_wait3A_99 = tpu.memref_slice %arg13[%dma_wait3A_97, %dma_wait3A_98] : memref<160x125xi32, #tpu.memory_space<vmem>> -> memref<1x125xi32, #tpu.memory_space<vmem>>
        %dma_wait3A_100 = tpu.memref_squeeze %dma_wait3A_99 : memref<1x125xi32, #tpu.memory_space<vmem>> -> memref<125xi32, #tpu.memory_space<vmem>>
        %dma_wait3A_101 = arith.constant 0 : i32
        %dma_wait3A_102 = arith.constant 0 : i32
        %dma_wait3A_103 = tpu.memref_slice %arg2[%dma_wait3A_101, %dma_wait3A_102] : memref<10000x64xf32, #tpu.memory_space<hbm>> -> memref<10000x64xf32, #tpu.memory_space<hbm>>
        tpu.wait_indirect_dma semaphore(%arg20 : memref<!tpu.dma_semaphore, #tpu.memory_space<semaphore_mem>>) src(%dma_wait3A_103 : memref<10000x64xf32, #tpu.memory_space<hbm>>) dst(%arg17 : memref<125x64xf32, #tpu.memory_space<vmem>>)
        %add3A = arith.constant 0 : i32
        %add3A_104 = arith.addi %mul3A_89, %add3A : i32
        %dma_start3A_105 = arith.constant 0 : i32
        %dma_start3A_106 = tpu.memref_slice %arg14[%add3A_104, %dma_start3A_105] : memref<160x125xi32, #tpu.memory_space<vmem>> -> memref<1x125xi32, #tpu.memory_space<vmem>>
        %dma_start3A_107 = tpu.memref_squeeze %dma_start3A_106 : memref<1x125xi32, #tpu.memory_space<vmem>> -> memref<125xi32, #tpu.memory_space<vmem>>
        %dma_start3A_108 = arith.constant 0 : i32
        %dma_start3A_109 = arith.constant 0 : i32
        %dma_start3A_110 = tpu.memref_slice %arg15[%dma_start3A_108, %dma_start3A_109] : memref<10240x64xf32, #tpu.memory_space<vmem_shared>> -> memref<10240x64xf32, #tpu.memory_space<vmem_shared>>
        tpu.enqueue_indirect_dma source(%arg16 : memref<125x64xf32, #tpu.memory_space<vmem>>) target(%dma_start3A_110 : memref<10240x64xf32, #tpu.memory_space<vmem_shared>>) offsets(%dma_start3A_107 : memref<125xi32, #tpu.memory_space<vmem>>) semaphore(%arg22 : memref<!tpu.dma_semaphore, #tpu.memory_space<semaphore_mem>>) {add = true}
        %add3A_111 = arith.constant 1 : i32
        %add3A_112 = arith.addi %mul3A_89, %add3A_111 : i32
        %dma_start3A_113 = arith.constant 0 : i32
        %dma_start3A_114 = tpu.memref_slice %arg14[%add3A_112, %dma_start3A_113] : memref<160x125xi32, #tpu.memory_space<vmem>> -> memref<1x125xi32, #tpu.memory_space<vmem>>
        %dma_start3A_115 = tpu.memref_squeeze %dma_start3A_114 : memref<1x125xi32, #tpu.memory_space<vmem>> -> memref<125xi32, #tpu.memory_space<vmem>>
        %dma_start3A_116 = arith.constant 0 : i32
        %dma_start3A_117 = arith.constant 0 : i32
        %dma_start3A_118 = tpu.memref_slice %arg15[%dma_start3A_116, %dma_start3A_117] : memref<10240x64xf32, #tpu.memory_space<vmem_shared>> -> memref<10240x64xf32, #tpu.memory_space<vmem_shared>>
        tpu.enqueue_indirect_dma source(%arg17 : memref<125x64xf32, #tpu.memory_space<vmem>>) target(%dma_start3A_118 : memref<10240x64xf32, #tpu.memory_space<vmem_shared>>) offsets(%dma_start3A_115 : memref<125xi32, #tpu.memory_space<vmem>>) semaphore(%arg22 : memref<!tpu.dma_semaphore, #tpu.memory_space<semaphore_mem>>) {add = true}
        %add3A_119 = arith.constant 2 : i32
        %add3A_120 = arith.addi %mul3A_89, %add3A_119 : i32
        %add3A_121 = arith.constant 0 : i32
        %add3A_122 = arith.addi %add3A_120, %add3A_121 : i32
        %min3A = arith.constant 159 : i32
        %min3A_123 = arith.minsi %add3A_122, %min3A : i32
        %dma_start3A_124 = arith.constant 0 : i32
        %dma_start3A_125 = tpu.memref_slice %arg13[%min3A_123, %dma_start3A_124] : memref<160x125xi32, #tpu.memory_space<vmem>> -> memref<1x125xi32, #tpu.memory_space<vmem>>
        %dma_start3A_126 = tpu.memref_squeeze %dma_start3A_125 : memref<1x125xi32, #tpu.memory_space<vmem>> -> memref<125xi32, #tpu.memory_space<vmem>>
        %dma_start3A_127 = arith.constant 0 : i32
        %dma_start3A_128 = arith.constant 0 : i32
        %dma_start3A_129 = tpu.memref_slice %arg2[%dma_start3A_127, %dma_start3A_128] : memref<10000x64xf32, #tpu.memory_space<hbm>> -> memref<10000x64xf32, #tpu.memory_space<hbm>>
        tpu.enqueue_indirect_dma source(%dma_start3A_129 : memref<10000x64xf32, #tpu.memory_space<hbm>>) target(%arg18 : memref<125x64xf32, #tpu.memory_space<vmem>>) offsets(%dma_start3A_126 : memref<125xi32, #tpu.memory_space<vmem>>) semaphore(%arg21 : memref<!tpu.dma_semaphore, #tpu.memory_space<semaphore_mem>>)
        %add3A_130 = arith.constant 2 : i32
        %add3A_131 = arith.addi %mul3A_89, %add3A_130 : i32
        %add3A_132 = arith.constant 1 : i32
        %add3A_133 = arith.addi %add3A_131, %add3A_132 : i32
        %min3A_134 = arith.constant 159 : i32
        %min3A_135 = arith.minsi %add3A_133, %min3A_134 : i32
        %dma_start3A_136 = arith.constant 0 : i32
        %dma_start3A_137 = tpu.memref_slice %arg13[%min3A_135, %dma_start3A_136] : memref<160x125xi32, #tpu.memory_space<vmem>> -> memref<1x125xi32, #tpu.memory_space<vmem>>
        %dma_start3A_138 = tpu.memref_squeeze %dma_start3A_137 : memref<1x125xi32, #tpu.memory_space<vmem>> -> memref<125xi32, #tpu.memory_space<vmem>>
        %dma_start3A_139 = arith.constant 0 : i32
        %dma_start3A_140 = arith.constant 0 : i32
        %dma_start3A_141 = tpu.memref_slice %arg2[%dma_start3A_139, %dma_start3A_140] : memref<10000x64xf32, #tpu.memory_space<hbm>> -> memref<10000x64xf32, #tpu.memory_space<hbm>>
        tpu.enqueue_indirect_dma source(%dma_start3A_141 : memref<10000x64xf32, #tpu.memory_space<hbm>>) target(%arg19 : memref<125x64xf32, #tpu.memory_space<vmem>>) offsets(%dma_start3A_138 : memref<125xi32, #tpu.memory_space<vmem>>) semaphore(%arg21 : memref<!tpu.dma_semaphore, #tpu.memory_space<semaphore_mem>>)
        %add3A_142 = arith.constant 0 : i32
        %add3A_143 = arith.addi %mul3A_89, %add3A_142 : i32
        %dma_wait3A_144 = arith.constant 0 : i32
        %dma_wait3A_145 = tpu.memref_slice %arg14[%add3A_143, %dma_wait3A_144] : memref<160x125xi32, #tpu.memory_space<vmem>> -> memref<1x125xi32, #tpu.memory_space<vmem>>
        %dma_wait3A_146 = tpu.memref_squeeze %dma_wait3A_145 : memref<1x125xi32, #tpu.memory_space<vmem>> -> memref<125xi32, #tpu.memory_space<vmem>>
        %dma_wait3A_147 = arith.constant 0 : i32
        %dma_wait3A_148 = arith.constant 0 : i32
        %dma_wait3A_149 = tpu.memref_slice %arg15[%dma_wait3A_147, %dma_wait3A_148] : memref<10240x64xf32, #tpu.memory_space<vmem_shared>> -> memref<10240x64xf32, #tpu.memory_space<vmem_shared>>
        tpu.wait_indirect_dma semaphore(%arg22 : memref<!tpu.dma_semaphore, #tpu.memory_space<semaphore_mem>>) src(%arg16 : memref<125x64xf32, #tpu.memory_space<vmem>>) dst(%dma_wait3A_149 : memref<10240x64xf32, #tpu.memory_space<vmem_shared>>)
        %add3A_150 = arith.constant 1 : i32
        %add3A_151 = arith.addi %mul3A_89, %add3A_150 : i32
        %dma_wait3A_152 = arith.constant 0 : i32
        %dma_wait3A_153 = tpu.memref_slice %arg14[%add3A_151, %dma_wait3A_152] : memref<160x125xi32, #tpu.memory_space<vmem>> -> memref<1x125xi32, #tpu.memory_space<vmem>>
        %dma_wait3A_154 = tpu.memref_squeeze %dma_wait3A_153 : memref<1x125xi32, #tpu.memory_space<vmem>> -> memref<125xi32, #tpu.memory_space<vmem>>
        %dma_wait3A_155 = arith.constant 0 : i32
        %dma_wait3A_156 = arith.constant 0 : i32
        %dma_wait3A_157 = tpu.memref_slice %arg15[%dma_wait3A_155, %dma_wait3A_156] : memref<10240x64xf32, #tpu.memory_space<vmem_shared>> -> memref<10240x64xf32, #tpu.memory_space<vmem_shared>>
        tpu.wait_indirect_dma semaphore(%arg22 : memref<!tpu.dma_semaphore, #tpu.memory_space<semaphore_mem>>) src(%arg17 : memref<125x64xf32, #tpu.memory_space<vmem>>) dst(%dma_wait3A_157 : memref<10240x64xf32, #tpu.memory_space<vmem_shared>>)
        %mul3A_158 = arith.constant 4 : i32
        %mul3A_159 = arith.muli %mul3A_158, %scan3A_87 : i32
        %add3A_160 = arith.constant 2 : i32
        %add3A_161 = arith.addi %mul3A_159, %add3A_160 : i32
        %dma_wait3A_162 = arith.constant 0 : i32
        %dma_wait3A_163 = arith.constant 0 : i32
        %dma_wait3A_164 = tpu.memref_slice %arg13[%dma_wait3A_162, %dma_wait3A_163] : memref<160x125xi32, #tpu.memory_space<vmem>> -> memref<1x125xi32, #tpu.memory_space<vmem>>
        %dma_wait3A_165 = tpu.memref_squeeze %dma_wait3A_164 : memref<1x125xi32, #tpu.memory_space<vmem>> -> memref<125xi32, #tpu.memory_space<vmem>>
        %dma_wait3A_166 = arith.constant 0 : i32
        %dma_wait3A_167 = arith.constant 0 : i32
        %dma_wait3A_168 = tpu.memref_slice %arg2[%dma_wait3A_166, %dma_wait3A_167] : memref<10000x64xf32, #tpu.memory_space<hbm>> -> memref<10000x64xf32, #tpu.memory_space<hbm>>
        tpu.wait_indirect_dma semaphore(%arg21 : memref<!tpu.dma_semaphore, #tpu.memory_space<semaphore_mem>>) src(%dma_wait3A_168 : memref<10000x64xf32, #tpu.memory_space<hbm>>) dst(%arg18 : memref<125x64xf32, #tpu.memory_space<vmem>>)
        %dma_wait3A_169 = arith.constant 0 : i32
        %dma_wait3A_170 = arith.constant 0 : i32
        %dma_wait3A_171 = tpu.memref_slice %arg13[%dma_wait3A_169, %dma_wait3A_170] : memref<160x125xi32, #tpu.memory_space<vmem>> -> memref<1x125xi32, #tpu.memory_space<vmem>>
        %dma_wait3A_172 = tpu.memref_squeeze %dma_wait3A_171 : memref<1x125xi32, #tpu.memory_space<vmem>> -> memref<125xi32, #tpu.memory_space<vmem>>
        %dma_wait3A_173 = arith.constant 0 : i32
        %dma_wait3A_174 = arith.constant 0 : i32
        %dma_wait3A_175 = tpu.memref_slice %arg2[%dma_wait3A_173, %dma_wait3A_174] : memref<10000x64xf32, #tpu.memory_space<hbm>> -> memref<10000x64xf32, #tpu.memory_space<hbm>>
        tpu.wait_indirect_dma semaphore(%arg21 : memref<!tpu.dma_semaphore, #tpu.memory_space<semaphore_mem>>) src(%dma_wait3A_175 : memref<10000x64xf32, #tpu.memory_space<hbm>>) dst(%arg19 : memref<125x64xf32, #tpu.memory_space<vmem>>)
        %add3A_176 = arith.constant 0 : i32
        %add3A_177 = arith.addi %add3A_161, %add3A_176 : i32
        %dma_start3A_178 = arith.constant 0 : i32
        %dma_start3A_179 = tpu.memref_slice %arg14[%add3A_177, %dma_start3A_178] : memref<160x125xi32, #tpu.memory_space<vmem>> -> memref<1x125xi32, #tpu.memory_space<vmem>>
        %dma_start3A_180 = tpu.memref_squeeze %dma_start3A_179 : memref<1x125xi32, #tpu.memory_space<vmem>> -> memref<125xi32, #tpu.memory_space<vmem>>
        %dma_start3A_181 = arith.constant 0 : i32
        %dma_start3A_182 = arith.constant 0 : i32
        %dma_start3A_183 = tpu.memref_slice %arg15[%dma_start3A_181, %dma_start3A_182] : memref<10240x64xf32, #tpu.memory_space<vmem_shared>> -> memref<10240x64xf32, #tpu.memory_space<vmem_shared>>
        tpu.enqueue_indirect_dma source(%arg18 : memref<125x64xf32, #tpu.memory_space<vmem>>) target(%dma_start3A_183 : memref<10240x64xf32, #tpu.memory_space<vmem_shared>>) offsets(%dma_start3A_180 : memref<125xi32, #tpu.memory_space<vmem>>) semaphore(%arg23 : memref<!tpu.dma_semaphore, #tpu.memory_space<semaphore_mem>>) {add = true}
        %add3A_184 = arith.constant 1 : i32
        %add3A_185 = arith.addi %add3A_161, %add3A_184 : i32
        %dma_start3A_186 = arith.constant 0 : i32
        %dma_start3A_187 = tpu.memref_slice %arg14[%add3A_185, %dma_start3A_186] : memref<160x125xi32, #tpu.memory_space<vmem>> -> memref<1x125xi32, #tpu.memory_space<vmem>>
        %dma_start3A_188 = tpu.memref_squeeze %dma_start3A_187 : memref<1x125xi32, #tpu.memory_space<vmem>> -> memref<125xi32, #tpu.memory_space<vmem>>
        %dma_start3A_189 = arith.constant 0 : i32
        %dma_start3A_190 = arith.constant 0 : i32
        %dma_start3A_191 = tpu.memref_slice %arg15[%dma_start3A_189, %dma_start3A_190] : memref<10240x64xf32, #tpu.memory_space<vmem_shared>> -> memref<10240x64xf32, #tpu.memory_space<vmem_shared>>
        tpu.enqueue_indirect_dma source(%arg19 : memref<125x64xf32, #tpu.memory_space<vmem>>) target(%dma_start3A_191 : memref<10240x64xf32, #tpu.memory_space<vmem_shared>>) offsets(%dma_start3A_188 : memref<125xi32, #tpu.memory_space<vmem>>) semaphore(%arg23 : memref<!tpu.dma_semaphore, #tpu.memory_space<semaphore_mem>>) {add = true}
        %add3A_192 = arith.constant 2 : i32
        %add3A_193 = arith.addi %add3A_161, %add3A_192 : i32
        %add3A_194 = arith.constant 0 : i32
        %add3A_195 = arith.addi %add3A_193, %add3A_194 : i32
        %min3A_196 = arith.constant 159 : i32
        %min3A_197 = arith.minsi %add3A_195, %min3A_196 : i32
        %dma_start3A_198 = arith.constant 0 : i32
        %dma_start3A_199 = tpu.memref_slice %arg13[%min3A_197, %dma_start3A_198] : memref<160x125xi32, #tpu.memory_space<vmem>> -> memref<1x125xi32, #tpu.memory_space<vmem>>
        %dma_start3A_200 = tpu.memref_squeeze %dma_start3A_199 : memref<1x125xi32, #tpu.memory_space<vmem>> -> memref<125xi32, #tpu.memory_space<vmem>>
        %dma_start3A_201 = arith.constant 0 : i32
        %dma_start3A_202 = arith.constant 0 : i32
        %dma_start3A_203 = tpu.memref_slice %arg2[%dma_start3A_201, %dma_start3A_202] : memref<10000x64xf32, #tpu.memory_space<hbm>> -> memref<10000x64xf32, #tpu.memory_space<hbm>>
        tpu.enqueue_indirect_dma source(%dma_start3A_203 : memref<10000x64xf32, #tpu.memory_space<hbm>>) target(%arg16 : memref<125x64xf32, #tpu.memory_space<vmem>>) offsets(%dma_start3A_200 : memref<125xi32, #tpu.memory_space<vmem>>) semaphore(%arg20 : memref<!tpu.dma_semaphore, #tpu.memory_space<semaphore_mem>>)
        %add3A_204 = arith.constant 2 : i32
        %add3A_205 = arith.addi %add3A_161, %add3A_204 : i32
        %add3A_206 = arith.constant 1 : i32
        %add3A_207 = arith.addi %add3A_205, %add3A_206 : i32
        %min3A_208 = arith.constant 159 : i32
        %min3A_209 = arith.minsi %add3A_207, %min3A_208 : i32
        %dma_start3A_210 = arith.constant 0 : i32
        %dma_start3A_211 = tpu.memref_slice %arg13[%min3A_209, %dma_start3A_210] : memref<160x125xi32, #tpu.memory_space<vmem>> -> memref<1x125xi32, #tpu.memory_space<vmem>>
        %dma_start3A_212 = tpu.memref_squeeze %dma_start3A_211 : memref<1x125xi32, #tpu.memory_space<vmem>> -> memref<125xi32, #tpu.memory_space<vmem>>
        %dma_start3A_213 = arith.constant 0 : i32
        %dma_start3A_214 = arith.constant 0 : i32
        %dma_start3A_215 = tpu.memref_slice %arg2[%dma_start3A_213, %dma_start3A_214] : memref<10000x64xf32, #tpu.memory_space<hbm>> -> memref<10000x64xf32, #tpu.memory_space<hbm>>
        tpu.enqueue_indirect_dma source(%dma_start3A_215 : memref<10000x64xf32, #tpu.memory_space<hbm>>) target(%arg17 : memref<125x64xf32, #tpu.memory_space<vmem>>) offsets(%dma_start3A_212 : memref<125xi32, #tpu.memory_space<vmem>>) semaphore(%arg20 : memref<!tpu.dma_semaphore, #tpu.memory_space<semaphore_mem>>)
        %add3A_216 = arith.constant 0 : i32
        %add3A_217 = arith.addi %add3A_161, %add3A_216 : i32
        %dma_wait3A_218 = arith.constant 0 : i32
        %dma_wait3A_219 = tpu.memref_slice %arg14[%add3A_217, %dma_wait3A_218] : memref<160x125xi32, #tpu.memory_space<vmem>> -> memref<1x125xi32, #tpu.memory_space<vmem>>
        %dma_wait3A_220 = tpu.memref_squeeze %dma_wait3A_219 : memref<1x125xi32, #tpu.memory_space<vmem>> -> memref<125xi32, #tpu.memory_space<vmem>>
        %dma_wait3A_221 = arith.constant 0 : i32
        %dma_wait3A_222 = arith.constant 0 : i32
        %dma_wait3A_223 = tpu.memref_slice %arg15[%dma_wait3A_221, %dma_wait3A_222] : memref<10240x64xf32, #tpu.memory_space<vmem_shared>> -> memref<10240x64xf32, #tpu.memory_space<vmem_shared>>
        tpu.wait_indirect_dma semaphore(%arg23 : memref<!tpu.dma_semaphore, #tpu.memory_space<semaphore_mem>>) src(%arg18 : memref<125x64xf32, #tpu.memory_space<vmem>>) dst(%dma_wait3A_223 : memref<10240x64xf32, #tpu.memory_space<vmem_shared>>)
        %add3A_224 = arith.constant 1 : i32
        %add3A_225 = arith.addi %add3A_161, %add3A_224 : i32
        %dma_wait3A_226 = arith.constant 0 : i32
        %dma_wait3A_227 = tpu.memref_slice %arg14[%add3A_225, %dma_wait3A_226] : memref<160x125xi32, #tpu.memory_space<vmem>> -> memref<1x125xi32, #tpu.memory_space<vmem>>
        %dma_wait3A_228 = tpu.memref_squeeze %dma_wait3A_227 : memref<1x125xi32, #tpu.memory_space<vmem>> -> memref<125xi32, #tpu.memory_space<vmem>>
        %dma_wait3A_229 = arith.constant 0 : i32
        %dma_wait3A_230 = arith.constant 0 : i32
        %dma_wait3A_231 = tpu.memref_slice %arg15[%dma_wait3A_229, %dma_wait3A_230] : memref<10240x64xf32, #tpu.memory_space<vmem_shared>> -> memref<10240x64xf32, #tpu.memory_space<vmem_shared>>
        tpu.wait_indirect_dma semaphore(%arg23 : memref<!tpu.dma_semaphore, #tpu.memory_space<semaphore_mem>>) src(%arg19 : memref<125x64xf32, #tpu.memory_space<vmem>>) dst(%dma_wait3A_231 : memref<10240x64xf32, #tpu.memory_space<vmem_shared>>)
      }
      %scan3A_25 = arith.constant 40 : i32
      %dma_wait3A = arith.constant 0 : i32
      %dma_wait3A_26 = arith.constant 0 : i32
      %dma_wait3A_27 = tpu.memref_slice %arg13[%dma_wait3A, %dma_wait3A_26] : memref<160x125xi32, #tpu.memory_space<vmem>> -> memref<1x125xi32, #tpu.memory_space<vmem>>
      %dma_wait3A_28 = tpu.memref_squeeze %dma_wait3A_27 : memref<1x125xi32, #tpu.memory_space<vmem>> -> memref<125xi32, #tpu.memory_space<vmem>>
      %dma_wait3A_29 = arith.constant 0 : i32
      %dma_wait3A_30 = arith.constant 0 : i32
      %dma_wait3A_31 = tpu.memref_slice %arg2[%dma_wait3A_29, %dma_wait3A_30] : memref<10000x64xf32, #tpu.memory_space<hbm>> -> memref<10000x64xf32, #tpu.memory_space<hbm>>
      tpu.wait_indirect_dma semaphore(%arg20 : memref<!tpu.dma_semaphore, #tpu.memory_space<semaphore_mem>>) src(%dma_wait3A_31 : memref<10000x64xf32, #tpu.memory_space<hbm>>) dst(%arg16 : memref<125x64xf32, #tpu.memory_space<vmem>>)
      %dma_wait3A_32 = arith.constant 0 : i32
      %dma_wait3A_33 = arith.constant 0 : i32
      %dma_wait3A_34 = tpu.memref_slice %arg13[%dma_wait3A_32, %dma_wait3A_33] : memref<160x125xi32, #tpu.memory_space<vmem>> -> memref<1x125xi32, #tpu.memory_space<vmem>>
      %dma_wait3A_35 = tpu.memref_squeeze %dma_wait3A_34 : memref<1x125xi32, #tpu.memory_space<vmem>> -> memref<125xi32, #tpu.memory_space<vmem>>
      %dma_wait3A_36 = arith.constant 0 : i32
      %dma_wait3A_37 = arith.constant 0 : i32
      %dma_wait3A_38 = tpu.memref_slice %arg2[%dma_wait3A_36, %dma_wait3A_37] : memref<10000x64xf32, #tpu.memory_space<hbm>> -> memref<10000x64xf32, #tpu.memory_space<hbm>>
      tpu.wait_indirect_dma semaphore(%arg20 : memref<!tpu.dma_semaphore, #tpu.memory_space<semaphore_mem>>) src(%dma_wait3A_38 : memref<10000x64xf32, #tpu.memory_space<hbm>>) dst(%arg17 : memref<125x64xf32, #tpu.memory_space<vmem>>)
      %barrier3A_39 = arith.constant 0 : index
      tpu.barrier barrier_id(%barrier3A_39)
      %mul3A_40 = arith.constant 640 : i32
      %mul3A_41 = arith.muli %arg1, %mul3A_40 : i32
      %mul3A_42 = arith.constant 640 : i32
      %mul3A_43 = arith.muli %arg1, %mul3A_42 : i32
      "tpu.region"() ({
        %run_scoped3A = tpu.sem_alloc : memref<!tpu.dma_semaphore, #tpu.memory_space<semaphore_mem>>
        %dma_start3A_87 = arith.constant 0 : i32
        %dma_start3A_88 = tpu.memref_slice %arg9[%mul3A_43, %dma_start3A_87] : memref<10240x64xf32, #tpu.memory_space<hbm>> -> memref<640x64xf32, #tpu.memory_space<hbm>>
        %dma_start3A_89 = arith.constant 0 : i32
        %dma_start3A_90 = tpu.memref_slice %arg15[%mul3A_41, %dma_start3A_89] : memref<10240x64xf32, #tpu.memory_space<vmem_shared>> -> memref<640x64xf32, #tpu.memory_space<vmem_shared>>
        tpu.enqueue_dma source(%dma_start3A_90 : memref<640x64xf32, #tpu.memory_space<vmem_shared>>) target(%dma_start3A_88 : memref<640x64xf32, #tpu.memory_space<hbm>>) target_semaphore(%run_scoped3A : memref<!tpu.dma_semaphore, #tpu.memory_space<semaphore_mem>>)
        %dma_wait3A_91 = arith.constant 0 : i32
        %dma_wait3A_92 = tpu.memref_slice %arg9[%mul3A_43, %dma_wait3A_91] : memref<10240x64xf32, #tpu.memory_space<hbm>> -> memref<640x64xf32, #tpu.memory_space<hbm>>
        %dma_wait3A_93 = arith.constant 0 : i32
        %dma_wait3A_94 = tpu.memref_slice %arg15[%mul3A_41, %dma_wait3A_93] : memref<10240x64xf32, #tpu.memory_space<vmem_shared>> -> memref<640x64xf32, #tpu.memory_space<vmem_shared>>
        tpu.wait_dma2 semaphore(%run_scoped3A : memref<!tpu.dma_semaphore, #tpu.memory_space<semaphore_mem>>) src(%dma_wait3A_94 : memref<640x64xf32, #tpu.memory_space<vmem_shared>>) dst(%dma_wait3A_92 : memref<640x64xf32, #tpu.memory_space<hbm>>)
        tpu.yield
      }) : () -> ()
      %barrier3A_44 = arith.constant 0 : index
      tpu.barrier barrier_id(%barrier3A_44)
      %mul3A_45 = arith.constant 640 : i32
      %mul3A_46 = arith.muli %arg1, %mul3A_45 : i32
      "tpu.region"() ({
        %run_scoped3A = tpu.sem_alloc : memref<!tpu.dma_semaphore, #tpu.memory_space<semaphore_mem>>
        %dma_start3A_87 = arith.constant 0 : i32
        %dma_start3A_88 = tpu.memref_slice %arg15[%mul3A_46, %dma_start3A_87] : memref<10240x64xf32, #tpu.memory_space<vmem_shared>> -> memref<640x64xf32, #tpu.memory_space<vmem_shared>>
        tpu.enqueue_dma source(%arg8 : memref<640x64xf32, #tpu.memory_space<hbm>>) target(%dma_start3A_88 : memref<640x64xf32, #tpu.memory_space<vmem_shared>>) target_semaphore(%run_scoped3A : memref<!tpu.dma_semaphore, #tpu.memory_space<semaphore_mem>>)
        %dma_wait3A_89 = arith.constant 0 : i32
        %dma_wait3A_90 = tpu.memref_slice %arg15[%mul3A_46, %dma_wait3A_89] : memref<10240x64xf32, #tpu.memory_space<vmem_shared>> -> memref<640x64xf32, #tpu.memory_space<vmem_shared>>
        tpu.wait_dma2 semaphore(%run_scoped3A : memref<!tpu.dma_semaphore, #tpu.memory_space<semaphore_mem>>) src(%arg8 : memref<640x64xf32, #tpu.memory_space<hbm>>) dst(%dma_wait3A_90 : memref<640x64xf32, #tpu.memory_space<vmem_shared>>)
        tpu.yield
      }) : () -> ()
      %barrier3A_47 = arith.constant 0 : index
      tpu.barrier barrier_id(%barrier3A_47)
      %dma_start3A_48 = arith.constant 0 : i32
      %dma_start3A_49 = arith.constant 0 : i32
      %dma_start3A_50 = tpu.memref_slice %arg13[%dma_start3A_48, %dma_start3A_49] : memref<160x125xi32, #tpu.memory_space<vmem>> -> memref<1x125xi32, #tpu.memory_space<vmem>>
      %dma_start3A_51 = tpu.memref_squeeze %dma_start3A_50 : memref<1x125xi32, #tpu.memory_space<vmem>> -> memref<125xi32, #tpu.memory_space<vmem>>
      %dma_start3A_52 = arith.constant 0 : i32
      %dma_start3A_53 = arith.constant 0 : i32
      %dma_start3A_54 = tpu.memref_slice %arg3[%dma_start3A_52, %dma_start3A_53] : memref<10000x64xf32, #tpu.memory_space<hbm>> -> memref<10000x64xf32, #tpu.memory_space<hbm>>
      tpu.enqueue_indirect_dma source(%dma_start3A_54 : memref<10000x64xf32, #tpu.memory_space<hbm>>) target(%arg16 : memref<125x64xf32, #tpu.memory_space<vmem>>) offsets(%dma_start3A_51 : memref<125xi32, #tpu.memory_space<vmem>>) semaphore(%arg20 : memref<!tpu.dma_semaphore, #tpu.memory_space<semaphore_mem>>)
      %dma_start3A_55 = arith.constant 1 : i32
      %dma_start3A_56 = arith.constant 0 : i32
      %dma_start3A_57 = tpu.memref_slice %arg13[%dma_start3A_55, %dma_start3A_56] : memref<160x125xi32, #tpu.memory_space<vmem>> -> memref<1x125xi32, #tpu.memory_space<vmem>>
      %dma_start3A_58 = tpu.memref_squeeze %dma_start3A_57 : memref<1x125xi32, #tpu.memory_space<vmem>> -> memref<125xi32, #tpu.memory_space<vmem>>
      %dma_start3A_59 = arith.constant 0 : i32
      %dma_start3A_60 = arith.constant 0 : i32
      %dma_start3A_61 = tpu.memref_slice %arg3[%dma_start3A_59, %dma_start3A_60] : memref<10000x64xf32, #tpu.memory_space<hbm>> -> memref<10000x64xf32, #tpu.memory_space<hbm>>
      tpu.enqueue_indirect_dma source(%dma_start3A_61 : memref<10000x64xf32, #tpu.memory_space<hbm>>) target(%arg17 : memref<125x64xf32, #tpu.memory_space<vmem>>) offsets(%dma_start3A_58 : memref<125xi32, #tpu.memory_space<vmem>>) semaphore(%arg20 : memref<!tpu.dma_semaphore, #tpu.memory_space<semaphore_mem>>)
      %scan3A_62 = arith.constant 0 : i32
      %scan3A_63 = arith.constant 0 : i32
      %scan3A_64 = arith.constant 40 : i32
      %scan3A_65 = arith.addi %scan3A_63, %scan3A_64 : i32
      %scan3A_66 = arith.constant 1 : i32
      scf.for %scan3A_87 = %scan3A_63 to %scan3A_65 step %scan3A_66  : i32 {
        %mul3A_88 = arith.constant 4 : i32
        %mul3A_89 = arith.muli %mul3A_88, %scan3A_87 : i32
        %dma_wait3A_90 = arith.constant 0 : i32
        %dma_wait3A_91 = arith.constant 0 : i32
        %dma_wait3A_92 = tpu.memref_slice %arg13[%dma_wait3A_90, %dma_wait3A_91] : memref<160x125xi32, #tpu.memory_space<vmem>> -> memref<1x125xi32, #tpu.memory_space<vmem>>
        %dma_wait3A_93 = tpu.memref_squeeze %dma_wait3A_92 : memref<1x125xi32, #tpu.memory_space<vmem>> -> memref<125xi32, #tpu.memory_space<vmem>>
        %dma_wait3A_94 = arith.constant 0 : i32
        %dma_wait3A_95 = arith.constant 0 : i32
        %dma_wait3A_96 = tpu.memref_slice %arg3[%dma_wait3A_94, %dma_wait3A_95] : memref<10000x64xf32, #tpu.memory_space<hbm>> -> memref<10000x64xf32, #tpu.memory_space<hbm>>
        tpu.wait_indirect_dma semaphore(%arg20 : memref<!tpu.dma_semaphore, #tpu.memory_space<semaphore_mem>>) src(%dma_wait3A_96 : memref<10000x64xf32, #tpu.memory_space<hbm>>) dst(%arg16 : memref<125x64xf32, #tpu.memory_space<vmem>>)
        %dma_wait3A_97 = arith.constant 0 : i32
        %dma_wait3A_98 = arith.constant 0 : i32
        %dma_wait3A_99 = tpu.memref_slice %arg13[%dma_wait3A_97, %dma_wait3A_98] : memref<160x125xi32, #tpu.memory_space<vmem>> -> memref<1x125xi32, #tpu.memory_space<vmem>>
        %dma_wait3A_100 = tpu.memref_squeeze %dma_wait3A_99 : memref<1x125xi32, #tpu.memory_space<vmem>> -> memref<125xi32, #tpu.memory_space<vmem>>
        %dma_wait3A_101 = arith.constant 0 : i32
        %dma_wait3A_102 = arith.constant 0 : i32
        %dma_wait3A_103 = tpu.memref_slice %arg3[%dma_wait3A_101, %dma_wait3A_102] : memref<10000x64xf32, #tpu.memory_space<hbm>> -> memref<10000x64xf32, #tpu.memory_space<hbm>>
        tpu.wait_indirect_dma semaphore(%arg20 : memref<!tpu.dma_semaphore, #tpu.memory_space<semaphore_mem>>) src(%dma_wait3A_103 : memref<10000x64xf32, #tpu.memory_space<hbm>>) dst(%arg17 : memref<125x64xf32, #tpu.memory_space<vmem>>)
        %add3A = arith.constant 0 : i32
        %add3A_104 = arith.addi %mul3A_89, %add3A : i32
        %dma_start3A_105 = arith.constant 0 : i32
        %dma_start3A_106 = tpu.memref_slice %arg14[%add3A_104, %dma_start3A_105] : memref<160x125xi32, #tpu.memory_space<vmem>> -> memref<1x125xi32, #tpu.memory_space<vmem>>
        %dma_start3A_107 = tpu.memref_squeeze %dma_start3A_106 : memref<1x125xi32, #tpu.memory_space<vmem>> -> memref<125xi32, #tpu.memory_space<vmem>>
        %dma_start3A_108 = arith.constant 0 : i32
        %dma_start3A_109 = arith.constant 0 : i32
        %dma_start3A_110 = tpu.memref_slice %arg15[%dma_start3A_108, %dma_start3A_109] : memref<10240x64xf32, #tpu.memory_space<vmem_shared>> -> memref<10240x64xf32, #tpu.memory_space<vmem_shared>>
        tpu.enqueue_indirect_dma source(%arg16 : memref<125x64xf32, #tpu.memory_space<vmem>>) target(%dma_start3A_110 : memref<10240x64xf32, #tpu.memory_space<vmem_shared>>) offsets(%dma_start3A_107 : memref<125xi32, #tpu.memory_space<vmem>>) semaphore(%arg22 : memref<!tpu.dma_semaphore, #tpu.memory_space<semaphore_mem>>) {add = true}
        %add3A_111 = arith.constant 1 : i32
        %add3A_112 = arith.addi %mul3A_89, %add3A_111 : i32
        %dma_start3A_113 = arith.constant 0 : i32
        %dma_start3A_114 = tpu.memref_slice %arg14[%add3A_112, %dma_start3A_113] : memref<160x125xi32, #tpu.memory_space<vmem>> -> memref<1x125xi32, #tpu.memory_space<vmem>>
        %dma_start3A_115 = tpu.memref_squeeze %dma_start3A_114 : memref<1x125xi32, #tpu.memory_space<vmem>> -> memref<125xi32, #tpu.memory_space<vmem>>
        %dma_start3A_116 = arith.constant 0 : i32
        %dma_start3A_117 = arith.constant 0 : i32
        %dma_start3A_118 = tpu.memref_slice %arg15[%dma_start3A_116, %dma_start3A_117] : memref<10240x64xf32, #tpu.memory_space<vmem_shared>> -> memref<10240x64xf32, #tpu.memory_space<vmem_shared>>
        tpu.enqueue_indirect_dma source(%arg17 : memref<125x64xf32, #tpu.memory_space<vmem>>) target(%dma_start3A_118 : memref<10240x64xf32, #tpu.memory_space<vmem_shared>>) offsets(%dma_start3A_115 : memref<125xi32, #tpu.memory_space<vmem>>) semaphore(%arg22 : memref<!tpu.dma_semaphore, #tpu.memory_space<semaphore_mem>>) {add = true}
        %add3A_119 = arith.constant 2 : i32
        %add3A_120 = arith.addi %mul3A_89, %add3A_119 : i32
        %add3A_121 = arith.constant 0 : i32
        %add3A_122 = arith.addi %add3A_120, %add3A_121 : i32
        %min3A = arith.constant 159 : i32
        %min3A_123 = arith.minsi %add3A_122, %min3A : i32
        %dma_start3A_124 = arith.constant 0 : i32
        %dma_start3A_125 = tpu.memref_slice %arg13[%min3A_123, %dma_start3A_124] : memref<160x125xi32, #tpu.memory_space<vmem>> -> memref<1x125xi32, #tpu.memory_space<vmem>>
        %dma_start3A_126 = tpu.memref_squeeze %dma_start3A_125 : memref<1x125xi32, #tpu.memory_space<vmem>> -> memref<125xi32, #tpu.memory_space<vmem>>
        %dma_start3A_127 = arith.constant 0 : i32
        %dma_start3A_128 = arith.constant 0 : i32
        %dma_start3A_129 = tpu.memref_slice %arg3[%dma_start3A_127, %dma_start3A_128] : memref<10000x64xf32, #tpu.memory_space<hbm>> -> memref<10000x64xf32, #tpu.memory_space<hbm>>
        tpu.enqueue_indirect_dma source(%dma_start3A_129 : memref<10000x64xf32, #tpu.memory_space<hbm>>) target(%arg18 : memref<125x64xf32, #tpu.memory_space<vmem>>) offsets(%dma_start3A_126 : memref<125xi32, #tpu.memory_space<vmem>>) semaphore(%arg21 : memref<!tpu.dma_semaphore, #tpu.memory_space<semaphore_mem>>)
        %add3A_130 = arith.constant 2 : i32
        %add3A_131 = arith.addi %mul3A_89, %add3A_130 : i32
        %add3A_132 = arith.constant 1 : i32
        %add3A_133 = arith.addi %add3A_131, %add3A_132 : i32
        %min3A_134 = arith.constant 159 : i32
        %min3A_135 = arith.minsi %add3A_133, %min3A_134 : i32
        %dma_start3A_136 = arith.constant 0 : i32
        %dma_start3A_137 = tpu.memref_slice %arg13[%min3A_135, %dma_start3A_136] : memref<160x125xi32, #tpu.memory_space<vmem>> -> memref<1x125xi32, #tpu.memory_space<vmem>>
        %dma_start3A_138 = tpu.memref_squeeze %dma_start3A_137 : memref<1x125xi32, #tpu.memory_space<vmem>> -> memref<125xi32, #tpu.memory_space<vmem>>
        %dma_start3A_139 = arith.constant 0 : i32
        %dma_start3A_140 = arith.constant 0 : i32
        %dma_start3A_141 = tpu.memref_slice %arg3[%dma_start3A_139, %dma_start3A_140] : memref<10000x64xf32, #tpu.memory_space<hbm>> -> memref<10000x64xf32, #tpu.memory_space<hbm>>
        tpu.enqueue_indirect_dma source(%dma_start3A_141 : memref<10000x64xf32, #tpu.memory_space<hbm>>) target(%arg19 : memref<125x64xf32, #tpu.memory_space<vmem>>) offsets(%dma_start3A_138 : memref<125xi32, #tpu.memory_space<vmem>>) semaphore(%arg21 : memref<!tpu.dma_semaphore, #tpu.memory_space<semaphore_mem>>)
        %add3A_142 = arith.constant 0 : i32
        %add3A_143 = arith.addi %mul3A_89, %add3A_142 : i32
        %dma_wait3A_144 = arith.constant 0 : i32
        %dma_wait3A_145 = tpu.memref_slice %arg14[%add3A_143, %dma_wait3A_144] : memref<160x125xi32, #tpu.memory_space<vmem>> -> memref<1x125xi32, #tpu.memory_space<vmem>>
        %dma_wait3A_146 = tpu.memref_squeeze %dma_wait3A_145 : memref<1x125xi32, #tpu.memory_space<vmem>> -> memref<125xi32, #tpu.memory_space<vmem>>
        %dma_wait3A_147 = arith.constant 0 : i32
        %dma_wait3A_148 = arith.constant 0 : i32
        %dma_wait3A_149 = tpu.memref_slice %arg15[%dma_wait3A_147, %dma_wait3A_148] : memref<10240x64xf32, #tpu.memory_space<vmem_shared>> -> memref<10240x64xf32, #tpu.memory_space<vmem_shared>>
        tpu.wait_indirect_dma semaphore(%arg22 : memref<!tpu.dma_semaphore, #tpu.memory_space<semaphore_mem>>) src(%arg16 : memref<125x64xf32, #tpu.memory_space<vmem>>) dst(%dma_wait3A_149 : memref<10240x64xf32, #tpu.memory_space<vmem_shared>>)
        %add3A_150 = arith.constant 1 : i32
        %add3A_151 = arith.addi %mul3A_89, %add3A_150 : i32
        %dma_wait3A_152 = arith.constant 0 : i32
        %dma_wait3A_153 = tpu.memref_slice %arg14[%add3A_151, %dma_wait3A_152] : memref<160x125xi32, #tpu.memory_space<vmem>> -> memref<1x125xi32, #tpu.memory_space<vmem>>
        %dma_wait3A_154 = tpu.memref_squeeze %dma_wait3A_153 : memref<1x125xi32, #tpu.memory_space<vmem>> -> memref<125xi32, #tpu.memory_space<vmem>>
        %dma_wait3A_155 = arith.constant 0 : i32
        %dma_wait3A_156 = arith.constant 0 : i32
        %dma_wait3A_157 = tpu.memref_slice %arg15[%dma_wait3A_155, %dma_wait3A_156] : memref<10240x64xf32, #tpu.memory_space<vmem_shared>> -> memref<10240x64xf32, #tpu.memory_space<vmem_shared>>
        tpu.wait_indirect_dma semaphore(%arg22 : memref<!tpu.dma_semaphore, #tpu.memory_space<semaphore_mem>>) src(%arg17 : memref<125x64xf32, #tpu.memory_space<vmem>>) dst(%dma_wait3A_157 : memref<10240x64xf32, #tpu.memory_space<vmem_shared>>)
        %mul3A_158 = arith.constant 4 : i32
        %mul3A_159 = arith.muli %mul3A_158, %scan3A_87 : i32
        %add3A_160 = arith.constant 2 : i32
        %add3A_161 = arith.addi %mul3A_159, %add3A_160 : i32
        %dma_wait3A_162 = arith.constant 0 : i32
        %dma_wait3A_163 = arith.constant 0 : i32
        %dma_wait3A_164 = tpu.memref_slice %arg13[%dma_wait3A_162, %dma_wait3A_163] : memref<160x125xi32, #tpu.memory_space<vmem>> -> memref<1x125xi32, #tpu.memory_space<vmem>>
        %dma_wait3A_165 = tpu.memref_squeeze %dma_wait3A_164 : memref<1x125xi32, #tpu.memory_space<vmem>> -> memref<125xi32, #tpu.memory_space<vmem>>
        %dma_wait3A_166 = arith.constant 0 : i32
        %dma_wait3A_167 = arith.constant 0 : i32
        %dma_wait3A_168 = tpu.memref_slice %arg3[%dma_wait3A_166, %dma_wait3A_167] : memref<10000x64xf32, #tpu.memory_space<hbm>> -> memref<10000x64xf32, #tpu.memory_space<hbm>>
        tpu.wait_indirect_dma semaphore(%arg21 : memref<!tpu.dma_semaphore, #tpu.memory_space<semaphore_mem>>) src(%dma_wait3A_168 : memref<10000x64xf32, #tpu.memory_space<hbm>>) dst(%arg18 : memref<125x64xf32, #tpu.memory_space<vmem>>)
        %dma_wait3A_169 = arith.constant 0 : i32
        %dma_wait3A_170 = arith.constant 0 : i32
        %dma_wait3A_171 = tpu.memref_slice %arg13[%dma_wait3A_169, %dma_wait3A_170] : memref<160x125xi32, #tpu.memory_space<vmem>> -> memref<1x125xi32, #tpu.memory_space<vmem>>
        %dma_wait3A_172 = tpu.memref_squeeze %dma_wait3A_171 : memref<1x125xi32, #tpu.memory_space<vmem>> -> memref<125xi32, #tpu.memory_space<vmem>>
        %dma_wait3A_173 = arith.constant 0 : i32
        %dma_wait3A_174 = arith.constant 0 : i32
        %dma_wait3A_175 = tpu.memref_slice %arg3[%dma_wait3A_173, %dma_wait3A_174] : memref<10000x64xf32, #tpu.memory_space<hbm>> -> memref<10000x64xf32, #tpu.memory_space<hbm>>
        tpu.wait_indirect_dma semaphore(%arg21 : memref<!tpu.dma_semaphore, #tpu.memory_space<semaphore_mem>>) src(%dma_wait3A_175 : memref<10000x64xf32, #tpu.memory_space<hbm>>) dst(%arg19 : memref<125x64xf32, #tpu.memory_space<vmem>>)
        %add3A_176 = arith.constant 0 : i32
        %add3A_177 = arith.addi %add3A_161, %add3A_176 : i32
        %dma_start3A_178 = arith.constant 0 : i32
        %dma_start3A_179 = tpu.memref_slice %arg14[%add3A_177, %dma_start3A_178] : memref<160x125xi32, #tpu.memory_space<vmem>> -> memref<1x125xi32, #tpu.memory_space<vmem>>
        %dma_start3A_180 = tpu.memref_squeeze %dma_start3A_179 : memref<1x125xi32, #tpu.memory_space<vmem>> -> memref<125xi32, #tpu.memory_space<vmem>>
        %dma_start3A_181 = arith.constant 0 : i32
        %dma_start3A_182 = arith.constant 0 : i32
        %dma_start3A_183 = tpu.memref_slice %arg15[%dma_start3A_181, %dma_start3A_182] : memref<10240x64xf32, #tpu.memory_space<vmem_shared>> -> memref<10240x64xf32, #tpu.memory_space<vmem_shared>>
        tpu.enqueue_indirect_dma source(%arg18 : memref<125x64xf32, #tpu.memory_space<vmem>>) target(%dma_start3A_183 : memref<10240x64xf32, #tpu.memory_space<vmem_shared>>) offsets(%dma_start3A_180 : memref<125xi32, #tpu.memory_space<vmem>>) semaphore(%arg23 : memref<!tpu.dma_semaphore, #tpu.memory_space<semaphore_mem>>) {add = true}
        %add3A_184 = arith.constant 1 : i32
        %add3A_185 = arith.addi %add3A_161, %add3A_184 : i32
        %dma_start3A_186 = arith.constant 0 : i32
        %dma_start3A_187 = tpu.memref_slice %arg14[%add3A_185, %dma_start3A_186] : memref<160x125xi32, #tpu.memory_space<vmem>> -> memref<1x125xi32, #tpu.memory_space<vmem>>
        %dma_start3A_188 = tpu.memref_squeeze %dma_start3A_187 : memref<1x125xi32, #tpu.memory_space<vmem>> -> memref<125xi32, #tpu.memory_space<vmem>>
        %dma_start3A_189 = arith.constant 0 : i32
        %dma_start3A_190 = arith.constant 0 : i32
        %dma_start3A_191 = tpu.memref_slice %arg15[%dma_start3A_189, %dma_start3A_190] : memref<10240x64xf32, #tpu.memory_space<vmem_shared>> -> memref<10240x64xf32, #tpu.memory_space<vmem_shared>>
        tpu.enqueue_indirect_dma source(%arg19 : memref<125x64xf32, #tpu.memory_space<vmem>>) target(%dma_start3A_191 : memref<10240x64xf32, #tpu.memory_space<vmem_shared>>) offsets(%dma_start3A_188 : memref<125xi32, #tpu.memory_space<vmem>>) semaphore(%arg23 : memref<!tpu.dma_semaphore, #tpu.memory_space<semaphore_mem>>) {add = true}
        %add3A_192 = arith.constant 2 : i32
        %add3A_193 = arith.addi %add3A_161, %add3A_192 : i32
        %add3A_194 = arith.constant 0 : i32
        %add3A_195 = arith.addi %add3A_193, %add3A_194 : i32
        %min3A_196 = arith.constant 159 : i32
        %min3A_197 = arith.minsi %add3A_195, %min3A_196 : i32
        %dma_start3A_198 = arith.constant 0 : i32
        %dma_start3A_199 = tpu.memref_slice %arg13[%min3A_197, %dma_start3A_198] : memref<160x125xi32, #tpu.memory_space<vmem>> -> memref<1x125xi32, #tpu.memory_space<vmem>>
        %dma_start3A_200 = tpu.memref_squeeze %dma_start3A_199 : memref<1x125xi32, #tpu.memory_space<vmem>> -> memref<125xi32, #tpu.memory_space<vmem>>
        %dma_start3A_201 = arith.constant 0 : i32
        %dma_start3A_202 = arith.constant 0 : i32
        %dma_start3A_203 = tpu.memref_slice %arg3[%dma_start3A_201, %dma_start3A_202] : memref<10000x64xf32, #tpu.memory_space<hbm>> -> memref<10000x64xf32, #tpu.memory_space<hbm>>
        tpu.enqueue_indirect_dma source(%dma_start3A_203 : memref<10000x64xf32, #tpu.memory_space<hbm>>) target(%arg16 : memref<125x64xf32, #tpu.memory_space<vmem>>) offsets(%dma_start3A_200 : memref<125xi32, #tpu.memory_space<vmem>>) semaphore(%arg20 : memref<!tpu.dma_semaphore, #tpu.memory_space<semaphore_mem>>)
        %add3A_204 = arith.constant 2 : i32
        %add3A_205 = arith.addi %add3A_161, %add3A_204 : i32
        %add3A_206 = arith.constant 1 : i32
        %add3A_207 = arith.addi %add3A_205, %add3A_206 : i32
        %min3A_208 = arith.constant 159 : i32
        %min3A_209 = arith.minsi %add3A_207, %min3A_208 : i32
        %dma_start3A_210 = arith.constant 0 : i32
        %dma_start3A_211 = tpu.memref_slice %arg13[%min3A_209, %dma_start3A_210] : memref<160x125xi32, #tpu.memory_space<vmem>> -> memref<1x125xi32, #tpu.memory_space<vmem>>
        %dma_start3A_212 = tpu.memref_squeeze %dma_start3A_211 : memref<1x125xi32, #tpu.memory_space<vmem>> -> memref<125xi32, #tpu.memory_space<vmem>>
        %dma_start3A_213 = arith.constant 0 : i32
        %dma_start3A_214 = arith.constant 0 : i32
        %dma_start3A_215 = tpu.memref_slice %arg3[%dma_start3A_213, %dma_start3A_214] : memref<10000x64xf32, #tpu.memory_space<hbm>> -> memref<10000x64xf32, #tpu.memory_space<hbm>>
        tpu.enqueue_indirect_dma source(%dma_start3A_215 : memref<10000x64xf32, #tpu.memory_space<hbm>>) target(%arg17 : memref<125x64xf32, #tpu.memory_space<vmem>>) offsets(%dma_start3A_212 : memref<125xi32, #tpu.memory_space<vmem>>) semaphore(%arg20 : memref<!tpu.dma_semaphore, #tpu.memory_space<semaphore_mem>>)
        %add3A_216 = arith.constant 0 : i32
        %add3A_217 = arith.addi %add3A_161, %add3A_216 : i32
        %dma_wait3A_218 = arith.constant 0 : i32
        %dma_wait3A_219 = tpu.memref_slice %arg14[%add3A_217, %dma_wait3A_218] : memref<160x125xi32, #tpu.memory_space<vmem>> -> memref<1x125xi32, #tpu.memory_space<vmem>>
        %dma_wait3A_220 = tpu.memref_squeeze %dma_wait3A_219 : memref<1x125xi32, #tpu.memory_space<vmem>> -> memref<125xi32, #tpu.memory_space<vmem>>
        %dma_wait3A_221 = arith.constant 0 : i32
        %dma_wait3A_222 = arith.constant 0 : i32
        %dma_wait3A_223 = tpu.memref_slice %arg15[%dma_wait3A_221, %dma_wait3A_222] : memref<10240x64xf32, #tpu.memory_space<vmem_shared>> -> memref<10240x64xf32, #tpu.memory_space<vmem_shared>>
        tpu.wait_indirect_dma semaphore(%arg23 : memref<!tpu.dma_semaphore, #tpu.memory_space<semaphore_mem>>) src(%arg18 : memref<125x64xf32, #tpu.memory_space<vmem>>) dst(%dma_wait3A_223 : memref<10240x64xf32, #tpu.memory_space<vmem_shared>>)
        %add3A_224 = arith.constant 1 : i32
        %add3A_225 = arith.addi %add3A_161, %add3A_224 : i32
        %dma_wait3A_226 = arith.constant 0 : i32
        %dma_wait3A_227 = tpu.memref_slice %arg14[%add3A_225, %dma_wait3A_226] : memref<160x125xi32, #tpu.memory_space<vmem>> -> memref<1x125xi32, #tpu.memory_space<vmem>>
        %dma_wait3A_228 = tpu.memref_squeeze %dma_wait3A_227 : memref<1x125xi32, #tpu.memory_space<vmem>> -> memref<125xi32, #tpu.memory_space<vmem>>
        %dma_wait3A_229 = arith.constant 0 : i32
        %dma_wait3A_230 = arith.constant 0 : i32
        %dma_wait3A_231 = tpu.memref_slice %arg15[%dma_wait3A_229, %dma_wait3A_230] : memref<10240x64xf32, #tpu.memory_space<vmem_shared>> -> memref<10240x64xf32, #tpu.memory_space<vmem_shared>>
        tpu.wait_indirect_dma semaphore(%arg23 : memref<!tpu.dma_semaphore, #tpu.memory_space<semaphore_mem>>) src(%arg19 : memref<125x64xf32, #tpu.memory_space<vmem>>) dst(%dma_wait3A_231 : memref<10240x64xf32, #tpu.memory_space<vmem_shared>>)
      }
      %scan3A_67 = arith.constant 40 : i32
      %dma_wait3A_68 = arith.constant 0 : i32
      %dma_wait3A_69 = arith.constant 0 : i32
      %dma_wait3A_70 = tpu.memref_slice %arg13[%dma_wait3A_68, %dma_wait3A_69] : memref<160x125xi32, #tpu.memory_space<vmem>> -> memref<1x125xi32, #tpu.memory_space<vmem>>
      %dma_wait3A_71 = tpu.memref_squeeze %dma_wait3A_70 : memref<1x125xi32, #tpu.memory_space<vmem>> -> memref<125xi32, #tpu.memory_space<vmem>>
      %dma_wait3A_72 = arith.constant 0 : i32
      %dma_wait3A_73 = arith.constant 0 : i32
      %dma_wait3A_74 = tpu.memref_slice %arg3[%dma_wait3A_72, %dma_wait3A_73] : memref<10000x64xf32, #tpu.memory_space<hbm>> -> memref<10000x64xf32, #tpu.memory_space<hbm>>
      tpu.wait_indirect_dma semaphore(%arg20 : memref<!tpu.dma_semaphore, #tpu.memory_space<semaphore_mem>>) src(%dma_wait3A_74 : memref<10000x64xf32, #tpu.memory_space<hbm>>) dst(%arg16 : memref<125x64xf32, #tpu.memory_space<vmem>>)
      %dma_wait3A_75 = arith.constant 0 : i32
      %dma_wait3A_76 = arith.constant 0 : i32
      %dma_wait3A_77 = tpu.memref_slice %arg13[%dma_wait3A_75, %dma_wait3A_76] : memref<160x125xi32, #tpu.memory_space<vmem>> -> memref<1x125xi32, #tpu.memory_space<vmem>>
      %dma_wait3A_78 = tpu.memref_squeeze %dma_wait3A_77 : memref<1x125xi32, #tpu.memory_space<vmem>> -> memref<125xi32, #tpu.memory_space<vmem>>
      %dma_wait3A_79 = arith.constant 0 : i32
      %dma_wait3A_80 = arith.constant 0 : i32
      %dma_wait3A_81 = tpu.memref_slice %arg3[%dma_wait3A_79, %dma_wait3A_80] : memref<10000x64xf32, #tpu.memory_space<hbm>> -> memref<10000x64xf32, #tpu.memory_space<hbm>>
      tpu.wait_indirect_dma semaphore(%arg20 : memref<!tpu.dma_semaphore, #tpu.memory_space<semaphore_mem>>) src(%dma_wait3A_81 : memref<10000x64xf32, #tpu.memory_space<hbm>>) dst(%arg17 : memref<125x64xf32, #tpu.memory_space<vmem>>)
      %barrier3A_82 = arith.constant 0 : index
      tpu.barrier barrier_id(%barrier3A_82)
      %mul3A_83 = arith.constant 640 : i32
      %mul3A_84 = arith.muli %arg1, %mul3A_83 : i32
      %mul3A_85 = arith.constant 640 : i32
      %mul3A_86 = arith.muli %arg1, %mul3A_85 : i32
      "tpu.region"() ({
        %run_scoped3A = tpu.sem_alloc : memref<!tpu.dma_semaphore, #tpu.memory_space<semaphore_mem>>
        %dma_start3A_87 = arith.constant 0 : i32
        %dma_start3A_88 = tpu.memref_slice %arg10[%mul3A_86, %dma_start3A_87] : memref<10240x64xf32, #tpu.memory_space<hbm>> -> memref<640x64xf32, #tpu.memory_space<hbm>>
        %dma_start3A_89 = arith.constant 0 : i32
        %dma_start3A_90 = tpu.memref_slice %arg15[%mul3A_84, %dma_start3A_89] : memref<10240x64xf32, #tpu.memory_space<vmem_shared>> -> memref<640x64xf32, #tpu.memory_space<vmem_shared>>
        tpu.enqueue_dma source(%dma_start3A_90 : memref<640x64xf32, #tpu.memory_space<vmem_shared>>) target(%dma_start3A_88 : memref<640x64xf32, #tpu.memory_space<hbm>>) target_semaphore(%run_scoped3A : memref<!tpu.dma_semaphore, #tpu.memory_space<semaphore_mem>>)
        %dma_wait3A_91 = arith.constant 0 : i32
        %dma_wait3A_92 = tpu.memref_slice %arg10[%mul3A_86, %dma_wait3A_91] : memref<10240x64xf32, #tpu.memory_space<hbm>> -> memref<640x64xf32, #tpu.memory_space<hbm>>
        %dma_wait3A_93 = arith.constant 0 : i32
        %dma_wait3A_94 = tpu.memref_slice %arg15[%mul3A_84, %dma_wait3A_93] : memref<10240x64xf32, #tpu.memory_space<vmem_shared>> -> memref<640x64xf32, #tpu.memory_space<vmem_shared>>
        tpu.wait_dma2 semaphore(%run_scoped3A : memref<!tpu.dma_semaphore, #tpu.memory_space<semaphore_mem>>) src(%dma_wait3A_94 : memref<640x64xf32, #tpu.memory_space<vmem_shared>>) dst(%dma_wait3A_92 : memref<640x64xf32, #tpu.memory_space<hbm>>)
        tpu.yield
      }) : () -> ()
    } else {
    }
    %eq3A_2 = arith.constant 1 : i32
    %eq3A_3 = arith.cmpi eq, %arg0, %eq3A_2 : i32
    %convert_element_type3A_4 = arith.extui %eq3A_3 : i1 to i32
    %cond3A_5 = arith.constant 0 : i32
    %cond3A_6 = arith.cmpi ne, %convert_element_type3A_4, %cond3A_5 : i32
    scf.if %cond3A_6 {
      %mul3A = arith.constant 640 : i32
      %mul3A_7 = arith.muli %arg1, %mul3A : i32
      "tpu.region"() ({
        %run_scoped3A = tpu.sem_alloc : memref<!tpu.dma_semaphore, #tpu.memory_space<semaphore_mem>>
        %dma_start3A_87 = arith.constant 0 : i32
        %dma_start3A_88 = tpu.memref_slice %arg15[%mul3A_7, %dma_start3A_87] : memref<10240x64xf32, #tpu.memory_space<vmem_shared>> -> memref<640x64xf32, #tpu.memory_space<vmem_shared>>
        tpu.enqueue_dma source(%arg8 : memref<640x64xf32, #tpu.memory_space<hbm>>) target(%dma_start3A_88 : memref<640x64xf32, #tpu.memory_space<vmem_shared>>) target_semaphore(%run_scoped3A : memref<!tpu.dma_semaphore, #tpu.memory_space<semaphore_mem>>)
        %dma_wait3A_89 = arith.constant 0 : i32
        %dma_wait3A_90 = tpu.memref_slice %arg15[%mul3A_7, %dma_wait3A_89] : memref<10240x64xf32, #tpu.memory_space<vmem_shared>> -> memref<640x64xf32, #tpu.memory_space<vmem_shared>>
        tpu.wait_dma2 semaphore(%run_scoped3A : memref<!tpu.dma_semaphore, #tpu.memory_space<semaphore_mem>>) src(%arg8 : memref<640x64xf32, #tpu.memory_space<hbm>>) dst(%dma_wait3A_90 : memref<640x64xf32, #tpu.memory_space<vmem_shared>>)
        tpu.yield
      }) : () -> ()
      %barrier3A = arith.constant 0 : index
      tpu.barrier barrier_id(%barrier3A)
      %dma_start3A = arith.constant 0 : i32
      %dma_start3A_8 = arith.constant 0 : i32
      %dma_start3A_9 = tpu.memref_slice %arg13[%dma_start3A, %dma_start3A_8] : memref<160x125xi32, #tpu.memory_space<vmem>> -> memref<1x125xi32, #tpu.memory_space<vmem>>
      %dma_start3A_10 = tpu.memref_squeeze %dma_start3A_9 : memref<1x125xi32, #tpu.memory_space<vmem>> -> memref<125xi32, #tpu.memory_space<vmem>>
      %dma_start3A_11 = arith.constant 0 : i32
      %dma_start3A_12 = arith.constant 0 : i32
      %dma_start3A_13 = tpu.memref_slice %arg4[%dma_start3A_11, %dma_start3A_12] : memref<10000x64xf32, #tpu.memory_space<hbm>> -> memref<10000x64xf32, #tpu.memory_space<hbm>>
      tpu.enqueue_indirect_dma source(%dma_start3A_13 : memref<10000x64xf32, #tpu.memory_space<hbm>>) target(%arg16 : memref<125x64xf32, #tpu.memory_space<vmem>>) offsets(%dma_start3A_10 : memref<125xi32, #tpu.memory_space<vmem>>) semaphore(%arg20 : memref<!tpu.dma_semaphore, #tpu.memory_space<semaphore_mem>>)
      %dma_start3A_14 = arith.constant 1 : i32
      %dma_start3A_15 = arith.constant 0 : i32
      %dma_start3A_16 = tpu.memref_slice %arg13[%dma_start3A_14, %dma_start3A_15] : memref<160x125xi32, #tpu.memory_space<vmem>> -> memref<1x125xi32, #tpu.memory_space<vmem>>
      %dma_start3A_17 = tpu.memref_squeeze %dma_start3A_16 : memref<1x125xi32, #tpu.memory_space<vmem>> -> memref<125xi32, #tpu.memory_space<vmem>>
      %dma_start3A_18 = arith.constant 0 : i32
      %dma_start3A_19 = arith.constant 0 : i32
      %dma_start3A_20 = tpu.memref_slice %arg4[%dma_start3A_18, %dma_start3A_19] : memref<10000x64xf32, #tpu.memory_space<hbm>> -> memref<10000x64xf32, #tpu.memory_space<hbm>>
      tpu.enqueue_indirect_dma source(%dma_start3A_20 : memref<10000x64xf32, #tpu.memory_space<hbm>>) target(%arg17 : memref<125x64xf32, #tpu.memory_space<vmem>>) offsets(%dma_start3A_17 : memref<125xi32, #tpu.memory_space<vmem>>) semaphore(%arg20 : memref<!tpu.dma_semaphore, #tpu.memory_space<semaphore_mem>>)
      %scan3A = arith.constant 0 : i32
      %scan3A_21 = arith.constant 0 : i32
      %scan3A_22 = arith.constant 40 : i32
      %scan3A_23 = arith.addi %scan3A_21, %scan3A_22 : i32
      %scan3A_24 = arith.constant 1 : i32
      scf.for %scan3A_87 = %scan3A_21 to %scan3A_23 step %scan3A_24  : i32 {
        %mul3A_88 = arith.constant 4 : i32
        %mul3A_89 = arith.muli %mul3A_88, %scan3A_87 : i32
        %dma_wait3A_90 = arith.constant 0 : i32
        %dma_wait3A_91 = arith.constant 0 : i32
        %dma_wait3A_92 = tpu.memref_slice %arg13[%dma_wait3A_90, %dma_wait3A_91] : memref<160x125xi32, #tpu.memory_space<vmem>> -> memref<1x125xi32, #tpu.memory_space<vmem>>
        %dma_wait3A_93 = tpu.memref_squeeze %dma_wait3A_92 : memref<1x125xi32, #tpu.memory_space<vmem>> -> memref<125xi32, #tpu.memory_space<vmem>>
        %dma_wait3A_94 = arith.constant 0 : i32
        %dma_wait3A_95 = arith.constant 0 : i32
        %dma_wait3A_96 = tpu.memref_slice %arg4[%dma_wait3A_94, %dma_wait3A_95] : memref<10000x64xf32, #tpu.memory_space<hbm>> -> memref<10000x64xf32, #tpu.memory_space<hbm>>
        tpu.wait_indirect_dma semaphore(%arg20 : memref<!tpu.dma_semaphore, #tpu.memory_space<semaphore_mem>>) src(%dma_wait3A_96 : memref<10000x64xf32, #tpu.memory_space<hbm>>) dst(%arg16 : memref<125x64xf32, #tpu.memory_space<vmem>>)
        %dma_wait3A_97 = arith.constant 0 : i32
        %dma_wait3A_98 = arith.constant 0 : i32
        %dma_wait3A_99 = tpu.memref_slice %arg13[%dma_wait3A_97, %dma_wait3A_98] : memref<160x125xi32, #tpu.memory_space<vmem>> -> memref<1x125xi32, #tpu.memory_space<vmem>>
        %dma_wait3A_100 = tpu.memref_squeeze %dma_wait3A_99 : memref<1x125xi32, #tpu.memory_space<vmem>> -> memref<125xi32, #tpu.memory_space<vmem>>
        %dma_wait3A_101 = arith.constant 0 : i32
        %dma_wait3A_102 = arith.constant 0 : i32
        %dma_wait3A_103 = tpu.memref_slice %arg4[%dma_wait3A_101, %dma_wait3A_102] : memref<10000x64xf32, #tpu.memory_space<hbm>> -> memref<10000x64xf32, #tpu.memory_space<hbm>>
        tpu.wait_indirect_dma semaphore(%arg20 : memref<!tpu.dma_semaphore, #tpu.memory_space<semaphore_mem>>) src(%dma_wait3A_103 : memref<10000x64xf32, #tpu.memory_space<hbm>>) dst(%arg17 : memref<125x64xf32, #tpu.memory_space<vmem>>)
        %add3A = arith.constant 0 : i32
        %add3A_104 = arith.addi %mul3A_89, %add3A : i32
        %dma_start3A_105 = arith.constant 0 : i32
        %dma_start3A_106 = tpu.memref_slice %arg14[%add3A_104, %dma_start3A_105] : memref<160x125xi32, #tpu.memory_space<vmem>> -> memref<1x125xi32, #tpu.memory_space<vmem>>
        %dma_start3A_107 = tpu.memref_squeeze %dma_start3A_106 : memref<1x125xi32, #tpu.memory_space<vmem>> -> memref<125xi32, #tpu.memory_space<vmem>>
        %dma_start3A_108 = arith.constant 0 : i32
        %dma_start3A_109 = arith.constant 0 : i32
        %dma_start3A_110 = tpu.memref_slice %arg15[%dma_start3A_108, %dma_start3A_109] : memref<10240x64xf32, #tpu.memory_space<vmem_shared>> -> memref<10240x64xf32, #tpu.memory_space<vmem_shared>>
        tpu.enqueue_indirect_dma source(%arg16 : memref<125x64xf32, #tpu.memory_space<vmem>>) target(%dma_start3A_110 : memref<10240x64xf32, #tpu.memory_space<vmem_shared>>) offsets(%dma_start3A_107 : memref<125xi32, #tpu.memory_space<vmem>>) semaphore(%arg22 : memref<!tpu.dma_semaphore, #tpu.memory_space<semaphore_mem>>) {add = true}
        %add3A_111 = arith.constant 1 : i32
        %add3A_112 = arith.addi %mul3A_89, %add3A_111 : i32
        %dma_start3A_113 = arith.constant 0 : i32
        %dma_start3A_114 = tpu.memref_slice %arg14[%add3A_112, %dma_start3A_113] : memref<160x125xi32, #tpu.memory_space<vmem>> -> memref<1x125xi32, #tpu.memory_space<vmem>>
        %dma_start3A_115 = tpu.memref_squeeze %dma_start3A_114 : memref<1x125xi32, #tpu.memory_space<vmem>> -> memref<125xi32, #tpu.memory_space<vmem>>
        %dma_start3A_116 = arith.constant 0 : i32
        %dma_start3A_117 = arith.constant 0 : i32
        %dma_start3A_118 = tpu.memref_slice %arg15[%dma_start3A_116, %dma_start3A_117] : memref<10240x64xf32, #tpu.memory_space<vmem_shared>> -> memref<10240x64xf32, #tpu.memory_space<vmem_shared>>
        tpu.enqueue_indirect_dma source(%arg17 : memref<125x64xf32, #tpu.memory_space<vmem>>) target(%dma_start3A_118 : memref<10240x64xf32, #tpu.memory_space<vmem_shared>>) offsets(%dma_start3A_115 : memref<125xi32, #tpu.memory_space<vmem>>) semaphore(%arg22 : memref<!tpu.dma_semaphore, #tpu.memory_space<semaphore_mem>>) {add = true}
        %add3A_119 = arith.constant 2 : i32
        %add3A_120 = arith.addi %mul3A_89, %add3A_119 : i32
        %add3A_121 = arith.constant 0 : i32
        %add3A_122 = arith.addi %add3A_120, %add3A_121 : i32
        %min3A = arith.constant 159 : i32
        %min3A_123 = arith.minsi %add3A_122, %min3A : i32
        %dma_start3A_124 = arith.constant 0 : i32
        %dma_start3A_125 = tpu.memref_slice %arg13[%min3A_123, %dma_start3A_124] : memref<160x125xi32, #tpu.memory_space<vmem>> -> memref<1x125xi32, #tpu.memory_space<vmem>>
        %dma_start3A_126 = tpu.memref_squeeze %dma_start3A_125 : memref<1x125xi32, #tpu.memory_space<vmem>> -> memref<125xi32, #tpu.memory_space<vmem>>
        %dma_start3A_127 = arith.constant 0 : i32
        %dma_start3A_128 = arith.constant 0 : i32
        %dma_start3A_129 = tpu.memref_slice %arg4[%dma_start3A_127, %dma_start3A_128] : memref<10000x64xf32, #tpu.memory_space<hbm>> -> memref<10000x64xf32, #tpu.memory_space<hbm>>
        tpu.enqueue_indirect_dma source(%dma_start3A_129 : memref<10000x64xf32, #tpu.memory_space<hbm>>) target(%arg18 : memref<125x64xf32, #tpu.memory_space<vmem>>) offsets(%dma_start3A_126 : memref<125xi32, #tpu.memory_space<vmem>>) semaphore(%arg21 : memref<!tpu.dma_semaphore, #tpu.memory_space<semaphore_mem>>)
        %add3A_130 = arith.constant 2 : i32
        %add3A_131 = arith.addi %mul3A_89, %add3A_130 : i32
        %add3A_132 = arith.constant 1 : i32
        %add3A_133 = arith.addi %add3A_131, %add3A_132 : i32
        %min3A_134 = arith.constant 159 : i32
        %min3A_135 = arith.minsi %add3A_133, %min3A_134 : i32
        %dma_start3A_136 = arith.constant 0 : i32
        %dma_start3A_137 = tpu.memref_slice %arg13[%min3A_135, %dma_start3A_136] : memref<160x125xi32, #tpu.memory_space<vmem>> -> memref<1x125xi32, #tpu.memory_space<vmem>>
        %dma_start3A_138 = tpu.memref_squeeze %dma_start3A_137 : memref<1x125xi32, #tpu.memory_space<vmem>> -> memref<125xi32, #tpu.memory_space<vmem>>
        %dma_start3A_139 = arith.constant 0 : i32
        %dma_start3A_140 = arith.constant 0 : i32
        %dma_start3A_141 = tpu.memref_slice %arg4[%dma_start3A_139, %dma_start3A_140] : memref<10000x64xf32, #tpu.memory_space<hbm>> -> memref<10000x64xf32, #tpu.memory_space<hbm>>
        tpu.enqueue_indirect_dma source(%dma_start3A_141 : memref<10000x64xf32, #tpu.memory_space<hbm>>) target(%arg19 : memref<125x64xf32, #tpu.memory_space<vmem>>) offsets(%dma_start3A_138 : memref<125xi32, #tpu.memory_space<vmem>>) semaphore(%arg21 : memref<!tpu.dma_semaphore, #tpu.memory_space<semaphore_mem>>)
        %add3A_142 = arith.constant 0 : i32
        %add3A_143 = arith.addi %mul3A_89, %add3A_142 : i32
        %dma_wait3A_144 = arith.constant 0 : i32
        %dma_wait3A_145 = tpu.memref_slice %arg14[%add3A_143, %dma_wait3A_144] : memref<160x125xi32, #tpu.memory_space<vmem>> -> memref<1x125xi32, #tpu.memory_space<vmem>>
        %dma_wait3A_146 = tpu.memref_squeeze %dma_wait3A_145 : memref<1x125xi32, #tpu.memory_space<vmem>> -> memref<125xi32, #tpu.memory_space<vmem>>
        %dma_wait3A_147 = arith.constant 0 : i32
        %dma_wait3A_148 = arith.constant 0 : i32
        %dma_wait3A_149 = tpu.memref_slice %arg15[%dma_wait3A_147, %dma_wait3A_148] : memref<10240x64xf32, #tpu.memory_space<vmem_shared>> -> memref<10240x64xf32, #tpu.memory_space<vmem_shared>>
        tpu.wait_indirect_dma semaphore(%arg22 : memref<!tpu.dma_semaphore, #tpu.memory_space<semaphore_mem>>) src(%arg16 : memref<125x64xf32, #tpu.memory_space<vmem>>) dst(%dma_wait3A_149 : memref<10240x64xf32, #tpu.memory_space<vmem_shared>>)
        %add3A_150 = arith.constant 1 : i32
        %add3A_151 = arith.addi %mul3A_89, %add3A_150 : i32
        %dma_wait3A_152 = arith.constant 0 : i32
        %dma_wait3A_153 = tpu.memref_slice %arg14[%add3A_151, %dma_wait3A_152] : memref<160x125xi32, #tpu.memory_space<vmem>> -> memref<1x125xi32, #tpu.memory_space<vmem>>
        %dma_wait3A_154 = tpu.memref_squeeze %dma_wait3A_153 : memref<1x125xi32, #tpu.memory_space<vmem>> -> memref<125xi32, #tpu.memory_space<vmem>>
        %dma_wait3A_155 = arith.constant 0 : i32
        %dma_wait3A_156 = arith.constant 0 : i32
        %dma_wait3A_157 = tpu.memref_slice %arg15[%dma_wait3A_155, %dma_wait3A_156] : memref<10240x64xf32, #tpu.memory_space<vmem_shared>> -> memref<10240x64xf32, #tpu.memory_space<vmem_shared>>
        tpu.wait_indirect_dma semaphore(%arg22 : memref<!tpu.dma_semaphore, #tpu.memory_space<semaphore_mem>>) src(%arg17 : memref<125x64xf32, #tpu.memory_space<vmem>>) dst(%dma_wait3A_157 : memref<10240x64xf32, #tpu.memory_space<vmem_shared>>)
        %mul3A_158 = arith.constant 4 : i32
        %mul3A_159 = arith.muli %mul3A_158, %scan3A_87 : i32
        %add3A_160 = arith.constant 2 : i32
        %add3A_161 = arith.addi %mul3A_159, %add3A_160 : i32
        %dma_wait3A_162 = arith.constant 0 : i32
        %dma_wait3A_163 = arith.constant 0 : i32
        %dma_wait3A_164 = tpu.memref_slice %arg13[%dma_wait3A_162, %dma_wait3A_163] : memref<160x125xi32, #tpu.memory_space<vmem>> -> memref<1x125xi32, #tpu.memory_space<vmem>>
        %dma_wait3A_165 = tpu.memref_squeeze %dma_wait3A_164 : memref<1x125xi32, #tpu.memory_space<vmem>> -> memref<125xi32, #tpu.memory_space<vmem>>
        %dma_wait3A_166 = arith.constant 0 : i32
        %dma_wait3A_167 = arith.constant 0 : i32
        %dma_wait3A_168 = tpu.memref_slice %arg4[%dma_wait3A_166, %dma_wait3A_167] : memref<10000x64xf32, #tpu.memory_space<hbm>> -> memref<10000x64xf32, #tpu.memory_space<hbm>>
        tpu.wait_indirect_dma semaphore(%arg21 : memref<!tpu.dma_semaphore, #tpu.memory_space<semaphore_mem>>) src(%dma_wait3A_168 : memref<10000x64xf32, #tpu.memory_space<hbm>>) dst(%arg18 : memref<125x64xf32, #tpu.memory_space<vmem>>)
        %dma_wait3A_169 = arith.constant 0 : i32
        %dma_wait3A_170 = arith.constant 0 : i32
        %dma_wait3A_171 = tpu.memref_slice %arg13[%dma_wait3A_169, %dma_wait3A_170] : memref<160x125xi32, #tpu.memory_space<vmem>> -> memref<1x125xi32, #tpu.memory_space<vmem>>
        %dma_wait3A_172 = tpu.memref_squeeze %dma_wait3A_171 : memref<1x125xi32, #tpu.memory_space<vmem>> -> memref<125xi32, #tpu.memory_space<vmem>>
        %dma_wait3A_173 = arith.constant 0 : i32
        %dma_wait3A_174 = arith.constant 0 : i32
        %dma_wait3A_175 = tpu.memref_slice %arg4[%dma_wait3A_173, %dma_wait3A_174] : memref<10000x64xf32, #tpu.memory_space<hbm>> -> memref<10000x64xf32, #tpu.memory_space<hbm>>
        tpu.wait_indirect_dma semaphore(%arg21 : memref<!tpu.dma_semaphore, #tpu.memory_space<semaphore_mem>>) src(%dma_wait3A_175 : memref<10000x64xf32, #tpu.memory_space<hbm>>) dst(%arg19 : memref<125x64xf32, #tpu.memory_space<vmem>>)
        %add3A_176 = arith.constant 0 : i32
        %add3A_177 = arith.addi %add3A_161, %add3A_176 : i32
        %dma_start3A_178 = arith.constant 0 : i32
        %dma_start3A_179 = tpu.memref_slice %arg14[%add3A_177, %dma_start3A_178] : memref<160x125xi32, #tpu.memory_space<vmem>> -> memref<1x125xi32, #tpu.memory_space<vmem>>
        %dma_start3A_180 = tpu.memref_squeeze %dma_start3A_179 : memref<1x125xi32, #tpu.memory_space<vmem>> -> memref<125xi32, #tpu.memory_space<vmem>>
        %dma_start3A_181 = arith.constant 0 : i32
        %dma_start3A_182 = arith.constant 0 : i32
        %dma_start3A_183 = tpu.memref_slice %arg15[%dma_start3A_181, %dma_start3A_182] : memref<10240x64xf32, #tpu.memory_space<vmem_shared>> -> memref<10240x64xf32, #tpu.memory_space<vmem_shared>>
        tpu.enqueue_indirect_dma source(%arg18 : memref<125x64xf32, #tpu.memory_space<vmem>>) target(%dma_start3A_183 : memref<10240x64xf32, #tpu.memory_space<vmem_shared>>) offsets(%dma_start3A_180 : memref<125xi32, #tpu.memory_space<vmem>>) semaphore(%arg23 : memref<!tpu.dma_semaphore, #tpu.memory_space<semaphore_mem>>) {add = true}
        %add3A_184 = arith.constant 1 : i32
        %add3A_185 = arith.addi %add3A_161, %add3A_184 : i32
        %dma_start3A_186 = arith.constant 0 : i32
        %dma_start3A_187 = tpu.memref_slice %arg14[%add3A_185, %dma_start3A_186] : memref<160x125xi32, #tpu.memory_space<vmem>> -> memref<1x125xi32, #tpu.memory_space<vmem>>
        %dma_start3A_188 = tpu.memref_squeeze %dma_start3A_187 : memref<1x125xi32, #tpu.memory_space<vmem>> -> memref<125xi32, #tpu.memory_space<vmem>>
        %dma_start3A_189 = arith.constant 0 : i32
        %dma_start3A_190 = arith.constant 0 : i32
        %dma_start3A_191 = tpu.memref_slice %arg15[%dma_start3A_189, %dma_start3A_190] : memref<10240x64xf32, #tpu.memory_space<vmem_shared>> -> memref<10240x64xf32, #tpu.memory_space<vmem_shared>>
        tpu.enqueue_indirect_dma source(%arg19 : memref<125x64xf32, #tpu.memory_space<vmem>>) target(%dma_start3A_191 : memref<10240x64xf32, #tpu.memory_space<vmem_shared>>) offsets(%dma_start3A_188 : memref<125xi32, #tpu.memory_space<vmem>>) semaphore(%arg23 : memref<!tpu.dma_semaphore, #tpu.memory_space<semaphore_mem>>) {add = true}
        %add3A_192 = arith.constant 2 : i32
        %add3A_193 = arith.addi %add3A_161, %add3A_192 : i32
        %add3A_194 = arith.constant 0 : i32
        %add3A_195 = arith.addi %add3A_193, %add3A_194 : i32
        %min3A_196 = arith.constant 159 : i32
        %min3A_197 = arith.minsi %add3A_195, %min3A_196 : i32
        %dma_start3A_198 = arith.constant 0 : i32
        %dma_start3A_199 = tpu.memref_slice %arg13[%min3A_197, %dma_start3A_198] : memref<160x125xi32, #tpu.memory_space<vmem>> -> memref<1x125xi32, #tpu.memory_space<vmem>>
        %dma_start3A_200 = tpu.memref_squeeze %dma_start3A_199 : memref<1x125xi32, #tpu.memory_space<vmem>> -> memref<125xi32, #tpu.memory_space<vmem>>
        %dma_start3A_201 = arith.constant 0 : i32
        %dma_start3A_202 = arith.constant 0 : i32
        %dma_start3A_203 = tpu.memref_slice %arg4[%dma_start3A_201, %dma_start3A_202] : memref<10000x64xf32, #tpu.memory_space<hbm>> -> memref<10000x64xf32, #tpu.memory_space<hbm>>
        tpu.enqueue_indirect_dma source(%dma_start3A_203 : memref<10000x64xf32, #tpu.memory_space<hbm>>) target(%arg16 : memref<125x64xf32, #tpu.memory_space<vmem>>) offsets(%dma_start3A_200 : memref<125xi32, #tpu.memory_space<vmem>>) semaphore(%arg20 : memref<!tpu.dma_semaphore, #tpu.memory_space<semaphore_mem>>)
        %add3A_204 = arith.constant 2 : i32
        %add3A_205 = arith.addi %add3A_161, %add3A_204 : i32
        %add3A_206 = arith.constant 1 : i32
        %add3A_207 = arith.addi %add3A_205, %add3A_206 : i32
        %min3A_208 = arith.constant 159 : i32
        %min3A_209 = arith.minsi %add3A_207, %min3A_208 : i32
        %dma_start3A_210 = arith.constant 0 : i32
        %dma_start3A_211 = tpu.memref_slice %arg13[%min3A_209, %dma_start3A_210] : memref<160x125xi32, #tpu.memory_space<vmem>> -> memref<1x125xi32, #tpu.memory_space<vmem>>
        %dma_start3A_212 = tpu.memref_squeeze %dma_start3A_211 : memref<1x125xi32, #tpu.memory_space<vmem>> -> memref<125xi32, #tpu.memory_space<vmem>>
        %dma_start3A_213 = arith.constant 0 : i32
        %dma_start3A_214 = arith.constant 0 : i32
        %dma_start3A_215 = tpu.memref_slice %arg4[%dma_start3A_213, %dma_start3A_214] : memref<10000x64xf32, #tpu.memory_space<hbm>> -> memref<10000x64xf32, #tpu.memory_space<hbm>>
        tpu.enqueue_indirect_dma source(%dma_start3A_215 : memref<10000x64xf32, #tpu.memory_space<hbm>>) target(%arg17 : memref<125x64xf32, #tpu.memory_space<vmem>>) offsets(%dma_start3A_212 : memref<125xi32, #tpu.memory_space<vmem>>) semaphore(%arg20 : memref<!tpu.dma_semaphore, #tpu.memory_space<semaphore_mem>>)
        %add3A_216 = arith.constant 0 : i32
        %add3A_217 = arith.addi %add3A_161, %add3A_216 : i32
        %dma_wait3A_218 = arith.constant 0 : i32
        %dma_wait3A_219 = tpu.memref_slice %arg14[%add3A_217, %dma_wait3A_218] : memref<160x125xi32, #tpu.memory_space<vmem>> -> memref<1x125xi32, #tpu.memory_space<vmem>>
        %dma_wait3A_220 = tpu.memref_squeeze %dma_wait3A_219 : memref<1x125xi32, #tpu.memory_space<vmem>> -> memref<125xi32, #tpu.memory_space<vmem>>
        %dma_wait3A_221 = arith.constant 0 : i32
        %dma_wait3A_222 = arith.constant 0 : i32
        %dma_wait3A_223 = tpu.memref_slice %arg15[%dma_wait3A_221, %dma_wait3A_222] : memref<10240x64xf32, #tpu.memory_space<vmem_shared>> -> memref<10240x64xf32, #tpu.memory_space<vmem_shared>>
        tpu.wait_indirect_dma semaphore(%arg23 : memref<!tpu.dma_semaphore, #tpu.memory_space<semaphore_mem>>) src(%arg18 : memref<125x64xf32, #tpu.memory_space<vmem>>) dst(%dma_wait3A_223 : memref<10240x64xf32, #tpu.memory_space<vmem_shared>>)
        %add3A_224 = arith.constant 1 : i32
        %add3A_225 = arith.addi %add3A_161, %add3A_224 : i32
        %dma_wait3A_226 = arith.constant 0 : i32
        %dma_wait3A_227 = tpu.memref_slice %arg14[%add3A_225, %dma_wait3A_226] : memref<160x125xi32, #tpu.memory_space<vmem>> -> memref<1x125xi32, #tpu.memory_space<vmem>>
        %dma_wait3A_228 = tpu.memref_squeeze %dma_wait3A_227 : memref<1x125xi32, #tpu.memory_space<vmem>> -> memref<125xi32, #tpu.memory_space<vmem>>
        %dma_wait3A_229 = arith.constant 0 : i32
        %dma_wait3A_230 = arith.constant 0 : i32
        %dma_wait3A_231 = tpu.memref_slice %arg15[%dma_wait3A_229, %dma_wait3A_230] : memref<10240x64xf32, #tpu.memory_space<vmem_shared>> -> memref<10240x64xf32, #tpu.memory_space<vmem_shared>>
        tpu.wait_indirect_dma semaphore(%arg23 : memref<!tpu.dma_semaphore, #tpu.memory_space<semaphore_mem>>) src(%arg19 : memref<125x64xf32, #tpu.memory_space<vmem>>) dst(%dma_wait3A_231 : memref<10240x64xf32, #tpu.memory_space<vmem_shared>>)
      }
      %scan3A_25 = arith.constant 40 : i32
      %dma_wait3A = arith.constant 0 : i32
      %dma_wait3A_26 = arith.constant 0 : i32
      %dma_wait3A_27 = tpu.memref_slice %arg13[%dma_wait3A, %dma_wait3A_26] : memref<160x125xi32, #tpu.memory_space<vmem>> -> memref<1x125xi32, #tpu.memory_space<vmem>>
      %dma_wait3A_28 = tpu.memref_squeeze %dma_wait3A_27 : memref<1x125xi32, #tpu.memory_space<vmem>> -> memref<125xi32, #tpu.memory_space<vmem>>
      %dma_wait3A_29 = arith.constant 0 : i32
      %dma_wait3A_30 = arith.constant 0 : i32
      %dma_wait3A_31 = tpu.memref_slice %arg4[%dma_wait3A_29, %dma_wait3A_30] : memref<10000x64xf32, #tpu.memory_space<hbm>> -> memref<10000x64xf32, #tpu.memory_space<hbm>>
      tpu.wait_indirect_dma semaphore(%arg20 : memref<!tpu.dma_semaphore, #tpu.memory_space<semaphore_mem>>) src(%dma_wait3A_31 : memref<10000x64xf32, #tpu.memory_space<hbm>>) dst(%arg16 : memref<125x64xf32, #tpu.memory_space<vmem>>)
      %dma_wait3A_32 = arith.constant 0 : i32
      %dma_wait3A_33 = arith.constant 0 : i32
      %dma_wait3A_34 = tpu.memref_slice %arg13[%dma_wait3A_32, %dma_wait3A_33] : memref<160x125xi32, #tpu.memory_space<vmem>> -> memref<1x125xi32, #tpu.memory_space<vmem>>
      %dma_wait3A_35 = tpu.memref_squeeze %dma_wait3A_34 : memref<1x125xi32, #tpu.memory_space<vmem>> -> memref<125xi32, #tpu.memory_space<vmem>>
      %dma_wait3A_36 = arith.constant 0 : i32
      %dma_wait3A_37 = arith.constant 0 : i32
      %dma_wait3A_38 = tpu.memref_slice %arg4[%dma_wait3A_36, %dma_wait3A_37] : memref<10000x64xf32, #tpu.memory_space<hbm>> -> memref<10000x64xf32, #tpu.memory_space<hbm>>
      tpu.wait_indirect_dma semaphore(%arg20 : memref<!tpu.dma_semaphore, #tpu.memory_space<semaphore_mem>>) src(%dma_wait3A_38 : memref<10000x64xf32, #tpu.memory_space<hbm>>) dst(%arg17 : memref<125x64xf32, #tpu.memory_space<vmem>>)
      %barrier3A_39 = arith.constant 0 : index
      tpu.barrier barrier_id(%barrier3A_39)
      %mul3A_40 = arith.constant 640 : i32
      %mul3A_41 = arith.muli %arg1, %mul3A_40 : i32
      %mul3A_42 = arith.constant 640 : i32
      %mul3A_43 = arith.muli %arg1, %mul3A_42 : i32
      "tpu.region"() ({
        %run_scoped3A = tpu.sem_alloc : memref<!tpu.dma_semaphore, #tpu.memory_space<semaphore_mem>>
        %dma_start3A_87 = arith.constant 0 : i32
        %dma_start3A_88 = tpu.memref_slice %arg11[%mul3A_43, %dma_start3A_87] : memref<10240x64xf32, #tpu.memory_space<hbm>> -> memref<640x64xf32, #tpu.memory_space<hbm>>
        %dma_start3A_89 = arith.constant 0 : i32
        %dma_start3A_90 = tpu.memref_slice %arg15[%mul3A_41, %dma_start3A_89] : memref<10240x64xf32, #tpu.memory_space<vmem_shared>> -> memref<640x64xf32, #tpu.memory_space<vmem_shared>>
        tpu.enqueue_dma source(%dma_start3A_90 : memref<640x64xf32, #tpu.memory_space<vmem_shared>>) target(%dma_start3A_88 : memref<640x64xf32, #tpu.memory_space<hbm>>) target_semaphore(%run_scoped3A : memref<!tpu.dma_semaphore, #tpu.memory_space<semaphore_mem>>)
        %dma_wait3A_91 = arith.constant 0 : i32
        %dma_wait3A_92 = tpu.memref_slice %arg11[%mul3A_43, %dma_wait3A_91] : memref<10240x64xf32, #tpu.memory_space<hbm>> -> memref<640x64xf32, #tpu.memory_space<hbm>>
        %dma_wait3A_93 = arith.constant 0 : i32
        %dma_wait3A_94 = tpu.memref_slice %arg15[%mul3A_41, %dma_wait3A_93] : memref<10240x64xf32, #tpu.memory_space<vmem_shared>> -> memref<640x64xf32, #tpu.memory_space<vmem_shared>>
        tpu.wait_dma2 semaphore(%run_scoped3A : memref<!tpu.dma_semaphore, #tpu.memory_space<semaphore_mem>>) src(%dma_wait3A_94 : memref<640x64xf32, #tpu.memory_space<vmem_shared>>) dst(%dma_wait3A_92 : memref<640x64xf32, #tpu.memory_space<hbm>>)
        tpu.yield
      }) : () -> ()
      %barrier3A_44 = arith.constant 0 : index
      tpu.barrier barrier_id(%barrier3A_44)
      %mul3A_45 = arith.constant 640 : i32
      %mul3A_46 = arith.muli %arg1, %mul3A_45 : i32
      "tpu.region"() ({
        %run_scoped3A = tpu.sem_alloc : memref<!tpu.dma_semaphore, #tpu.memory_space<semaphore_mem>>
        %dma_start3A_87 = arith.constant 0 : i32
        %dma_start3A_88 = tpu.memref_slice %arg15[%mul3A_46, %dma_start3A_87] : memref<10240x64xf32, #tpu.memory_space<vmem_shared>> -> memref<640x64xf32, #tpu.memory_space<vmem_shared>>
        tpu.enqueue_dma source(%arg8 : memref<640x64xf32, #tpu.memory_space<hbm>>) target(%dma_start3A_88 : memref<640x64xf32, #tpu.memory_space<vmem_shared>>) target_semaphore(%run_scoped3A : memref<!tpu.dma_semaphore, #tpu.memory_space<semaphore_mem>>)
        %dma_wait3A_89 = arith.constant 0 : i32
        %dma_wait3A_90 = tpu.memref_slice %arg15[%mul3A_46, %dma_wait3A_89] : memref<10240x64xf32, #tpu.memory_space<vmem_shared>> -> memref<640x64xf32, #tpu.memory_space<vmem_shared>>
        tpu.wait_dma2 semaphore(%run_scoped3A : memref<!tpu.dma_semaphore, #tpu.memory_space<semaphore_mem>>) src(%arg8 : memref<640x64xf32, #tpu.memory_space<hbm>>) dst(%dma_wait3A_90 : memref<640x64xf32, #tpu.memory_space<vmem_shared>>)
        tpu.yield
      }) : () -> ()
      %barrier3A_47 = arith.constant 0 : index
      tpu.barrier barrier_id(%barrier3A_47)
      %dma_start3A_48 = arith.constant 0 : i32
      %dma_start3A_49 = arith.constant 0 : i32
      %dma_start3A_50 = tpu.memref_slice %arg13[%dma_start3A_48, %dma_start3A_49] : memref<160x125xi32, #tpu.memory_space<vmem>> -> memref<1x125xi32, #tpu.memory_space<vmem>>
      %dma_start3A_51 = tpu.memref_squeeze %dma_start3A_50 : memref<1x125xi32, #tpu.memory_space<vmem>> -> memref<125xi32, #tpu.memory_space<vmem>>
      %dma_start3A_52 = arith.constant 0 : i32
      %dma_start3A_53 = arith.constant 0 : i32
      %dma_start3A_54 = tpu.memref_slice %arg5[%dma_start3A_52, %dma_start3A_53] : memref<10000x64xf32, #tpu.memory_space<hbm>> -> memref<10000x64xf32, #tpu.memory_space<hbm>>
      tpu.enqueue_indirect_dma source(%dma_start3A_54 : memref<10000x64xf32, #tpu.memory_space<hbm>>) target(%arg16 : memref<125x64xf32, #tpu.memory_space<vmem>>) offsets(%dma_start3A_51 : memref<125xi32, #tpu.memory_space<vmem>>) semaphore(%arg20 : memref<!tpu.dma_semaphore, #tpu.memory_space<semaphore_mem>>)
      %dma_start3A_55 = arith.constant 1 : i32
      %dma_start3A_56 = arith.constant 0 : i32
      %dma_start3A_57 = tpu.memref_slice %arg13[%dma_start3A_55, %dma_start3A_56] : memref<160x125xi32, #tpu.memory_space<vmem>> -> memref<1x125xi32, #tpu.memory_space<vmem>>
      %dma_start3A_58 = tpu.memref_squeeze %dma_start3A_57 : memref<1x125xi32, #tpu.memory_space<vmem>> -> memref<125xi32, #tpu.memory_space<vmem>>
      %dma_start3A_59 = arith.constant 0 : i32
      %dma_start3A_60 = arith.constant 0 : i32
      %dma_start3A_61 = tpu.memref_slice %arg5[%dma_start3A_59, %dma_start3A_60] : memref<10000x64xf32, #tpu.memory_space<hbm>> -> memref<10000x64xf32, #tpu.memory_space<hbm>>
      tpu.enqueue_indirect_dma source(%dma_start3A_61 : memref<10000x64xf32, #tpu.memory_space<hbm>>) target(%arg17 : memref<125x64xf32, #tpu.memory_space<vmem>>) offsets(%dma_start3A_58 : memref<125xi32, #tpu.memory_space<vmem>>) semaphore(%arg20 : memref<!tpu.dma_semaphore, #tpu.memory_space<semaphore_mem>>)
      %scan3A_62 = arith.constant 0 : i32
      %scan3A_63 = arith.constant 0 : i32
      %scan3A_64 = arith.constant 40 : i32
      %scan3A_65 = arith.addi %scan3A_63, %scan3A_64 : i32
      %scan3A_66 = arith.constant 1 : i32
      scf.for %scan3A_87 = %scan3A_63 to %scan3A_65 step %scan3A_66  : i32 {
        %mul3A_88 = arith.constant 4 : i32
        %mul3A_89 = arith.muli %mul3A_88, %scan3A_87 : i32
        %dma_wait3A_90 = arith.constant 0 : i32
        %dma_wait3A_91 = arith.constant 0 : i32
        %dma_wait3A_92 = tpu.memref_slice %arg13[%dma_wait3A_90, %dma_wait3A_91] : memref<160x125xi32, #tpu.memory_space<vmem>> -> memref<1x125xi32, #tpu.memory_space<vmem>>
        %dma_wait3A_93 = tpu.memref_squeeze %dma_wait3A_92 : memref<1x125xi32, #tpu.memory_space<vmem>> -> memref<125xi32, #tpu.memory_space<vmem>>
        %dma_wait3A_94 = arith.constant 0 : i32
        %dma_wait3A_95 = arith.constant 0 : i32
        %dma_wait3A_96 = tpu.memref_slice %arg5[%dma_wait3A_94, %dma_wait3A_95] : memref<10000x64xf32, #tpu.memory_space<hbm>> -> memref<10000x64xf32, #tpu.memory_space<hbm>>
        tpu.wait_indirect_dma semaphore(%arg20 : memref<!tpu.dma_semaphore, #tpu.memory_space<semaphore_mem>>) src(%dma_wait3A_96 : memref<10000x64xf32, #tpu.memory_space<hbm>>) dst(%arg16 : memref<125x64xf32, #tpu.memory_space<vmem>>)
        %dma_wait3A_97 = arith.constant 0 : i32
        %dma_wait3A_98 = arith.constant 0 : i32
        %dma_wait3A_99 = tpu.memref_slice %arg13[%dma_wait3A_97, %dma_wait3A_98] : memref<160x125xi32, #tpu.memory_space<vmem>> -> memref<1x125xi32, #tpu.memory_space<vmem>>
        %dma_wait3A_100 = tpu.memref_squeeze %dma_wait3A_99 : memref<1x125xi32, #tpu.memory_space<vmem>> -> memref<125xi32, #tpu.memory_space<vmem>>
        %dma_wait3A_101 = arith.constant 0 : i32
        %dma_wait3A_102 = arith.constant 0 : i32
        %dma_wait3A_103 = tpu.memref_slice %arg5[%dma_wait3A_101, %dma_wait3A_102] : memref<10000x64xf32, #tpu.memory_space<hbm>> -> memref<10000x64xf32, #tpu.memory_space<hbm>>
        tpu.wait_indirect_dma semaphore(%arg20 : memref<!tpu.dma_semaphore, #tpu.memory_space<semaphore_mem>>) src(%dma_wait3A_103 : memref<10000x64xf32, #tpu.memory_space<hbm>>) dst(%arg17 : memref<125x64xf32, #tpu.memory_space<vmem>>)
        %add3A = arith.constant 0 : i32
        %add3A_104 = arith.addi %mul3A_89, %add3A : i32
        %dma_start3A_105 = arith.constant 0 : i32
        %dma_start3A_106 = tpu.memref_slice %arg14[%add3A_104, %dma_start3A_105] : memref<160x125xi32, #tpu.memory_space<vmem>> -> memref<1x125xi32, #tpu.memory_space<vmem>>
        %dma_start3A_107 = tpu.memref_squeeze %dma_start3A_106 : memref<1x125xi32, #tpu.memory_space<vmem>> -> memref<125xi32, #tpu.memory_space<vmem>>
        %dma_start3A_108 = arith.constant 0 : i32
        %dma_start3A_109 = arith.constant 0 : i32
        %dma_start3A_110 = tpu.memref_slice %arg15[%dma_start3A_108, %dma_start3A_109] : memref<10240x64xf32, #tpu.memory_space<vmem_shared>> -> memref<10240x64xf32, #tpu.memory_space<vmem_shared>>
        tpu.enqueue_indirect_dma source(%arg16 : memref<125x64xf32, #tpu.memory_space<vmem>>) target(%dma_start3A_110 : memref<10240x64xf32, #tpu.memory_space<vmem_shared>>) offsets(%dma_start3A_107 : memref<125xi32, #tpu.memory_space<vmem>>) semaphore(%arg22 : memref<!tpu.dma_semaphore, #tpu.memory_space<semaphore_mem>>) {add = true}
        %add3A_111 = arith.constant 1 : i32
        %add3A_112 = arith.addi %mul3A_89, %add3A_111 : i32
        %dma_start3A_113 = arith.constant 0 : i32
        %dma_start3A_114 = tpu.memref_slice %arg14[%add3A_112, %dma_start3A_113] : memref<160x125xi32, #tpu.memory_space<vmem>> -> memref<1x125xi32, #tpu.memory_space<vmem>>
        %dma_start3A_115 = tpu.memref_squeeze %dma_start3A_114 : memref<1x125xi32, #tpu.memory_space<vmem>> -> memref<125xi32, #tpu.memory_space<vmem>>
        %dma_start3A_116 = arith.constant 0 : i32
        %dma_start3A_117 = arith.constant 0 : i32
        %dma_start3A_118 = tpu.memref_slice %arg15[%dma_start3A_116, %dma_start3A_117] : memref<10240x64xf32, #tpu.memory_space<vmem_shared>> -> memref<10240x64xf32, #tpu.memory_space<vmem_shared>>
        tpu.enqueue_indirect_dma source(%arg17 : memref<125x64xf32, #tpu.memory_space<vmem>>) target(%dma_start3A_118 : memref<10240x64xf32, #tpu.memory_space<vmem_shared>>) offsets(%dma_start3A_115 : memref<125xi32, #tpu.memory_space<vmem>>) semaphore(%arg22 : memref<!tpu.dma_semaphore, #tpu.memory_space<semaphore_mem>>) {add = true}
        %add3A_119 = arith.constant 2 : i32
        %add3A_120 = arith.addi %mul3A_89, %add3A_119 : i32
        %add3A_121 = arith.constant 0 : i32
        %add3A_122 = arith.addi %add3A_120, %add3A_121 : i32
        %min3A = arith.constant 159 : i32
        %min3A_123 = arith.minsi %add3A_122, %min3A : i32
        %dma_start3A_124 = arith.constant 0 : i32
        %dma_start3A_125 = tpu.memref_slice %arg13[%min3A_123, %dma_start3A_124] : memref<160x125xi32, #tpu.memory_space<vmem>> -> memref<1x125xi32, #tpu.memory_space<vmem>>
        %dma_start3A_126 = tpu.memref_squeeze %dma_start3A_125 : memref<1x125xi32, #tpu.memory_space<vmem>> -> memref<125xi32, #tpu.memory_space<vmem>>
        %dma_start3A_127 = arith.constant 0 : i32
        %dma_start3A_128 = arith.constant 0 : i32
        %dma_start3A_129 = tpu.memref_slice %arg5[%dma_start3A_127, %dma_start3A_128] : memref<10000x64xf32, #tpu.memory_space<hbm>> -> memref<10000x64xf32, #tpu.memory_space<hbm>>
        tpu.enqueue_indirect_dma source(%dma_start3A_129 : memref<10000x64xf32, #tpu.memory_space<hbm>>) target(%arg18 : memref<125x64xf32, #tpu.memory_space<vmem>>) offsets(%dma_start3A_126 : memref<125xi32, #tpu.memory_space<vmem>>) semaphore(%arg21 : memref<!tpu.dma_semaphore, #tpu.memory_space<semaphore_mem>>)
        %add3A_130 = arith.constant 2 : i32
        %add3A_131 = arith.addi %mul3A_89, %add3A_130 : i32
        %add3A_132 = arith.constant 1 : i32
        %add3A_133 = arith.addi %add3A_131, %add3A_132 : i32
        %min3A_134 = arith.constant 159 : i32
        %min3A_135 = arith.minsi %add3A_133, %min3A_134 : i32
        %dma_start3A_136 = arith.constant 0 : i32
        %dma_start3A_137 = tpu.memref_slice %arg13[%min3A_135, %dma_start3A_136] : memref<160x125xi32, #tpu.memory_space<vmem>> -> memref<1x125xi32, #tpu.memory_space<vmem>>
        %dma_start3A_138 = tpu.memref_squeeze %dma_start3A_137 : memref<1x125xi32, #tpu.memory_space<vmem>> -> memref<125xi32, #tpu.memory_space<vmem>>
        %dma_start3A_139 = arith.constant 0 : i32
        %dma_start3A_140 = arith.constant 0 : i32
        %dma_start3A_141 = tpu.memref_slice %arg5[%dma_start3A_139, %dma_start3A_140] : memref<10000x64xf32, #tpu.memory_space<hbm>> -> memref<10000x64xf32, #tpu.memory_space<hbm>>
        tpu.enqueue_indirect_dma source(%dma_start3A_141 : memref<10000x64xf32, #tpu.memory_space<hbm>>) target(%arg19 : memref<125x64xf32, #tpu.memory_space<vmem>>) offsets(%dma_start3A_138 : memref<125xi32, #tpu.memory_space<vmem>>) semaphore(%arg21 : memref<!tpu.dma_semaphore, #tpu.memory_space<semaphore_mem>>)
        %add3A_142 = arith.constant 0 : i32
        %add3A_143 = arith.addi %mul3A_89, %add3A_142 : i32
        %dma_wait3A_144 = arith.constant 0 : i32
        %dma_wait3A_145 = tpu.memref_slice %arg14[%add3A_143, %dma_wait3A_144] : memref<160x125xi32, #tpu.memory_space<vmem>> -> memref<1x125xi32, #tpu.memory_space<vmem>>
        %dma_wait3A_146 = tpu.memref_squeeze %dma_wait3A_145 : memref<1x125xi32, #tpu.memory_space<vmem>> -> memref<125xi32, #tpu.memory_space<vmem>>
        %dma_wait3A_147 = arith.constant 0 : i32
        %dma_wait3A_148 = arith.constant 0 : i32
        %dma_wait3A_149 = tpu.memref_slice %arg15[%dma_wait3A_147, %dma_wait3A_148] : memref<10240x64xf32, #tpu.memory_space<vmem_shared>> -> memref<10240x64xf32, #tpu.memory_space<vmem_shared>>
        tpu.wait_indirect_dma semaphore(%arg22 : memref<!tpu.dma_semaphore, #tpu.memory_space<semaphore_mem>>) src(%arg16 : memref<125x64xf32, #tpu.memory_space<vmem>>) dst(%dma_wait3A_149 : memref<10240x64xf32, #tpu.memory_space<vmem_shared>>)
        %add3A_150 = arith.constant 1 : i32
        %add3A_151 = arith.addi %mul3A_89, %add3A_150 : i32
        %dma_wait3A_152 = arith.constant 0 : i32
        %dma_wait3A_153 = tpu.memref_slice %arg14[%add3A_151, %dma_wait3A_152] : memref<160x125xi32, #tpu.memory_space<vmem>> -> memref<1x125xi32, #tpu.memory_space<vmem>>
        %dma_wait3A_154 = tpu.memref_squeeze %dma_wait3A_153 : memref<1x125xi32, #tpu.memory_space<vmem>> -> memref<125xi32, #tpu.memory_space<vmem>>
        %dma_wait3A_155 = arith.constant 0 : i32
        %dma_wait3A_156 = arith.constant 0 : i32
        %dma_wait3A_157 = tpu.memref_slice %arg15[%dma_wait3A_155, %dma_wait3A_156] : memref<10240x64xf32, #tpu.memory_space<vmem_shared>> -> memref<10240x64xf32, #tpu.memory_space<vmem_shared>>
        tpu.wait_indirect_dma semaphore(%arg22 : memref<!tpu.dma_semaphore, #tpu.memory_space<semaphore_mem>>) src(%arg17 : memref<125x64xf32, #tpu.memory_space<vmem>>) dst(%dma_wait3A_157 : memref<10240x64xf32, #tpu.memory_space<vmem_shared>>)
        %mul3A_158 = arith.constant 4 : i32
        %mul3A_159 = arith.muli %mul3A_158, %scan3A_87 : i32
        %add3A_160 = arith.constant 2 : i32
        %add3A_161 = arith.addi %mul3A_159, %add3A_160 : i32
        %dma_wait3A_162 = arith.constant 0 : i32
        %dma_wait3A_163 = arith.constant 0 : i32
        %dma_wait3A_164 = tpu.memref_slice %arg13[%dma_wait3A_162, %dma_wait3A_163] : memref<160x125xi32, #tpu.memory_space<vmem>> -> memref<1x125xi32, #tpu.memory_space<vmem>>
        %dma_wait3A_165 = tpu.memref_squeeze %dma_wait3A_164 : memref<1x125xi32, #tpu.memory_space<vmem>> -> memref<125xi32, #tpu.memory_space<vmem>>
        %dma_wait3A_166 = arith.constant 0 : i32
        %dma_wait3A_167 = arith.constant 0 : i32
        %dma_wait3A_168 = tpu.memref_slice %arg5[%dma_wait3A_166, %dma_wait3A_167] : memref<10000x64xf32, #tpu.memory_space<hbm>> -> memref<10000x64xf32, #tpu.memory_space<hbm>>
        tpu.wait_indirect_dma semaphore(%arg21 : memref<!tpu.dma_semaphore, #tpu.memory_space<semaphore_mem>>) src(%dma_wait3A_168 : memref<10000x64xf32, #tpu.memory_space<hbm>>) dst(%arg18 : memref<125x64xf32, #tpu.memory_space<vmem>>)
        %dma_wait3A_169 = arith.constant 0 : i32
        %dma_wait3A_170 = arith.constant 0 : i32
        %dma_wait3A_171 = tpu.memref_slice %arg13[%dma_wait3A_169, %dma_wait3A_170] : memref<160x125xi32, #tpu.memory_space<vmem>> -> memref<1x125xi32, #tpu.memory_space<vmem>>
        %dma_wait3A_172 = tpu.memref_squeeze %dma_wait3A_171 : memref<1x125xi32, #tpu.memory_space<vmem>> -> memref<125xi32, #tpu.memory_space<vmem>>
        %dma_wait3A_173 = arith.constant 0 : i32
        %dma_wait3A_174 = arith.constant 0 : i32
        %dma_wait3A_175 = tpu.memref_slice %arg5[%dma_wait3A_173, %dma_wait3A_174] : memref<10000x64xf32, #tpu.memory_space<hbm>> -> memref<10000x64xf32, #tpu.memory_space<hbm>>
        tpu.wait_indirect_dma semaphore(%arg21 : memref<!tpu.dma_semaphore, #tpu.memory_space<semaphore_mem>>) src(%dma_wait3A_175 : memref<10000x64xf32, #tpu.memory_space<hbm>>) dst(%arg19 : memref<125x64xf32, #tpu.memory_space<vmem>>)
        %add3A_176 = arith.constant 0 : i32
        %add3A_177 = arith.addi %add3A_161, %add3A_176 : i32
        %dma_start3A_178 = arith.constant 0 : i32
        %dma_start3A_179 = tpu.memref_slice %arg14[%add3A_177, %dma_start3A_178] : memref<160x125xi32, #tpu.memory_space<vmem>> -> memref<1x125xi32, #tpu.memory_space<vmem>>
        %dma_start3A_180 = tpu.memref_squeeze %dma_start3A_179 : memref<1x125xi32, #tpu.memory_space<vmem>> -> memref<125xi32, #tpu.memory_space<vmem>>
        %dma_start3A_181 = arith.constant 0 : i32
        %dma_start3A_182 = arith.constant 0 : i32
        %dma_start3A_183 = tpu.memref_slice %arg15[%dma_start3A_181, %dma_start3A_182] : memref<10240x64xf32, #tpu.memory_space<vmem_shared>> -> memref<10240x64xf32, #tpu.memory_space<vmem_shared>>
        tpu.enqueue_indirect_dma source(%arg18 : memref<125x64xf32, #tpu.memory_space<vmem>>) target(%dma_start3A_183 : memref<10240x64xf32, #tpu.memory_space<vmem_shared>>) offsets(%dma_start3A_180 : memref<125xi32, #tpu.memory_space<vmem>>) semaphore(%arg23 : memref<!tpu.dma_semaphore, #tpu.memory_space<semaphore_mem>>) {add = true}
        %add3A_184 = arith.constant 1 : i32
        %add3A_185 = arith.addi %add3A_161, %add3A_184 : i32
        %dma_start3A_186 = arith.constant 0 : i32
        %dma_start3A_187 = tpu.memref_slice %arg14[%add3A_185, %dma_start3A_186] : memref<160x125xi32, #tpu.memory_space<vmem>> -> memref<1x125xi32, #tpu.memory_space<vmem>>
        %dma_start3A_188 = tpu.memref_squeeze %dma_start3A_187 : memref<1x125xi32, #tpu.memory_space<vmem>> -> memref<125xi32, #tpu.memory_space<vmem>>
        %dma_start3A_189 = arith.constant 0 : i32
        %dma_start3A_190 = arith.constant 0 : i32
        %dma_start3A_191 = tpu.memref_slice %arg15[%dma_start3A_189, %dma_start3A_190] : memref<10240x64xf32, #tpu.memory_space<vmem_shared>> -> memref<10240x64xf32, #tpu.memory_space<vmem_shared>>
        tpu.enqueue_indirect_dma source(%arg19 : memref<125x64xf32, #tpu.memory_space<vmem>>) target(%dma_start3A_191 : memref<10240x64xf32, #tpu.memory_space<vmem_shared>>) offsets(%dma_start3A_188 : memref<125xi32, #tpu.memory_space<vmem>>) semaphore(%arg23 : memref<!tpu.dma_semaphore, #tpu.memory_space<semaphore_mem>>) {add = true}
        %add3A_192 = arith.constant 2 : i32
        %add3A_193 = arith.addi %add3A_161, %add3A_192 : i32
        %add3A_194 = arith.constant 0 : i32
        %add3A_195 = arith.addi %add3A_193, %add3A_194 : i32
        %min3A_196 = arith.constant 159 : i32
        %min3A_197 = arith.minsi %add3A_195, %min3A_196 : i32
        %dma_start3A_198 = arith.constant 0 : i32
        %dma_start3A_199 = tpu.memref_slice %arg13[%min3A_197, %dma_start3A_198] : memref<160x125xi32, #tpu.memory_space<vmem>> -> memref<1x125xi32, #tpu.memory_space<vmem>>
        %dma_start3A_200 = tpu.memref_squeeze %dma_start3A_199 : memref<1x125xi32, #tpu.memory_space<vmem>> -> memref<125xi32, #tpu.memory_space<vmem>>
        %dma_start3A_201 = arith.constant 0 : i32
        %dma_start3A_202 = arith.constant 0 : i32
        %dma_start3A_203 = tpu.memref_slice %arg5[%dma_start3A_201, %dma_start3A_202] : memref<10000x64xf32, #tpu.memory_space<hbm>> -> memref<10000x64xf32, #tpu.memory_space<hbm>>
        tpu.enqueue_indirect_dma source(%dma_start3A_203 : memref<10000x64xf32, #tpu.memory_space<hbm>>) target(%arg16 : memref<125x64xf32, #tpu.memory_space<vmem>>) offsets(%dma_start3A_200 : memref<125xi32, #tpu.memory_space<vmem>>) semaphore(%arg20 : memref<!tpu.dma_semaphore, #tpu.memory_space<semaphore_mem>>)
        %add3A_204 = arith.constant 2 : i32
        %add3A_205 = arith.addi %add3A_161, %add3A_204 : i32
        %add3A_206 = arith.constant 1 : i32
        %add3A_207 = arith.addi %add3A_205, %add3A_206 : i32
        %min3A_208 = arith.constant 159 : i32
        %min3A_209 = arith.minsi %add3A_207, %min3A_208 : i32
        %dma_start3A_210 = arith.constant 0 : i32
        %dma_start3A_211 = tpu.memref_slice %arg13[%min3A_209, %dma_start3A_210] : memref<160x125xi32, #tpu.memory_space<vmem>> -> memref<1x125xi32, #tpu.memory_space<vmem>>
        %dma_start3A_212 = tpu.memref_squeeze %dma_start3A_211 : memref<1x125xi32, #tpu.memory_space<vmem>> -> memref<125xi32, #tpu.memory_space<vmem>>
        %dma_start3A_213 = arith.constant 0 : i32
        %dma_start3A_214 = arith.constant 0 : i32
        %dma_start3A_215 = tpu.memref_slice %arg5[%dma_start3A_213, %dma_start3A_214] : memref<10000x64xf32, #tpu.memory_space<hbm>> -> memref<10000x64xf32, #tpu.memory_space<hbm>>
        tpu.enqueue_indirect_dma source(%dma_start3A_215 : memref<10000x64xf32, #tpu.memory_space<hbm>>) target(%arg17 : memref<125x64xf32, #tpu.memory_space<vmem>>) offsets(%dma_start3A_212 : memref<125xi32, #tpu.memory_space<vmem>>) semaphore(%arg20 : memref<!tpu.dma_semaphore, #tpu.memory_space<semaphore_mem>>)
        %add3A_216 = arith.constant 0 : i32
        %add3A_217 = arith.addi %add3A_161, %add3A_216 : i32
        %dma_wait3A_218 = arith.constant 0 : i32
        %dma_wait3A_219 = tpu.memref_slice %arg14[%add3A_217, %dma_wait3A_218] : memref<160x125xi32, #tpu.memory_space<vmem>> -> memref<1x125xi32, #tpu.memory_space<vmem>>
        %dma_wait3A_220 = tpu.memref_squeeze %dma_wait3A_219 : memref<1x125xi32, #tpu.memory_space<vmem>> -> memref<125xi32, #tpu.memory_space<vmem>>
        %dma_wait3A_221 = arith.constant 0 : i32
        %dma_wait3A_222 = arith.constant 0 : i32
        %dma_wait3A_223 = tpu.memref_slice %arg15[%dma_wait3A_221, %dma_wait3A_222] : memref<10240x64xf32, #tpu.memory_space<vmem_shared>> -> memref<10240x64xf32, #tpu.memory_space<vmem_shared>>
        tpu.wait_indirect_dma semaphore(%arg23 : memref<!tpu.dma_semaphore, #tpu.memory_space<semaphore_mem>>) src(%arg18 : memref<125x64xf32, #tpu.memory_space<vmem>>) dst(%dma_wait3A_223 : memref<10240x64xf32, #tpu.memory_space<vmem_shared>>)
        %add3A_224 = arith.constant 1 : i32
        %add3A_225 = arith.addi %add3A_161, %add3A_224 : i32
        %dma_wait3A_226 = arith.constant 0 : i32
        %dma_wait3A_227 = tpu.memref_slice %arg14[%add3A_225, %dma_wait3A_226] : memref<160x125xi32, #tpu.memory_space<vmem>> -> memref<1x125xi32, #tpu.memory_space<vmem>>
        %dma_wait3A_228 = tpu.memref_squeeze %dma_wait3A_227 : memref<1x125xi32, #tpu.memory_space<vmem>> -> memref<125xi32, #tpu.memory_space<vmem>>
        %dma_wait3A_229 = arith.constant 0 : i32
        %dma_wait3A_230 = arith.constant 0 : i32
        %dma_wait3A_231 = tpu.memref_slice %arg15[%dma_wait3A_229, %dma_wait3A_230] : memref<10240x64xf32, #tpu.memory_space<vmem_shared>> -> memref<10240x64xf32, #tpu.memory_space<vmem_shared>>
        tpu.wait_indirect_dma semaphore(%arg23 : memref<!tpu.dma_semaphore, #tpu.memory_space<semaphore_mem>>) src(%arg19 : memref<125x64xf32, #tpu.memory_space<vmem>>) dst(%dma_wait3A_231 : memref<10240x64xf32, #tpu.memory_space<vmem_shared>>)
      }
      %scan3A_67 = arith.constant 40 : i32
      %dma_wait3A_68 = arith.constant 0 : i32
      %dma_wait3A_69 = arith.constant 0 : i32
      %dma_wait3A_70 = tpu.memref_slice %arg13[%dma_wait3A_68, %dma_wait3A_69] : memref<160x125xi32, #tpu.memory_space<vmem>> -> memref<1x125xi32, #tpu.memory_space<vmem>>
      %dma_wait3A_71 = tpu.memref_squeeze %dma_wait3A_70 : memref<1x125xi32, #tpu.memory_space<vmem>> -> memref<125xi32, #tpu.memory_space<vmem>>
      %dma_wait3A_72 = arith.constant 0 : i32
      %dma_wait3A_73 = arith.constant 0 : i32
      %dma_wait3A_74 = tpu.memref_slice %arg5[%dma_wait3A_72, %dma_wait3A_73] : memref<10000x64xf32, #tpu.memory_space<hbm>> -> memref<10000x64xf32, #tpu.memory_space<hbm>>
      tpu.wait_indirect_dma semaphore(%arg20 : memref<!tpu.dma_semaphore, #tpu.memory_space<semaphore_mem>>) src(%dma_wait3A_74 : memref<10000x64xf32, #tpu.memory_space<hbm>>) dst(%arg16 : memref<125x64xf32, #tpu.memory_space<vmem>>)
      %dma_wait3A_75 = arith.constant 0 : i32
      %dma_wait3A_76 = arith.constant 0 : i32
      %dma_wait3A_77 = tpu.memref_slice %arg13[%dma_wait3A_75, %dma_wait3A_76] : memref<160x125xi32, #tpu.memory_space<vmem>> -> memref<1x125xi32, #tpu.memory_space<vmem>>
      %dma_wait3A_78 = tpu.memref_squeeze %dma_wait3A_77 : memref<1x125xi32, #tpu.memory_space<vmem>> -> memref<125xi32, #tpu.memory_space<vmem>>
      %dma_wait3A_79 = arith.constant 0 : i32
      %dma_wait3A_80 = arith.constant 0 : i32
      %dma_wait3A_81 = tpu.memref_slice %arg5[%dma_wait3A_79, %dma_wait3A_80] : memref<10000x64xf32, #tpu.memory_space<hbm>> -> memref<10000x64xf32, #tpu.memory_space<hbm>>
      tpu.wait_indirect_dma semaphore(%arg20 : memref<!tpu.dma_semaphore, #tpu.memory_space<semaphore_mem>>) src(%dma_wait3A_81 : memref<10000x64xf32, #tpu.memory_space<hbm>>) dst(%arg17 : memref<125x64xf32, #tpu.memory_space<vmem>>)
      %barrier3A_82 = arith.constant 0 : index
      tpu.barrier barrier_id(%barrier3A_82)
      %mul3A_83 = arith.constant 640 : i32
      %mul3A_84 = arith.muli %arg1, %mul3A_83 : i32
      %mul3A_85 = arith.constant 640 : i32
      %mul3A_86 = arith.muli %arg1, %mul3A_85 : i32
      "tpu.region"() ({
        %run_scoped3A = tpu.sem_alloc : memref<!tpu.dma_semaphore, #tpu.memory_space<semaphore_mem>>
        %dma_start3A_87 = arith.constant 0 : i32
        %dma_start3A_88 = tpu.memref_slice %arg12[%mul3A_86, %dma_start3A_87] : memref<10240x64xf32, #tpu.memory_space<hbm>> -> memref<640x64xf32, #tpu.memory_space<hbm>>
        %dma_start3A_89 = arith.constant 0 : i32
        %dma_start3A_90 = tpu.memref_slice %arg15[%mul3A_84, %dma_start3A_89] : memref<10240x64xf32, #tpu.memory_space<vmem_shared>> -> memref<640x64xf32, #tpu.memory_space<vmem_shared>>
        tpu.enqueue_dma source(%dma_start3A_90 : memref<640x64xf32, #tpu.memory_space<vmem_shared>>) target(%dma_start3A_88 : memref<640x64xf32, #tpu.memory_space<hbm>>) target_semaphore(%run_scoped3A : memref<!tpu.dma_semaphore, #tpu.memory_space<semaphore_mem>>)
        %dma_wait3A_91 = arith.constant 0 : i32
        %dma_wait3A_92 = tpu.memref_slice %arg12[%mul3A_86, %dma_wait3A_91] : memref<10240x64xf32, #tpu.memory_space<hbm>> -> memref<640x64xf32, #tpu.memory_space<hbm>>
        %dma_wait3A_93 = arith.constant 0 : i32
        %dma_wait3A_94 = tpu.memref_slice %arg15[%mul3A_84, %dma_wait3A_93] : memref<10240x64xf32, #tpu.memory_space<vmem_shared>> -> memref<640x64xf32, #tpu.memory_space<vmem_shared>>
        tpu.wait_dma2 semaphore(%run_scoped3A : memref<!tpu.dma_semaphore, #tpu.memory_space<semaphore_mem>>) src(%dma_wait3A_94 : memref<640x64xf32, #tpu.memory_space<vmem_shared>>) dst(%dma_wait3A_92 : memref<640x64xf32, #tpu.memory_space<hbm>>)
        tpu.yield
      }) : () -> ()
    } else {
    }
    return
  }
}

#map = affine_map<(d0, d1) -> (0, 0)>
#map1 = affine_map<(d0, d1) -> (0, 0, 0)>
module attributes {stable_mosaic.version = 14 : i64} {
  func.func @_body1(%arg0: i32, %arg1: i32, %arg2: memref<10000x64xf32, #tpu.memory_space<hbm>>, %arg3: memref<10000x64xf32, #tpu.memory_space<hbm>>, %arg4: memref<16x160x125xi32, #tpu.memory_space<hbm>>, %arg5: memref<16x160x125xi32, #tpu.memory_space<hbm>>, %arg6: memref<640x64xf32, #tpu.memory_space<hbm>>, %arg7: memref<10240x64xf32, #tpu.memory_space<hbm>>, %arg8: memref<10240x64xf32, #tpu.memory_space<hbm>>, %arg9: memref<160x125xi32, #tpu.memory_space<vmem>>, %arg10: memref<160x125xi32, #tpu.memory_space<vmem>>, %arg11: memref<10240x64xf32, #tpu.memory_space<vmem_shared>>, %arg12: memref<125x64xf32, #tpu.memory_space<vmem>>, %arg13: memref<125x64xf32, #tpu.memory_space<vmem>>, %arg14: memref<125x64xf32, #tpu.memory_space<vmem>>, %arg15: memref<125x64xf32, #tpu.memory_space<vmem>>, %arg16: memref<!tpu.dma_semaphore, #tpu.memory_space<semaphore_mem>>, %arg17: memref<!tpu.dma_semaphore, #tpu.memory_space<semaphore_mem>>, %arg18: memref<!tpu.dma_semaphore, #tpu.memory_space<semaphore_mem>>, %arg19: memref<!tpu.dma_semaphore, #tpu.memory_space<semaphore_mem>>, %arg20: memref<!tpu.dma_semaphore, #tpu.memory_space<semaphore_mem>>) attributes {dimension_semantics = [#tpu.dimension_semantics<core_parallel>, #tpu.dimension_semantics<subcore_parallel>], iteration_bounds = array<i64: 2, 16>, scalar_prefetch = 0 : i64, scratch_operands = 12 : i64, tpu.core_type = #tpu.core_type<sc_vector_subcore>, window_params = [{transform_indices = #map}, {transform_indices = #map}, {transform_indices = #map1}, {transform_indices = #map1}, {transform_indices = #map}, {transform_indices = #map}, {transform_indices = #map}]} {
    "tpu.region"() ({
      %run_scoped3A = tpu.sem_alloc : memref<!tpu.dma_semaphore, #tpu.memory_space<semaphore_mem>>
      %dma_start3A = arith.constant 0 : i32
      %dma_start3A_7 = arith.constant 0 : i32
      %dma_start3A_8 = tpu.memref_slice %arg4[%arg1, %dma_start3A, %dma_start3A_7] : memref<16x160x125xi32, #tpu.memory_space<hbm>> -> memref<1x160x125xi32, #tpu.memory_space<hbm>>
      %dma_start3A_9 = tpu.memref_squeeze %dma_start3A_8 : memref<1x160x125xi32, #tpu.memory_space<hbm>> -> memref<160x125xi32, #tpu.memory_space<hbm>>
      %dma_start3A_10 = arith.constant 0 : i32
      %dma_start3A_11 = arith.constant 0 : i32
      %dma_start3A_12 = tpu.memref_slice %arg4[%arg1, %dma_start3A_10, %dma_start3A_11] : memref<16x160x125xi32, #tpu.memory_space<hbm>> -> memref<1x160x125xi32, #tpu.memory_space<hbm>>
      %dma_start3A_13 = tpu.memref_squeeze %dma_start3A_12 : memref<1x160x125xi32, #tpu.memory_space<hbm>> -> memref<160x125xi32, #tpu.memory_space<hbm>>
      tpu.enqueue_dma source(%dma_start3A_13 : memref<160x125xi32, #tpu.memory_space<hbm>>) target(%arg9 : memref<160x125xi32, #tpu.memory_space<vmem>>) target_semaphore(%run_scoped3A : memref<!tpu.dma_semaphore, #tpu.memory_space<semaphore_mem>>)
      %dma_wait3A = arith.constant 0 : i32
      %dma_wait3A_14 = arith.constant 0 : i32
      %dma_wait3A_15 = tpu.memref_slice %arg4[%arg1, %dma_wait3A, %dma_wait3A_14] : memref<16x160x125xi32, #tpu.memory_space<hbm>> -> memref<1x160x125xi32, #tpu.memory_space<hbm>>
      %dma_wait3A_16 = tpu.memref_squeeze %dma_wait3A_15 : memref<1x160x125xi32, #tpu.memory_space<hbm>> -> memref<160x125xi32, #tpu.memory_space<hbm>>
      %dma_wait3A_17 = arith.constant 0 : i32
      %dma_wait3A_18 = arith.constant 0 : i32
      %dma_wait3A_19 = tpu.memref_slice %arg4[%arg1, %dma_wait3A_17, %dma_wait3A_18] : memref<16x160x125xi32, #tpu.memory_space<hbm>> -> memref<1x160x125xi32, #tpu.memory_space<hbm>>
      %dma_wait3A_20 = tpu.memref_squeeze %dma_wait3A_19 : memref<1x160x125xi32, #tpu.memory_space<hbm>> -> memref<160x125xi32, #tpu.memory_space<hbm>>
      tpu.wait_dma2 semaphore(%run_scoped3A : memref<!tpu.dma_semaphore, #tpu.memory_space<semaphore_mem>>) src(%dma_wait3A_20 : memref<160x125xi32, #tpu.memory_space<hbm>>) dst(%arg9 : memref<160x125xi32, #tpu.memory_space<vmem>>)
      tpu.yield
    }) : () -> ()
    "tpu.region"() ({
      %run_scoped3A = tpu.sem_alloc : memref<!tpu.dma_semaphore, #tpu.memory_space<semaphore_mem>>
      %dma_start3A = arith.constant 0 : i32
      %dma_start3A_7 = arith.constant 0 : i32
      %dma_start3A_8 = tpu.memref_slice %arg5[%arg1, %dma_start3A, %dma_start3A_7] : memref<16x160x125xi32, #tpu.memory_space<hbm>> -> memref<1x160x125xi32, #tpu.memory_space<hbm>>
      %dma_start3A_9 = tpu.memref_squeeze %dma_start3A_8 : memref<1x160x125xi32, #tpu.memory_space<hbm>> -> memref<160x125xi32, #tpu.memory_space<hbm>>
      %dma_start3A_10 = arith.constant 0 : i32
      %dma_start3A_11 = arith.constant 0 : i32
      %dma_start3A_12 = tpu.memref_slice %arg5[%arg1, %dma_start3A_10, %dma_start3A_11] : memref<16x160x125xi32, #tpu.memory_space<hbm>> -> memref<1x160x125xi32, #tpu.memory_space<hbm>>
      %dma_start3A_13 = tpu.memref_squeeze %dma_start3A_12 : memref<1x160x125xi32, #tpu.memory_space<hbm>> -> memref<160x125xi32, #tpu.memory_space<hbm>>
      tpu.enqueue_dma source(%dma_start3A_13 : memref<160x125xi32, #tpu.memory_space<hbm>>) target(%arg10 : memref<160x125xi32, #tpu.memory_space<vmem>>) target_semaphore(%run_scoped3A : memref<!tpu.dma_semaphore, #tpu.memory_space<semaphore_mem>>)
      %dma_wait3A = arith.constant 0 : i32
      %dma_wait3A_14 = arith.constant 0 : i32
      %dma_wait3A_15 = tpu.memref_slice %arg5[%arg1, %dma_wait3A, %dma_wait3A_14] : memref<16x160x125xi32, #tpu.memory_space<hbm>> -> memref<1x160x125xi32, #tpu.memory_space<hbm>>
      %dma_wait3A_16 = tpu.memref_squeeze %dma_wait3A_15 : memref<1x160x125xi32, #tpu.memory_space<hbm>> -> memref<160x125xi32, #tpu.memory_space<hbm>>
      %dma_wait3A_17 = arith.constant 0 : i32
      %dma_wait3A_18 = arith.constant 0 : i32
      %dma_wait3A_19 = tpu.memref_slice %arg5[%arg1, %dma_wait3A_17, %dma_wait3A_18] : memref<16x160x125xi32, #tpu.memory_space<hbm>> -> memref<1x160x125xi32, #tpu.memory_space<hbm>>
      %dma_wait3A_20 = tpu.memref_squeeze %dma_wait3A_19 : memref<1x160x125xi32, #tpu.memory_space<hbm>> -> memref<160x125xi32, #tpu.memory_space<hbm>>
      tpu.wait_dma2 semaphore(%run_scoped3A : memref<!tpu.dma_semaphore, #tpu.memory_space<semaphore_mem>>) src(%dma_wait3A_20 : memref<160x125xi32, #tpu.memory_space<hbm>>) dst(%arg10 : memref<160x125xi32, #tpu.memory_space<vmem>>)
      tpu.yield
    }) : () -> ()
    %eq3A = arith.constant 0 : i32
    %eq3A_0 = arith.cmpi eq, %arg0, %eq3A : i32
    %convert_element_type3A = arith.extui %eq3A_0 : i1 to i32
    %cond3A = arith.constant 0 : i32
    %cond3A_1 = arith.cmpi ne, %convert_element_type3A, %cond3A : i32
    scf.if %cond3A_1 {
      %mul3A = arith.constant 640 : i32
      %mul3A_7 = arith.muli %arg1, %mul3A : i32
      "tpu.region"() ({
        %run_scoped3A = tpu.sem_alloc : memref<!tpu.dma_semaphore, #tpu.memory_space<semaphore_mem>>
        %dma_start3A_44 = arith.constant 0 : i32
        %dma_start3A_45 = tpu.memref_slice %arg11[%mul3A_7, %dma_start3A_44] : memref<10240x64xf32, #tpu.memory_space<vmem_shared>> -> memref<640x64xf32, #tpu.memory_space<vmem_shared>>
        tpu.enqueue_dma source(%arg6 : memref<640x64xf32, #tpu.memory_space<hbm>>) target(%dma_start3A_45 : memref<640x64xf32, #tpu.memory_space<vmem_shared>>) target_semaphore(%run_scoped3A : memref<!tpu.dma_semaphore, #tpu.memory_space<semaphore_mem>>)
        %dma_wait3A_46 = arith.constant 0 : i32
        %dma_wait3A_47 = tpu.memref_slice %arg11[%mul3A_7, %dma_wait3A_46] : memref<10240x64xf32, #tpu.memory_space<vmem_shared>> -> memref<640x64xf32, #tpu.memory_space<vmem_shared>>
        tpu.wait_dma2 semaphore(%run_scoped3A : memref<!tpu.dma_semaphore, #tpu.memory_space<semaphore_mem>>) src(%arg6 : memref<640x64xf32, #tpu.memory_space<hbm>>) dst(%dma_wait3A_47 : memref<640x64xf32, #tpu.memory_space<vmem_shared>>)
        tpu.yield
      }) : () -> ()
      %barrier3A = arith.constant 0 : index
      tpu.barrier barrier_id(%barrier3A)
      %dma_start3A = arith.constant 0 : i32
      %dma_start3A_8 = arith.constant 0 : i32
      %dma_start3A_9 = tpu.memref_slice %arg9[%dma_start3A, %dma_start3A_8] : memref<160x125xi32, #tpu.memory_space<vmem>> -> memref<1x125xi32, #tpu.memory_space<vmem>>
      %dma_start3A_10 = tpu.memref_squeeze %dma_start3A_9 : memref<1x125xi32, #tpu.memory_space<vmem>> -> memref<125xi32, #tpu.memory_space<vmem>>
      %dma_start3A_11 = arith.constant 0 : i32
      %dma_start3A_12 = arith.constant 0 : i32
      %dma_start3A_13 = tpu.memref_slice %arg2[%dma_start3A_11, %dma_start3A_12] : memref<10000x64xf32, #tpu.memory_space<hbm>> -> memref<10000x64xf32, #tpu.memory_space<hbm>>
      tpu.enqueue_indirect_dma source(%dma_start3A_13 : memref<10000x64xf32, #tpu.memory_space<hbm>>) target(%arg12 : memref<125x64xf32, #tpu.memory_space<vmem>>) offsets(%dma_start3A_10 : memref<125xi32, #tpu.memory_space<vmem>>) semaphore(%arg16 : memref<!tpu.dma_semaphore, #tpu.memory_space<semaphore_mem>>)
      %dma_start3A_14 = arith.constant 1 : i32
      %dma_start3A_15 = arith.constant 0 : i32
      %dma_start3A_16 = tpu.memref_slice %arg9[%dma_start3A_14, %dma_start3A_15] : memref<160x125xi32, #tpu.memory_space<vmem>> -> memref<1x125xi32, #tpu.memory_space<vmem>>
      %dma_start3A_17 = tpu.memref_squeeze %dma_start3A_16 : memref<1x125xi32, #tpu.memory_space<vmem>> -> memref<125xi32, #tpu.memory_space<vmem>>
      %dma_start3A_18 = arith.constant 0 : i32
      %dma_start3A_19 = arith.constant 0 : i32
      %dma_start3A_20 = tpu.memref_slice %arg2[%dma_start3A_18, %dma_start3A_19] : memref<10000x64xf32, #tpu.memory_space<hbm>> -> memref<10000x64xf32, #tpu.memory_space<hbm>>
      tpu.enqueue_indirect_dma source(%dma_start3A_20 : memref<10000x64xf32, #tpu.memory_space<hbm>>) target(%arg13 : memref<125x64xf32, #tpu.memory_space<vmem>>) offsets(%dma_start3A_17 : memref<125xi32, #tpu.memory_space<vmem>>) semaphore(%arg16 : memref<!tpu.dma_semaphore, #tpu.memory_space<semaphore_mem>>)
      %scan3A = arith.constant 0 : i32
      %scan3A_21 = arith.constant 0 : i32
      %scan3A_22 = arith.constant 40 : i32
      %scan3A_23 = arith.addi %scan3A_21, %scan3A_22 : i32
      %scan3A_24 = arith.constant 1 : i32
      scf.for %scan3A_44 = %scan3A_21 to %scan3A_23 step %scan3A_24  : i32 {
        %mul3A_45 = arith.constant 4 : i32
        %mul3A_46 = arith.muli %mul3A_45, %scan3A_44 : i32
        %dma_wait3A_47 = arith.constant 0 : i32
        %dma_wait3A_48 = arith.constant 0 : i32
        %dma_wait3A_49 = tpu.memref_slice %arg9[%dma_wait3A_47, %dma_wait3A_48] : memref<160x125xi32, #tpu.memory_space<vmem>> -> memref<1x125xi32, #tpu.memory_space<vmem>>
        %dma_wait3A_50 = tpu.memref_squeeze %dma_wait3A_49 : memref<1x125xi32, #tpu.memory_space<vmem>> -> memref<125xi32, #tpu.memory_space<vmem>>
        %dma_wait3A_51 = arith.constant 0 : i32
        %dma_wait3A_52 = arith.constant 0 : i32
        %dma_wait3A_53 = tpu.memref_slice %arg2[%dma_wait3A_51, %dma_wait3A_52] : memref<10000x64xf32, #tpu.memory_space<hbm>> -> memref<10000x64xf32, #tpu.memory_space<hbm>>
        tpu.wait_indirect_dma semaphore(%arg16 : memref<!tpu.dma_semaphore, #tpu.memory_space<semaphore_mem>>) src(%dma_wait3A_53 : memref<10000x64xf32, #tpu.memory_space<hbm>>) dst(%arg12 : memref<125x64xf32, #tpu.memory_space<vmem>>)
        %dma_wait3A_54 = arith.constant 0 : i32
        %dma_wait3A_55 = arith.constant 0 : i32
        %dma_wait3A_56 = tpu.memref_slice %arg9[%dma_wait3A_54, %dma_wait3A_55] : memref<160x125xi32, #tpu.memory_space<vmem>> -> memref<1x125xi32, #tpu.memory_space<vmem>>
        %dma_wait3A_57 = tpu.memref_squeeze %dma_wait3A_56 : memref<1x125xi32, #tpu.memory_space<vmem>> -> memref<125xi32, #tpu.memory_space<vmem>>
        %dma_wait3A_58 = arith.constant 0 : i32
        %dma_wait3A_59 = arith.constant 0 : i32
        %dma_wait3A_60 = tpu.memref_slice %arg2[%dma_wait3A_58, %dma_wait3A_59] : memref<10000x64xf32, #tpu.memory_space<hbm>> -> memref<10000x64xf32, #tpu.memory_space<hbm>>
        tpu.wait_indirect_dma semaphore(%arg16 : memref<!tpu.dma_semaphore, #tpu.memory_space<semaphore_mem>>) src(%dma_wait3A_60 : memref<10000x64xf32, #tpu.memory_space<hbm>>) dst(%arg13 : memref<125x64xf32, #tpu.memory_space<vmem>>)
        %add3A = arith.constant 0 : i32
        %add3A_61 = arith.addi %mul3A_46, %add3A : i32
        %dma_start3A_62 = arith.constant 0 : i32
        %dma_start3A_63 = tpu.memref_slice %arg10[%add3A_61, %dma_start3A_62] : memref<160x125xi32, #tpu.memory_space<vmem>> -> memref<1x125xi32, #tpu.memory_space<vmem>>
        %dma_start3A_64 = tpu.memref_squeeze %dma_start3A_63 : memref<1x125xi32, #tpu.memory_space<vmem>> -> memref<125xi32, #tpu.memory_space<vmem>>
        %dma_start3A_65 = arith.constant 0 : i32
        %dma_start3A_66 = arith.constant 0 : i32
        %dma_start3A_67 = tpu.memref_slice %arg11[%dma_start3A_65, %dma_start3A_66] : memref<10240x64xf32, #tpu.memory_space<vmem_shared>> -> memref<10240x64xf32, #tpu.memory_space<vmem_shared>>
        tpu.enqueue_indirect_dma source(%arg12 : memref<125x64xf32, #tpu.memory_space<vmem>>) target(%dma_start3A_67 : memref<10240x64xf32, #tpu.memory_space<vmem_shared>>) offsets(%dma_start3A_64 : memref<125xi32, #tpu.memory_space<vmem>>) semaphore(%arg18 : memref<!tpu.dma_semaphore, #tpu.memory_space<semaphore_mem>>) {add = true}
        %add3A_68 = arith.constant 1 : i32
        %add3A_69 = arith.addi %mul3A_46, %add3A_68 : i32
        %dma_start3A_70 = arith.constant 0 : i32
        %dma_start3A_71 = tpu.memref_slice %arg10[%add3A_69, %dma_start3A_70] : memref<160x125xi32, #tpu.memory_space<vmem>> -> memref<1x125xi32, #tpu.memory_space<vmem>>
        %dma_start3A_72 = tpu.memref_squeeze %dma_start3A_71 : memref<1x125xi32, #tpu.memory_space<vmem>> -> memref<125xi32, #tpu.memory_space<vmem>>
        %dma_start3A_73 = arith.constant 0 : i32
        %dma_start3A_74 = arith.constant 0 : i32
        %dma_start3A_75 = tpu.memref_slice %arg11[%dma_start3A_73, %dma_start3A_74] : memref<10240x64xf32, #tpu.memory_space<vmem_shared>> -> memref<10240x64xf32, #tpu.memory_space<vmem_shared>>
        tpu.enqueue_indirect_dma source(%arg13 : memref<125x64xf32, #tpu.memory_space<vmem>>) target(%dma_start3A_75 : memref<10240x64xf32, #tpu.memory_space<vmem_shared>>) offsets(%dma_start3A_72 : memref<125xi32, #tpu.memory_space<vmem>>) semaphore(%arg18 : memref<!tpu.dma_semaphore, #tpu.memory_space<semaphore_mem>>) {add = true}
        %add3A_76 = arith.constant 2 : i32
        %add3A_77 = arith.addi %mul3A_46, %add3A_76 : i32
        %add3A_78 = arith.constant 0 : i32
        %add3A_79 = arith.addi %add3A_77, %add3A_78 : i32
        %min3A = arith.constant 159 : i32
        %min3A_80 = arith.minsi %add3A_79, %min3A : i32
        %dma_start3A_81 = arith.constant 0 : i32
        %dma_start3A_82 = tpu.memref_slice %arg9[%min3A_80, %dma_start3A_81] : memref<160x125xi32, #tpu.memory_space<vmem>> -> memref<1x125xi32, #tpu.memory_space<vmem>>
        %dma_start3A_83 = tpu.memref_squeeze %dma_start3A_82 : memref<1x125xi32, #tpu.memory_space<vmem>> -> memref<125xi32, #tpu.memory_space<vmem>>
        %dma_start3A_84 = arith.constant 0 : i32
        %dma_start3A_85 = arith.constant 0 : i32
        %dma_start3A_86 = tpu.memref_slice %arg2[%dma_start3A_84, %dma_start3A_85] : memref<10000x64xf32, #tpu.memory_space<hbm>> -> memref<10000x64xf32, #tpu.memory_space<hbm>>
        tpu.enqueue_indirect_dma source(%dma_start3A_86 : memref<10000x64xf32, #tpu.memory_space<hbm>>) target(%arg14 : memref<125x64xf32, #tpu.memory_space<vmem>>) offsets(%dma_start3A_83 : memref<125xi32, #tpu.memory_space<vmem>>) semaphore(%arg17 : memref<!tpu.dma_semaphore, #tpu.memory_space<semaphore_mem>>)
        %add3A_87 = arith.constant 2 : i32
        %add3A_88 = arith.addi %mul3A_46, %add3A_87 : i32
        %add3A_89 = arith.constant 1 : i32
        %add3A_90 = arith.addi %add3A_88, %add3A_89 : i32
        %min3A_91 = arith.constant 159 : i32
        %min3A_92 = arith.minsi %add3A_90, %min3A_91 : i32
        %dma_start3A_93 = arith.constant 0 : i32
        %dma_start3A_94 = tpu.memref_slice %arg9[%min3A_92, %dma_start3A_93] : memref<160x125xi32, #tpu.memory_space<vmem>> -> memref<1x125xi32, #tpu.memory_space<vmem>>
        %dma_start3A_95 = tpu.memref_squeeze %dma_start3A_94 : memref<1x125xi32, #tpu.memory_space<vmem>> -> memref<125xi32, #tpu.memory_space<vmem>>
        %dma_start3A_96 = arith.constant 0 : i32
        %dma_start3A_97 = arith.constant 0 : i32
        %dma_start3A_98 = tpu.memref_slice %arg2[%dma_start3A_96, %dma_start3A_97] : memref<10000x64xf32, #tpu.memory_space<hbm>> -> memref<10000x64xf32, #tpu.memory_space<hbm>>
        tpu.enqueue_indirect_dma source(%dma_start3A_98 : memref<10000x64xf32, #tpu.memory_space<hbm>>) target(%arg15 : memref<125x64xf32, #tpu.memory_space<vmem>>) offsets(%dma_start3A_95 : memref<125xi32, #tpu.memory_space<vmem>>) semaphore(%arg17 : memref<!tpu.dma_semaphore, #tpu.memory_space<semaphore_mem>>)
        %add3A_99 = arith.constant 0 : i32
        %add3A_100 = arith.addi %mul3A_46, %add3A_99 : i32
        %dma_wait3A_101 = arith.constant 0 : i32
        %dma_wait3A_102 = tpu.memref_slice %arg10[%add3A_100, %dma_wait3A_101] : memref<160x125xi32, #tpu.memory_space<vmem>> -> memref<1x125xi32, #tpu.memory_space<vmem>>
        %dma_wait3A_103 = tpu.memref_squeeze %dma_wait3A_102 : memref<1x125xi32, #tpu.memory_space<vmem>> -> memref<125xi32, #tpu.memory_space<vmem>>
        %dma_wait3A_104 = arith.constant 0 : i32
        %dma_wait3A_105 = arith.constant 0 : i32
        %dma_wait3A_106 = tpu.memref_slice %arg11[%dma_wait3A_104, %dma_wait3A_105] : memref<10240x64xf32, #tpu.memory_space<vmem_shared>> -> memref<10240x64xf32, #tpu.memory_space<vmem_shared>>
        tpu.wait_indirect_dma semaphore(%arg18 : memref<!tpu.dma_semaphore, #tpu.memory_space<semaphore_mem>>) src(%arg12 : memref<125x64xf32, #tpu.memory_space<vmem>>) dst(%dma_wait3A_106 : memref<10240x64xf32, #tpu.memory_space<vmem_shared>>)
        %add3A_107 = arith.constant 1 : i32
        %add3A_108 = arith.addi %mul3A_46, %add3A_107 : i32
        %dma_wait3A_109 = arith.constant 0 : i32
        %dma_wait3A_110 = tpu.memref_slice %arg10[%add3A_108, %dma_wait3A_109] : memref<160x125xi32, #tpu.memory_space<vmem>> -> memref<1x125xi32, #tpu.memory_space<vmem>>
        %dma_wait3A_111 = tpu.memref_squeeze %dma_wait3A_110 : memref<1x125xi32, #tpu.memory_space<vmem>> -> memref<125xi32, #tpu.memory_space<vmem>>
        %dma_wait3A_112 = arith.constant 0 : i32
        %dma_wait3A_113 = arith.constant 0 : i32
        %dma_wait3A_114 = tpu.memref_slice %arg11[%dma_wait3A_112, %dma_wait3A_113] : memref<10240x64xf32, #tpu.memory_space<vmem_shared>> -> memref<10240x64xf32, #tpu.memory_space<vmem_shared>>
        tpu.wait_indirect_dma semaphore(%arg18 : memref<!tpu.dma_semaphore, #tpu.memory_space<semaphore_mem>>) src(%arg13 : memref<125x64xf32, #tpu.memory_space<vmem>>) dst(%dma_wait3A_114 : memref<10240x64xf32, #tpu.memory_space<vmem_shared>>)
        %mul3A_115 = arith.constant 4 : i32
        %mul3A_116 = arith.muli %mul3A_115, %scan3A_44 : i32
        %add3A_117 = arith.constant 2 : i32
        %add3A_118 = arith.addi %mul3A_116, %add3A_117 : i32
        %dma_wait3A_119 = arith.constant 0 : i32
        %dma_wait3A_120 = arith.constant 0 : i32
        %dma_wait3A_121 = tpu.memref_slice %arg9[%dma_wait3A_119, %dma_wait3A_120] : memref<160x125xi32, #tpu.memory_space<vmem>> -> memref<1x125xi32, #tpu.memory_space<vmem>>
        %dma_wait3A_122 = tpu.memref_squeeze %dma_wait3A_121 : memref<1x125xi32, #tpu.memory_space<vmem>> -> memref<125xi32, #tpu.memory_space<vmem>>
        %dma_wait3A_123 = arith.constant 0 : i32
        %dma_wait3A_124 = arith.constant 0 : i32
        %dma_wait3A_125 = tpu.memref_slice %arg2[%dma_wait3A_123, %dma_wait3A_124] : memref<10000x64xf32, #tpu.memory_space<hbm>> -> memref<10000x64xf32, #tpu.memory_space<hbm>>
        tpu.wait_indirect_dma semaphore(%arg17 : memref<!tpu.dma_semaphore, #tpu.memory_space<semaphore_mem>>) src(%dma_wait3A_125 : memref<10000x64xf32, #tpu.memory_space<hbm>>) dst(%arg14 : memref<125x64xf32, #tpu.memory_space<vmem>>)
        %dma_wait3A_126 = arith.constant 0 : i32
        %dma_wait3A_127 = arith.constant 0 : i32
        %dma_wait3A_128 = tpu.memref_slice %arg9[%dma_wait3A_126, %dma_wait3A_127] : memref<160x125xi32, #tpu.memory_space<vmem>> -> memref<1x125xi32, #tpu.memory_space<vmem>>
        %dma_wait3A_129 = tpu.memref_squeeze %dma_wait3A_128 : memref<1x125xi32, #tpu.memory_space<vmem>> -> memref<125xi32, #tpu.memory_space<vmem>>
        %dma_wait3A_130 = arith.constant 0 : i32
        %dma_wait3A_131 = arith.constant 0 : i32
        %dma_wait3A_132 = tpu.memref_slice %arg2[%dma_wait3A_130, %dma_wait3A_131] : memref<10000x64xf32, #tpu.memory_space<hbm>> -> memref<10000x64xf32, #tpu.memory_space<hbm>>
        tpu.wait_indirect_dma semaphore(%arg17 : memref<!tpu.dma_semaphore, #tpu.memory_space<semaphore_mem>>) src(%dma_wait3A_132 : memref<10000x64xf32, #tpu.memory_space<hbm>>) dst(%arg15 : memref<125x64xf32, #tpu.memory_space<vmem>>)
        %add3A_133 = arith.constant 0 : i32
        %add3A_134 = arith.addi %add3A_118, %add3A_133 : i32
        %dma_start3A_135 = arith.constant 0 : i32
        %dma_start3A_136 = tpu.memref_slice %arg10[%add3A_134, %dma_start3A_135] : memref<160x125xi32, #tpu.memory_space<vmem>> -> memref<1x125xi32, #tpu.memory_space<vmem>>
        %dma_start3A_137 = tpu.memref_squeeze %dma_start3A_136 : memref<1x125xi32, #tpu.memory_space<vmem>> -> memref<125xi32, #tpu.memory_space<vmem>>
        %dma_start3A_138 = arith.constant 0 : i32
        %dma_start3A_139 = arith.constant 0 : i32
        %dma_start3A_140 = tpu.memref_slice %arg11[%dma_start3A_138, %dma_start3A_139] : memref<10240x64xf32, #tpu.memory_space<vmem_shared>> -> memref<10240x64xf32, #tpu.memory_space<vmem_shared>>
        tpu.enqueue_indirect_dma source(%arg14 : memref<125x64xf32, #tpu.memory_space<vmem>>) target(%dma_start3A_140 : memref<10240x64xf32, #tpu.memory_space<vmem_shared>>) offsets(%dma_start3A_137 : memref<125xi32, #tpu.memory_space<vmem>>) semaphore(%arg19 : memref<!tpu.dma_semaphore, #tpu.memory_space<semaphore_mem>>) {add = true}
        %add3A_141 = arith.constant 1 : i32
        %add3A_142 = arith.addi %add3A_118, %add3A_141 : i32
        %dma_start3A_143 = arith.constant 0 : i32
        %dma_start3A_144 = tpu.memref_slice %arg10[%add3A_142, %dma_start3A_143] : memref<160x125xi32, #tpu.memory_space<vmem>> -> memref<1x125xi32, #tpu.memory_space<vmem>>
        %dma_start3A_145 = tpu.memref_squeeze %dma_start3A_144 : memref<1x125xi32, #tpu.memory_space<vmem>> -> memref<125xi32, #tpu.memory_space<vmem>>
        %dma_start3A_146 = arith.constant 0 : i32
        %dma_start3A_147 = arith.constant 0 : i32
        %dma_start3A_148 = tpu.memref_slice %arg11[%dma_start3A_146, %dma_start3A_147] : memref<10240x64xf32, #tpu.memory_space<vmem_shared>> -> memref<10240x64xf32, #tpu.memory_space<vmem_shared>>
        tpu.enqueue_indirect_dma source(%arg15 : memref<125x64xf32, #tpu.memory_space<vmem>>) target(%dma_start3A_148 : memref<10240x64xf32, #tpu.memory_space<vmem_shared>>) offsets(%dma_start3A_145 : memref<125xi32, #tpu.memory_space<vmem>>) semaphore(%arg19 : memref<!tpu.dma_semaphore, #tpu.memory_space<semaphore_mem>>) {add = true}
        %add3A_149 = arith.constant 2 : i32
        %add3A_150 = arith.addi %add3A_118, %add3A_149 : i32
        %add3A_151 = arith.constant 0 : i32
        %add3A_152 = arith.addi %add3A_150, %add3A_151 : i32
        %min3A_153 = arith.constant 159 : i32
        %min3A_154 = arith.minsi %add3A_152, %min3A_153 : i32
        %dma_start3A_155 = arith.constant 0 : i32
        %dma_start3A_156 = tpu.memref_slice %arg9[%min3A_154, %dma_start3A_155] : memref<160x125xi32, #tpu.memory_space<vmem>> -> memref<1x125xi32, #tpu.memory_space<vmem>>
        %dma_start3A_157 = tpu.memref_squeeze %dma_start3A_156 : memref<1x125xi32, #tpu.memory_space<vmem>> -> memref<125xi32, #tpu.memory_space<vmem>>
        %dma_start3A_158 = arith.constant 0 : i32
        %dma_start3A_159 = arith.constant 0 : i32
        %dma_start3A_160 = tpu.memref_slice %arg2[%dma_start3A_158, %dma_start3A_159] : memref<10000x64xf32, #tpu.memory_space<hbm>> -> memref<10000x64xf32, #tpu.memory_space<hbm>>
        tpu.enqueue_indirect_dma source(%dma_start3A_160 : memref<10000x64xf32, #tpu.memory_space<hbm>>) target(%arg12 : memref<125x64xf32, #tpu.memory_space<vmem>>) offsets(%dma_start3A_157 : memref<125xi32, #tpu.memory_space<vmem>>) semaphore(%arg16 : memref<!tpu.dma_semaphore, #tpu.memory_space<semaphore_mem>>)
        %add3A_161 = arith.constant 2 : i32
        %add3A_162 = arith.addi %add3A_118, %add3A_161 : i32
        %add3A_163 = arith.constant 1 : i32
        %add3A_164 = arith.addi %add3A_162, %add3A_163 : i32
        %min3A_165 = arith.constant 159 : i32
        %min3A_166 = arith.minsi %add3A_164, %min3A_165 : i32
        %dma_start3A_167 = arith.constant 0 : i32
        %dma_start3A_168 = tpu.memref_slice %arg9[%min3A_166, %dma_start3A_167] : memref<160x125xi32, #tpu.memory_space<vmem>> -> memref<1x125xi32, #tpu.memory_space<vmem>>
        %dma_start3A_169 = tpu.memref_squeeze %dma_start3A_168 : memref<1x125xi32, #tpu.memory_space<vmem>> -> memref<125xi32, #tpu.memory_space<vmem>>
        %dma_start3A_170 = arith.constant 0 : i32
        %dma_start3A_171 = arith.constant 0 : i32
        %dma_start3A_172 = tpu.memref_slice %arg2[%dma_start3A_170, %dma_start3A_171] : memref<10000x64xf32, #tpu.memory_space<hbm>> -> memref<10000x64xf32, #tpu.memory_space<hbm>>
        tpu.enqueue_indirect_dma source(%dma_start3A_172 : memref<10000x64xf32, #tpu.memory_space<hbm>>) target(%arg13 : memref<125x64xf32, #tpu.memory_space<vmem>>) offsets(%dma_start3A_169 : memref<125xi32, #tpu.memory_space<vmem>>) semaphore(%arg16 : memref<!tpu.dma_semaphore, #tpu.memory_space<semaphore_mem>>)
        %add3A_173 = arith.constant 0 : i32
        %add3A_174 = arith.addi %add3A_118, %add3A_173 : i32
        %dma_wait3A_175 = arith.constant 0 : i32
        %dma_wait3A_176 = tpu.memref_slice %arg10[%add3A_174, %dma_wait3A_175] : memref<160x125xi32, #tpu.memory_space<vmem>> -> memref<1x125xi32, #tpu.memory_space<vmem>>
        %dma_wait3A_177 = tpu.memref_squeeze %dma_wait3A_176 : memref<1x125xi32, #tpu.memory_space<vmem>> -> memref<125xi32, #tpu.memory_space<vmem>>
        %dma_wait3A_178 = arith.constant 0 : i32
        %dma_wait3A_179 = arith.constant 0 : i32
        %dma_wait3A_180 = tpu.memref_slice %arg11[%dma_wait3A_178, %dma_wait3A_179] : memref<10240x64xf32, #tpu.memory_space<vmem_shared>> -> memref<10240x64xf32, #tpu.memory_space<vmem_shared>>
        tpu.wait_indirect_dma semaphore(%arg19 : memref<!tpu.dma_semaphore, #tpu.memory_space<semaphore_mem>>) src(%arg14 : memref<125x64xf32, #tpu.memory_space<vmem>>) dst(%dma_wait3A_180 : memref<10240x64xf32, #tpu.memory_space<vmem_shared>>)
        %add3A_181 = arith.constant 1 : i32
        %add3A_182 = arith.addi %add3A_118, %add3A_181 : i32
        %dma_wait3A_183 = arith.constant 0 : i32
        %dma_wait3A_184 = tpu.memref_slice %arg10[%add3A_182, %dma_wait3A_183] : memref<160x125xi32, #tpu.memory_space<vmem>> -> memref<1x125xi32, #tpu.memory_space<vmem>>
        %dma_wait3A_185 = tpu.memref_squeeze %dma_wait3A_184 : memref<1x125xi32, #tpu.memory_space<vmem>> -> memref<125xi32, #tpu.memory_space<vmem>>
        %dma_wait3A_186 = arith.constant 0 : i32
        %dma_wait3A_187 = arith.constant 0 : i32
        %dma_wait3A_188 = tpu.memref_slice %arg11[%dma_wait3A_186, %dma_wait3A_187] : memref<10240x64xf32, #tpu.memory_space<vmem_shared>> -> memref<10240x64xf32, #tpu.memory_space<vmem_shared>>
        tpu.wait_indirect_dma semaphore(%arg19 : memref<!tpu.dma_semaphore, #tpu.memory_space<semaphore_mem>>) src(%arg15 : memref<125x64xf32, #tpu.memory_space<vmem>>) dst(%dma_wait3A_188 : memref<10240x64xf32, #tpu.memory_space<vmem_shared>>)
      }
      %scan3A_25 = arith.constant 40 : i32
      %dma_wait3A = arith.constant 0 : i32
      %dma_wait3A_26 = arith.constant 0 : i32
      %dma_wait3A_27 = tpu.memref_slice %arg9[%dma_wait3A, %dma_wait3A_26] : memref<160x125xi32, #tpu.memory_space<vmem>> -> memref<1x125xi32, #tpu.memory_space<vmem>>
      %dma_wait3A_28 = tpu.memref_squeeze %dma_wait3A_27 : memref<1x125xi32, #tpu.memory_space<vmem>> -> memref<125xi32, #tpu.memory_space<vmem>>
      %dma_wait3A_29 = arith.constant 0 : i32
      %dma_wait3A_30 = arith.constant 0 : i32
      %dma_wait3A_31 = tpu.memref_slice %arg2[%dma_wait3A_29, %dma_wait3A_30] : memref<10000x64xf32, #tpu.memory_space<hbm>> -> memref<10000x64xf32, #tpu.memory_space<hbm>>
      tpu.wait_indirect_dma semaphore(%arg16 : memref<!tpu.dma_semaphore, #tpu.memory_space<semaphore_mem>>) src(%dma_wait3A_31 : memref<10000x64xf32, #tpu.memory_space<hbm>>) dst(%arg12 : memref<125x64xf32, #tpu.memory_space<vmem>>)
      %dma_wait3A_32 = arith.constant 0 : i32
      %dma_wait3A_33 = arith.constant 0 : i32
      %dma_wait3A_34 = tpu.memref_slice %arg9[%dma_wait3A_32, %dma_wait3A_33] : memref<160x125xi32, #tpu.memory_space<vmem>> -> memref<1x125xi32, #tpu.memory_space<vmem>>
      %dma_wait3A_35 = tpu.memref_squeeze %dma_wait3A_34 : memref<1x125xi32, #tpu.memory_space<vmem>> -> memref<125xi32, #tpu.memory_space<vmem>>
      %dma_wait3A_36 = arith.constant 0 : i32
      %dma_wait3A_37 = arith.constant 0 : i32
      %dma_wait3A_38 = tpu.memref_slice %arg2[%dma_wait3A_36, %dma_wait3A_37] : memref<10000x64xf32, #tpu.memory_space<hbm>> -> memref<10000x64xf32, #tpu.memory_space<hbm>>
      tpu.wait_indirect_dma semaphore(%arg16 : memref<!tpu.dma_semaphore, #tpu.memory_space<semaphore_mem>>) src(%dma_wait3A_38 : memref<10000x64xf32, #tpu.memory_space<hbm>>) dst(%arg13 : memref<125x64xf32, #tpu.memory_space<vmem>>)
      %barrier3A_39 = arith.constant 0 : index
      tpu.barrier barrier_id(%barrier3A_39)
      %mul3A_40 = arith.constant 640 : i32
      %mul3A_41 = arith.muli %arg1, %mul3A_40 : i32
      %mul3A_42 = arith.constant 640 : i32
      %mul3A_43 = arith.muli %arg1, %mul3A_42 : i32
      "tpu.region"() ({
        %run_scoped3A = tpu.sem_alloc : memref<!tpu.dma_semaphore, #tpu.memory_space<semaphore_mem>>
        %dma_start3A_44 = arith.constant 0 : i32
        %dma_start3A_45 = tpu.memref_slice %arg7[%mul3A_43, %dma_start3A_44] : memref<10240x64xf32, #tpu.memory_space<hbm>> -> memref<640x64xf32, #tpu.memory_space<hbm>>
        %dma_start3A_46 = arith.constant 0 : i32
        %dma_start3A_47 = tpu.memref_slice %arg11[%mul3A_41, %dma_start3A_46] : memref<10240x64xf32, #tpu.memory_space<vmem_shared>> -> memref<640x64xf32, #tpu.memory_space<vmem_shared>>
        tpu.enqueue_dma source(%dma_start3A_47 : memref<640x64xf32, #tpu.memory_space<vmem_shared>>) target(%dma_start3A_45 : memref<640x64xf32, #tpu.memory_space<hbm>>) target_semaphore(%run_scoped3A : memref<!tpu.dma_semaphore, #tpu.memory_space<semaphore_mem>>)
        %dma_wait3A_48 = arith.constant 0 : i32
        %dma_wait3A_49 = tpu.memref_slice %arg7[%mul3A_43, %dma_wait3A_48] : memref<10240x64xf32, #tpu.memory_space<hbm>> -> memref<640x64xf32, #tpu.memory_space<hbm>>
        %dma_wait3A_50 = arith.constant 0 : i32
        %dma_wait3A_51 = tpu.memref_slice %arg11[%mul3A_41, %dma_wait3A_50] : memref<10240x64xf32, #tpu.memory_space<vmem_shared>> -> memref<640x64xf32, #tpu.memory_space<vmem_shared>>
        tpu.wait_dma2 semaphore(%run_scoped3A : memref<!tpu.dma_semaphore, #tpu.memory_space<semaphore_mem>>) src(%dma_wait3A_51 : memref<640x64xf32, #tpu.memory_space<vmem_shared>>) dst(%dma_wait3A_49 : memref<640x64xf32, #tpu.memory_space<hbm>>)
        tpu.yield
      }) : () -> ()
    } else {
    }
    %eq3A_2 = arith.constant 1 : i32
    %eq3A_3 = arith.cmpi eq, %arg0, %eq3A_2 : i32
    %convert_element_type3A_4 = arith.extui %eq3A_3 : i1 to i32
    %cond3A_5 = arith.constant 0 : i32
    %cond3A_6 = arith.cmpi ne, %convert_element_type3A_4, %cond3A_5 : i32
    scf.if %cond3A_6 {
      %mul3A = arith.constant 640 : i32
      %mul3A_7 = arith.muli %arg1, %mul3A : i32
      "tpu.region"() ({
        %run_scoped3A = tpu.sem_alloc : memref<!tpu.dma_semaphore, #tpu.memory_space<semaphore_mem>>
        %dma_start3A_44 = arith.constant 0 : i32
        %dma_start3A_45 = tpu.memref_slice %arg11[%mul3A_7, %dma_start3A_44] : memref<10240x64xf32, #tpu.memory_space<vmem_shared>> -> memref<640x64xf32, #tpu.memory_space<vmem_shared>>
        tpu.enqueue_dma source(%arg6 : memref<640x64xf32, #tpu.memory_space<hbm>>) target(%dma_start3A_45 : memref<640x64xf32, #tpu.memory_space<vmem_shared>>) target_semaphore(%run_scoped3A : memref<!tpu.dma_semaphore, #tpu.memory_space<semaphore_mem>>)
        %dma_wait3A_46 = arith.constant 0 : i32
        %dma_wait3A_47 = tpu.memref_slice %arg11[%mul3A_7, %dma_wait3A_46] : memref<10240x64xf32, #tpu.memory_space<vmem_shared>> -> memref<640x64xf32, #tpu.memory_space<vmem_shared>>
        tpu.wait_dma2 semaphore(%run_scoped3A : memref<!tpu.dma_semaphore, #tpu.memory_space<semaphore_mem>>) src(%arg6 : memref<640x64xf32, #tpu.memory_space<hbm>>) dst(%dma_wait3A_47 : memref<640x64xf32, #tpu.memory_space<vmem_shared>>)
        tpu.yield
      }) : () -> ()
      %barrier3A = arith.constant 0 : index
      tpu.barrier barrier_id(%barrier3A)
      %dma_start3A = arith.constant 0 : i32
      %dma_start3A_8 = arith.constant 0 : i32
      %dma_start3A_9 = tpu.memref_slice %arg9[%dma_start3A, %dma_start3A_8] : memref<160x125xi32, #tpu.memory_space<vmem>> -> memref<1x125xi32, #tpu.memory_space<vmem>>
      %dma_start3A_10 = tpu.memref_squeeze %dma_start3A_9 : memref<1x125xi32, #tpu.memory_space<vmem>> -> memref<125xi32, #tpu.memory_space<vmem>>
      %dma_start3A_11 = arith.constant 0 : i32
      %dma_start3A_12 = arith.constant 0 : i32
      %dma_start3A_13 = tpu.memref_slice %arg3[%dma_start3A_11, %dma_start3A_12] : memref<10000x64xf32, #tpu.memory_space<hbm>> -> memref<10000x64xf32, #tpu.memory_space<hbm>>
      tpu.enqueue_indirect_dma source(%dma_start3A_13 : memref<10000x64xf32, #tpu.memory_space<hbm>>) target(%arg12 : memref<125x64xf32, #tpu.memory_space<vmem>>) offsets(%dma_start3A_10 : memref<125xi32, #tpu.memory_space<vmem>>) semaphore(%arg16 : memref<!tpu.dma_semaphore, #tpu.memory_space<semaphore_mem>>)
      %dma_start3A_14 = arith.constant 1 : i32
      %dma_start3A_15 = arith.constant 0 : i32
      %dma_start3A_16 = tpu.memref_slice %arg9[%dma_start3A_14, %dma_start3A_15] : memref<160x125xi32, #tpu.memory_space<vmem>> -> memref<1x125xi32, #tpu.memory_space<vmem>>
      %dma_start3A_17 = tpu.memref_squeeze %dma_start3A_16 : memref<1x125xi32, #tpu.memory_space<vmem>> -> memref<125xi32, #tpu.memory_space<vmem>>
      %dma_start3A_18 = arith.constant 0 : i32
      %dma_start3A_19 = arith.constant 0 : i32
      %dma_start3A_20 = tpu.memref_slice %arg3[%dma_start3A_18, %dma_start3A_19] : memref<10000x64xf32, #tpu.memory_space<hbm>> -> memref<10000x64xf32, #tpu.memory_space<hbm>>
      tpu.enqueue_indirect_dma source(%dma_start3A_20 : memref<10000x64xf32, #tpu.memory_space<hbm>>) target(%arg13 : memref<125x64xf32, #tpu.memory_space<vmem>>) offsets(%dma_start3A_17 : memref<125xi32, #tpu.memory_space<vmem>>) semaphore(%arg16 : memref<!tpu.dma_semaphore, #tpu.memory_space<semaphore_mem>>)
      %scan3A = arith.constant 0 : i32
      %scan3A_21 = arith.constant 0 : i32
      %scan3A_22 = arith.constant 40 : i32
      %scan3A_23 = arith.addi %scan3A_21, %scan3A_22 : i32
      %scan3A_24 = arith.constant 1 : i32
      scf.for %scan3A_44 = %scan3A_21 to %scan3A_23 step %scan3A_24  : i32 {
        %mul3A_45 = arith.constant 4 : i32
        %mul3A_46 = arith.muli %mul3A_45, %scan3A_44 : i32
        %dma_wait3A_47 = arith.constant 0 : i32
        %dma_wait3A_48 = arith.constant 0 : i32
        %dma_wait3A_49 = tpu.memref_slice %arg9[%dma_wait3A_47, %dma_wait3A_48] : memref<160x125xi32, #tpu.memory_space<vmem>> -> memref<1x125xi32, #tpu.memory_space<vmem>>
        %dma_wait3A_50 = tpu.memref_squeeze %dma_wait3A_49 : memref<1x125xi32, #tpu.memory_space<vmem>> -> memref<125xi32, #tpu.memory_space<vmem>>
        %dma_wait3A_51 = arith.constant 0 : i32
        %dma_wait3A_52 = arith.constant 0 : i32
        %dma_wait3A_53 = tpu.memref_slice %arg3[%dma_wait3A_51, %dma_wait3A_52] : memref<10000x64xf32, #tpu.memory_space<hbm>> -> memref<10000x64xf32, #tpu.memory_space<hbm>>
        tpu.wait_indirect_dma semaphore(%arg16 : memref<!tpu.dma_semaphore, #tpu.memory_space<semaphore_mem>>) src(%dma_wait3A_53 : memref<10000x64xf32, #tpu.memory_space<hbm>>) dst(%arg12 : memref<125x64xf32, #tpu.memory_space<vmem>>)
        %dma_wait3A_54 = arith.constant 0 : i32
        %dma_wait3A_55 = arith.constant 0 : i32
        %dma_wait3A_56 = tpu.memref_slice %arg9[%dma_wait3A_54, %dma_wait3A_55] : memref<160x125xi32, #tpu.memory_space<vmem>> -> memref<1x125xi32, #tpu.memory_space<vmem>>
        %dma_wait3A_57 = tpu.memref_squeeze %dma_wait3A_56 : memref<1x125xi32, #tpu.memory_space<vmem>> -> memref<125xi32, #tpu.memory_space<vmem>>
        %dma_wait3A_58 = arith.constant 0 : i32
        %dma_wait3A_59 = arith.constant 0 : i32
        %dma_wait3A_60 = tpu.memref_slice %arg3[%dma_wait3A_58, %dma_wait3A_59] : memref<10000x64xf32, #tpu.memory_space<hbm>> -> memref<10000x64xf32, #tpu.memory_space<hbm>>
        tpu.wait_indirect_dma semaphore(%arg16 : memref<!tpu.dma_semaphore, #tpu.memory_space<semaphore_mem>>) src(%dma_wait3A_60 : memref<10000x64xf32, #tpu.memory_space<hbm>>) dst(%arg13 : memref<125x64xf32, #tpu.memory_space<vmem>>)
        %add3A = arith.constant 0 : i32
        %add3A_61 = arith.addi %mul3A_46, %add3A : i32
        %dma_start3A_62 = arith.constant 0 : i32
        %dma_start3A_63 = tpu.memref_slice %arg10[%add3A_61, %dma_start3A_62] : memref<160x125xi32, #tpu.memory_space<vmem>> -> memref<1x125xi32, #tpu.memory_space<vmem>>
        %dma_start3A_64 = tpu.memref_squeeze %dma_start3A_63 : memref<1x125xi32, #tpu.memory_space<vmem>> -> memref<125xi32, #tpu.memory_space<vmem>>
        %dma_start3A_65 = arith.constant 0 : i32
        %dma_start3A_66 = arith.constant 0 : i32
        %dma_start3A_67 = tpu.memref_slice %arg11[%dma_start3A_65, %dma_start3A_66] : memref<10240x64xf32, #tpu.memory_space<vmem_shared>> -> memref<10240x64xf32, #tpu.memory_space<vmem_shared>>
        tpu.enqueue_indirect_dma source(%arg12 : memref<125x64xf32, #tpu.memory_space<vmem>>) target(%dma_start3A_67 : memref<10240x64xf32, #tpu.memory_space<vmem_shared>>) offsets(%dma_start3A_64 : memref<125xi32, #tpu.memory_space<vmem>>) semaphore(%arg18 : memref<!tpu.dma_semaphore, #tpu.memory_space<semaphore_mem>>) {add = true}
        %add3A_68 = arith.constant 1 : i32
        %add3A_69 = arith.addi %mul3A_46, %add3A_68 : i32
        %dma_start3A_70 = arith.constant 0 : i32
        %dma_start3A_71 = tpu.memref_slice %arg10[%add3A_69, %dma_start3A_70] : memref<160x125xi32, #tpu.memory_space<vmem>> -> memref<1x125xi32, #tpu.memory_space<vmem>>
        %dma_start3A_72 = tpu.memref_squeeze %dma_start3A_71 : memref<1x125xi32, #tpu.memory_space<vmem>> -> memref<125xi32, #tpu.memory_space<vmem>>
        %dma_start3A_73 = arith.constant 0 : i32
        %dma_start3A_74 = arith.constant 0 : i32
        %dma_start3A_75 = tpu.memref_slice %arg11[%dma_start3A_73, %dma_start3A_74] : memref<10240x64xf32, #tpu.memory_space<vmem_shared>> -> memref<10240x64xf32, #tpu.memory_space<vmem_shared>>
        tpu.enqueue_indirect_dma source(%arg13 : memref<125x64xf32, #tpu.memory_space<vmem>>) target(%dma_start3A_75 : memref<10240x64xf32, #tpu.memory_space<vmem_shared>>) offsets(%dma_start3A_72 : memref<125xi32, #tpu.memory_space<vmem>>) semaphore(%arg18 : memref<!tpu.dma_semaphore, #tpu.memory_space<semaphore_mem>>) {add = true}
        %add3A_76 = arith.constant 2 : i32
        %add3A_77 = arith.addi %mul3A_46, %add3A_76 : i32
        %add3A_78 = arith.constant 0 : i32
        %add3A_79 = arith.addi %add3A_77, %add3A_78 : i32
        %min3A = arith.constant 159 : i32
        %min3A_80 = arith.minsi %add3A_79, %min3A : i32
        %dma_start3A_81 = arith.constant 0 : i32
        %dma_start3A_82 = tpu.memref_slice %arg9[%min3A_80, %dma_start3A_81] : memref<160x125xi32, #tpu.memory_space<vmem>> -> memref<1x125xi32, #tpu.memory_space<vmem>>
        %dma_start3A_83 = tpu.memref_squeeze %dma_start3A_82 : memref<1x125xi32, #tpu.memory_space<vmem>> -> memref<125xi32, #tpu.memory_space<vmem>>
        %dma_start3A_84 = arith.constant 0 : i32
        %dma_start3A_85 = arith.constant 0 : i32
        %dma_start3A_86 = tpu.memref_slice %arg3[%dma_start3A_84, %dma_start3A_85] : memref<10000x64xf32, #tpu.memory_space<hbm>> -> memref<10000x64xf32, #tpu.memory_space<hbm>>
        tpu.enqueue_indirect_dma source(%dma_start3A_86 : memref<10000x64xf32, #tpu.memory_space<hbm>>) target(%arg14 : memref<125x64xf32, #tpu.memory_space<vmem>>) offsets(%dma_start3A_83 : memref<125xi32, #tpu.memory_space<vmem>>) semaphore(%arg17 : memref<!tpu.dma_semaphore, #tpu.memory_space<semaphore_mem>>)
        %add3A_87 = arith.constant 2 : i32
        %add3A_88 = arith.addi %mul3A_46, %add3A_87 : i32
        %add3A_89 = arith.constant 1 : i32
        %add3A_90 = arith.addi %add3A_88, %add3A_89 : i32
        %min3A_91 = arith.constant 159 : i32
        %min3A_92 = arith.minsi %add3A_90, %min3A_91 : i32
        %dma_start3A_93 = arith.constant 0 : i32
        %dma_start3A_94 = tpu.memref_slice %arg9[%min3A_92, %dma_start3A_93] : memref<160x125xi32, #tpu.memory_space<vmem>> -> memref<1x125xi32, #tpu.memory_space<vmem>>
        %dma_start3A_95 = tpu.memref_squeeze %dma_start3A_94 : memref<1x125xi32, #tpu.memory_space<vmem>> -> memref<125xi32, #tpu.memory_space<vmem>>
        %dma_start3A_96 = arith.constant 0 : i32
        %dma_start3A_97 = arith.constant 0 : i32
        %dma_start3A_98 = tpu.memref_slice %arg3[%dma_start3A_96, %dma_start3A_97] : memref<10000x64xf32, #tpu.memory_space<hbm>> -> memref<10000x64xf32, #tpu.memory_space<hbm>>
        tpu.enqueue_indirect_dma source(%dma_start3A_98 : memref<10000x64xf32, #tpu.memory_space<hbm>>) target(%arg15 : memref<125x64xf32, #tpu.memory_space<vmem>>) offsets(%dma_start3A_95 : memref<125xi32, #tpu.memory_space<vmem>>) semaphore(%arg17 : memref<!tpu.dma_semaphore, #tpu.memory_space<semaphore_mem>>)
        %add3A_99 = arith.constant 0 : i32
        %add3A_100 = arith.addi %mul3A_46, %add3A_99 : i32
        %dma_wait3A_101 = arith.constant 0 : i32
        %dma_wait3A_102 = tpu.memref_slice %arg10[%add3A_100, %dma_wait3A_101] : memref<160x125xi32, #tpu.memory_space<vmem>> -> memref<1x125xi32, #tpu.memory_space<vmem>>
        %dma_wait3A_103 = tpu.memref_squeeze %dma_wait3A_102 : memref<1x125xi32, #tpu.memory_space<vmem>> -> memref<125xi32, #tpu.memory_space<vmem>>
        %dma_wait3A_104 = arith.constant 0 : i32
        %dma_wait3A_105 = arith.constant 0 : i32
        %dma_wait3A_106 = tpu.memref_slice %arg11[%dma_wait3A_104, %dma_wait3A_105] : memref<10240x64xf32, #tpu.memory_space<vmem_shared>> -> memref<10240x64xf32, #tpu.memory_space<vmem_shared>>
        tpu.wait_indirect_dma semaphore(%arg18 : memref<!tpu.dma_semaphore, #tpu.memory_space<semaphore_mem>>) src(%arg12 : memref<125x64xf32, #tpu.memory_space<vmem>>) dst(%dma_wait3A_106 : memref<10240x64xf32, #tpu.memory_space<vmem_shared>>)
        %add3A_107 = arith.constant 1 : i32
        %add3A_108 = arith.addi %mul3A_46, %add3A_107 : i32
        %dma_wait3A_109 = arith.constant 0 : i32
        %dma_wait3A_110 = tpu.memref_slice %arg10[%add3A_108, %dma_wait3A_109] : memref<160x125xi32, #tpu.memory_space<vmem>> -> memref<1x125xi32, #tpu.memory_space<vmem>>
        %dma_wait3A_111 = tpu.memref_squeeze %dma_wait3A_110 : memref<1x125xi32, #tpu.memory_space<vmem>> -> memref<125xi32, #tpu.memory_space<vmem>>
        %dma_wait3A_112 = arith.constant 0 : i32
        %dma_wait3A_113 = arith.constant 0 : i32
        %dma_wait3A_114 = tpu.memref_slice %arg11[%dma_wait3A_112, %dma_wait3A_113] : memref<10240x64xf32, #tpu.memory_space<vmem_shared>> -> memref<10240x64xf32, #tpu.memory_space<vmem_shared>>
        tpu.wait_indirect_dma semaphore(%arg18 : memref<!tpu.dma_semaphore, #tpu.memory_space<semaphore_mem>>) src(%arg13 : memref<125x64xf32, #tpu.memory_space<vmem>>) dst(%dma_wait3A_114 : memref<10240x64xf32, #tpu.memory_space<vmem_shared>>)
        %mul3A_115 = arith.constant 4 : i32
        %mul3A_116 = arith.muli %mul3A_115, %scan3A_44 : i32
        %add3A_117 = arith.constant 2 : i32
        %add3A_118 = arith.addi %mul3A_116, %add3A_117 : i32
        %dma_wait3A_119 = arith.constant 0 : i32
        %dma_wait3A_120 = arith.constant 0 : i32
        %dma_wait3A_121 = tpu.memref_slice %arg9[%dma_wait3A_119, %dma_wait3A_120] : memref<160x125xi32, #tpu.memory_space<vmem>> -> memref<1x125xi32, #tpu.memory_space<vmem>>
        %dma_wait3A_122 = tpu.memref_squeeze %dma_wait3A_121 : memref<1x125xi32, #tpu.memory_space<vmem>> -> memref<125xi32, #tpu.memory_space<vmem>>
        %dma_wait3A_123 = arith.constant 0 : i32
        %dma_wait3A_124 = arith.constant 0 : i32
        %dma_wait3A_125 = tpu.memref_slice %arg3[%dma_wait3A_123, %dma_wait3A_124] : memref<10000x64xf32, #tpu.memory_space<hbm>> -> memref<10000x64xf32, #tpu.memory_space<hbm>>
        tpu.wait_indirect_dma semaphore(%arg17 : memref<!tpu.dma_semaphore, #tpu.memory_space<semaphore_mem>>) src(%dma_wait3A_125 : memref<10000x64xf32, #tpu.memory_space<hbm>>) dst(%arg14 : memref<125x64xf32, #tpu.memory_space<vmem>>)
        %dma_wait3A_126 = arith.constant 0 : i32
        %dma_wait3A_127 = arith.constant 0 : i32
        %dma_wait3A_128 = tpu.memref_slice %arg9[%dma_wait3A_126, %dma_wait3A_127] : memref<160x125xi32, #tpu.memory_space<vmem>> -> memref<1x125xi32, #tpu.memory_space<vmem>>
        %dma_wait3A_129 = tpu.memref_squeeze %dma_wait3A_128 : memref<1x125xi32, #tpu.memory_space<vmem>> -> memref<125xi32, #tpu.memory_space<vmem>>
        %dma_wait3A_130 = arith.constant 0 : i32
        %dma_wait3A_131 = arith.constant 0 : i32
        %dma_wait3A_132 = tpu.memref_slice %arg3[%dma_wait3A_130, %dma_wait3A_131] : memref<10000x64xf32, #tpu.memory_space<hbm>> -> memref<10000x64xf32, #tpu.memory_space<hbm>>
        tpu.wait_indirect_dma semaphore(%arg17 : memref<!tpu.dma_semaphore, #tpu.memory_space<semaphore_mem>>) src(%dma_wait3A_132 : memref<10000x64xf32, #tpu.memory_space<hbm>>) dst(%arg15 : memref<125x64xf32, #tpu.memory_space<vmem>>)
        %add3A_133 = arith.constant 0 : i32
        %add3A_134 = arith.addi %add3A_118, %add3A_133 : i32
        %dma_start3A_135 = arith.constant 0 : i32
        %dma_start3A_136 = tpu.memref_slice %arg10[%add3A_134, %dma_start3A_135] : memref<160x125xi32, #tpu.memory_space<vmem>> -> memref<1x125xi32, #tpu.memory_space<vmem>>
        %dma_start3A_137 = tpu.memref_squeeze %dma_start3A_136 : memref<1x125xi32, #tpu.memory_space<vmem>> -> memref<125xi32, #tpu.memory_space<vmem>>
        %dma_start3A_138 = arith.constant 0 : i32
        %dma_start3A_139 = arith.constant 0 : i32
        %dma_start3A_140 = tpu.memref_slice %arg11[%dma_start3A_138, %dma_start3A_139] : memref<10240x64xf32, #tpu.memory_space<vmem_shared>> -> memref<10240x64xf32, #tpu.memory_space<vmem_shared>>
        tpu.enqueue_indirect_dma source(%arg14 : memref<125x64xf32, #tpu.memory_space<vmem>>) target(%dma_start3A_140 : memref<10240x64xf32, #tpu.memory_space<vmem_shared>>) offsets(%dma_start3A_137 : memref<125xi32, #tpu.memory_space<vmem>>) semaphore(%arg19 : memref<!tpu.dma_semaphore, #tpu.memory_space<semaphore_mem>>) {add = true}
        %add3A_141 = arith.constant 1 : i32
        %add3A_142 = arith.addi %add3A_118, %add3A_141 : i32
        %dma_start3A_143 = arith.constant 0 : i32
        %dma_start3A_144 = tpu.memref_slice %arg10[%add3A_142, %dma_start3A_143] : memref<160x125xi32, #tpu.memory_space<vmem>> -> memref<1x125xi32, #tpu.memory_space<vmem>>
        %dma_start3A_145 = tpu.memref_squeeze %dma_start3A_144 : memref<1x125xi32, #tpu.memory_space<vmem>> -> memref<125xi32, #tpu.memory_space<vmem>>
        %dma_start3A_146 = arith.constant 0 : i32
        %dma_start3A_147 = arith.constant 0 : i32
        %dma_start3A_148 = tpu.memref_slice %arg11[%dma_start3A_146, %dma_start3A_147] : memref<10240x64xf32, #tpu.memory_space<vmem_shared>> -> memref<10240x64xf32, #tpu.memory_space<vmem_shared>>
        tpu.enqueue_indirect_dma source(%arg15 : memref<125x64xf32, #tpu.memory_space<vmem>>) target(%dma_start3A_148 : memref<10240x64xf32, #tpu.memory_space<vmem_shared>>) offsets(%dma_start3A_145 : memref<125xi32, #tpu.memory_space<vmem>>) semaphore(%arg19 : memref<!tpu.dma_semaphore, #tpu.memory_space<semaphore_mem>>) {add = true}
        %add3A_149 = arith.constant 2 : i32
        %add3A_150 = arith.addi %add3A_118, %add3A_149 : i32
        %add3A_151 = arith.constant 0 : i32
        %add3A_152 = arith.addi %add3A_150, %add3A_151 : i32
        %min3A_153 = arith.constant 159 : i32
        %min3A_154 = arith.minsi %add3A_152, %min3A_153 : i32
        %dma_start3A_155 = arith.constant 0 : i32
        %dma_start3A_156 = tpu.memref_slice %arg9[%min3A_154, %dma_start3A_155] : memref<160x125xi32, #tpu.memory_space<vmem>> -> memref<1x125xi32, #tpu.memory_space<vmem>>
        %dma_start3A_157 = tpu.memref_squeeze %dma_start3A_156 : memref<1x125xi32, #tpu.memory_space<vmem>> -> memref<125xi32, #tpu.memory_space<vmem>>
        %dma_start3A_158 = arith.constant 0 : i32
        %dma_start3A_159 = arith.constant 0 : i32
        %dma_start3A_160 = tpu.memref_slice %arg3[%dma_start3A_158, %dma_start3A_159] : memref<10000x64xf32, #tpu.memory_space<hbm>> -> memref<10000x64xf32, #tpu.memory_space<hbm>>
        tpu.enqueue_indirect_dma source(%dma_start3A_160 : memref<10000x64xf32, #tpu.memory_space<hbm>>) target(%arg12 : memref<125x64xf32, #tpu.memory_space<vmem>>) offsets(%dma_start3A_157 : memref<125xi32, #tpu.memory_space<vmem>>) semaphore(%arg16 : memref<!tpu.dma_semaphore, #tpu.memory_space<semaphore_mem>>)
        %add3A_161 = arith.constant 2 : i32
        %add3A_162 = arith.addi %add3A_118, %add3A_161 : i32
        %add3A_163 = arith.constant 1 : i32
        %add3A_164 = arith.addi %add3A_162, %add3A_163 : i32
        %min3A_165 = arith.constant 159 : i32
        %min3A_166 = arith.minsi %add3A_164, %min3A_165 : i32
        %dma_start3A_167 = arith.constant 0 : i32
        %dma_start3A_168 = tpu.memref_slice %arg9[%min3A_166, %dma_start3A_167] : memref<160x125xi32, #tpu.memory_space<vmem>> -> memref<1x125xi32, #tpu.memory_space<vmem>>
        %dma_start3A_169 = tpu.memref_squeeze %dma_start3A_168 : memref<1x125xi32, #tpu.memory_space<vmem>> -> memref<125xi32, #tpu.memory_space<vmem>>
        %dma_start3A_170 = arith.constant 0 : i32
        %dma_start3A_171 = arith.constant 0 : i32
        %dma_start3A_172 = tpu.memref_slice %arg3[%dma_start3A_170, %dma_start3A_171] : memref<10000x64xf32, #tpu.memory_space<hbm>> -> memref<10000x64xf32, #tpu.memory_space<hbm>>
        tpu.enqueue_indirect_dma source(%dma_start3A_172 : memref<10000x64xf32, #tpu.memory_space<hbm>>) target(%arg13 : memref<125x64xf32, #tpu.memory_space<vmem>>) offsets(%dma_start3A_169 : memref<125xi32, #tpu.memory_space<vmem>>) semaphore(%arg16 : memref<!tpu.dma_semaphore, #tpu.memory_space<semaphore_mem>>)
        %add3A_173 = arith.constant 0 : i32
        %add3A_174 = arith.addi %add3A_118, %add3A_173 : i32
        %dma_wait3A_175 = arith.constant 0 : i32
        %dma_wait3A_176 = tpu.memref_slice %arg10[%add3A_174, %dma_wait3A_175] : memref<160x125xi32, #tpu.memory_space<vmem>> -> memref<1x125xi32, #tpu.memory_space<vmem>>
        %dma_wait3A_177 = tpu.memref_squeeze %dma_wait3A_176 : memref<1x125xi32, #tpu.memory_space<vmem>> -> memref<125xi32, #tpu.memory_space<vmem>>
        %dma_wait3A_178 = arith.constant 0 : i32
        %dma_wait3A_179 = arith.constant 0 : i32
        %dma_wait3A_180 = tpu.memref_slice %arg11[%dma_wait3A_178, %dma_wait3A_179] : memref<10240x64xf32, #tpu.memory_space<vmem_shared>> -> memref<10240x64xf32, #tpu.memory_space<vmem_shared>>
        tpu.wait_indirect_dma semaphore(%arg19 : memref<!tpu.dma_semaphore, #tpu.memory_space<semaphore_mem>>) src(%arg14 : memref<125x64xf32, #tpu.memory_space<vmem>>) dst(%dma_wait3A_180 : memref<10240x64xf32, #tpu.memory_space<vmem_shared>>)
        %add3A_181 = arith.constant 1 : i32
        %add3A_182 = arith.addi %add3A_118, %add3A_181 : i32
        %dma_wait3A_183 = arith.constant 0 : i32
        %dma_wait3A_184 = tpu.memref_slice %arg10[%add3A_182, %dma_wait3A_183] : memref<160x125xi32, #tpu.memory_space<vmem>> -> memref<1x125xi32, #tpu.memory_space<vmem>>
        %dma_wait3A_185 = tpu.memref_squeeze %dma_wait3A_184 : memref<1x125xi32, #tpu.memory_space<vmem>> -> memref<125xi32, #tpu.memory_space<vmem>>
        %dma_wait3A_186 = arith.constant 0 : i32
        %dma_wait3A_187 = arith.constant 0 : i32
        %dma_wait3A_188 = tpu.memref_slice %arg11[%dma_wait3A_186, %dma_wait3A_187] : memref<10240x64xf32, #tpu.memory_space<vmem_shared>> -> memref<10240x64xf32, #tpu.memory_space<vmem_shared>>
        tpu.wait_indirect_dma semaphore(%arg19 : memref<!tpu.dma_semaphore, #tpu.memory_space<semaphore_mem>>) src(%arg15 : memref<125x64xf32, #tpu.memory_space<vmem>>) dst(%dma_wait3A_188 : memref<10240x64xf32, #tpu.memory_space<vmem_shared>>)
      }
      %scan3A_25 = arith.constant 40 : i32
      %dma_wait3A = arith.constant 0 : i32
      %dma_wait3A_26 = arith.constant 0 : i32
      %dma_wait3A_27 = tpu.memref_slice %arg9[%dma_wait3A, %dma_wait3A_26] : memref<160x125xi32, #tpu.memory_space<vmem>> -> memref<1x125xi32, #tpu.memory_space<vmem>>
      %dma_wait3A_28 = tpu.memref_squeeze %dma_wait3A_27 : memref<1x125xi32, #tpu.memory_space<vmem>> -> memref<125xi32, #tpu.memory_space<vmem>>
      %dma_wait3A_29 = arith.constant 0 : i32
      %dma_wait3A_30 = arith.constant 0 : i32
      %dma_wait3A_31 = tpu.memref_slice %arg3[%dma_wait3A_29, %dma_wait3A_30] : memref<10000x64xf32, #tpu.memory_space<hbm>> -> memref<10000x64xf32, #tpu.memory_space<hbm>>
      tpu.wait_indirect_dma semaphore(%arg16 : memref<!tpu.dma_semaphore, #tpu.memory_space<semaphore_mem>>) src(%dma_wait3A_31 : memref<10000x64xf32, #tpu.memory_space<hbm>>) dst(%arg12 : memref<125x64xf32, #tpu.memory_space<vmem>>)
      %dma_wait3A_32 = arith.constant 0 : i32
      %dma_wait3A_33 = arith.constant 0 : i32
      %dma_wait3A_34 = tpu.memref_slice %arg9[%dma_wait3A_32, %dma_wait3A_33] : memref<160x125xi32, #tpu.memory_space<vmem>> -> memref<1x125xi32, #tpu.memory_space<vmem>>
      %dma_wait3A_35 = tpu.memref_squeeze %dma_wait3A_34 : memref<1x125xi32, #tpu.memory_space<vmem>> -> memref<125xi32, #tpu.memory_space<vmem>>
      %dma_wait3A_36 = arith.constant 0 : i32
      %dma_wait3A_37 = arith.constant 0 : i32
      %dma_wait3A_38 = tpu.memref_slice %arg3[%dma_wait3A_36, %dma_wait3A_37] : memref<10000x64xf32, #tpu.memory_space<hbm>> -> memref<10000x64xf32, #tpu.memory_space<hbm>>
      tpu.wait_indirect_dma semaphore(%arg16 : memref<!tpu.dma_semaphore, #tpu.memory_space<semaphore_mem>>) src(%dma_wait3A_38 : memref<10000x64xf32, #tpu.memory_space<hbm>>) dst(%arg13 : memref<125x64xf32, #tpu.memory_space<vmem>>)
      %barrier3A_39 = arith.constant 0 : index
      tpu.barrier barrier_id(%barrier3A_39)
      %mul3A_40 = arith.constant 640 : i32
      %mul3A_41 = arith.muli %arg1, %mul3A_40 : i32
      %mul3A_42 = arith.constant 640 : i32
      %mul3A_43 = arith.muli %arg1, %mul3A_42 : i32
      "tpu.region"() ({
        %run_scoped3A = tpu.sem_alloc : memref<!tpu.dma_semaphore, #tpu.memory_space<semaphore_mem>>
        %dma_start3A_44 = arith.constant 0 : i32
        %dma_start3A_45 = tpu.memref_slice %arg8[%mul3A_43, %dma_start3A_44] : memref<10240x64xf32, #tpu.memory_space<hbm>> -> memref<640x64xf32, #tpu.memory_space<hbm>>
        %dma_start3A_46 = arith.constant 0 : i32
        %dma_start3A_47 = tpu.memref_slice %arg11[%mul3A_41, %dma_start3A_46] : memref<10240x64xf32, #tpu.memory_space<vmem_shared>> -> memref<640x64xf32, #tpu.memory_space<vmem_shared>>
        tpu.enqueue_dma source(%dma_start3A_47 : memref<640x64xf32, #tpu.memory_space<vmem_shared>>) target(%dma_start3A_45 : memref<640x64xf32, #tpu.memory_space<hbm>>) target_semaphore(%run_scoped3A : memref<!tpu.dma_semaphore, #tpu.memory_space<semaphore_mem>>)
        %dma_wait3A_48 = arith.constant 0 : i32
        %dma_wait3A_49 = tpu.memref_slice %arg8[%mul3A_43, %dma_wait3A_48] : memref<10240x64xf32, #tpu.memory_space<hbm>> -> memref<640x64xf32, #tpu.memory_space<hbm>>
        %dma_wait3A_50 = arith.constant 0 : i32
        %dma_wait3A_51 = tpu.memref_slice %arg11[%mul3A_41, %dma_wait3A_50] : memref<10240x64xf32, #tpu.memory_space<vmem_shared>> -> memref<640x64xf32, #tpu.memory_space<vmem_shared>>
        tpu.wait_dma2 semaphore(%run_scoped3A : memref<!tpu.dma_semaphore, #tpu.memory_space<semaphore_mem>>) src(%dma_wait3A_51 : memref<640x64xf32, #tpu.memory_space<vmem_shared>>) dst(%dma_wait3A_49 : memref<640x64xf32, #tpu.memory_space<hbm>>)
        tpu.yield
      }) : () -> ()
    } else {
    }
    return
  }
}

#map = affine_map<(d0, d1) -> (0, 0)>
#map1 = affine_map<(d0, d1) -> (0, 0, 0)>
module attributes {stable_mosaic.version = 14 : i64} {
  func.func @_body1(%arg0: i32, %arg1: i32, %arg2: memref<10000x64xf32, #tpu.memory_space<hbm>>, %arg3: memref<10000x64xf32, #tpu.memory_space<hbm>>, %arg4: memref<16x160x125xi32, #tpu.memory_space<hbm>>, %arg5: memref<16x160x125xi32, #tpu.memory_space<hbm>>, %arg6: memref<640x64xf32, #tpu.memory_space<hbm>>, %arg7: memref<125x16xf32, #tpu.memory_space<hbm>>, %arg8: memref<640x16xf32, #tpu.memory_space<hbm>>, %arg9: memref<10240x64xf32, #tpu.memory_space<hbm>>, %arg10: memref<10240x64xf32, #tpu.memory_space<hbm>>, %arg11: memref<10240x16xf32, #tpu.memory_space<hbm>>, %arg12: memref<160x125xi32, #tpu.memory_space<vmem>>, %arg13: memref<160x125xi32, #tpu.memory_space<vmem>>, %arg14: memref<10240x64xf32, #tpu.memory_space<vmem_shared>>, %arg15: memref<125x64xf32, #tpu.memory_space<vmem>>, %arg16: memref<125x64xf32, #tpu.memory_space<vmem>>, %arg17: memref<125x64xf32, #tpu.memory_space<vmem>>, %arg18: memref<125x64xf32, #tpu.memory_space<vmem>>, %arg19: memref<!tpu.dma_semaphore, #tpu.memory_space<semaphore_mem>>, %arg20: memref<!tpu.dma_semaphore, #tpu.memory_space<semaphore_mem>>, %arg21: memref<!tpu.dma_semaphore, #tpu.memory_space<semaphore_mem>>, %arg22: memref<!tpu.dma_semaphore, #tpu.memory_space<semaphore_mem>>, %arg23: memref<!tpu.dma_semaphore, #tpu.memory_space<semaphore_mem>>, %arg24: memref<125x16xf32, #tpu.memory_space<vmem>>, %arg25: memref<10240x16xf32, #tpu.memory_space<vmem_shared>>) attributes {dimension_semantics = [#tpu.dimension_semantics<core_parallel>, #tpu.dimension_semantics<subcore_parallel>], iteration_bounds = array<i64: 2, 16>, scalar_prefetch = 0 : i64, scratch_operands = 14 : i64, tpu.core_type = #tpu.core_type<sc_vector_subcore>, window_params = [{transform_indices = #map}, {transform_indices = #map}, {transform_indices = #map1}, {transform_indices = #map1}, {transform_indices = #map}, {transform_indices = #map}, {transform_indices = #map}, {transform_indices = #map}, {transform_indices = #map}, {transform_indices = #map}]} {
    "tpu.region"() ({
      %run_scoped3A = tpu.sem_alloc : memref<!tpu.dma_semaphore, #tpu.memory_space<semaphore_mem>>
      %dma_start3A = arith.constant 0 : i32
      %dma_start3A_7 = arith.constant 0 : i32
      %dma_start3A_8 = tpu.memref_slice %arg4[%arg1, %dma_start3A, %dma_start3A_7] : memref<16x160x125xi32, #tpu.memory_space<hbm>> -> memref<1x160x125xi32, #tpu.memory_space<hbm>>
      %dma_start3A_9 = tpu.memref_squeeze %dma_start3A_8 : memref<1x160x125xi32, #tpu.memory_space<hbm>> -> memref<160x125xi32, #tpu.memory_space<hbm>>
      %dma_start3A_10 = arith.constant 0 : i32
      %dma_start3A_11 = arith.constant 0 : i32
      %dma_start3A_12 = tpu.memref_slice %arg4[%arg1, %dma_start3A_10, %dma_start3A_11] : memref<16x160x125xi32, #tpu.memory_space<hbm>> -> memref<1x160x125xi32, #tpu.memory_space<hbm>>
      %dma_start3A_13 = tpu.memref_squeeze %dma_start3A_12 : memref<1x160x125xi32, #tpu.memory_space<hbm>> -> memref<160x125xi32, #tpu.memory_space<hbm>>
      tpu.enqueue_dma source(%dma_start3A_13 : memref<160x125xi32, #tpu.memory_space<hbm>>) target(%arg12 : memref<160x125xi32, #tpu.memory_space<vmem>>) target_semaphore(%run_scoped3A : memref<!tpu.dma_semaphore, #tpu.memory_space<semaphore_mem>>)
      %dma_wait3A = arith.constant 0 : i32
      %dma_wait3A_14 = arith.constant 0 : i32
      %dma_wait3A_15 = tpu.memref_slice %arg4[%arg1, %dma_wait3A, %dma_wait3A_14] : memref<16x160x125xi32, #tpu.memory_space<hbm>> -> memref<1x160x125xi32, #tpu.memory_space<hbm>>
      %dma_wait3A_16 = tpu.memref_squeeze %dma_wait3A_15 : memref<1x160x125xi32, #tpu.memory_space<hbm>> -> memref<160x125xi32, #tpu.memory_space<hbm>>
      %dma_wait3A_17 = arith.constant 0 : i32
      %dma_wait3A_18 = arith.constant 0 : i32
      %dma_wait3A_19 = tpu.memref_slice %arg4[%arg1, %dma_wait3A_17, %dma_wait3A_18] : memref<16x160x125xi32, #tpu.memory_space<hbm>> -> memref<1x160x125xi32, #tpu.memory_space<hbm>>
      %dma_wait3A_20 = tpu.memref_squeeze %dma_wait3A_19 : memref<1x160x125xi32, #tpu.memory_space<hbm>> -> memref<160x125xi32, #tpu.memory_space<hbm>>
      tpu.wait_dma2 semaphore(%run_scoped3A : memref<!tpu.dma_semaphore, #tpu.memory_space<semaphore_mem>>) src(%dma_wait3A_20 : memref<160x125xi32, #tpu.memory_space<hbm>>) dst(%arg12 : memref<160x125xi32, #tpu.memory_space<vmem>>)
      tpu.yield
    }) : () -> ()
    "tpu.region"() ({
      %run_scoped3A = tpu.sem_alloc : memref<!tpu.dma_semaphore, #tpu.memory_space<semaphore_mem>>
      %dma_start3A = arith.constant 0 : i32
      %dma_start3A_7 = arith.constant 0 : i32
      %dma_start3A_8 = tpu.memref_slice %arg5[%arg1, %dma_start3A, %dma_start3A_7] : memref<16x160x125xi32, #tpu.memory_space<hbm>> -> memref<1x160x125xi32, #tpu.memory_space<hbm>>
      %dma_start3A_9 = tpu.memref_squeeze %dma_start3A_8 : memref<1x160x125xi32, #tpu.memory_space<hbm>> -> memref<160x125xi32, #tpu.memory_space<hbm>>
      %dma_start3A_10 = arith.constant 0 : i32
      %dma_start3A_11 = arith.constant 0 : i32
      %dma_start3A_12 = tpu.memref_slice %arg5[%arg1, %dma_start3A_10, %dma_start3A_11] : memref<16x160x125xi32, #tpu.memory_space<hbm>> -> memref<1x160x125xi32, #tpu.memory_space<hbm>>
      %dma_start3A_13 = tpu.memref_squeeze %dma_start3A_12 : memref<1x160x125xi32, #tpu.memory_space<hbm>> -> memref<160x125xi32, #tpu.memory_space<hbm>>
      tpu.enqueue_dma source(%dma_start3A_13 : memref<160x125xi32, #tpu.memory_space<hbm>>) target(%arg13 : memref<160x125xi32, #tpu.memory_space<vmem>>) target_semaphore(%run_scoped3A : memref<!tpu.dma_semaphore, #tpu.memory_space<semaphore_mem>>)
      %dma_wait3A = arith.constant 0 : i32
      %dma_wait3A_14 = arith.constant 0 : i32
      %dma_wait3A_15 = tpu.memref_slice %arg5[%arg1, %dma_wait3A, %dma_wait3A_14] : memref<16x160x125xi32, #tpu.memory_space<hbm>> -> memref<1x160x125xi32, #tpu.memory_space<hbm>>
      %dma_wait3A_16 = tpu.memref_squeeze %dma_wait3A_15 : memref<1x160x125xi32, #tpu.memory_space<hbm>> -> memref<160x125xi32, #tpu.memory_space<hbm>>
      %dma_wait3A_17 = arith.constant 0 : i32
      %dma_wait3A_18 = arith.constant 0 : i32
      %dma_wait3A_19 = tpu.memref_slice %arg5[%arg1, %dma_wait3A_17, %dma_wait3A_18] : memref<16x160x125xi32, #tpu.memory_space<hbm>> -> memref<1x160x125xi32, #tpu.memory_space<hbm>>
      %dma_wait3A_20 = tpu.memref_squeeze %dma_wait3A_19 : memref<1x160x125xi32, #tpu.memory_space<hbm>> -> memref<160x125xi32, #tpu.memory_space<hbm>>
      tpu.wait_dma2 semaphore(%run_scoped3A : memref<!tpu.dma_semaphore, #tpu.memory_space<semaphore_mem>>) src(%dma_wait3A_20 : memref<160x125xi32, #tpu.memory_space<hbm>>) dst(%arg13 : memref<160x125xi32, #tpu.memory_space<vmem>>)
      tpu.yield
    }) : () -> ()
    %eq3A = arith.constant 0 : i32
    %eq3A_0 = arith.cmpi eq, %arg0, %eq3A : i32
    %convert_element_type3A = arith.extui %eq3A_0 : i1 to i32
    %cond3A = arith.constant 0 : i32
    %cond3A_1 = arith.cmpi ne, %convert_element_type3A, %cond3A : i32
    scf.if %cond3A_1 {
      %mul3A = arith.constant 640 : i32
      %mul3A_7 = arith.muli %arg1, %mul3A : i32
      "tpu.region"() ({
        %run_scoped3A = tpu.sem_alloc : memref<!tpu.dma_semaphore, #tpu.memory_space<semaphore_mem>>
        %dma_start3A_50 = arith.constant 0 : i32
        %dma_start3A_51 = tpu.memref_slice %arg14[%mul3A_7, %dma_start3A_50] : memref<10240x64xf32, #tpu.memory_space<vmem_shared>> -> memref<640x64xf32, #tpu.memory_space<vmem_shared>>
        tpu.enqueue_dma source(%arg6 : memref<640x64xf32, #tpu.memory_space<hbm>>) target(%dma_start3A_51 : memref<640x64xf32, #tpu.memory_space<vmem_shared>>) target_semaphore(%run_scoped3A : memref<!tpu.dma_semaphore, #tpu.memory_space<semaphore_mem>>)
        %dma_wait3A_52 = arith.constant 0 : i32
        %dma_wait3A_53 = tpu.memref_slice %arg14[%mul3A_7, %dma_wait3A_52] : memref<10240x64xf32, #tpu.memory_space<vmem_shared>> -> memref<640x64xf32, #tpu.memory_space<vmem_shared>>
        tpu.wait_dma2 semaphore(%run_scoped3A : memref<!tpu.dma_semaphore, #tpu.memory_space<semaphore_mem>>) src(%arg6 : memref<640x64xf32, #tpu.memory_space<hbm>>) dst(%dma_wait3A_53 : memref<640x64xf32, #tpu.memory_space<vmem_shared>>)
        tpu.yield
      }) : () -> ()
      %mul3A_8 = arith.constant 640 : i32
      %mul3A_9 = arith.muli %arg1, %mul3A_8 : i32
      "tpu.region"() ({
        %run_scoped3A = tpu.sem_alloc : memref<!tpu.dma_semaphore, #tpu.memory_space<semaphore_mem>>
        %dma_start3A_50 = arith.constant 0 : i32
        %dma_start3A_51 = tpu.memref_slice %arg25[%mul3A_9, %dma_start3A_50] : memref<10240x16xf32, #tpu.memory_space<vmem_shared>> -> memref<640x16xf32, #tpu.memory_space<vmem_shared>>
        tpu.enqueue_dma source(%arg8 : memref<640x16xf32, #tpu.memory_space<hbm>>) target(%dma_start3A_51 : memref<640x16xf32, #tpu.memory_space<vmem_shared>>) target_semaphore(%run_scoped3A : memref<!tpu.dma_semaphore, #tpu.memory_space<semaphore_mem>>)
        %dma_wait3A_52 = arith.constant 0 : i32
        %dma_wait3A_53 = tpu.memref_slice %arg25[%mul3A_9, %dma_wait3A_52] : memref<10240x16xf32, #tpu.memory_space<vmem_shared>> -> memref<640x16xf32, #tpu.memory_space<vmem_shared>>
        tpu.wait_dma2 semaphore(%run_scoped3A : memref<!tpu.dma_semaphore, #tpu.memory_space<semaphore_mem>>) src(%arg8 : memref<640x16xf32, #tpu.memory_space<hbm>>) dst(%dma_wait3A_53 : memref<640x16xf32, #tpu.memory_space<vmem_shared>>)
        tpu.yield
      }) : () -> ()
      "tpu.region"() ({
        %run_scoped3A = tpu.sem_alloc : memref<!tpu.dma_semaphore, #tpu.memory_space<semaphore_mem>>
        tpu.enqueue_dma source(%arg7 : memref<125x16xf32, #tpu.memory_space<hbm>>) target(%arg24 : memref<125x16xf32, #tpu.memory_space<vmem>>) target_semaphore(%run_scoped3A : memref<!tpu.dma_semaphore, #tpu.memory_space<semaphore_mem>>)
        tpu.wait_dma2 semaphore(%run_scoped3A : memref<!tpu.dma_semaphore, #tpu.memory_space<semaphore_mem>>) src(%arg7 : memref<125x16xf32, #tpu.memory_space<hbm>>) dst(%arg24 : memref<125x16xf32, #tpu.memory_space<vmem>>)
        tpu.yield
      }) : () -> ()
      %barrier3A = arith.constant 0 : index
      tpu.barrier barrier_id(%barrier3A)
      %dma_start3A = arith.constant 0 : i32
      %dma_start3A_10 = arith.constant 0 : i32
      %dma_start3A_11 = tpu.memref_slice %arg12[%dma_start3A, %dma_start3A_10] : memref<160x125xi32, #tpu.memory_space<vmem>> -> memref<1x125xi32, #tpu.memory_space<vmem>>
      %dma_start3A_12 = tpu.memref_squeeze %dma_start3A_11 : memref<1x125xi32, #tpu.memory_space<vmem>> -> memref<125xi32, #tpu.memory_space<vmem>>
      %dma_start3A_13 = arith.constant 0 : i32
      %dma_start3A_14 = arith.constant 0 : i32
      %dma_start3A_15 = tpu.memref_slice %arg2[%dma_start3A_13, %dma_start3A_14] : memref<10000x64xf32, #tpu.memory_space<hbm>> -> memref<10000x64xf32, #tpu.memory_space<hbm>>
      tpu.enqueue_indirect_dma source(%dma_start3A_15 : memref<10000x64xf32, #tpu.memory_space<hbm>>) target(%arg15 : memref<125x64xf32, #tpu.memory_space<vmem>>) offsets(%dma_start3A_12 : memref<125xi32, #tpu.memory_space<vmem>>) semaphore(%arg19 : memref<!tpu.dma_semaphore, #tpu.memory_space<semaphore_mem>>)
      %dma_start3A_16 = arith.constant 1 : i32
      %dma_start3A_17 = arith.constant 0 : i32
      %dma_start3A_18 = tpu.memref_slice %arg12[%dma_start3A_16, %dma_start3A_17] : memref<160x125xi32, #tpu.memory_space<vmem>> -> memref<1x125xi32, #tpu.memory_space<vmem>>
      %dma_start3A_19 = tpu.memref_squeeze %dma_start3A_18 : memref<1x125xi32, #tpu.memory_space<vmem>> -> memref<125xi32, #tpu.memory_space<vmem>>
      %dma_start3A_20 = arith.constant 0 : i32
      %dma_start3A_21 = arith.constant 0 : i32
      %dma_start3A_22 = tpu.memref_slice %arg2[%dma_start3A_20, %dma_start3A_21] : memref<10000x64xf32, #tpu.memory_space<hbm>> -> memref<10000x64xf32, #tpu.memory_space<hbm>>
      tpu.enqueue_indirect_dma source(%dma_start3A_22 : memref<10000x64xf32, #tpu.memory_space<hbm>>) target(%arg16 : memref<125x64xf32, #tpu.memory_space<vmem>>) offsets(%dma_start3A_19 : memref<125xi32, #tpu.memory_space<vmem>>) semaphore(%arg19 : memref<!tpu.dma_semaphore, #tpu.memory_space<semaphore_mem>>)
      %scan3A = arith.constant 0 : i32
      %scan3A_23 = arith.constant 0 : i32
      %scan3A_24 = arith.constant 40 : i32
      %scan3A_25 = arith.addi %scan3A_23, %scan3A_24 : i32
      %scan3A_26 = arith.constant 1 : i32
      scf.for %scan3A_50 = %scan3A_23 to %scan3A_25 step %scan3A_26  : i32 {
        %mul3A_51 = arith.constant 4 : i32
        %mul3A_52 = arith.muli %mul3A_51, %scan3A_50 : i32
        %dma_wait3A_53 = arith.constant 0 : i32
        %dma_wait3A_54 = arith.constant 0 : i32
        %dma_wait3A_55 = tpu.memref_slice %arg12[%dma_wait3A_53, %dma_wait3A_54] : memref<160x125xi32, #tpu.memory_space<vmem>> -> memref<1x125xi32, #tpu.memory_space<vmem>>
        %dma_wait3A_56 = tpu.memref_squeeze %dma_wait3A_55 : memref<1x125xi32, #tpu.memory_space<vmem>> -> memref<125xi32, #tpu.memory_space<vmem>>
        %dma_wait3A_57 = arith.constant 0 : i32
        %dma_wait3A_58 = arith.constant 0 : i32
        %dma_wait3A_59 = tpu.memref_slice %arg2[%dma_wait3A_57, %dma_wait3A_58] : memref<10000x64xf32, #tpu.memory_space<hbm>> -> memref<10000x64xf32, #tpu.memory_space<hbm>>
        tpu.wait_indirect_dma semaphore(%arg19 : memref<!tpu.dma_semaphore, #tpu.memory_space<semaphore_mem>>) src(%dma_wait3A_59 : memref<10000x64xf32, #tpu.memory_space<hbm>>) dst(%arg15 : memref<125x64xf32, #tpu.memory_space<vmem>>)
        %dma_wait3A_60 = arith.constant 0 : i32
        %dma_wait3A_61 = arith.constant 0 : i32
        %dma_wait3A_62 = tpu.memref_slice %arg12[%dma_wait3A_60, %dma_wait3A_61] : memref<160x125xi32, #tpu.memory_space<vmem>> -> memref<1x125xi32, #tpu.memory_space<vmem>>
        %dma_wait3A_63 = tpu.memref_squeeze %dma_wait3A_62 : memref<1x125xi32, #tpu.memory_space<vmem>> -> memref<125xi32, #tpu.memory_space<vmem>>
        %dma_wait3A_64 = arith.constant 0 : i32
        %dma_wait3A_65 = arith.constant 0 : i32
        %dma_wait3A_66 = tpu.memref_slice %arg2[%dma_wait3A_64, %dma_wait3A_65] : memref<10000x64xf32, #tpu.memory_space<hbm>> -> memref<10000x64xf32, #tpu.memory_space<hbm>>
        tpu.wait_indirect_dma semaphore(%arg19 : memref<!tpu.dma_semaphore, #tpu.memory_space<semaphore_mem>>) src(%dma_wait3A_66 : memref<10000x64xf32, #tpu.memory_space<hbm>>) dst(%arg16 : memref<125x64xf32, #tpu.memory_space<vmem>>)
        %add3A = arith.constant 0 : i32
        %add3A_67 = arith.addi %mul3A_52, %add3A : i32
        %dma_start3A_68 = arith.constant 0 : i32
        %dma_start3A_69 = tpu.memref_slice %arg13[%add3A_67, %dma_start3A_68] : memref<160x125xi32, #tpu.memory_space<vmem>> -> memref<1x125xi32, #tpu.memory_space<vmem>>
        %dma_start3A_70 = tpu.memref_squeeze %dma_start3A_69 : memref<1x125xi32, #tpu.memory_space<vmem>> -> memref<125xi32, #tpu.memory_space<vmem>>
        %dma_start3A_71 = arith.constant 0 : i32
        %dma_start3A_72 = arith.constant 0 : i32
        %dma_start3A_73 = tpu.memref_slice %arg14[%dma_start3A_71, %dma_start3A_72] : memref<10240x64xf32, #tpu.memory_space<vmem_shared>> -> memref<10240x64xf32, #tpu.memory_space<vmem_shared>>
        tpu.enqueue_indirect_dma source(%arg15 : memref<125x64xf32, #tpu.memory_space<vmem>>) target(%dma_start3A_73 : memref<10240x64xf32, #tpu.memory_space<vmem_shared>>) offsets(%dma_start3A_70 : memref<125xi32, #tpu.memory_space<vmem>>) semaphore(%arg21 : memref<!tpu.dma_semaphore, #tpu.memory_space<semaphore_mem>>) {add = true}
        %add3A_74 = arith.constant 1 : i32
        %add3A_75 = arith.addi %mul3A_52, %add3A_74 : i32
        %dma_start3A_76 = arith.constant 0 : i32
        %dma_start3A_77 = tpu.memref_slice %arg13[%add3A_75, %dma_start3A_76] : memref<160x125xi32, #tpu.memory_space<vmem>> -> memref<1x125xi32, #tpu.memory_space<vmem>>
        %dma_start3A_78 = tpu.memref_squeeze %dma_start3A_77 : memref<1x125xi32, #tpu.memory_space<vmem>> -> memref<125xi32, #tpu.memory_space<vmem>>
        %dma_start3A_79 = arith.constant 0 : i32
        %dma_start3A_80 = arith.constant 0 : i32
        %dma_start3A_81 = tpu.memref_slice %arg14[%dma_start3A_79, %dma_start3A_80] : memref<10240x64xf32, #tpu.memory_space<vmem_shared>> -> memref<10240x64xf32, #tpu.memory_space<vmem_shared>>
        tpu.enqueue_indirect_dma source(%arg16 : memref<125x64xf32, #tpu.memory_space<vmem>>) target(%dma_start3A_81 : memref<10240x64xf32, #tpu.memory_space<vmem_shared>>) offsets(%dma_start3A_78 : memref<125xi32, #tpu.memory_space<vmem>>) semaphore(%arg21 : memref<!tpu.dma_semaphore, #tpu.memory_space<semaphore_mem>>) {add = true}
        %add3A_82 = arith.constant 0 : i32
        %add3A_83 = arith.addi %mul3A_52, %add3A_82 : i32
        %dma_start3A_84 = arith.constant 0 : i32
        %dma_start3A_85 = tpu.memref_slice %arg13[%add3A_83, %dma_start3A_84] : memref<160x125xi32, #tpu.memory_space<vmem>> -> memref<1x125xi32, #tpu.memory_space<vmem>>
        %dma_start3A_86 = tpu.memref_squeeze %dma_start3A_85 : memref<1x125xi32, #tpu.memory_space<vmem>> -> memref<125xi32, #tpu.memory_space<vmem>>
        %dma_start3A_87 = arith.constant 0 : i32
        %dma_start3A_88 = arith.constant 0 : i32
        %dma_start3A_89 = tpu.memref_slice %arg25[%dma_start3A_87, %dma_start3A_88] : memref<10240x16xf32, #tpu.memory_space<vmem_shared>> -> memref<10240x16xf32, #tpu.memory_space<vmem_shared>>
        tpu.enqueue_indirect_dma source(%arg24 : memref<125x16xf32, #tpu.memory_space<vmem>>) target(%dma_start3A_89 : memref<10240x16xf32, #tpu.memory_space<vmem_shared>>) offsets(%dma_start3A_86 : memref<125xi32, #tpu.memory_space<vmem>>) semaphore(%arg23 : memref<!tpu.dma_semaphore, #tpu.memory_space<semaphore_mem>>) {add = true}
        %add3A_90 = arith.constant 1 : i32
        %add3A_91 = arith.addi %mul3A_52, %add3A_90 : i32
        %dma_start3A_92 = arith.constant 0 : i32
        %dma_start3A_93 = tpu.memref_slice %arg13[%add3A_91, %dma_start3A_92] : memref<160x125xi32, #tpu.memory_space<vmem>> -> memref<1x125xi32, #tpu.memory_space<vmem>>
        %dma_start3A_94 = tpu.memref_squeeze %dma_start3A_93 : memref<1x125xi32, #tpu.memory_space<vmem>> -> memref<125xi32, #tpu.memory_space<vmem>>
        %dma_start3A_95 = arith.constant 0 : i32
        %dma_start3A_96 = arith.constant 0 : i32
        %dma_start3A_97 = tpu.memref_slice %arg25[%dma_start3A_95, %dma_start3A_96] : memref<10240x16xf32, #tpu.memory_space<vmem_shared>> -> memref<10240x16xf32, #tpu.memory_space<vmem_shared>>
        tpu.enqueue_indirect_dma source(%arg24 : memref<125x16xf32, #tpu.memory_space<vmem>>) target(%dma_start3A_97 : memref<10240x16xf32, #tpu.memory_space<vmem_shared>>) offsets(%dma_start3A_94 : memref<125xi32, #tpu.memory_space<vmem>>) semaphore(%arg23 : memref<!tpu.dma_semaphore, #tpu.memory_space<semaphore_mem>>) {add = true}
        %add3A_98 = arith.constant 2 : i32
        %add3A_99 = arith.addi %mul3A_52, %add3A_98 : i32
        %add3A_100 = arith.constant 0 : i32
        %add3A_101 = arith.addi %add3A_99, %add3A_100 : i32
        %min3A = arith.constant 159 : i32
        %min3A_102 = arith.minsi %add3A_101, %min3A : i32
        %dma_start3A_103 = arith.constant 0 : i32
        %dma_start3A_104 = tpu.memref_slice %arg12[%min3A_102, %dma_start3A_103] : memref<160x125xi32, #tpu.memory_space<vmem>> -> memref<1x125xi32, #tpu.memory_space<vmem>>
        %dma_start3A_105 = tpu.memref_squeeze %dma_start3A_104 : memref<1x125xi32, #tpu.memory_space<vmem>> -> memref<125xi32, #tpu.memory_space<vmem>>
        %dma_start3A_106 = arith.constant 0 : i32
        %dma_start3A_107 = arith.constant 0 : i32
        %dma_start3A_108 = tpu.memref_slice %arg2[%dma_start3A_106, %dma_start3A_107] : memref<10000x64xf32, #tpu.memory_space<hbm>> -> memref<10000x64xf32, #tpu.memory_space<hbm>>
        tpu.enqueue_indirect_dma source(%dma_start3A_108 : memref<10000x64xf32, #tpu.memory_space<hbm>>) target(%arg17 : memref<125x64xf32, #tpu.memory_space<vmem>>) offsets(%dma_start3A_105 : memref<125xi32, #tpu.memory_space<vmem>>) semaphore(%arg20 : memref<!tpu.dma_semaphore, #tpu.memory_space<semaphore_mem>>)
        %add3A_109 = arith.constant 2 : i32
        %add3A_110 = arith.addi %mul3A_52, %add3A_109 : i32
        %add3A_111 = arith.constant 1 : i32
        %add3A_112 = arith.addi %add3A_110, %add3A_111 : i32
        %min3A_113 = arith.constant 159 : i32
        %min3A_114 = arith.minsi %add3A_112, %min3A_113 : i32
        %dma_start3A_115 = arith.constant 0 : i32
        %dma_start3A_116 = tpu.memref_slice %arg12[%min3A_114, %dma_start3A_115] : memref<160x125xi32, #tpu.memory_space<vmem>> -> memref<1x125xi32, #tpu.memory_space<vmem>>
        %dma_start3A_117 = tpu.memref_squeeze %dma_start3A_116 : memref<1x125xi32, #tpu.memory_space<vmem>> -> memref<125xi32, #tpu.memory_space<vmem>>
        %dma_start3A_118 = arith.constant 0 : i32
        %dma_start3A_119 = arith.constant 0 : i32
        %dma_start3A_120 = tpu.memref_slice %arg2[%dma_start3A_118, %dma_start3A_119] : memref<10000x64xf32, #tpu.memory_space<hbm>> -> memref<10000x64xf32, #tpu.memory_space<hbm>>
        tpu.enqueue_indirect_dma source(%dma_start3A_120 : memref<10000x64xf32, #tpu.memory_space<hbm>>) target(%arg18 : memref<125x64xf32, #tpu.memory_space<vmem>>) offsets(%dma_start3A_117 : memref<125xi32, #tpu.memory_space<vmem>>) semaphore(%arg20 : memref<!tpu.dma_semaphore, #tpu.memory_space<semaphore_mem>>)
        %add3A_121 = arith.constant 0 : i32
        %add3A_122 = arith.addi %mul3A_52, %add3A_121 : i32
        %dma_wait3A_123 = arith.constant 0 : i32
        %dma_wait3A_124 = tpu.memref_slice %arg13[%add3A_122, %dma_wait3A_123] : memref<160x125xi32, #tpu.memory_space<vmem>> -> memref<1x125xi32, #tpu.memory_space<vmem>>
        %dma_wait3A_125 = tpu.memref_squeeze %dma_wait3A_124 : memref<1x125xi32, #tpu.memory_space<vmem>> -> memref<125xi32, #tpu.memory_space<vmem>>
        %dma_wait3A_126 = arith.constant 0 : i32
        %dma_wait3A_127 = arith.constant 0 : i32
        %dma_wait3A_128 = tpu.memref_slice %arg14[%dma_wait3A_126, %dma_wait3A_127] : memref<10240x64xf32, #tpu.memory_space<vmem_shared>> -> memref<10240x64xf32, #tpu.memory_space<vmem_shared>>
        tpu.wait_indirect_dma semaphore(%arg21 : memref<!tpu.dma_semaphore, #tpu.memory_space<semaphore_mem>>) src(%arg15 : memref<125x64xf32, #tpu.memory_space<vmem>>) dst(%dma_wait3A_128 : memref<10240x64xf32, #tpu.memory_space<vmem_shared>>)
        %add3A_129 = arith.constant 1 : i32
        %add3A_130 = arith.addi %mul3A_52, %add3A_129 : i32
        %dma_wait3A_131 = arith.constant 0 : i32
        %dma_wait3A_132 = tpu.memref_slice %arg13[%add3A_130, %dma_wait3A_131] : memref<160x125xi32, #tpu.memory_space<vmem>> -> memref<1x125xi32, #tpu.memory_space<vmem>>
        %dma_wait3A_133 = tpu.memref_squeeze %dma_wait3A_132 : memref<1x125xi32, #tpu.memory_space<vmem>> -> memref<125xi32, #tpu.memory_space<vmem>>
        %dma_wait3A_134 = arith.constant 0 : i32
        %dma_wait3A_135 = arith.constant 0 : i32
        %dma_wait3A_136 = tpu.memref_slice %arg14[%dma_wait3A_134, %dma_wait3A_135] : memref<10240x64xf32, #tpu.memory_space<vmem_shared>> -> memref<10240x64xf32, #tpu.memory_space<vmem_shared>>
        tpu.wait_indirect_dma semaphore(%arg21 : memref<!tpu.dma_semaphore, #tpu.memory_space<semaphore_mem>>) src(%arg16 : memref<125x64xf32, #tpu.memory_space<vmem>>) dst(%dma_wait3A_136 : memref<10240x64xf32, #tpu.memory_space<vmem_shared>>)
        %add3A_137 = arith.constant 0 : i32
        %add3A_138 = arith.addi %mul3A_52, %add3A_137 : i32
        %dma_wait3A_139 = arith.constant 0 : i32
        %dma_wait3A_140 = tpu.memref_slice %arg13[%add3A_138, %dma_wait3A_139] : memref<160x125xi32, #tpu.memory_space<vmem>> -> memref<1x125xi32, #tpu.memory_space<vmem>>
        %dma_wait3A_141 = tpu.memref_squeeze %dma_wait3A_140 : memref<1x125xi32, #tpu.memory_space<vmem>> -> memref<125xi32, #tpu.memory_space<vmem>>
        %dma_wait3A_142 = arith.constant 0 : i32
        %dma_wait3A_143 = arith.constant 0 : i32
        %dma_wait3A_144 = tpu.memref_slice %arg25[%dma_wait3A_142, %dma_wait3A_143] : memref<10240x16xf32, #tpu.memory_space<vmem_shared>> -> memref<10240x16xf32, #tpu.memory_space<vmem_shared>>
        tpu.wait_indirect_dma semaphore(%arg23 : memref<!tpu.dma_semaphore, #tpu.memory_space<semaphore_mem>>) src(%arg24 : memref<125x16xf32, #tpu.memory_space<vmem>>) dst(%dma_wait3A_144 : memref<10240x16xf32, #tpu.memory_space<vmem_shared>>)
        %add3A_145 = arith.constant 1 : i32
        %add3A_146 = arith.addi %mul3A_52, %add3A_145 : i32
        %dma_wait3A_147 = arith.constant 0 : i32
        %dma_wait3A_148 = tpu.memref_slice %arg13[%add3A_146, %dma_wait3A_147] : memref<160x125xi32, #tpu.memory_space<vmem>> -> memref<1x125xi32, #tpu.memory_space<vmem>>
        %dma_wait3A_149 = tpu.memref_squeeze %dma_wait3A_148 : memref<1x125xi32, #tpu.memory_space<vmem>> -> memref<125xi32, #tpu.memory_space<vmem>>
        %dma_wait3A_150 = arith.constant 0 : i32
        %dma_wait3A_151 = arith.constant 0 : i32
        %dma_wait3A_152 = tpu.memref_slice %arg25[%dma_wait3A_150, %dma_wait3A_151] : memref<10240x16xf32, #tpu.memory_space<vmem_shared>> -> memref<10240x16xf32, #tpu.memory_space<vmem_shared>>
        tpu.wait_indirect_dma semaphore(%arg23 : memref<!tpu.dma_semaphore, #tpu.memory_space<semaphore_mem>>) src(%arg24 : memref<125x16xf32, #tpu.memory_space<vmem>>) dst(%dma_wait3A_152 : memref<10240x16xf32, #tpu.memory_space<vmem_shared>>)
        %mul3A_153 = arith.constant 4 : i32
        %mul3A_154 = arith.muli %mul3A_153, %scan3A_50 : i32
        %add3A_155 = arith.constant 2 : i32
        %add3A_156 = arith.addi %mul3A_154, %add3A_155 : i32
        %dma_wait3A_157 = arith.constant 0 : i32
        %dma_wait3A_158 = arith.constant 0 : i32
        %dma_wait3A_159 = tpu.memref_slice %arg12[%dma_wait3A_157, %dma_wait3A_158] : memref<160x125xi32, #tpu.memory_space<vmem>> -> memref<1x125xi32, #tpu.memory_space<vmem>>
        %dma_wait3A_160 = tpu.memref_squeeze %dma_wait3A_159 : memref<1x125xi32, #tpu.memory_space<vmem>> -> memref<125xi32, #tpu.memory_space<vmem>>
        %dma_wait3A_161 = arith.constant 0 : i32
        %dma_wait3A_162 = arith.constant 0 : i32
        %dma_wait3A_163 = tpu.memref_slice %arg2[%dma_wait3A_161, %dma_wait3A_162] : memref<10000x64xf32, #tpu.memory_space<hbm>> -> memref<10000x64xf32, #tpu.memory_space<hbm>>
        tpu.wait_indirect_dma semaphore(%arg20 : memref<!tpu.dma_semaphore, #tpu.memory_space<semaphore_mem>>) src(%dma_wait3A_163 : memref<10000x64xf32, #tpu.memory_space<hbm>>) dst(%arg17 : memref<125x64xf32, #tpu.memory_space<vmem>>)
        %dma_wait3A_164 = arith.constant 0 : i32
        %dma_wait3A_165 = arith.constant 0 : i32
        %dma_wait3A_166 = tpu.memref_slice %arg12[%dma_wait3A_164, %dma_wait3A_165] : memref<160x125xi32, #tpu.memory_space<vmem>> -> memref<1x125xi32, #tpu.memory_space<vmem>>
        %dma_wait3A_167 = tpu.memref_squeeze %dma_wait3A_166 : memref<1x125xi32, #tpu.memory_space<vmem>> -> memref<125xi32, #tpu.memory_space<vmem>>
        %dma_wait3A_168 = arith.constant 0 : i32
        %dma_wait3A_169 = arith.constant 0 : i32
        %dma_wait3A_170 = tpu.memref_slice %arg2[%dma_wait3A_168, %dma_wait3A_169] : memref<10000x64xf32, #tpu.memory_space<hbm>> -> memref<10000x64xf32, #tpu.memory_space<hbm>>
        tpu.wait_indirect_dma semaphore(%arg20 : memref<!tpu.dma_semaphore, #tpu.memory_space<semaphore_mem>>) src(%dma_wait3A_170 : memref<10000x64xf32, #tpu.memory_space<hbm>>) dst(%arg18 : memref<125x64xf32, #tpu.memory_space<vmem>>)
        %add3A_171 = arith.constant 0 : i32
        %add3A_172 = arith.addi %add3A_156, %add3A_171 : i32
        %dma_start3A_173 = arith.constant 0 : i32
        %dma_start3A_174 = tpu.memref_slice %arg13[%add3A_172, %dma_start3A_173] : memref<160x125xi32, #tpu.memory_space<vmem>> -> memref<1x125xi32, #tpu.memory_space<vmem>>
        %dma_start3A_175 = tpu.memref_squeeze %dma_start3A_174 : memref<1x125xi32, #tpu.memory_space<vmem>> -> memref<125xi32, #tpu.memory_space<vmem>>
        %dma_start3A_176 = arith.constant 0 : i32
        %dma_start3A_177 = arith.constant 0 : i32
        %dma_start3A_178 = tpu.memref_slice %arg14[%dma_start3A_176, %dma_start3A_177] : memref<10240x64xf32, #tpu.memory_space<vmem_shared>> -> memref<10240x64xf32, #tpu.memory_space<vmem_shared>>
        tpu.enqueue_indirect_dma source(%arg17 : memref<125x64xf32, #tpu.memory_space<vmem>>) target(%dma_start3A_178 : memref<10240x64xf32, #tpu.memory_space<vmem_shared>>) offsets(%dma_start3A_175 : memref<125xi32, #tpu.memory_space<vmem>>) semaphore(%arg22 : memref<!tpu.dma_semaphore, #tpu.memory_space<semaphore_mem>>) {add = true}
        %add3A_179 = arith.constant 1 : i32
        %add3A_180 = arith.addi %add3A_156, %add3A_179 : i32
        %dma_start3A_181 = arith.constant 0 : i32
        %dma_start3A_182 = tpu.memref_slice %arg13[%add3A_180, %dma_start3A_181] : memref<160x125xi32, #tpu.memory_space<vmem>> -> memref<1x125xi32, #tpu.memory_space<vmem>>
        %dma_start3A_183 = tpu.memref_squeeze %dma_start3A_182 : memref<1x125xi32, #tpu.memory_space<vmem>> -> memref<125xi32, #tpu.memory_space<vmem>>
        %dma_start3A_184 = arith.constant 0 : i32
        %dma_start3A_185 = arith.constant 0 : i32
        %dma_start3A_186 = tpu.memref_slice %arg14[%dma_start3A_184, %dma_start3A_185] : memref<10240x64xf32, #tpu.memory_space<vmem_shared>> -> memref<10240x64xf32, #tpu.memory_space<vmem_shared>>
        tpu.enqueue_indirect_dma source(%arg18 : memref<125x64xf32, #tpu.memory_space<vmem>>) target(%dma_start3A_186 : memref<10240x64xf32, #tpu.memory_space<vmem_shared>>) offsets(%dma_start3A_183 : memref<125xi32, #tpu.memory_space<vmem>>) semaphore(%arg22 : memref<!tpu.dma_semaphore, #tpu.memory_space<semaphore_mem>>) {add = true}
        %add3A_187 = arith.constant 0 : i32
        %add3A_188 = arith.addi %add3A_156, %add3A_187 : i32
        %dma_start3A_189 = arith.constant 0 : i32
        %dma_start3A_190 = tpu.memref_slice %arg13[%add3A_188, %dma_start3A_189] : memref<160x125xi32, #tpu.memory_space<vmem>> -> memref<1x125xi32, #tpu.memory_space<vmem>>
        %dma_start3A_191 = tpu.memref_squeeze %dma_start3A_190 : memref<1x125xi32, #tpu.memory_space<vmem>> -> memref<125xi32, #tpu.memory_space<vmem>>
        %dma_start3A_192 = arith.constant 0 : i32
        %dma_start3A_193 = arith.constant 0 : i32
        %dma_start3A_194 = tpu.memref_slice %arg25[%dma_start3A_192, %dma_start3A_193] : memref<10240x16xf32, #tpu.memory_space<vmem_shared>> -> memref<10240x16xf32, #tpu.memory_space<vmem_shared>>
        tpu.enqueue_indirect_dma source(%arg24 : memref<125x16xf32, #tpu.memory_space<vmem>>) target(%dma_start3A_194 : memref<10240x16xf32, #tpu.memory_space<vmem_shared>>) offsets(%dma_start3A_191 : memref<125xi32, #tpu.memory_space<vmem>>) semaphore(%arg23 : memref<!tpu.dma_semaphore, #tpu.memory_space<semaphore_mem>>) {add = true}
        %add3A_195 = arith.constant 1 : i32
        %add3A_196 = arith.addi %add3A_156, %add3A_195 : i32
        %dma_start3A_197 = arith.constant 0 : i32
        %dma_start3A_198 = tpu.memref_slice %arg13[%add3A_196, %dma_start3A_197] : memref<160x125xi32, #tpu.memory_space<vmem>> -> memref<1x125xi32, #tpu.memory_space<vmem>>
        %dma_start3A_199 = tpu.memref_squeeze %dma_start3A_198 : memref<1x125xi32, #tpu.memory_space<vmem>> -> memref<125xi32, #tpu.memory_space<vmem>>
        %dma_start3A_200 = arith.constant 0 : i32
        %dma_start3A_201 = arith.constant 0 : i32
        %dma_start3A_202 = tpu.memref_slice %arg25[%dma_start3A_200, %dma_start3A_201] : memref<10240x16xf32, #tpu.memory_space<vmem_shared>> -> memref<10240x16xf32, #tpu.memory_space<vmem_shared>>
        tpu.enqueue_indirect_dma source(%arg24 : memref<125x16xf32, #tpu.memory_space<vmem>>) target(%dma_start3A_202 : memref<10240x16xf32, #tpu.memory_space<vmem_shared>>) offsets(%dma_start3A_199 : memref<125xi32, #tpu.memory_space<vmem>>) semaphore(%arg23 : memref<!tpu.dma_semaphore, #tpu.memory_space<semaphore_mem>>) {add = true}
        %add3A_203 = arith.constant 2 : i32
        %add3A_204 = arith.addi %add3A_156, %add3A_203 : i32
        %add3A_205 = arith.constant 0 : i32
        %add3A_206 = arith.addi %add3A_204, %add3A_205 : i32
        %min3A_207 = arith.constant 159 : i32
        %min3A_208 = arith.minsi %add3A_206, %min3A_207 : i32
        %dma_start3A_209 = arith.constant 0 : i32
        %dma_start3A_210 = tpu.memref_slice %arg12[%min3A_208, %dma_start3A_209] : memref<160x125xi32, #tpu.memory_space<vmem>> -> memref<1x125xi32, #tpu.memory_space<vmem>>
        %dma_start3A_211 = tpu.memref_squeeze %dma_start3A_210 : memref<1x125xi32, #tpu.memory_space<vmem>> -> memref<125xi32, #tpu.memory_space<vmem>>
        %dma_start3A_212 = arith.constant 0 : i32
        %dma_start3A_213 = arith.constant 0 : i32
        %dma_start3A_214 = tpu.memref_slice %arg2[%dma_start3A_212, %dma_start3A_213] : memref<10000x64xf32, #tpu.memory_space<hbm>> -> memref<10000x64xf32, #tpu.memory_space<hbm>>
        tpu.enqueue_indirect_dma source(%dma_start3A_214 : memref<10000x64xf32, #tpu.memory_space<hbm>>) target(%arg15 : memref<125x64xf32, #tpu.memory_space<vmem>>) offsets(%dma_start3A_211 : memref<125xi32, #tpu.memory_space<vmem>>) semaphore(%arg19 : memref<!tpu.dma_semaphore, #tpu.memory_space<semaphore_mem>>)
        %add3A_215 = arith.constant 2 : i32
        %add3A_216 = arith.addi %add3A_156, %add3A_215 : i32
        %add3A_217 = arith.constant 1 : i32
        %add3A_218 = arith.addi %add3A_216, %add3A_217 : i32
        %min3A_219 = arith.constant 159 : i32
        %min3A_220 = arith.minsi %add3A_218, %min3A_219 : i32
        %dma_start3A_221 = arith.constant 0 : i32
        %dma_start3A_222 = tpu.memref_slice %arg12[%min3A_220, %dma_start3A_221] : memref<160x125xi32, #tpu.memory_space<vmem>> -> memref<1x125xi32, #tpu.memory_space<vmem>>
        %dma_start3A_223 = tpu.memref_squeeze %dma_start3A_222 : memref<1x125xi32, #tpu.memory_space<vmem>> -> memref<125xi32, #tpu.memory_space<vmem>>
        %dma_start3A_224 = arith.constant 0 : i32
        %dma_start3A_225 = arith.constant 0 : i32
        %dma_start3A_226 = tpu.memref_slice %arg2[%dma_start3A_224, %dma_start3A_225] : memref<10000x64xf32, #tpu.memory_space<hbm>> -> memref<10000x64xf32, #tpu.memory_space<hbm>>
        tpu.enqueue_indirect_dma source(%dma_start3A_226 : memref<10000x64xf32, #tpu.memory_space<hbm>>) target(%arg16 : memref<125x64xf32, #tpu.memory_space<vmem>>) offsets(%dma_start3A_223 : memref<125xi32, #tpu.memory_space<vmem>>) semaphore(%arg19 : memref<!tpu.dma_semaphore, #tpu.memory_space<semaphore_mem>>)
        %add3A_227 = arith.constant 0 : i32
        %add3A_228 = arith.addi %add3A_156, %add3A_227 : i32
        %dma_wait3A_229 = arith.constant 0 : i32
        %dma_wait3A_230 = tpu.memref_slice %arg13[%add3A_228, %dma_wait3A_229] : memref<160x125xi32, #tpu.memory_space<vmem>> -> memref<1x125xi32, #tpu.memory_space<vmem>>
        %dma_wait3A_231 = tpu.memref_squeeze %dma_wait3A_230 : memref<1x125xi32, #tpu.memory_space<vmem>> -> memref<125xi32, #tpu.memory_space<vmem>>
        %dma_wait3A_232 = arith.constant 0 : i32
        %dma_wait3A_233 = arith.constant 0 : i32
        %dma_wait3A_234 = tpu.memref_slice %arg14[%dma_wait3A_232, %dma_wait3A_233] : memref<10240x64xf32, #tpu.memory_space<vmem_shared>> -> memref<10240x64xf32, #tpu.memory_space<vmem_shared>>
        tpu.wait_indirect_dma semaphore(%arg22 : memref<!tpu.dma_semaphore, #tpu.memory_space<semaphore_mem>>) src(%arg17 : memref<125x64xf32, #tpu.memory_space<vmem>>) dst(%dma_wait3A_234 : memref<10240x64xf32, #tpu.memory_space<vmem_shared>>)
        %add3A_235 = arith.constant 1 : i32
        %add3A_236 = arith.addi %add3A_156, %add3A_235 : i32
        %dma_wait3A_237 = arith.constant 0 : i32
        %dma_wait3A_238 = tpu.memref_slice %arg13[%add3A_236, %dma_wait3A_237] : memref<160x125xi32, #tpu.memory_space<vmem>> -> memref<1x125xi32, #tpu.memory_space<vmem>>
        %dma_wait3A_239 = tpu.memref_squeeze %dma_wait3A_238 : memref<1x125xi32, #tpu.memory_space<vmem>> -> memref<125xi32, #tpu.memory_space<vmem>>
        %dma_wait3A_240 = arith.constant 0 : i32
        %dma_wait3A_241 = arith.constant 0 : i32
        %dma_wait3A_242 = tpu.memref_slice %arg14[%dma_wait3A_240, %dma_wait3A_241] : memref<10240x64xf32, #tpu.memory_space<vmem_shared>> -> memref<10240x64xf32, #tpu.memory_space<vmem_shared>>
        tpu.wait_indirect_dma semaphore(%arg22 : memref<!tpu.dma_semaphore, #tpu.memory_space<semaphore_mem>>) src(%arg18 : memref<125x64xf32, #tpu.memory_space<vmem>>) dst(%dma_wait3A_242 : memref<10240x64xf32, #tpu.memory_space<vmem_shared>>)
        %add3A_243 = arith.constant 0 : i32
        %add3A_244 = arith.addi %add3A_156, %add3A_243 : i32
        %dma_wait3A_245 = arith.constant 0 : i32
        %dma_wait3A_246 = tpu.memref_slice %arg13[%add3A_244, %dma_wait3A_245] : memref<160x125xi32, #tpu.memory_space<vmem>> -> memref<1x125xi32, #tpu.memory_space<vmem>>
        %dma_wait3A_247 = tpu.memref_squeeze %dma_wait3A_246 : memref<1x125xi32, #tpu.memory_space<vmem>> -> memref<125xi32, #tpu.memory_space<vmem>>
        %dma_wait3A_248 = arith.constant 0 : i32
        %dma_wait3A_249 = arith.constant 0 : i32
        %dma_wait3A_250 = tpu.memref_slice %arg25[%dma_wait3A_248, %dma_wait3A_249] : memref<10240x16xf32, #tpu.memory_space<vmem_shared>> -> memref<10240x16xf32, #tpu.memory_space<vmem_shared>>
        tpu.wait_indirect_dma semaphore(%arg23 : memref<!tpu.dma_semaphore, #tpu.memory_space<semaphore_mem>>) src(%arg24 : memref<125x16xf32, #tpu.memory_space<vmem>>) dst(%dma_wait3A_250 : memref<10240x16xf32, #tpu.memory_space<vmem_shared>>)
        %add3A_251 = arith.constant 1 : i32
        %add3A_252 = arith.addi %add3A_156, %add3A_251 : i32
        %dma_wait3A_253 = arith.constant 0 : i32
        %dma_wait3A_254 = tpu.memref_slice %arg13[%add3A_252, %dma_wait3A_253] : memref<160x125xi32, #tpu.memory_space<vmem>> -> memref<1x125xi32, #tpu.memory_space<vmem>>
        %dma_wait3A_255 = tpu.memref_squeeze %dma_wait3A_254 : memref<1x125xi32, #tpu.memory_space<vmem>> -> memref<125xi32, #tpu.memory_space<vmem>>
        %dma_wait3A_256 = arith.constant 0 : i32
        %dma_wait3A_257 = arith.constant 0 : i32
        %dma_wait3A_258 = tpu.memref_slice %arg25[%dma_wait3A_256, %dma_wait3A_257] : memref<10240x16xf32, #tpu.memory_space<vmem_shared>> -> memref<10240x16xf32, #tpu.memory_space<vmem_shared>>
        tpu.wait_indirect_dma semaphore(%arg23 : memref<!tpu.dma_semaphore, #tpu.memory_space<semaphore_mem>>) src(%arg24 : memref<125x16xf32, #tpu.memory_space<vmem>>) dst(%dma_wait3A_258 : memref<10240x16xf32, #tpu.memory_space<vmem_shared>>)
      }
      %scan3A_27 = arith.constant 40 : i32
      %dma_wait3A = arith.constant 0 : i32
      %dma_wait3A_28 = arith.constant 0 : i32
      %dma_wait3A_29 = tpu.memref_slice %arg12[%dma_wait3A, %dma_wait3A_28] : memref<160x125xi32, #tpu.memory_space<vmem>> -> memref<1x125xi32, #tpu.memory_space<vmem>>
      %dma_wait3A_30 = tpu.memref_squeeze %dma_wait3A_29 : memref<1x125xi32, #tpu.memory_space<vmem>> -> memref<125xi32, #tpu.memory_space<vmem>>
      %dma_wait3A_31 = arith.constant 0 : i32
      %dma_wait3A_32 = arith.constant 0 : i32
      %dma_wait3A_33 = tpu.memref_slice %arg2[%dma_wait3A_31, %dma_wait3A_32] : memref<10000x64xf32, #tpu.memory_space<hbm>> -> memref<10000x64xf32, #tpu.memory_space<hbm>>
      tpu.wait_indirect_dma semaphore(%arg19 : memref<!tpu.dma_semaphore, #tpu.memory_space<semaphore_mem>>) src(%dma_wait3A_33 : memref<10000x64xf32, #tpu.memory_space<hbm>>) dst(%arg15 : memref<125x64xf32, #tpu.memory_space<vmem>>)
      %dma_wait3A_34 = arith.constant 0 : i32
      %dma_wait3A_35 = arith.constant 0 : i32
      %dma_wait3A_36 = tpu.memref_slice %arg12[%dma_wait3A_34, %dma_wait3A_35] : memref<160x125xi32, #tpu.memory_space<vmem>> -> memref<1x125xi32, #tpu.memory_space<vmem>>
      %dma_wait3A_37 = tpu.memref_squeeze %dma_wait3A_36 : memref<1x125xi32, #tpu.memory_space<vmem>> -> memref<125xi32, #tpu.memory_space<vmem>>
      %dma_wait3A_38 = arith.constant 0 : i32
      %dma_wait3A_39 = arith.constant 0 : i32
      %dma_wait3A_40 = tpu.memref_slice %arg2[%dma_wait3A_38, %dma_wait3A_39] : memref<10000x64xf32, #tpu.memory_space<hbm>> -> memref<10000x64xf32, #tpu.memory_space<hbm>>
      tpu.wait_indirect_dma semaphore(%arg19 : memref<!tpu.dma_semaphore, #tpu.memory_space<semaphore_mem>>) src(%dma_wait3A_40 : memref<10000x64xf32, #tpu.memory_space<hbm>>) dst(%arg16 : memref<125x64xf32, #tpu.memory_space<vmem>>)
      %barrier3A_41 = arith.constant 0 : index
      tpu.barrier barrier_id(%barrier3A_41)
      %mul3A_42 = arith.constant 640 : i32
      %mul3A_43 = arith.muli %arg1, %mul3A_42 : i32
      %mul3A_44 = arith.constant 640 : i32
      %mul3A_45 = arith.muli %arg1, %mul3A_44 : i32
      "tpu.region"() ({
        %run_scoped3A = tpu.sem_alloc : memref<!tpu.dma_semaphore, #tpu.memory_space<semaphore_mem>>
        %dma_start3A_50 = arith.constant 0 : i32
        %dma_start3A_51 = tpu.memref_slice %arg9[%mul3A_45, %dma_start3A_50] : memref<10240x64xf32, #tpu.memory_space<hbm>> -> memref<640x64xf32, #tpu.memory_space<hbm>>
        %dma_start3A_52 = arith.constant 0 : i32
        %dma_start3A_53 = tpu.memref_slice %arg14[%mul3A_43, %dma_start3A_52] : memref<10240x64xf32, #tpu.memory_space<vmem_shared>> -> memref<640x64xf32, #tpu.memory_space<vmem_shared>>
        tpu.enqueue_dma source(%dma_start3A_53 : memref<640x64xf32, #tpu.memory_space<vmem_shared>>) target(%dma_start3A_51 : memref<640x64xf32, #tpu.memory_space<hbm>>) target_semaphore(%run_scoped3A : memref<!tpu.dma_semaphore, #tpu.memory_space<semaphore_mem>>)
        %dma_wait3A_54 = arith.constant 0 : i32
        %dma_wait3A_55 = tpu.memref_slice %arg9[%mul3A_45, %dma_wait3A_54] : memref<10240x64xf32, #tpu.memory_space<hbm>> -> memref<640x64xf32, #tpu.memory_space<hbm>>
        %dma_wait3A_56 = arith.constant 0 : i32
        %dma_wait3A_57 = tpu.memref_slice %arg14[%mul3A_43, %dma_wait3A_56] : memref<10240x64xf32, #tpu.memory_space<vmem_shared>> -> memref<640x64xf32, #tpu.memory_space<vmem_shared>>
        tpu.wait_dma2 semaphore(%run_scoped3A : memref<!tpu.dma_semaphore, #tpu.memory_space<semaphore_mem>>) src(%dma_wait3A_57 : memref<640x64xf32, #tpu.memory_space<vmem_shared>>) dst(%dma_wait3A_55 : memref<640x64xf32, #tpu.memory_space<hbm>>)
        tpu.yield
      }) : () -> ()
      %mul3A_46 = arith.constant 640 : i32
      %mul3A_47 = arith.muli %arg1, %mul3A_46 : i32
      %mul3A_48 = arith.constant 640 : i32
      %mul3A_49 = arith.muli %arg1, %mul3A_48 : i32
      "tpu.region"() ({
        %run_scoped3A = tpu.sem_alloc : memref<!tpu.dma_semaphore, #tpu.memory_space<semaphore_mem>>
        %dma_start3A_50 = arith.constant 0 : i32
        %dma_start3A_51 = tpu.memref_slice %arg11[%mul3A_49, %dma_start3A_50] : memref<10240x16xf32, #tpu.memory_space<hbm>> -> memref<640x16xf32, #tpu.memory_space<hbm>>
        %dma_start3A_52 = arith.constant 0 : i32
        %dma_start3A_53 = tpu.memref_slice %arg25[%mul3A_47, %dma_start3A_52] : memref<10240x16xf32, #tpu.memory_space<vmem_shared>> -> memref<640x16xf32, #tpu.memory_space<vmem_shared>>
        tpu.enqueue_dma source(%dma_start3A_53 : memref<640x16xf32, #tpu.memory_space<vmem_shared>>) target(%dma_start3A_51 : memref<640x16xf32, #tpu.memory_space<hbm>>) target_semaphore(%run_scoped3A : memref<!tpu.dma_semaphore, #tpu.memory_space<semaphore_mem>>)
        %dma_wait3A_54 = arith.constant 0 : i32
        %dma_wait3A_55 = tpu.memref_slice %arg11[%mul3A_49, %dma_wait3A_54] : memref<10240x16xf32, #tpu.memory_space<hbm>> -> memref<640x16xf32, #tpu.memory_space<hbm>>
        %dma_wait3A_56 = arith.constant 0 : i32
        %dma_wait3A_57 = tpu.memref_slice %arg25[%mul3A_47, %dma_wait3A_56] : memref<10240x16xf32, #tpu.memory_space<vmem_shared>> -> memref<640x16xf32, #tpu.memory_space<vmem_shared>>
        tpu.wait_dma2 semaphore(%run_scoped3A : memref<!tpu.dma_semaphore, #tpu.memory_space<semaphore_mem>>) src(%dma_wait3A_57 : memref<640x16xf32, #tpu.memory_space<vmem_shared>>) dst(%dma_wait3A_55 : memref<640x16xf32, #tpu.memory_space<hbm>>)
        tpu.yield
      }) : () -> ()
    } else {
    }
    %eq3A_2 = arith.constant 1 : i32
    %eq3A_3 = arith.cmpi eq, %arg0, %eq3A_2 : i32
    %convert_element_type3A_4 = arith.extui %eq3A_3 : i1 to i32
    %cond3A_5 = arith.constant 0 : i32
    %cond3A_6 = arith.cmpi ne, %convert_element_type3A_4, %cond3A_5 : i32
    scf.if %cond3A_6 {
      %mul3A = arith.constant 640 : i32
      %mul3A_7 = arith.muli %arg1, %mul3A : i32
      "tpu.region"() ({
        %run_scoped3A = tpu.sem_alloc : memref<!tpu.dma_semaphore, #tpu.memory_space<semaphore_mem>>
        %dma_start3A_44 = arith.constant 0 : i32
        %dma_start3A_45 = tpu.memref_slice %arg14[%mul3A_7, %dma_start3A_44] : memref<10240x64xf32, #tpu.memory_space<vmem_shared>> -> memref<640x64xf32, #tpu.memory_space<vmem_shared>>
        tpu.enqueue_dma source(%arg6 : memref<640x64xf32, #tpu.memory_space<hbm>>) target(%dma_start3A_45 : memref<640x64xf32, #tpu.memory_space<vmem_shared>>) target_semaphore(%run_scoped3A : memref<!tpu.dma_semaphore, #tpu.memory_space<semaphore_mem>>)
        %dma_wait3A_46 = arith.constant 0 : i32
        %dma_wait3A_47 = tpu.memref_slice %arg14[%mul3A_7, %dma_wait3A_46] : memref<10240x64xf32, #tpu.memory_space<vmem_shared>> -> memref<640x64xf32, #tpu.memory_space<vmem_shared>>
        tpu.wait_dma2 semaphore(%run_scoped3A : memref<!tpu.dma_semaphore, #tpu.memory_space<semaphore_mem>>) src(%arg6 : memref<640x64xf32, #tpu.memory_space<hbm>>) dst(%dma_wait3A_47 : memref<640x64xf32, #tpu.memory_space<vmem_shared>>)
        tpu.yield
      }) : () -> ()
      %barrier3A = arith.constant 0 : index
      tpu.barrier barrier_id(%barrier3A)
      %dma_start3A = arith.constant 0 : i32
      %dma_start3A_8 = arith.constant 0 : i32
      %dma_start3A_9 = tpu.memref_slice %arg12[%dma_start3A, %dma_start3A_8] : memref<160x125xi32, #tpu.memory_space<vmem>> -> memref<1x125xi32, #tpu.memory_space<vmem>>
      %dma_start3A_10 = tpu.memref_squeeze %dma_start3A_9 : memref<1x125xi32, #tpu.memory_space<vmem>> -> memref<125xi32, #tpu.memory_space<vmem>>
      %dma_start3A_11 = arith.constant 0 : i32
      %dma_start3A_12 = arith.constant 0 : i32
      %dma_start3A_13 = tpu.memref_slice %arg3[%dma_start3A_11, %dma_start3A_12] : memref<10000x64xf32, #tpu.memory_space<hbm>> -> memref<10000x64xf32, #tpu.memory_space<hbm>>
      tpu.enqueue_indirect_dma source(%dma_start3A_13 : memref<10000x64xf32, #tpu.memory_space<hbm>>) target(%arg15 : memref<125x64xf32, #tpu.memory_space<vmem>>) offsets(%dma_start3A_10 : memref<125xi32, #tpu.memory_space<vmem>>) semaphore(%arg19 : memref<!tpu.dma_semaphore, #tpu.memory_space<semaphore_mem>>)
      %dma_start3A_14 = arith.constant 1 : i32
      %dma_start3A_15 = arith.constant 0 : i32
      %dma_start3A_16 = tpu.memref_slice %arg12[%dma_start3A_14, %dma_start3A_15] : memref<160x125xi32, #tpu.memory_space<vmem>> -> memref<1x125xi32, #tpu.memory_space<vmem>>
      %dma_start3A_17 = tpu.memref_squeeze %dma_start3A_16 : memref<1x125xi32, #tpu.memory_space<vmem>> -> memref<125xi32, #tpu.memory_space<vmem>>
      %dma_start3A_18 = arith.constant 0 : i32
      %dma_start3A_19 = arith.constant 0 : i32
      %dma_start3A_20 = tpu.memref_slice %arg3[%dma_start3A_18, %dma_start3A_19] : memref<10000x64xf32, #tpu.memory_space<hbm>> -> memref<10000x64xf32, #tpu.memory_space<hbm>>
      tpu.enqueue_indirect_dma source(%dma_start3A_20 : memref<10000x64xf32, #tpu.memory_space<hbm>>) target(%arg16 : memref<125x64xf32, #tpu.memory_space<vmem>>) offsets(%dma_start3A_17 : memref<125xi32, #tpu.memory_space<vmem>>) semaphore(%arg19 : memref<!tpu.dma_semaphore, #tpu.memory_space<semaphore_mem>>)
      %scan3A = arith.constant 0 : i32
      %scan3A_21 = arith.constant 0 : i32
      %scan3A_22 = arith.constant 40 : i32
      %scan3A_23 = arith.addi %scan3A_21, %scan3A_22 : i32
      %scan3A_24 = arith.constant 1 : i32
      scf.for %scan3A_44 = %scan3A_21 to %scan3A_23 step %scan3A_24  : i32 {
        %mul3A_45 = arith.constant 4 : i32
        %mul3A_46 = arith.muli %mul3A_45, %scan3A_44 : i32
        %dma_wait3A_47 = arith.constant 0 : i32
        %dma_wait3A_48 = arith.constant 0 : i32
        %dma_wait3A_49 = tpu.memref_slice %arg12[%dma_wait3A_47, %dma_wait3A_48] : memref<160x125xi32, #tpu.memory_space<vmem>> -> memref<1x125xi32, #tpu.memory_space<vmem>>
        %dma_wait3A_50 = tpu.memref_squeeze %dma_wait3A_49 : memref<1x125xi32, #tpu.memory_space<vmem>> -> memref<125xi32, #tpu.memory_space<vmem>>
        %dma_wait3A_51 = arith.constant 0 : i32
        %dma_wait3A_52 = arith.constant 0 : i32
        %dma_wait3A_53 = tpu.memref_slice %arg3[%dma_wait3A_51, %dma_wait3A_52] : memref<10000x64xf32, #tpu.memory_space<hbm>> -> memref<10000x64xf32, #tpu.memory_space<hbm>>
        tpu.wait_indirect_dma semaphore(%arg19 : memref<!tpu.dma_semaphore, #tpu.memory_space<semaphore_mem>>) src(%dma_wait3A_53 : memref<10000x64xf32, #tpu.memory_space<hbm>>) dst(%arg15 : memref<125x64xf32, #tpu.memory_space<vmem>>)
        %dma_wait3A_54 = arith.constant 0 : i32
        %dma_wait3A_55 = arith.constant 0 : i32
        %dma_wait3A_56 = tpu.memref_slice %arg12[%dma_wait3A_54, %dma_wait3A_55] : memref<160x125xi32, #tpu.memory_space<vmem>> -> memref<1x125xi32, #tpu.memory_space<vmem>>
        %dma_wait3A_57 = tpu.memref_squeeze %dma_wait3A_56 : memref<1x125xi32, #tpu.memory_space<vmem>> -> memref<125xi32, #tpu.memory_space<vmem>>
        %dma_wait3A_58 = arith.constant 0 : i32
        %dma_wait3A_59 = arith.constant 0 : i32
        %dma_wait3A_60 = tpu.memref_slice %arg3[%dma_wait3A_58, %dma_wait3A_59] : memref<10000x64xf32, #tpu.memory_space<hbm>> -> memref<10000x64xf32, #tpu.memory_space<hbm>>
        tpu.wait_indirect_dma semaphore(%arg19 : memref<!tpu.dma_semaphore, #tpu.memory_space<semaphore_mem>>) src(%dma_wait3A_60 : memref<10000x64xf32, #tpu.memory_space<hbm>>) dst(%arg16 : memref<125x64xf32, #tpu.memory_space<vmem>>)
        %add3A = arith.constant 0 : i32
        %add3A_61 = arith.addi %mul3A_46, %add3A : i32
        %dma_start3A_62 = arith.constant 0 : i32
        %dma_start3A_63 = tpu.memref_slice %arg13[%add3A_61, %dma_start3A_62] : memref<160x125xi32, #tpu.memory_space<vmem>> -> memref<1x125xi32, #tpu.memory_space<vmem>>
        %dma_start3A_64 = tpu.memref_squeeze %dma_start3A_63 : memref<1x125xi32, #tpu.memory_space<vmem>> -> memref<125xi32, #tpu.memory_space<vmem>>
        %dma_start3A_65 = arith.constant 0 : i32
        %dma_start3A_66 = arith.constant 0 : i32
        %dma_start3A_67 = tpu.memref_slice %arg14[%dma_start3A_65, %dma_start3A_66] : memref<10240x64xf32, #tpu.memory_space<vmem_shared>> -> memref<10240x64xf32, #tpu.memory_space<vmem_shared>>
        tpu.enqueue_indirect_dma source(%arg15 : memref<125x64xf32, #tpu.memory_space<vmem>>) target(%dma_start3A_67 : memref<10240x64xf32, #tpu.memory_space<vmem_shared>>) offsets(%dma_start3A_64 : memref<125xi32, #tpu.memory_space<vmem>>) semaphore(%arg21 : memref<!tpu.dma_semaphore, #tpu.memory_space<semaphore_mem>>) {add = true}
        %add3A_68 = arith.constant 1 : i32
        %add3A_69 = arith.addi %mul3A_46, %add3A_68 : i32
        %dma_start3A_70 = arith.constant 0 : i32
        %dma_start3A_71 = tpu.memref_slice %arg13[%add3A_69, %dma_start3A_70] : memref<160x125xi32, #tpu.memory_space<vmem>> -> memref<1x125xi32, #tpu.memory_space<vmem>>
        %dma_start3A_72 = tpu.memref_squeeze %dma_start3A_71 : memref<1x125xi32, #tpu.memory_space<vmem>> -> memref<125xi32, #tpu.memory_space<vmem>>
        %dma_start3A_73 = arith.constant 0 : i32
        %dma_start3A_74 = arith.constant 0 : i32
        %dma_start3A_75 = tpu.memref_slice %arg14[%dma_start3A_73, %dma_start3A_74] : memref<10240x64xf32, #tpu.memory_space<vmem_shared>> -> memref<10240x64xf32, #tpu.memory_space<vmem_shared>>
        tpu.enqueue_indirect_dma source(%arg16 : memref<125x64xf32, #tpu.memory_space<vmem>>) target(%dma_start3A_75 : memref<10240x64xf32, #tpu.memory_space<vmem_shared>>) offsets(%dma_start3A_72 : memref<125xi32, #tpu.memory_space<vmem>>) semaphore(%arg21 : memref<!tpu.dma_semaphore, #tpu.memory_space<semaphore_mem>>) {add = true}
        %add3A_76 = arith.constant 2 : i32
        %add3A_77 = arith.addi %mul3A_46, %add3A_76 : i32
        %add3A_78 = arith.constant 0 : i32
        %add3A_79 = arith.addi %add3A_77, %add3A_78 : i32
        %min3A = arith.constant 159 : i32
        %min3A_80 = arith.minsi %add3A_79, %min3A : i32
        %dma_start3A_81 = arith.constant 0 : i32
        %dma_start3A_82 = tpu.memref_slice %arg12[%min3A_80, %dma_start3A_81] : memref<160x125xi32, #tpu.memory_space<vmem>> -> memref<1x125xi32, #tpu.memory_space<vmem>>
        %dma_start3A_83 = tpu.memref_squeeze %dma_start3A_82 : memref<1x125xi32, #tpu.memory_space<vmem>> -> memref<125xi32, #tpu.memory_space<vmem>>
        %dma_start3A_84 = arith.constant 0 : i32
        %dma_start3A_85 = arith.constant 0 : i32
        %dma_start3A_86 = tpu.memref_slice %arg3[%dma_start3A_84, %dma_start3A_85] : memref<10000x64xf32, #tpu.memory_space<hbm>> -> memref<10000x64xf32, #tpu.memory_space<hbm>>
        tpu.enqueue_indirect_dma source(%dma_start3A_86 : memref<10000x64xf32, #tpu.memory_space<hbm>>) target(%arg17 : memref<125x64xf32, #tpu.memory_space<vmem>>) offsets(%dma_start3A_83 : memref<125xi32, #tpu.memory_space<vmem>>) semaphore(%arg20 : memref<!tpu.dma_semaphore, #tpu.memory_space<semaphore_mem>>)
        %add3A_87 = arith.constant 2 : i32
        %add3A_88 = arith.addi %mul3A_46, %add3A_87 : i32
        %add3A_89 = arith.constant 1 : i32
        %add3A_90 = arith.addi %add3A_88, %add3A_89 : i32
        %min3A_91 = arith.constant 159 : i32
        %min3A_92 = arith.minsi %add3A_90, %min3A_91 : i32
        %dma_start3A_93 = arith.constant 0 : i32
        %dma_start3A_94 = tpu.memref_slice %arg12[%min3A_92, %dma_start3A_93] : memref<160x125xi32, #tpu.memory_space<vmem>> -> memref<1x125xi32, #tpu.memory_space<vmem>>
        %dma_start3A_95 = tpu.memref_squeeze %dma_start3A_94 : memref<1x125xi32, #tpu.memory_space<vmem>> -> memref<125xi32, #tpu.memory_space<vmem>>
        %dma_start3A_96 = arith.constant 0 : i32
        %dma_start3A_97 = arith.constant 0 : i32
        %dma_start3A_98 = tpu.memref_slice %arg3[%dma_start3A_96, %dma_start3A_97] : memref<10000x64xf32, #tpu.memory_space<hbm>> -> memref<10000x64xf32, #tpu.memory_space<hbm>>
        tpu.enqueue_indirect_dma source(%dma_start3A_98 : memref<10000x64xf32, #tpu.memory_space<hbm>>) target(%arg18 : memref<125x64xf32, #tpu.memory_space<vmem>>) offsets(%dma_start3A_95 : memref<125xi32, #tpu.memory_space<vmem>>) semaphore(%arg20 : memref<!tpu.dma_semaphore, #tpu.memory_space<semaphore_mem>>)
        %add3A_99 = arith.constant 0 : i32
        %add3A_100 = arith.addi %mul3A_46, %add3A_99 : i32
        %dma_wait3A_101 = arith.constant 0 : i32
        %dma_wait3A_102 = tpu.memref_slice %arg13[%add3A_100, %dma_wait3A_101] : memref<160x125xi32, #tpu.memory_space<vmem>> -> memref<1x125xi32, #tpu.memory_space<vmem>>
        %dma_wait3A_103 = tpu.memref_squeeze %dma_wait3A_102 : memref<1x125xi32, #tpu.memory_space<vmem>> -> memref<125xi32, #tpu.memory_space<vmem>>
        %dma_wait3A_104 = arith.constant 0 : i32
        %dma_wait3A_105 = arith.constant 0 : i32
        %dma_wait3A_106 = tpu.memref_slice %arg14[%dma_wait3A_104, %dma_wait3A_105] : memref<10240x64xf32, #tpu.memory_space<vmem_shared>> -> memref<10240x64xf32, #tpu.memory_space<vmem_shared>>
        tpu.wait_indirect_dma semaphore(%arg21 : memref<!tpu.dma_semaphore, #tpu.memory_space<semaphore_mem>>) src(%arg15 : memref<125x64xf32, #tpu.memory_space<vmem>>) dst(%dma_wait3A_106 : memref<10240x64xf32, #tpu.memory_space<vmem_shared>>)
        %add3A_107 = arith.constant 1 : i32
        %add3A_108 = arith.addi %mul3A_46, %add3A_107 : i32
        %dma_wait3A_109 = arith.constant 0 : i32
        %dma_wait3A_110 = tpu.memref_slice %arg13[%add3A_108, %dma_wait3A_109] : memref<160x125xi32, #tpu.memory_space<vmem>> -> memref<1x125xi32, #tpu.memory_space<vmem>>
        %dma_wait3A_111 = tpu.memref_squeeze %dma_wait3A_110 : memref<1x125xi32, #tpu.memory_space<vmem>> -> memref<125xi32, #tpu.memory_space<vmem>>
        %dma_wait3A_112 = arith.constant 0 : i32
        %dma_wait3A_113 = arith.constant 0 : i32
        %dma_wait3A_114 = tpu.memref_slice %arg14[%dma_wait3A_112, %dma_wait3A_113] : memref<10240x64xf32, #tpu.memory_space<vmem_shared>> -> memref<10240x64xf32, #tpu.memory_space<vmem_shared>>
        tpu.wait_indirect_dma semaphore(%arg21 : memref<!tpu.dma_semaphore, #tpu.memory_space<semaphore_mem>>) src(%arg16 : memref<125x64xf32, #tpu.memory_space<vmem>>) dst(%dma_wait3A_114 : memref<10240x64xf32, #tpu.memory_space<vmem_shared>>)
        %mul3A_115 = arith.constant 4 : i32
        %mul3A_116 = arith.muli %mul3A_115, %scan3A_44 : i32
        %add3A_117 = arith.constant 2 : i32
        %add3A_118 = arith.addi %mul3A_116, %add3A_117 : i32
        %dma_wait3A_119 = arith.constant 0 : i32
        %dma_wait3A_120 = arith.constant 0 : i32
        %dma_wait3A_121 = tpu.memref_slice %arg12[%dma_wait3A_119, %dma_wait3A_120] : memref<160x125xi32, #tpu.memory_space<vmem>> -> memref<1x125xi32, #tpu.memory_space<vmem>>
        %dma_wait3A_122 = tpu.memref_squeeze %dma_wait3A_121 : memref<1x125xi32, #tpu.memory_space<vmem>> -> memref<125xi32, #tpu.memory_space<vmem>>
        %dma_wait3A_123 = arith.constant 0 : i32
        %dma_wait3A_124 = arith.constant 0 : i32
        %dma_wait3A_125 = tpu.memref_slice %arg3[%dma_wait3A_123, %dma_wait3A_124] : memref<10000x64xf32, #tpu.memory_space<hbm>> -> memref<10000x64xf32, #tpu.memory_space<hbm>>
        tpu.wait_indirect_dma semaphore(%arg20 : memref<!tpu.dma_semaphore, #tpu.memory_space<semaphore_mem>>) src(%dma_wait3A_125 : memref<10000x64xf32, #tpu.memory_space<hbm>>) dst(%arg17 : memref<125x64xf32, #tpu.memory_space<vmem>>)
        %dma_wait3A_126 = arith.constant 0 : i32
        %dma_wait3A_127 = arith.constant 0 : i32
        %dma_wait3A_128 = tpu.memref_slice %arg12[%dma_wait3A_126, %dma_wait3A_127] : memref<160x125xi32, #tpu.memory_space<vmem>> -> memref<1x125xi32, #tpu.memory_space<vmem>>
        %dma_wait3A_129 = tpu.memref_squeeze %dma_wait3A_128 : memref<1x125xi32, #tpu.memory_space<vmem>> -> memref<125xi32, #tpu.memory_space<vmem>>
        %dma_wait3A_130 = arith.constant 0 : i32
        %dma_wait3A_131 = arith.constant 0 : i32
        %dma_wait3A_132 = tpu.memref_slice %arg3[%dma_wait3A_130, %dma_wait3A_131] : memref<10000x64xf32, #tpu.memory_space<hbm>> -> memref<10000x64xf32, #tpu.memory_space<hbm>>
        tpu.wait_indirect_dma semaphore(%arg20 : memref<!tpu.dma_semaphore, #tpu.memory_space<semaphore_mem>>) src(%dma_wait3A_132 : memref<10000x64xf32, #tpu.memory_space<hbm>>) dst(%arg18 : memref<125x64xf32, #tpu.memory_space<vmem>>)
        %add3A_133 = arith.constant 0 : i32
        %add3A_134 = arith.addi %add3A_118, %add3A_133 : i32
        %dma_start3A_135 = arith.constant 0 : i32
        %dma_start3A_136 = tpu.memref_slice %arg13[%add3A_134, %dma_start3A_135] : memref<160x125xi32, #tpu.memory_space<vmem>> -> memref<1x125xi32, #tpu.memory_space<vmem>>
        %dma_start3A_137 = tpu.memref_squeeze %dma_start3A_136 : memref<1x125xi32, #tpu.memory_space<vmem>> -> memref<125xi32, #tpu.memory_space<vmem>>
        %dma_start3A_138 = arith.constant 0 : i32
        %dma_start3A_139 = arith.constant 0 : i32
        %dma_start3A_140 = tpu.memref_slice %arg14[%dma_start3A_138, %dma_start3A_139] : memref<10240x64xf32, #tpu.memory_space<vmem_shared>> -> memref<10240x64xf32, #tpu.memory_space<vmem_shared>>
        tpu.enqueue_indirect_dma source(%arg17 : memref<125x64xf32, #tpu.memory_space<vmem>>) target(%dma_start3A_140 : memref<10240x64xf32, #tpu.memory_space<vmem_shared>>) offsets(%dma_start3A_137 : memref<125xi32, #tpu.memory_space<vmem>>) semaphore(%arg22 : memref<!tpu.dma_semaphore, #tpu.memory_space<semaphore_mem>>) {add = true}
        %add3A_141 = arith.constant 1 : i32
        %add3A_142 = arith.addi %add3A_118, %add3A_141 : i32
        %dma_start3A_143 = arith.constant 0 : i32
        %dma_start3A_144 = tpu.memref_slice %arg13[%add3A_142, %dma_start3A_143] : memref<160x125xi32, #tpu.memory_space<vmem>> -> memref<1x125xi32, #tpu.memory_space<vmem>>
        %dma_start3A_145 = tpu.memref_squeeze %dma_start3A_144 : memref<1x125xi32, #tpu.memory_space<vmem>> -> memref<125xi32, #tpu.memory_space<vmem>>
        %dma_start3A_146 = arith.constant 0 : i32
        %dma_start3A_147 = arith.constant 0 : i32
        %dma_start3A_148 = tpu.memref_slice %arg14[%dma_start3A_146, %dma_start3A_147] : memref<10240x64xf32, #tpu.memory_space<vmem_shared>> -> memref<10240x64xf32, #tpu.memory_space<vmem_shared>>
        tpu.enqueue_indirect_dma source(%arg18 : memref<125x64xf32, #tpu.memory_space<vmem>>) target(%dma_start3A_148 : memref<10240x64xf32, #tpu.memory_space<vmem_shared>>) offsets(%dma_start3A_145 : memref<125xi32, #tpu.memory_space<vmem>>) semaphore(%arg22 : memref<!tpu.dma_semaphore, #tpu.memory_space<semaphore_mem>>) {add = true}
        %add3A_149 = arith.constant 2 : i32
        %add3A_150 = arith.addi %add3A_118, %add3A_149 : i32
        %add3A_151 = arith.constant 0 : i32
        %add3A_152 = arith.addi %add3A_150, %add3A_151 : i32
        %min3A_153 = arith.constant 159 : i32
        %min3A_154 = arith.minsi %add3A_152, %min3A_153 : i32
        %dma_start3A_155 = arith.constant 0 : i32
        %dma_start3A_156 = tpu.memref_slice %arg12[%min3A_154, %dma_start3A_155] : memref<160x125xi32, #tpu.memory_space<vmem>> -> memref<1x125xi32, #tpu.memory_space<vmem>>
        %dma_start3A_157 = tpu.memref_squeeze %dma_start3A_156 : memref<1x125xi32, #tpu.memory_space<vmem>> -> memref<125xi32, #tpu.memory_space<vmem>>
        %dma_start3A_158 = arith.constant 0 : i32
        %dma_start3A_159 = arith.constant 0 : i32
        %dma_start3A_160 = tpu.memref_slice %arg3[%dma_start3A_158, %dma_start3A_159] : memref<10000x64xf32, #tpu.memory_space<hbm>> -> memref<10000x64xf32, #tpu.memory_space<hbm>>
        tpu.enqueue_indirect_dma source(%dma_start3A_160 : memref<10000x64xf32, #tpu.memory_space<hbm>>) target(%arg15 : memref<125x64xf32, #tpu.memory_space<vmem>>) offsets(%dma_start3A_157 : memref<125xi32, #tpu.memory_space<vmem>>) semaphore(%arg19 : memref<!tpu.dma_semaphore, #tpu.memory_space<semaphore_mem>>)
        %add3A_161 = arith.constant 2 : i32
        %add3A_162 = arith.addi %add3A_118, %add3A_161 : i32
        %add3A_163 = arith.constant 1 : i32
        %add3A_164 = arith.addi %add3A_162, %add3A_163 : i32
        %min3A_165 = arith.constant 159 : i32
        %min3A_166 = arith.minsi %add3A_164, %min3A_165 : i32
        %dma_start3A_167 = arith.constant 0 : i32
        %dma_start3A_168 = tpu.memref_slice %arg12[%min3A_166, %dma_start3A_167] : memref<160x125xi32, #tpu.memory_space<vmem>> -> memref<1x125xi32, #tpu.memory_space<vmem>>
        %dma_start3A_169 = tpu.memref_squeeze %dma_start3A_168 : memref<1x125xi32, #tpu.memory_space<vmem>> -> memref<125xi32, #tpu.memory_space<vmem>>
        %dma_start3A_170 = arith.constant 0 : i32
        %dma_start3A_171 = arith.constant 0 : i32
        %dma_start3A_172 = tpu.memref_slice %arg3[%dma_start3A_170, %dma_start3A_171] : memref<10000x64xf32, #tpu.memory_space<hbm>> -> memref<10000x64xf32, #tpu.memory_space<hbm>>
        tpu.enqueue_indirect_dma source(%dma_start3A_172 : memref<10000x64xf32, #tpu.memory_space<hbm>>) target(%arg16 : memref<125x64xf32, #tpu.memory_space<vmem>>) offsets(%dma_start3A_169 : memref<125xi32, #tpu.memory_space<vmem>>) semaphore(%arg19 : memref<!tpu.dma_semaphore, #tpu.memory_space<semaphore_mem>>)
        %add3A_173 = arith.constant 0 : i32
        %add3A_174 = arith.addi %add3A_118, %add3A_173 : i32
        %dma_wait3A_175 = arith.constant 0 : i32
        %dma_wait3A_176 = tpu.memref_slice %arg13[%add3A_174, %dma_wait3A_175] : memref<160x125xi32, #tpu.memory_space<vmem>> -> memref<1x125xi32, #tpu.memory_space<vmem>>
        %dma_wait3A_177 = tpu.memref_squeeze %dma_wait3A_176 : memref<1x125xi32, #tpu.memory_space<vmem>> -> memref<125xi32, #tpu.memory_space<vmem>>
        %dma_wait3A_178 = arith.constant 0 : i32
        %dma_wait3A_179 = arith.constant 0 : i32
        %dma_wait3A_180 = tpu.memref_slice %arg14[%dma_wait3A_178, %dma_wait3A_179] : memref<10240x64xf32, #tpu.memory_space<vmem_shared>> -> memref<10240x64xf32, #tpu.memory_space<vmem_shared>>
        tpu.wait_indirect_dma semaphore(%arg22 : memref<!tpu.dma_semaphore, #tpu.memory_space<semaphore_mem>>) src(%arg17 : memref<125x64xf32, #tpu.memory_space<vmem>>) dst(%dma_wait3A_180 : memref<10240x64xf32, #tpu.memory_space<vmem_shared>>)
        %add3A_181 = arith.constant 1 : i32
        %add3A_182 = arith.addi %add3A_118, %add3A_181 : i32
        %dma_wait3A_183 = arith.constant 0 : i32
        %dma_wait3A_184 = tpu.memref_slice %arg13[%add3A_182, %dma_wait3A_183] : memref<160x125xi32, #tpu.memory_space<vmem>> -> memref<1x125xi32, #tpu.memory_space<vmem>>
        %dma_wait3A_185 = tpu.memref_squeeze %dma_wait3A_184 : memref<1x125xi32, #tpu.memory_space<vmem>> -> memref<125xi32, #tpu.memory_space<vmem>>
        %dma_wait3A_186 = arith.constant 0 : i32
        %dma_wait3A_187 = arith.constant 0 : i32
        %dma_wait3A_188 = tpu.memref_slice %arg14[%dma_wait3A_186, %dma_wait3A_187] : memref<10240x64xf32, #tpu.memory_space<vmem_shared>> -> memref<10240x64xf32, #tpu.memory_space<vmem_shared>>
        tpu.wait_indirect_dma semaphore(%arg22 : memref<!tpu.dma_semaphore, #tpu.memory_space<semaphore_mem>>) src(%arg18 : memref<125x64xf32, #tpu.memory_space<vmem>>) dst(%dma_wait3A_188 : memref<10240x64xf32, #tpu.memory_space<vmem_shared>>)
      }
      %scan3A_25 = arith.constant 40 : i32
      %dma_wait3A = arith.constant 0 : i32
      %dma_wait3A_26 = arith.constant 0 : i32
      %dma_wait3A_27 = tpu.memref_slice %arg12[%dma_wait3A, %dma_wait3A_26] : memref<160x125xi32, #tpu.memory_space<vmem>> -> memref<1x125xi32, #tpu.memory_space<vmem>>
      %dma_wait3A_28 = tpu.memref_squeeze %dma_wait3A_27 : memref<1x125xi32, #tpu.memory_space<vmem>> -> memref<125xi32, #tpu.memory_space<vmem>>
      %dma_wait3A_29 = arith.constant 0 : i32
      %dma_wait3A_30 = arith.constant 0 : i32
      %dma_wait3A_31 = tpu.memref_slice %arg3[%dma_wait3A_29, %dma_wait3A_30] : memref<10000x64xf32, #tpu.memory_space<hbm>> -> memref<10000x64xf32, #tpu.memory_space<hbm>>
      tpu.wait_indirect_dma semaphore(%arg19 : memref<!tpu.dma_semaphore, #tpu.memory_space<semaphore_mem>>) src(%dma_wait3A_31 : memref<10000x64xf32, #tpu.memory_space<hbm>>) dst(%arg15 : memref<125x64xf32, #tpu.memory_space<vmem>>)
      %dma_wait3A_32 = arith.constant 0 : i32
      %dma_wait3A_33 = arith.constant 0 : i32
      %dma_wait3A_34 = tpu.memref_slice %arg12[%dma_wait3A_32, %dma_wait3A_33] : memref<160x125xi32, #tpu.memory_space<vmem>> -> memref<1x125xi32, #tpu.memory_space<vmem>>
      %dma_wait3A_35 = tpu.memref_squeeze %dma_wait3A_34 : memref<1x125xi32, #tpu.memory_space<vmem>> -> memref<125xi32, #tpu.memory_space<vmem>>
      %dma_wait3A_36 = arith.constant 0 : i32
      %dma_wait3A_37 = arith.constant 0 : i32
      %dma_wait3A_38 = tpu.memref_slice %arg3[%dma_wait3A_36, %dma_wait3A_37] : memref<10000x64xf32, #tpu.memory_space<hbm>> -> memref<10000x64xf32, #tpu.memory_space<hbm>>
      tpu.wait_indirect_dma semaphore(%arg19 : memref<!tpu.dma_semaphore, #tpu.memory_space<semaphore_mem>>) src(%dma_wait3A_38 : memref<10000x64xf32, #tpu.memory_space<hbm>>) dst(%arg16 : memref<125x64xf32, #tpu.memory_space<vmem>>)
      %barrier3A_39 = arith.constant 0 : index
      tpu.barrier barrier_id(%barrier3A_39)
      %mul3A_40 = arith.constant 640 : i32
      %mul3A_41 = arith.muli %arg1, %mul3A_40 : i32
      %mul3A_42 = arith.constant 640 : i32
      %mul3A_43 = arith.muli %arg1, %mul3A_42 : i32
      "tpu.region"() ({
        %run_scoped3A = tpu.sem_alloc : memref<!tpu.dma_semaphore, #tpu.memory_space<semaphore_mem>>
        %dma_start3A_44 = arith.constant 0 : i32
        %dma_start3A_45 = tpu.memref_slice %arg10[%mul3A_43, %dma_start3A_44] : memref<10240x64xf32, #tpu.memory_space<hbm>> -> memref<640x64xf32, #tpu.memory_space<hbm>>
        %dma_start3A_46 = arith.constant 0 : i32
        %dma_start3A_47 = tpu.memref_slice %arg14[%mul3A_41, %dma_start3A_46] : memref<10240x64xf32, #tpu.memory_space<vmem_shared>> -> memref<640x64xf32, #tpu.memory_space<vmem_shared>>
        tpu.enqueue_dma source(%dma_start3A_47 : memref<640x64xf32, #tpu.memory_space<vmem_shared>>) target(%dma_start3A_45 : memref<640x64xf32, #tpu.memory_space<hbm>>) target_semaphore(%run_scoped3A : memref<!tpu.dma_semaphore, #tpu.memory_space<semaphore_mem>>)
        %dma_wait3A_48 = arith.constant 0 : i32
        %dma_wait3A_49 = tpu.memref_slice %arg10[%mul3A_43, %dma_wait3A_48] : memref<10240x64xf32, #tpu.memory_space<hbm>> -> memref<640x64xf32, #tpu.memory_space<hbm>>
        %dma_wait3A_50 = arith.constant 0 : i32
        %dma_wait3A_51 = tpu.memref_slice %arg14[%mul3A_41, %dma_wait3A_50] : memref<10240x64xf32, #tpu.memory_space<vmem_shared>> -> memref<640x64xf32, #tpu.memory_space<vmem_shared>>
        tpu.wait_dma2 semaphore(%run_scoped3A : memref<!tpu.dma_semaphore, #tpu.memory_space<semaphore_mem>>) src(%dma_wait3A_51 : memref<640x64xf32, #tpu.memory_space<vmem_shared>>) dst(%dma_wait3A_49 : memref<640x64xf32, #tpu.memory_space<hbm>>)
        tpu.yield
      }) : () -> ()
    } else {
    }
    return
  }
}

module attributes {stable_mosaic.version = 14 : i64} {
  func.func @_tc1_body(%arg0: i32, %arg1: memref<1380x1024xf32, #tpu.memory_space<vmem>>, %arg2: memref<1024x128xf32, #tpu.memory_space<vmem>>, %arg3: memref<100x256xf32, #tpu.memory_space<vmem>>, %arg4: memref<768x256xf32, #tpu.memory_space<vmem>>, %arg5: memref<512x256xf32, #tpu.memory_space<vmem>>, %arg6: memref<1x768xf32, #tpu.memory_space<vmem>>, %arg7: memref<256x128xf32, #tpu.memory_space<vmem>>, %arg8: memref<1x128xf32, #tpu.memory_space<vmem>>, %arg9: memref<1x128xf32, #tpu.memory_space<vmem>>, %arg10: memref<1x128xf32, #tpu.memory_space<vmem>>, %arg11: memref<256x128xf32, #tpu.memory_space<vmem>>, %arg12: memref<1x128xf32, #tpu.memory_space<vmem>>, %arg13: memref<1x128xf32, #tpu.memory_space<vmem>>, %arg14: memref<1x128xf32, #tpu.memory_space<vmem>>, %arg15: memref<256x128xf32, #tpu.memory_space<vmem>>, %arg16: memref<1x128xf32, #tpu.memory_space<vmem>>, %arg17: memref<1x128xf32, #tpu.memory_space<vmem>>, %arg18: memref<1x128xf32, #tpu.memory_space<vmem>>, %arg19: memref<128x128xf32, #tpu.memory_space<vmem>>, %arg20: memref<1x128xf32, #tpu.memory_space<vmem>>, %arg21: memref<128x128xf32, #tpu.memory_space<vmem>>, %arg22: memref<1x128xf32, #tpu.memory_space<vmem>>, %arg23: memref<128x128xf32, #tpu.memory_space<vmem>>, %arg24: memref<1x128xf32, #tpu.memory_space<vmem>>, %arg25: memref<128x128xf32, #tpu.memory_space<vmem>>, %arg26: memref<1x128xf32, #tpu.memory_space<vmem>>, %arg27: memref<128x128xf32, #tpu.memory_space<vmem>>, %arg28: memref<1x128xf32, #tpu.memory_space<vmem>>, %arg29: memref<128x128xf32, #tpu.memory_space<vmem>>, %arg30: memref<1x128xf32, #tpu.memory_space<vmem>>, %arg31: memref<128x128xf32, #tpu.memory_space<vmem>>, %arg32: memref<1x128xf32, #tpu.memory_space<vmem>>, %arg33: memref<128x128xf32, #tpu.memory_space<vmem>>, %arg34: memref<1x128xf32, #tpu.memory_space<vmem>>, %arg35: memref<128x128xf32, #tpu.memory_space<vmem>>, %arg36: memref<1x128xf32, #tpu.memory_space<vmem>>, %arg37: memref<128x128xf32, #tpu.memory_space<vmem>>, %arg38: memref<1x128xf32, #tpu.memory_space<vmem>>, %arg39: memref<128x128xf32, #tpu.memory_space<vmem>>, %arg40: memref<1x128xf32, #tpu.memory_space<vmem>>, %arg41: memref<128x128xf32, #tpu.memory_space<vmem>>, %arg42: memref<1x128xf32, #tpu.memory_space<vmem>>, %arg43: memref<1x128xf32, #tpu.memory_space<vmem>>, %arg44: memref<1x128xf32, #tpu.memory_space<vmem>>, %arg45: memref<1x1xf32, #tpu.memory_space<vmem>>, %arg46: memref<1x128xf32, #tpu.memory_space<vmem>>, %arg47: memref<1x128xf32, #tpu.memory_space<vmem>>, %arg48: memref<1x1xf32, #tpu.memory_space<vmem>>, %arg49: memref<1x128xf32, #tpu.memory_space<vmem>>, %arg50: memref<1x128xf32, #tpu.memory_space<vmem>>, %arg51: memref<1x1xf32, #tpu.memory_space<vmem>>, %arg52: memref<1024x64xf32, #tpu.memory_space<vmem>>, %arg53: memref<1024x64xf32, #tpu.memory_space<vmem>>) attributes {dimension_semantics = [#tpu.dimension_semantics<arbitrary>], iteration_bounds = array<i64: 9>, scalar_prefetch = 0 : i64, scratch_operands = 0 : i64, tpu.core_type = #tpu.core_type<tc>, window_params = [{transform_indices = @transform_0, window_bounds = array<i64: 1380, 1024>}, {transform_indices = @transform_1, window_bounds = array<i64: 1024, 128>}, {pipeline_mode = #tpu.pipeline_mode<synchronous>, transform_indices = @transform_2, window_bounds = array<i64: 100, 256>}, {pipeline_mode = #tpu.pipeline_mode<synchronous>, transform_indices = @transform_3, window_bounds = array<i64: 768, 256>}, {pipeline_mode = #tpu.pipeline_mode<synchronous>, transform_indices = @transform_4, window_bounds = array<i64: 512, 256>}, {pipeline_mode = #tpu.pipeline_mode<synchronous>, transform_indices = @transform_5, window_bounds = array<i64: 1, 768>}, {pipeline_mode = #tpu.pipeline_mode<synchronous>, transform_indices = @transform_6, window_bounds = array<i64: 256, 128>}, {pipeline_mode = #tpu.pipeline_mode<synchronous>, transform_indices = @transform_7, window_bounds = array<i64: 1, 128>}, {pipeline_mode = #tpu.pipeline_mode<synchronous>, transform_indices = @transform_8, window_bounds = array<i64: 1, 128>}, {pipeline_mode = #tpu.pipeline_mode<synchronous>, transform_indices = @transform_9, window_bounds = array<i64: 1, 128>}, {pipeline_mode = #tpu.pipeline_mode<synchronous>, transform_indices = @transform_10, window_bounds = array<i64: 256, 128>}, {pipeline_mode = #tpu.pipeline_mode<synchronous>, transform_indices = @transform_11, window_bounds = array<i64: 1, 128>}, {pipeline_mode = #tpu.pipeline_mode<synchronous>, transform_indices = @transform_12, window_bounds = array<i64: 1, 128>}, {pipeline_mode = #tpu.pipeline_mode<synchronous>, transform_indices = @transform_13, window_bounds = array<i64: 1, 128>}, {pipeline_mode = #tpu.pipeline_mode<synchronous>, transform_indices = @transform_14, window_bounds = array<i64: 256, 128>}, {pipeline_mode = #tpu.pipeline_mode<synchronous>, transform_indices = @transform_15, window_bounds = array<i64: 1, 128>}, {pipeline_mode = #tpu.pipeline_mode<synchronous>, transform_indices = @transform_16, window_bounds = array<i64: 1, 128>}, {pipeline_mode = #tpu.pipeline_mode<synchronous>, transform_indices = @transform_17, window_bounds = array<i64: 1, 128>}, {pipeline_mode = #tpu.pipeline_mode<synchronous>, transform_indices = @transform_18, window_bounds = array<i64: 128, 128>}, {pipeline_mode = #tpu.pipeline_mode<synchronous>, transform_indices = @transform_19, window_bounds = array<i64: 1, 128>}, {pipeline_mode = #tpu.pipeline_mode<synchronous>, transform_indices = @transform_20, window_bounds = array<i64: 128, 128>}, {pipeline_mode = #tpu.pipeline_mode<synchronous>, transform_indices = @transform_21, window_bounds = array<i64: 1, 128>}, {pipeline_mode = #tpu.pipeline_mode<synchronous>, transform_indices = @transform_22, window_bounds = array<i64: 128, 128>}, {pipeline_mode = #tpu.pipeline_mode<synchronous>, transform_indices = @transform_23, window_bounds = array<i64: 1, 128>}, {pipeline_mode = #tpu.pipeline_mode<synchronous>, transform_indices = @transform_24, window_bounds = array<i64: 128, 128>}, {pipeline_mode = #tpu.pipeline_mode<synchronous>, transform_indices = @transform_25, window_bounds = array<i64: 1, 128>}, {pipeline_mode = #tpu.pipeline_mode<synchronous>, transform_indices = @transform_26, window_bounds = array<i64: 128, 128>}, {pipeline_mode = #tpu.pipeline_mode<synchronous>, transform_indices = @transform_27, window_bounds = array<i64: 1, 128>}, {pipeline_mode = #tpu.pipeline_mode<synchronous>, transform_indices = @transform_28, window_bounds = array<i64: 128, 128>}, {pipeline_mode = #tpu.pipeline_mode<synchronous>, transform_indices = @transform_29, window_bounds = array<i64: 1, 128>}, {pipeline_mode = #tpu.pipeline_mode<synchronous>, transform_indices = @transform_30, window_bounds = array<i64: 128, 128>}, {pipeline_mode = #tpu.pipeline_mode<synchronous>, transform_indices = @transform_31, window_bounds = array<i64: 1, 128>}, {pipeline_mode = #tpu.pipeline_mode<synchronous>, transform_indices = @transform_32, window_bounds = array<i64: 128, 128>}, {pipeline_mode = #tpu.pipeline_mode<synchronous>, transform_indices = @transform_33, window_bounds = array<i64: 1, 128>}, {pipeline_mode = #tpu.pipeline_mode<synchronous>, transform_indices = @transform_34, window_bounds = array<i64: 128, 128>}, {pipeline_mode = #tpu.pipeline_mode<synchronous>, transform_indices = @transform_35, window_bounds = array<i64: 1, 128>}, {pipeline_mode = #tpu.pipeline_mode<synchronous>, transform_indices = @transform_36, window_bounds = array<i64: 128, 128>}, {pipeline_mode = #tpu.pipeline_mode<synchronous>, transform_indices = @transform_37, window_bounds = array<i64: 1, 128>}, {pipeline_mode = #tpu.pipeline_mode<synchronous>, transform_indices = @transform_38, window_bounds = array<i64: 128, 128>}, {pipeline_mode = #tpu.pipeline_mode<synchronous>, transform_indices = @transform_39, window_bounds = array<i64: 1, 128>}, {pipeline_mode = #tpu.pipeline_mode<synchronous>, transform_indices = @transform_40, window_bounds = array<i64: 128, 128>}, {pipeline_mode = #tpu.pipeline_mode<synchronous>, transform_indices = @transform_41, window_bounds = array<i64: 1, 128>}, {pipeline_mode = #tpu.pipeline_mode<synchronous>, transform_indices = @transform_42, window_bounds = array<i64: 1, 128>}, {pipeline_mode = #tpu.pipeline_mode<synchronous>, transform_indices = @transform_43, window_bounds = array<i64: 1, 128>}, {pipeline_mode = #tpu.pipeline_mode<synchronous>, transform_indices = @transform_44, window_bounds = array<i64: 1, 1>}, {pipeline_mode = #tpu.pipeline_mode<synchronous>, transform_indices = @transform_45, window_bounds = array<i64: 1, 128>}, {pipeline_mode = #tpu.pipeline_mode<synchronous>, transform_indices = @transform_46, window_bounds = array<i64: 1, 128>}, {pipeline_mode = #tpu.pipeline_mode<synchronous>, transform_indices = @transform_47, window_bounds = array<i64: 1, 1>}, {pipeline_mode = #tpu.pipeline_mode<synchronous>, transform_indices = @transform_48, window_bounds = array<i64: 1, 128>}, {pipeline_mode = #tpu.pipeline_mode<synchronous>, transform_indices = @transform_49, window_bounds = array<i64: 1, 128>}, {pipeline_mode = #tpu.pipeline_mode<synchronous>, transform_indices = @transform_50, window_bounds = array<i64: 1, 1>}, {transform_indices = @transform_51, window_bounds = array<i64: 1024, 64>}, {transform_indices = @transform_52, window_bounds = array<i64: 1024, 64>}]} {
    %get3A = arith.constant 0 : index
    %get3A_0 = arith.constant 0 : index
    %get3A_1 = vector.load %arg1[%get3A, %get3A_0] : memref<1380x1024xf32, #tpu.memory_space<vmem>>, vector<1380x1024xf32>
    %slice3A = vector.extract_strided_slice %get3A_1 {offsets = [0, 0], sizes = [100, 1024], strides = [1, 1]} : vector<1380x1024xf32> to vector<100x1024xf32>
    %convert_element_type3A = arith.truncf %slice3A : vector<100x1024xf32> to vector<100x1024xbf16>
    %get3A_2 = arith.constant 0 : index
    %get3A_3 = arith.constant 0 : index
    %get3A_4 = vector.load %arg3[%get3A_2, %get3A_3] : memref<100x256xf32, #tpu.memory_space<vmem>>, vector<100x256xf32>
    %convert_element_type3A_5 = arith.truncf %get3A_4 : vector<100x256xf32> to vector<100x256xbf16>
    %dot_general3A = arith.constant dense<0.000000e+00> : vector<1024x256xf32>
    %dot_general3A_6 = tpu.matmul %convert_element_type3A, %convert_element_type3A_5, %dot_general3A {dimension_numbers = #tpu.dot_dimension_numbers<[0], [0], [1], [1], [0, 1, 1, 1], [], []>, transpose_lhs_hint = false} : vector<100x1024xbf16>, vector<100x256xbf16>, vector<1024x256xf32> -> vector<1024x256xf32>
    %slice3A_7 = vector.extract_strided_slice %get3A_1 {offsets = [100, 0], sizes = [768, 1024], strides = [1, 1]} : vector<1380x1024xf32> to vector<768x1024xf32>
    %convert_element_type3A_8 = arith.truncf %slice3A_7 : vector<768x1024xf32> to vector<768x1024xbf16>
    %get3A_9 = arith.constant 0 : index
    %get3A_10 = arith.constant 0 : index
    %get3A_11 = vector.load %arg4[%get3A_9, %get3A_10] : memref<768x256xf32, #tpu.memory_space<vmem>>, vector<768x256xf32>
    %convert_element_type3A_12 = arith.truncf %get3A_11 : vector<768x256xf32> to vector<768x256xbf16>
    %dot_general3A_13 = arith.constant dense<0.000000e+00> : vector<1024x256xf32>
    %dot_general3A_14 = tpu.matmul %convert_element_type3A_8, %convert_element_type3A_12, %dot_general3A_13 {dimension_numbers = #tpu.dot_dimension_numbers<[0], [0], [1], [1], [0, 1, 1, 1], [], []>, transpose_lhs_hint = false} : vector<768x1024xbf16>, vector<768x256xbf16>, vector<1024x256xf32> -> vector<1024x256xf32>
    %slice3A_15 = vector.extract_strided_slice %get3A_1 {offsets = [868, 0], sizes = [512, 1024], strides = [1, 1]} : vector<1380x1024xf32> to vector<512x1024xf32>
    %convert_element_type3A_16 = arith.truncf %slice3A_15 : vector<512x1024xf32> to vector<512x1024xbf16>
    %get3A_17 = arith.constant 0 : index
    %get3A_18 = arith.constant 0 : index
    %get3A_19 = vector.load %arg5[%get3A_17, %get3A_18] : memref<512x256xf32, #tpu.memory_space<vmem>>, vector<512x256xf32>
    %convert_element_type3A_20 = arith.truncf %get3A_19 : vector<512x256xf32> to vector<512x256xbf16>
    %dot_general3A_21 = arith.constant dense<0.000000e+00> : vector<1024x256xf32>
    %dot_general3A_22 = tpu.matmul %convert_element_type3A_16, %convert_element_type3A_20, %dot_general3A_21 {dimension_numbers = #tpu.dot_dimension_numbers<[0], [0], [1], [1], [0, 1, 1, 1], [], []>, transpose_lhs_hint = false} : vector<512x1024xbf16>, vector<512x256xbf16>, vector<1024x256xf32> -> vector<1024x256xf32>
    %concatenate3A = tpu.concatenate %dot_general3A_6, %dot_general3A_14, %dot_general3A_22 in 1 : vector<1024x256xf32>, vector<1024x256xf32>, vector<1024x256xf32> -> vector<1024x768xf32>
    %get3A_23 = arith.constant 0 : index
    %get3A_24 = arith.constant 0 : index
    %get3A_25 = vector.load %arg6[%get3A_23, %get3A_24] : memref<1x768xf32, #tpu.memory_space<vmem>>, vector<1x768xf32>
    %add3A = vector.broadcast %get3A_25 : vector<1x768xf32> to vector<1024x768xf32>
    %add3A_26 = arith.addf %concatenate3A, %add3A : vector<1024x768xf32>
    %max3A = arith.constant 0.000000e+00 : f32
    %max3A_27 = vector.broadcast %max3A : f32 to vector<1024x768xf32>
    %max3A_28 = arith.maximumf %add3A_26, %max3A_27 : vector<1024x768xf32>
    %get3A_29 = arith.constant 0 : index
    %get3A_30 = arith.constant 0 : index
    %get3A_31 = vector.load %arg2[%get3A_29, %get3A_30] : memref<1024x128xf32, #tpu.memory_space<vmem>>, vector<1024x128xf32>
    %slice3A_32 = vector.extract_strided_slice %max3A_28 {offsets = [0, 0], sizes = [1024, 256], strides = [1, 1]} : vector<1024x768xf32> to vector<1024x256xf32>
    %get3A_33 = arith.constant 0 : index
    %get3A_34 = arith.constant 0 : index
    %get3A_35 = vector.load %arg7[%get3A_33, %get3A_34] : memref<256x128xf32, #tpu.memory_space<vmem>>, vector<256x128xf32>
    %dot_general3A_36 = arith.constant dense<0.000000e+00> : vector<1024x128xf32>
    %dot_general3A_37 = tpu.matmul %slice3A_32, %get3A_35, %dot_general3A_36 {dimension_numbers = #tpu.dot_dimension_numbers<[1], [0], [0], [1], [0, 0, 1, 1], [], []>, transpose_lhs_hint = false} : vector<1024x256xf32>, vector<256x128xf32>, vector<1024x128xf32> -> vector<1024x128xf32>
    %get3A_38 = arith.constant 0 : index
    %get3A_39 = arith.constant 0 : index
    %get3A_40 = vector.load %arg8[%get3A_38, %get3A_39] : memref<1x128xf32, #tpu.memory_space<vmem>>, vector<1x128xf32>
    %add3A_41 = vector.broadcast %get3A_40 : vector<1x128xf32> to vector<1024x128xf32>
    %add3A_42 = arith.addf %dot_general3A_37, %add3A_41 : vector<1024x128xf32>
    %reduce_sum3A = arith.constant dense<0.000000e+00> : vector<1024xf32>
    %reduce_sum3A_43 = vector.multi_reduction <add>, %add3A_42, %reduce_sum3A [1] : vector<1024x128xf32> to vector<1024xf32>
    %broadcast_in_dim3A = vector.shape_cast %reduce_sum3A_43 : vector<1024xf32> to vector<1024x1xf32>
    %div3A = arith.constant 1.280000e+02 : f32
    %div3A_44 = vector.broadcast %div3A : f32 to vector<1024x1xf32>
    %div3A_45 = arith.divf %broadcast_in_dim3A, %div3A_44 : vector<1024x1xf32>
    %sub3A = vector.broadcast %div3A_45 : vector<1024x1xf32> to vector<1024x128xf32>
    %sub3A_46 = arith.subf %add3A_42, %sub3A : vector<1024x128xf32>
    %sub3A_47 = vector.broadcast %div3A_45 : vector<1024x1xf32> to vector<1024x128xf32>
    %sub3A_48 = arith.subf %add3A_42, %sub3A_47 : vector<1024x128xf32>
    %mul3A = arith.mulf %sub3A_46, %sub3A_48 : vector<1024x128xf32>
    %reduce_sum3A_49 = arith.constant dense<0.000000e+00> : vector<1024xf32>
    %reduce_sum3A_50 = vector.multi_reduction <add>, %mul3A, %reduce_sum3A_49 [1] : vector<1024x128xf32> to vector<1024xf32>
    %broadcast_in_dim3A_51 = vector.shape_cast %reduce_sum3A_50 : vector<1024xf32> to vector<1024x1xf32>
    %div3A_52 = arith.constant 1.280000e+02 : f32
    %div3A_53 = vector.broadcast %div3A_52 : f32 to vector<1024x1xf32>
    %div3A_54 = arith.divf %broadcast_in_dim3A_51, %div3A_53 : vector<1024x1xf32>
    %sub3A_55 = vector.broadcast %div3A_45 : vector<1024x1xf32> to vector<1024x128xf32>
    %sub3A_56 = arith.subf %add3A_42, %sub3A_55 : vector<1024x128xf32>
    %add3A_57 = arith.constant 9.99999974E-6 : f32
    %add3A_58 = vector.broadcast %add3A_57 : f32 to vector<1024x1xf32>
    %add3A_59 = arith.addf %div3A_54, %add3A_58 : vector<1024x1xf32>
    %rsqrt3A = math.rsqrt %add3A_59 : vector<1024x1xf32>
    %mul3A_60 = vector.broadcast %rsqrt3A : vector<1024x1xf32> to vector<1024x128xf32>
    %mul3A_61 = arith.mulf %sub3A_56, %mul3A_60 : vector<1024x128xf32>
    %get3A_62 = arith.constant 0 : index
    %get3A_63 = arith.constant 0 : index
    %get3A_64 = vector.load %arg9[%get3A_62, %get3A_63] : memref<1x128xf32, #tpu.memory_space<vmem>>, vector<1x128xf32>
    %mul3A_65 = vector.broadcast %get3A_64 : vector<1x128xf32> to vector<1024x128xf32>
    %mul3A_66 = arith.mulf %mul3A_61, %mul3A_65 : vector<1024x128xf32>
    %get3A_67 = arith.constant 0 : index
    %get3A_68 = arith.constant 0 : index
    %get3A_69 = vector.load %arg10[%get3A_67, %get3A_68] : memref<1x128xf32, #tpu.memory_space<vmem>>, vector<1x128xf32>
    %add3A_70 = vector.broadcast %get3A_69 : vector<1x128xf32> to vector<1024x128xf32>
    %add3A_71 = arith.addf %mul3A_66, %add3A_70 : vector<1024x128xf32>
    %slice3A_72 = vector.extract_strided_slice %max3A_28 {offsets = [0, 256], sizes = [1024, 256], strides = [1, 1]} : vector<1024x768xf32> to vector<1024x256xf32>
    %get3A_73 = arith.constant 0 : index
    %get3A_74 = arith.constant 0 : index
    %get3A_75 = vector.load %arg11[%get3A_73, %get3A_74] : memref<256x128xf32, #tpu.memory_space<vmem>>, vector<256x128xf32>
    %dot_general3A_76 = arith.constant dense<0.000000e+00> : vector<1024x128xf32>
    %dot_general3A_77 = tpu.matmul %slice3A_72, %get3A_75, %dot_general3A_76 {dimension_numbers = #tpu.dot_dimension_numbers<[1], [0], [0], [1], [0, 0, 1, 1], [], []>, transpose_lhs_hint = false} : vector<1024x256xf32>, vector<256x128xf32>, vector<1024x128xf32> -> vector<1024x128xf32>
    %get3A_78 = arith.constant 0 : index
    %get3A_79 = arith.constant 0 : index
    %get3A_80 = vector.load %arg12[%get3A_78, %get3A_79] : memref<1x128xf32, #tpu.memory_space<vmem>>, vector<1x128xf32>
    %add3A_81 = vector.broadcast %get3A_80 : vector<1x128xf32> to vector<1024x128xf32>
    %add3A_82 = arith.addf %dot_general3A_77, %add3A_81 : vector<1024x128xf32>
    %reduce_sum3A_83 = arith.constant dense<0.000000e+00> : vector<1024xf32>
    %reduce_sum3A_84 = vector.multi_reduction <add>, %add3A_82, %reduce_sum3A_83 [1] : vector<1024x128xf32> to vector<1024xf32>
    %broadcast_in_dim3A_85 = vector.shape_cast %reduce_sum3A_84 : vector<1024xf32> to vector<1024x1xf32>
    %div3A_86 = arith.constant 1.280000e+02 : f32
    %div3A_87 = vector.broadcast %div3A_86 : f32 to vector<1024x1xf32>
    %div3A_88 = arith.divf %broadcast_in_dim3A_85, %div3A_87 : vector<1024x1xf32>
    %sub3A_89 = vector.broadcast %div3A_88 : vector<1024x1xf32> to vector<1024x128xf32>
    %sub3A_90 = arith.subf %add3A_82, %sub3A_89 : vector<1024x128xf32>
    %sub3A_91 = vector.broadcast %div3A_88 : vector<1024x1xf32> to vector<1024x128xf32>
    %sub3A_92 = arith.subf %add3A_82, %sub3A_91 : vector<1024x128xf32>
    %mul3A_93 = arith.mulf %sub3A_90, %sub3A_92 : vector<1024x128xf32>
    %reduce_sum3A_94 = arith.constant dense<0.000000e+00> : vector<1024xf32>
    %reduce_sum3A_95 = vector.multi_reduction <add>, %mul3A_93, %reduce_sum3A_94 [1] : vector<1024x128xf32> to vector<1024xf32>
    %broadcast_in_dim3A_96 = vector.shape_cast %reduce_sum3A_95 : vector<1024xf32> to vector<1024x1xf32>
    %div3A_97 = arith.constant 1.280000e+02 : f32
    %div3A_98 = vector.broadcast %div3A_97 : f32 to vector<1024x1xf32>
    %div3A_99 = arith.divf %broadcast_in_dim3A_96, %div3A_98 : vector<1024x1xf32>
    %sub3A_100 = vector.broadcast %div3A_88 : vector<1024x1xf32> to vector<1024x128xf32>
    %sub3A_101 = arith.subf %add3A_82, %sub3A_100 : vector<1024x128xf32>
    %add3A_102 = arith.constant 9.99999974E-6 : f32
    %add3A_103 = vector.broadcast %add3A_102 : f32 to vector<1024x1xf32>
    %add3A_104 = arith.addf %div3A_99, %add3A_103 : vector<1024x1xf32>
    %rsqrt3A_105 = math.rsqrt %add3A_104 : vector<1024x1xf32>
    %mul3A_106 = vector.broadcast %rsqrt3A_105 : vector<1024x1xf32> to vector<1024x128xf32>
    %mul3A_107 = arith.mulf %sub3A_101, %mul3A_106 : vector<1024x128xf32>
    %get3A_108 = arith.constant 0 : index
    %get3A_109 = arith.constant 0 : index
    %get3A_110 = vector.load %arg13[%get3A_108, %get3A_109] : memref<1x128xf32, #tpu.memory_space<vmem>>, vector<1x128xf32>
    %mul3A_111 = vector.broadcast %get3A_110 : vector<1x128xf32> to vector<1024x128xf32>
    %mul3A_112 = arith.mulf %mul3A_107, %mul3A_111 : vector<1024x128xf32>
    %get3A_113 = arith.constant 0 : index
    %get3A_114 = arith.constant 0 : index
    %get3A_115 = vector.load %arg14[%get3A_113, %get3A_114] : memref<1x128xf32, #tpu.memory_space<vmem>>, vector<1x128xf32>
    %add3A_116 = vector.broadcast %get3A_115 : vector<1x128xf32> to vector<1024x128xf32>
    %add3A_117 = arith.addf %mul3A_112, %add3A_116 : vector<1024x128xf32>
    %slice3A_118 = vector.extract_strided_slice %max3A_28 {offsets = [0, 512], sizes = [1024, 256], strides = [1, 1]} : vector<1024x768xf32> to vector<1024x256xf32>
    %get3A_119 = arith.constant 0 : index
    %get3A_120 = arith.constant 0 : index
    %get3A_121 = vector.load %arg15[%get3A_119, %get3A_120] : memref<256x128xf32, #tpu.memory_space<vmem>>, vector<256x128xf32>
    %dot_general3A_122 = arith.constant dense<0.000000e+00> : vector<1024x128xf32>
    %dot_general3A_123 = tpu.matmul %slice3A_118, %get3A_121, %dot_general3A_122 {dimension_numbers = #tpu.dot_dimension_numbers<[1], [0], [0], [1], [0, 0, 1, 1], [], []>, transpose_lhs_hint = false} : vector<1024x256xf32>, vector<256x128xf32>, vector<1024x128xf32> -> vector<1024x128xf32>
    %get3A_124 = arith.constant 0 : index
    %get3A_125 = arith.constant 0 : index
    %get3A_126 = vector.load %arg16[%get3A_124, %get3A_125] : memref<1x128xf32, #tpu.memory_space<vmem>>, vector<1x128xf32>
    %add3A_127 = vector.broadcast %get3A_126 : vector<1x128xf32> to vector<1024x128xf32>
    %add3A_128 = arith.addf %dot_general3A_123, %add3A_127 : vector<1024x128xf32>
    %reduce_sum3A_129 = arith.constant dense<0.000000e+00> : vector<1024xf32>
    %reduce_sum3A_130 = vector.multi_reduction <add>, %add3A_128, %reduce_sum3A_129 [1] : vector<1024x128xf32> to vector<1024xf32>
    %broadcast_in_dim3A_131 = vector.shape_cast %reduce_sum3A_130 : vector<1024xf32> to vector<1024x1xf32>
    %div3A_132 = arith.constant 1.280000e+02 : f32
    %div3A_133 = vector.broadcast %div3A_132 : f32 to vector<1024x1xf32>
    %div3A_134 = arith.divf %broadcast_in_dim3A_131, %div3A_133 : vector<1024x1xf32>
    %sub3A_135 = vector.broadcast %div3A_134 : vector<1024x1xf32> to vector<1024x128xf32>
    %sub3A_136 = arith.subf %add3A_128, %sub3A_135 : vector<1024x128xf32>
    %sub3A_137 = vector.broadcast %div3A_134 : vector<1024x1xf32> to vector<1024x128xf32>
    %sub3A_138 = arith.subf %add3A_128, %sub3A_137 : vector<1024x128xf32>
    %mul3A_139 = arith.mulf %sub3A_136, %sub3A_138 : vector<1024x128xf32>
    %reduce_sum3A_140 = arith.constant dense<0.000000e+00> : vector<1024xf32>
    %reduce_sum3A_141 = vector.multi_reduction <add>, %mul3A_139, %reduce_sum3A_140 [1] : vector<1024x128xf32> to vector<1024xf32>
    %broadcast_in_dim3A_142 = vector.shape_cast %reduce_sum3A_141 : vector<1024xf32> to vector<1024x1xf32>
    %div3A_143 = arith.constant 1.280000e+02 : f32
    %div3A_144 = vector.broadcast %div3A_143 : f32 to vector<1024x1xf32>
    %div3A_145 = arith.divf %broadcast_in_dim3A_142, %div3A_144 : vector<1024x1xf32>
    %sub3A_146 = vector.broadcast %div3A_134 : vector<1024x1xf32> to vector<1024x128xf32>
    %sub3A_147 = arith.subf %add3A_128, %sub3A_146 : vector<1024x128xf32>
    %add3A_148 = arith.constant 9.99999974E-6 : f32
    %add3A_149 = vector.broadcast %add3A_148 : f32 to vector<1024x1xf32>
    %add3A_150 = arith.addf %div3A_145, %add3A_149 : vector<1024x1xf32>
    %rsqrt3A_151 = math.rsqrt %add3A_150 : vector<1024x1xf32>
    %mul3A_152 = vector.broadcast %rsqrt3A_151 : vector<1024x1xf32> to vector<1024x128xf32>
    %mul3A_153 = arith.mulf %sub3A_147, %mul3A_152 : vector<1024x128xf32>
    %get3A_154 = arith.constant 0 : index
    %get3A_155 = arith.constant 0 : index
    %get3A_156 = vector.load %arg17[%get3A_154, %get3A_155] : memref<1x128xf32, #tpu.memory_space<vmem>>, vector<1x128xf32>
    %mul3A_157 = vector.broadcast %get3A_156 : vector<1x128xf32> to vector<1024x128xf32>
    %mul3A_158 = arith.mulf %mul3A_153, %mul3A_157 : vector<1024x128xf32>
    %get3A_159 = arith.constant 0 : index
    %get3A_160 = arith.constant 0 : index
    %get3A_161 = vector.load %arg18[%get3A_159, %get3A_160] : memref<1x128xf32, #tpu.memory_space<vmem>>, vector<1x128xf32>
    %add3A_162 = vector.broadcast %get3A_161 : vector<1x128xf32> to vector<1024x128xf32>
    %add3A_163 = arith.addf %mul3A_158, %add3A_162 : vector<1024x128xf32>
    %get3A_164 = arith.constant 0 : index
    %get3A_165 = arith.constant 0 : index
    %get3A_166 = vector.load %arg19[%get3A_164, %get3A_165] : memref<128x128xf32, #tpu.memory_space<vmem>>, vector<128x128xf32>
    %dot_general3A_167 = arith.constant dense<0.000000e+00> : vector<1024x128xf32>
    %dot_general3A_168 = tpu.matmul %get3A_31, %get3A_166, %dot_general3A_167 {dimension_numbers = #tpu.dot_dimension_numbers<[1], [0], [0], [1], [0, 0, 1, 1], [], []>, transpose_lhs_hint = false} : vector<1024x128xf32>, vector<128x128xf32>, vector<1024x128xf32> -> vector<1024x128xf32>
    %get3A_169 = arith.constant 0 : index
    %get3A_170 = arith.constant 0 : index
    %get3A_171 = vector.load %arg20[%get3A_169, %get3A_170] : memref<1x128xf32, #tpu.memory_space<vmem>>, vector<1x128xf32>
    %add3A_172 = vector.broadcast %get3A_171 : vector<1x128xf32> to vector<1024x128xf32>
    %add3A_173 = arith.addf %dot_general3A_168, %add3A_172 : vector<1024x128xf32>
    %max3A_174 = arith.constant 0.000000e+00 : f32
    %max3A_175 = vector.broadcast %max3A_174 : f32 to vector<1024x128xf32>
    %max3A_176 = arith.maximumf %add3A_173, %max3A_175 : vector<1024x128xf32>
    %get3A_177 = arith.constant 0 : index
    %get3A_178 = arith.constant 0 : index
    %get3A_179 = vector.load %arg21[%get3A_177, %get3A_178] : memref<128x128xf32, #tpu.memory_space<vmem>>, vector<128x128xf32>
    %dot_general3A_180 = arith.constant dense<0.000000e+00> : vector<1024x128xf32>
    %dot_general3A_181 = tpu.matmul %max3A_176, %get3A_179, %dot_general3A_180 {dimension_numbers = #tpu.dot_dimension_numbers<[1], [0], [0], [1], [0, 0, 1, 1], [], []>, transpose_lhs_hint = false} : vector<1024x128xf32>, vector<128x128xf32>, vector<1024x128xf32> -> vector<1024x128xf32>
    %get3A_182 = arith.constant 0 : index
    %get3A_183 = arith.constant 0 : index
    %get3A_184 = vector.load %arg22[%get3A_182, %get3A_183] : memref<1x128xf32, #tpu.memory_space<vmem>>, vector<1x128xf32>
    %add3A_185 = vector.broadcast %get3A_184 : vector<1x128xf32> to vector<1024x128xf32>
    %add3A_186 = arith.addf %dot_general3A_181, %add3A_185 : vector<1024x128xf32>
    %get3A_187 = arith.constant 0 : index
    %get3A_188 = arith.constant 0 : index
    %get3A_189 = vector.load %arg23[%get3A_187, %get3A_188] : memref<128x128xf32, #tpu.memory_space<vmem>>, vector<128x128xf32>
    %dot_general3A_190 = arith.constant dense<0.000000e+00> : vector<1024x128xf32>
    %dot_general3A_191 = tpu.matmul %add3A_186, %get3A_189, %dot_general3A_190 {dimension_numbers = #tpu.dot_dimension_numbers<[1], [0], [0], [1], [0, 0, 1, 1], [], []>, transpose_lhs_hint = false} : vector<1024x128xf32>, vector<128x128xf32>, vector<1024x128xf32> -> vector<1024x128xf32>
    %get3A_192 = arith.constant 0 : index
    %get3A_193 = arith.constant 0 : index
    %get3A_194 = vector.load %arg24[%get3A_192, %get3A_193] : memref<1x128xf32, #tpu.memory_space<vmem>>, vector<1x128xf32>
    %add3A_195 = vector.broadcast %get3A_194 : vector<1x128xf32> to vector<1024x128xf32>
    %add3A_196 = arith.addf %dot_general3A_191, %add3A_195 : vector<1024x128xf32>
    %get3A_197 = arith.constant 0 : index
    %get3A_198 = arith.constant 0 : index
    %get3A_199 = vector.load %arg25[%get3A_197, %get3A_198] : memref<128x128xf32, #tpu.memory_space<vmem>>, vector<128x128xf32>
    %dot_general3A_200 = arith.constant dense<0.000000e+00> : vector<1024x128xf32>
    %dot_general3A_201 = tpu.matmul %add3A_71, %get3A_199, %dot_general3A_200 {dimension_numbers = #tpu.dot_dimension_numbers<[1], [0], [0], [1], [0, 0, 1, 1], [], []>, transpose_lhs_hint = false} : vector<1024x128xf32>, vector<128x128xf32>, vector<1024x128xf32> -> vector<1024x128xf32>
    %get3A_202 = arith.constant 0 : index
    %get3A_203 = arith.constant 0 : index
    %get3A_204 = vector.load %arg26[%get3A_202, %get3A_203] : memref<1x128xf32, #tpu.memory_space<vmem>>, vector<1x128xf32>
    %add3A_205 = vector.broadcast %get3A_204 : vector<1x128xf32> to vector<1024x128xf32>
    %add3A_206 = arith.addf %dot_general3A_201, %add3A_205 : vector<1024x128xf32>
    %max3A_207 = arith.constant 0.000000e+00 : f32
    %max3A_208 = vector.broadcast %max3A_207 : f32 to vector<1024x128xf32>
    %max3A_209 = arith.maximumf %add3A_206, %max3A_208 : vector<1024x128xf32>
    %get3A_210 = arith.constant 0 : index
    %get3A_211 = arith.constant 0 : index
    %get3A_212 = vector.load %arg27[%get3A_210, %get3A_211] : memref<128x128xf32, #tpu.memory_space<vmem>>, vector<128x128xf32>
    %dot_general3A_213 = arith.constant dense<0.000000e+00> : vector<1024x128xf32>
    %dot_general3A_214 = tpu.matmul %max3A_209, %get3A_212, %dot_general3A_213 {dimension_numbers = #tpu.dot_dimension_numbers<[1], [0], [0], [1], [0, 0, 1, 1], [], []>, transpose_lhs_hint = false} : vector<1024x128xf32>, vector<128x128xf32>, vector<1024x128xf32> -> vector<1024x128xf32>
    %get3A_215 = arith.constant 0 : index
    %get3A_216 = arith.constant 0 : index
    %get3A_217 = vector.load %arg28[%get3A_215, %get3A_216] : memref<1x128xf32, #tpu.memory_space<vmem>>, vector<1x128xf32>
    %add3A_218 = vector.broadcast %get3A_217 : vector<1x128xf32> to vector<1024x128xf32>
    %add3A_219 = arith.addf %dot_general3A_214, %add3A_218 : vector<1024x128xf32>
    %get3A_220 = arith.constant 0 : index
    %get3A_221 = arith.constant 0 : index
    %get3A_222 = vector.load %arg29[%get3A_220, %get3A_221] : memref<128x128xf32, #tpu.memory_space<vmem>>, vector<128x128xf32>
    %dot_general3A_223 = arith.constant dense<0.000000e+00> : vector<1024x128xf32>
    %dot_general3A_224 = tpu.matmul %add3A_219, %get3A_222, %dot_general3A_223 {dimension_numbers = #tpu.dot_dimension_numbers<[1], [0], [0], [1], [0, 0, 1, 1], [], []>, transpose_lhs_hint = false} : vector<1024x128xf32>, vector<128x128xf32>, vector<1024x128xf32> -> vector<1024x128xf32>
    %get3A_225 = arith.constant 0 : index
    %get3A_226 = arith.constant 0 : index
    %get3A_227 = vector.load %arg30[%get3A_225, %get3A_226] : memref<1x128xf32, #tpu.memory_space<vmem>>, vector<1x128xf32>
    %add3A_228 = vector.broadcast %get3A_227 : vector<1x128xf32> to vector<1024x128xf32>
    %add3A_229 = arith.addf %dot_general3A_224, %add3A_228 : vector<1024x128xf32>
    %get3A_230 = arith.constant 0 : index
    %get3A_231 = arith.constant 0 : index
    %get3A_232 = vector.load %arg31[%get3A_230, %get3A_231] : memref<128x128xf32, #tpu.memory_space<vmem>>, vector<128x128xf32>
    %dot_general3A_233 = arith.constant dense<0.000000e+00> : vector<1024x128xf32>
    %dot_general3A_234 = tpu.matmul %add3A_117, %get3A_232, %dot_general3A_233 {dimension_numbers = #tpu.dot_dimension_numbers<[1], [0], [0], [1], [0, 0, 1, 1], [], []>, transpose_lhs_hint = false} : vector<1024x128xf32>, vector<128x128xf32>, vector<1024x128xf32> -> vector<1024x128xf32>
    %get3A_235 = arith.constant 0 : index
    %get3A_236 = arith.constant 0 : index
    %get3A_237 = vector.load %arg32[%get3A_235, %get3A_236] : memref<1x128xf32, #tpu.memory_space<vmem>>, vector<1x128xf32>
    %add3A_238 = vector.broadcast %get3A_237 : vector<1x128xf32> to vector<1024x128xf32>
    %add3A_239 = arith.addf %dot_general3A_234, %add3A_238 : vector<1024x128xf32>
    %max3A_240 = arith.constant 0.000000e+00 : f32
    %max3A_241 = vector.broadcast %max3A_240 : f32 to vector<1024x128xf32>
    %max3A_242 = arith.maximumf %add3A_239, %max3A_241 : vector<1024x128xf32>
    %get3A_243 = arith.constant 0 : index
    %get3A_244 = arith.constant 0 : index
    %get3A_245 = vector.load %arg33[%get3A_243, %get3A_244] : memref<128x128xf32, #tpu.memory_space<vmem>>, vector<128x128xf32>
    %dot_general3A_246 = arith.constant dense<0.000000e+00> : vector<1024x128xf32>
    %dot_general3A_247 = tpu.matmul %max3A_242, %get3A_245, %dot_general3A_246 {dimension_numbers = #tpu.dot_dimension_numbers<[1], [0], [0], [1], [0, 0, 1, 1], [], []>, transpose_lhs_hint = false} : vector<1024x128xf32>, vector<128x128xf32>, vector<1024x128xf32> -> vector<1024x128xf32>
    %get3A_248 = arith.constant 0 : index
    %get3A_249 = arith.constant 0 : index
    %get3A_250 = vector.load %arg34[%get3A_248, %get3A_249] : memref<1x128xf32, #tpu.memory_space<vmem>>, vector<1x128xf32>
    %add3A_251 = vector.broadcast %get3A_250 : vector<1x128xf32> to vector<1024x128xf32>
    %add3A_252 = arith.addf %dot_general3A_247, %add3A_251 : vector<1024x128xf32>
    %get3A_253 = arith.constant 0 : index
    %get3A_254 = arith.constant 0 : index
    %get3A_255 = vector.load %arg35[%get3A_253, %get3A_254] : memref<128x128xf32, #tpu.memory_space<vmem>>, vector<128x128xf32>
    %dot_general3A_256 = arith.constant dense<0.000000e+00> : vector<1024x128xf32>
    %dot_general3A_257 = tpu.matmul %add3A_252, %get3A_255, %dot_general3A_256 {dimension_numbers = #tpu.dot_dimension_numbers<[1], [0], [0], [1], [0, 0, 1, 1], [], []>, transpose_lhs_hint = false} : vector<1024x128xf32>, vector<128x128xf32>, vector<1024x128xf32> -> vector<1024x128xf32>
    %get3A_258 = arith.constant 0 : index
    %get3A_259 = arith.constant 0 : index
    %get3A_260 = vector.load %arg36[%get3A_258, %get3A_259] : memref<1x128xf32, #tpu.memory_space<vmem>>, vector<1x128xf32>
    %add3A_261 = vector.broadcast %get3A_260 : vector<1x128xf32> to vector<1024x128xf32>
    %add3A_262 = arith.addf %dot_general3A_257, %add3A_261 : vector<1024x128xf32>
    %get3A_263 = arith.constant 0 : index
    %get3A_264 = arith.constant 0 : index
    %get3A_265 = vector.load %arg37[%get3A_263, %get3A_264] : memref<128x128xf32, #tpu.memory_space<vmem>>, vector<128x128xf32>
    %dot_general3A_266 = arith.constant dense<0.000000e+00> : vector<1024x128xf32>
    %dot_general3A_267 = tpu.matmul %add3A_163, %get3A_265, %dot_general3A_266 {dimension_numbers = #tpu.dot_dimension_numbers<[1], [0], [0], [1], [0, 0, 1, 1], [], []>, transpose_lhs_hint = false} : vector<1024x128xf32>, vector<128x128xf32>, vector<1024x128xf32> -> vector<1024x128xf32>
    %get3A_268 = arith.constant 0 : index
    %get3A_269 = arith.constant 0 : index
    %get3A_270 = vector.load %arg38[%get3A_268, %get3A_269] : memref<1x128xf32, #tpu.memory_space<vmem>>, vector<1x128xf32>
    %add3A_271 = vector.broadcast %get3A_270 : vector<1x128xf32> to vector<1024x128xf32>
    %add3A_272 = arith.addf %dot_general3A_267, %add3A_271 : vector<1024x128xf32>
    %max3A_273 = arith.constant 0.000000e+00 : f32
    %max3A_274 = vector.broadcast %max3A_273 : f32 to vector<1024x128xf32>
    %max3A_275 = arith.maximumf %add3A_272, %max3A_274 : vector<1024x128xf32>
    %get3A_276 = arith.constant 0 : index
    %get3A_277 = arith.constant 0 : index
    %get3A_278 = vector.load %arg39[%get3A_276, %get3A_277] : memref<128x128xf32, #tpu.memory_space<vmem>>, vector<128x128xf32>
    %dot_general3A_279 = arith.constant dense<0.000000e+00> : vector<1024x128xf32>
    %dot_general3A_280 = tpu.matmul %max3A_275, %get3A_278, %dot_general3A_279 {dimension_numbers = #tpu.dot_dimension_numbers<[1], [0], [0], [1], [0, 0, 1, 1], [], []>, transpose_lhs_hint = false} : vector<1024x128xf32>, vector<128x128xf32>, vector<1024x128xf32> -> vector<1024x128xf32>
    %get3A_281 = arith.constant 0 : index
    %get3A_282 = arith.constant 0 : index
    %get3A_283 = vector.load %arg40[%get3A_281, %get3A_282] : memref<1x128xf32, #tpu.memory_space<vmem>>, vector<1x128xf32>
    %add3A_284 = vector.broadcast %get3A_283 : vector<1x128xf32> to vector<1024x128xf32>
    %add3A_285 = arith.addf %dot_general3A_280, %add3A_284 : vector<1024x128xf32>
    %get3A_286 = arith.constant 0 : index
    %get3A_287 = arith.constant 0 : index
    %get3A_288 = vector.load %arg41[%get3A_286, %get3A_287] : memref<128x128xf32, #tpu.memory_space<vmem>>, vector<128x128xf32>
    %dot_general3A_289 = arith.constant dense<0.000000e+00> : vector<1024x128xf32>
    %dot_general3A_290 = tpu.matmul %add3A_285, %get3A_288, %dot_general3A_289 {dimension_numbers = #tpu.dot_dimension_numbers<[1], [0], [0], [1], [0, 0, 1, 1], [], []>, transpose_lhs_hint = false} : vector<1024x128xf32>, vector<128x128xf32>, vector<1024x128xf32> -> vector<1024x128xf32>
    %get3A_291 = arith.constant 0 : index
    %get3A_292 = arith.constant 0 : index
    %get3A_293 = vector.load %arg42[%get3A_291, %get3A_292] : memref<1x128xf32, #tpu.memory_space<vmem>>, vector<1x128xf32>
    %add3A_294 = vector.broadcast %get3A_293 : vector<1x128xf32> to vector<1024x128xf32>
    %add3A_295 = arith.addf %dot_general3A_290, %add3A_294 : vector<1024x128xf32>
    %get3A_296 = arith.constant 0 : index
    %get3A_297 = arith.constant 0 : index
    %get3A_298 = vector.load %arg43[%get3A_296, %get3A_297] : memref<1x128xf32, #tpu.memory_space<vmem>>, vector<1x128xf32>
    %mul3A_299 = vector.broadcast %get3A_298 : vector<1x128xf32> to vector<1024x128xf32>
    %mul3A_300 = arith.mulf %add3A_196, %mul3A_299 : vector<1024x128xf32>
    %reduce_sum3A_301 = arith.constant dense<0.000000e+00> : vector<1024xf32>
    %reduce_sum3A_302 = vector.multi_reduction <add>, %mul3A_300, %reduce_sum3A_301 [1] : vector<1024x128xf32> to vector<1024xf32>
    %broadcast_in_dim3A_303 = vector.shape_cast %reduce_sum3A_302 : vector<1024xf32> to vector<1024x1xf32>
    %get3A_304 = arith.constant 0 : index
    %get3A_305 = arith.constant 0 : index
    %get3A_306 = vector.load %arg44[%get3A_304, %get3A_305] : memref<1x128xf32, #tpu.memory_space<vmem>>, vector<1x128xf32>
    %mul3A_307 = vector.broadcast %get3A_306 : vector<1x128xf32> to vector<1024x128xf32>
    %mul3A_308 = arith.mulf %add3A_229, %mul3A_307 : vector<1024x128xf32>
    %reduce_sum3A_309 = arith.constant dense<0.000000e+00> : vector<1024xf32>
    %reduce_sum3A_310 = vector.multi_reduction <add>, %mul3A_308, %reduce_sum3A_309 [1] : vector<1024x128xf32> to vector<1024xf32>
    %broadcast_in_dim3A_311 = vector.shape_cast %reduce_sum3A_310 : vector<1024xf32> to vector<1024x1xf32>
    %add3A_312 = arith.addf %broadcast_in_dim3A_303, %broadcast_in_dim3A_311 : vector<1024x1xf32>
    %get3A_313 = arith.constant 0 : index
    %get3A_314 = arith.constant 0 : index
    %get3A_315 = vector.load %arg45[%get3A_313, %get3A_314] : memref<1x1xf32, #tpu.memory_space<vmem>>, vector<1x1xf32>
    %add3A_316 = vector.broadcast %get3A_315 : vector<1x1xf32> to vector<1024x1xf32>
    %add3A_317 = arith.addf %add3A_312, %add3A_316 : vector<1024x1xf32>
    %get3A_318 = arith.constant 0 : index
    %get3A_319 = arith.constant 0 : index
    %get3A_320 = vector.load %arg46[%get3A_318, %get3A_319] : memref<1x128xf32, #tpu.memory_space<vmem>>, vector<1x128xf32>
    %mul3A_321 = vector.broadcast %get3A_320 : vector<1x128xf32> to vector<1024x128xf32>
    %mul3A_322 = arith.mulf %add3A_196, %mul3A_321 : vector<1024x128xf32>
    %reduce_sum3A_323 = arith.constant dense<0.000000e+00> : vector<1024xf32>
    %reduce_sum3A_324 = vector.multi_reduction <add>, %mul3A_322, %reduce_sum3A_323 [1] : vector<1024x128xf32> to vector<1024xf32>
    %broadcast_in_dim3A_325 = vector.shape_cast %reduce_sum3A_324 : vector<1024xf32> to vector<1024x1xf32>
    %get3A_326 = arith.constant 0 : index
    %get3A_327 = arith.constant 0 : index
    %get3A_328 = vector.load %arg47[%get3A_326, %get3A_327] : memref<1x128xf32, #tpu.memory_space<vmem>>, vector<1x128xf32>
    %mul3A_329 = vector.broadcast %get3A_328 : vector<1x128xf32> to vector<1024x128xf32>
    %mul3A_330 = arith.mulf %add3A_262, %mul3A_329 : vector<1024x128xf32>
    %reduce_sum3A_331 = arith.constant dense<0.000000e+00> : vector<1024xf32>
    %reduce_sum3A_332 = vector.multi_reduction <add>, %mul3A_330, %reduce_sum3A_331 [1] : vector<1024x128xf32> to vector<1024xf32>
    %broadcast_in_dim3A_333 = vector.shape_cast %reduce_sum3A_332 : vector<1024xf32> to vector<1024x1xf32>
    %add3A_334 = arith.addf %broadcast_in_dim3A_325, %broadcast_in_dim3A_333 : vector<1024x1xf32>
    %get3A_335 = arith.constant 0 : index
    %get3A_336 = arith.constant 0 : index
    %get3A_337 = vector.load %arg48[%get3A_335, %get3A_336] : memref<1x1xf32, #tpu.memory_space<vmem>>, vector<1x1xf32>
    %add3A_338 = vector.broadcast %get3A_337 : vector<1x1xf32> to vector<1024x1xf32>
    %add3A_339 = arith.addf %add3A_334, %add3A_338 : vector<1024x1xf32>
    %get3A_340 = arith.constant 0 : index
    %get3A_341 = arith.constant 0 : index
    %get3A_342 = vector.load %arg49[%get3A_340, %get3A_341] : memref<1x128xf32, #tpu.memory_space<vmem>>, vector<1x128xf32>
    %mul3A_343 = vector.broadcast %get3A_342 : vector<1x128xf32> to vector<1024x128xf32>
    %mul3A_344 = arith.mulf %add3A_196, %mul3A_343 : vector<1024x128xf32>
    %reduce_sum3A_345 = arith.constant dense<0.000000e+00> : vector<1024xf32>
    %reduce_sum3A_346 = vector.multi_reduction <add>, %mul3A_344, %reduce_sum3A_345 [1] : vector<1024x128xf32> to vector<1024xf32>
    %broadcast_in_dim3A_347 = vector.shape_cast %reduce_sum3A_346 : vector<1024xf32> to vector<1024x1xf32>
    %get3A_348 = arith.constant 0 : index
    %get3A_349 = arith.constant 0 : index
    %get3A_350 = vector.load %arg50[%get3A_348, %get3A_349] : memref<1x128xf32, #tpu.memory_space<vmem>>, vector<1x128xf32>
    %mul3A_351 = vector.broadcast %get3A_350 : vector<1x128xf32> to vector<1024x128xf32>
    %mul3A_352 = arith.mulf %add3A_295, %mul3A_351 : vector<1024x128xf32>
    %reduce_sum3A_353 = arith.constant dense<0.000000e+00> : vector<1024xf32>
    %reduce_sum3A_354 = vector.multi_reduction <add>, %mul3A_352, %reduce_sum3A_353 [1] : vector<1024x128xf32> to vector<1024xf32>
    %broadcast_in_dim3A_355 = vector.shape_cast %reduce_sum3A_354 : vector<1024xf32> to vector<1024x1xf32>
    %add3A_356 = arith.addf %broadcast_in_dim3A_347, %broadcast_in_dim3A_355 : vector<1024x1xf32>
    %get3A_357 = arith.constant 0 : index
    %get3A_358 = arith.constant 0 : index
    %get3A_359 = vector.load %arg51[%get3A_357, %get3A_358] : memref<1x1xf32, #tpu.memory_space<vmem>>, vector<1x1xf32>
    %add3A_360 = vector.broadcast %get3A_359 : vector<1x1xf32> to vector<1024x1xf32>
    %add3A_361 = arith.addf %add3A_356, %add3A_360 : vector<1024x1xf32>
    %max3A_362 = arith.maximumf %add3A_317, %add3A_339 : vector<1024x1xf32>
    %max3A_363 = arith.maximumf %max3A_362, %add3A_361 : vector<1024x1xf32>
    %sub3A_364 = arith.subf %add3A_317, %max3A_363 : vector<1024x1xf32>
    %exp3A = math.exp %sub3A_364 : vector<1024x1xf32>
    %sub3A_365 = arith.subf %add3A_339, %max3A_363 : vector<1024x1xf32>
    %exp3A_366 = math.exp %sub3A_365 : vector<1024x1xf32>
    %sub3A_367 = arith.subf %add3A_361, %max3A_363 : vector<1024x1xf32>
    %exp3A_368 = math.exp %sub3A_367 : vector<1024x1xf32>
    %add3A_369 = arith.addf %exp3A, %exp3A_366 : vector<1024x1xf32>
    %add3A_370 = arith.addf %add3A_369, %exp3A_368 : vector<1024x1xf32>
    %mul3A_371 = vector.broadcast %exp3A : vector<1024x1xf32> to vector<1024x128xf32>
    %mul3A_372 = arith.mulf %mul3A_371, %add3A_229 : vector<1024x128xf32>
    %mul3A_373 = vector.broadcast %exp3A_366 : vector<1024x1xf32> to vector<1024x128xf32>
    %mul3A_374 = arith.mulf %mul3A_373, %add3A_262 : vector<1024x128xf32>
    %add3A_375 = arith.addf %mul3A_372, %mul3A_374 : vector<1024x128xf32>
    %mul3A_376 = vector.broadcast %exp3A_368 : vector<1024x1xf32> to vector<1024x128xf32>
    %mul3A_377 = arith.mulf %mul3A_376, %add3A_295 : vector<1024x128xf32>
    %add3A_378 = arith.addf %add3A_375, %mul3A_377 : vector<1024x128xf32>
    %div3A_379 = vector.broadcast %add3A_370 : vector<1024x1xf32> to vector<1024x128xf32>
    %div3A_380 = arith.divf %add3A_378, %div3A_379 : vector<1024x128xf32>
    %slice3A_381 = vector.extract_strided_slice %div3A_380 {offsets = [0, 0], sizes = [1024, 64], strides = [1, 1]} : vector<1024x128xf32> to vector<1024x64xf32>
    %swap3A = arith.constant 0 : index
    %swap3A_382 = arith.constant 0 : index
    %swap3A_383 = vector.load %arg52[%swap3A, %swap3A_382] : memref<1024x64xf32, #tpu.memory_space<vmem>>, vector<1024x64xf32>
    tpu.vector_store %arg52[%swap3A, %swap3A_382], %slice3A_381 {strides = array<i32>} : memref<1024x64xf32, #tpu.memory_space<vmem>>, vector<1024x64xf32>,
    %slice3A_384 = vector.extract_strided_slice %div3A_380 {offsets = [0, 64], sizes = [1024, 64], strides = [1, 1]} : vector<1024x128xf32> to vector<1024x64xf32>
    %swap3A_385 = arith.constant 0 : index
    %swap3A_386 = arith.constant 0 : index
    %swap3A_387 = vector.load %arg53[%swap3A_385, %swap3A_386] : memref<1024x64xf32, #tpu.memory_space<vmem>>, vector<1024x64xf32>
    tpu.vector_store %arg53[%swap3A_385, %swap3A_386], %slice3A_384 {strides = array<i32>} : memref<1024x64xf32, #tpu.memory_space<vmem>>, vector<1024x64xf32>,
    return
  }
  func.func @transform_0(%arg0: i32) -> (i32, i32) {
    %c0_i32 = arith.constant 0 : i32
    %c0_i32_0 = arith.constant 0 : i32
    return %c0_i32, %arg0 : i32, i32
  }
  func.func @transform_1(%arg0: i32) -> (i32, i32) {
    %c0_i32 = arith.constant 0 : i32
    %c0_i32_0 = arith.constant 0 : i32
    return %arg0, %c0_i32 : i32, i32
  }
  func.func @transform_2(%arg0: i32) -> (i32, i32) {
    %c0_i32 = arith.constant 0 : i32
    %c0_i32_0 = arith.constant 0 : i32
    %c0_i32_1 = arith.constant 0 : i32
    return %c0_i32, %c0_i32_0 : i32, i32
  }
  func.func @transform_3(%arg0: i32) -> (i32, i32) {
    %c0_i32 = arith.constant 0 : i32
    %c0_i32_0 = arith.constant 0 : i32
    %c0_i32_1 = arith.constant 0 : i32
    return %c0_i32, %c0_i32_0 : i32, i32
  }
  func.func @transform_4(%arg0: i32) -> (i32, i32) {
    %c0_i32 = arith.constant 0 : i32
    %c0_i32_0 = arith.constant 0 : i32
    %c0_i32_1 = arith.constant 0 : i32
    return %c0_i32, %c0_i32_0 : i32, i32
  }
  func.func @transform_5(%arg0: i32) -> (i32, i32) {
    %c0_i32 = arith.constant 0 : i32
    %c0_i32_0 = arith.constant 0 : i32
    %c0_i32_1 = arith.constant 0 : i32
    return %c0_i32, %c0_i32_0 : i32, i32
  }
  func.func @transform_6(%arg0: i32) -> (i32, i32) {
    %c0_i32 = arith.constant 0 : i32
    %c0_i32_0 = arith.constant 0 : i32
    %c0_i32_1 = arith.constant 0 : i32
    return %c0_i32, %c0_i32_0 : i32, i32
  }
  func.func @transform_7(%arg0: i32) -> (i32, i32) {
    %c0_i32 = arith.constant 0 : i32
    %c0_i32_0 = arith.constant 0 : i32
    %c0_i32_1 = arith.constant 0 : i32
    return %c0_i32, %c0_i32_0 : i32, i32
  }
  func.func @transform_8(%arg0: i32) -> (i32, i32) {
    %c0_i32 = arith.constant 0 : i32
    %c0_i32_0 = arith.constant 0 : i32
    %c0_i32_1 = arith.constant 0 : i32
    return %c0_i32, %c0_i32_0 : i32, i32
  }
  func.func @transform_9(%arg0: i32) -> (i32, i32) {
    %c0_i32 = arith.constant 0 : i32
    %c0_i32_0 = arith.constant 0 : i32
    %c0_i32_1 = arith.constant 0 : i32
    return %c0_i32, %c0_i32_0 : i32, i32
  }
  func.func @transform_10(%arg0: i32) -> (i32, i32) {
    %c0_i32 = arith.constant 0 : i32
    %c0_i32_0 = arith.constant 0 : i32
    %c0_i32_1 = arith.constant 0 : i32
    return %c0_i32, %c0_i32_0 : i32, i32
  }
  func.func @transform_11(%arg0: i32) -> (i32, i32) {
    %c0_i32 = arith.constant 0 : i32
    %c0_i32_0 = arith.constant 0 : i32
    %c0_i32_1 = arith.constant 0 : i32
    return %c0_i32, %c0_i32_0 : i32, i32
  }
  func.func @transform_12(%arg0: i32) -> (i32, i32) {
    %c0_i32 = arith.constant 0 : i32
    %c0_i32_0 = arith.constant 0 : i32
    %c0_i32_1 = arith.constant 0 : i32
    return %c0_i32, %c0_i32_0 : i32, i32
  }
  func.func @transform_13(%arg0: i32) -> (i32, i32) {
    %c0_i32 = arith.constant 0 : i32
    %c0_i32_0 = arith.constant 0 : i32
    %c0_i32_1 = arith.constant 0 : i32
    return %c0_i32, %c0_i32_0 : i32, i32
  }
  func.func @transform_14(%arg0: i32) -> (i32, i32) {
    %c0_i32 = arith.constant 0 : i32
    %c0_i32_0 = arith.constant 0 : i32
    %c0_i32_1 = arith.constant 0 : i32
    return %c0_i32, %c0_i32_0 : i32, i32
  }
  func.func @transform_15(%arg0: i32) -> (i32, i32) {
    %c0_i32 = arith.constant 0 : i32
    %c0_i32_0 = arith.constant 0 : i32
    %c0_i32_1 = arith.constant 0 : i32
    return %c0_i32, %c0_i32_0 : i32, i32
  }
  func.func @transform_16(%arg0: i32) -> (i32, i32) {
    %c0_i32 = arith.constant 0 : i32
    %c0_i32_0 = arith.constant 0 : i32
    %c0_i32_1 = arith.constant 0 : i32
    return %c0_i32, %c0_i32_0 : i32, i32
  }
  func.func @transform_17(%arg0: i32) -> (i32, i32) {
    %c0_i32 = arith.constant 0 : i32
    %c0_i32_0 = arith.constant 0 : i32
    %c0_i32_1 = arith.constant 0 : i32
    return %c0_i32, %c0_i32_0 : i32, i32
  }
  func.func @transform_18(%arg0: i32) -> (i32, i32) {
    %c0_i32 = arith.constant 0 : i32
    %c0_i32_0 = arith.constant 0 : i32
    %c0_i32_1 = arith.constant 0 : i32
    return %c0_i32, %c0_i32_0 : i32, i32
  }
  func.func @transform_19(%arg0: i32) -> (i32, i32) {
    %c0_i32 = arith.constant 0 : i32
    %c0_i32_0 = arith.constant 0 : i32
    %c0_i32_1 = arith.constant 0 : i32
    return %c0_i32, %c0_i32_0 : i32, i32
  }
  func.func @transform_20(%arg0: i32) -> (i32, i32) {
    %c0_i32 = arith.constant 0 : i32
    %c0_i32_0 = arith.constant 0 : i32
    %c0_i32_1 = arith.constant 0 : i32
    return %c0_i32, %c0_i32_0 : i32, i32
  }
  func.func @transform_21(%arg0: i32) -> (i32, i32) {
    %c0_i32 = arith.constant 0 : i32
    %c0_i32_0 = arith.constant 0 : i32
    %c0_i32_1 = arith.constant 0 : i32
    return %c0_i32, %c0_i32_0 : i32, i32
  }
  func.func @transform_22(%arg0: i32) -> (i32, i32) {
    %c0_i32 = arith.constant 0 : i32
    %c0_i32_0 = arith.constant 0 : i32
    %c0_i32_1 = arith.constant 0 : i32
    return %c0_i32, %c0_i32_0 : i32, i32
  }
  func.func @transform_23(%arg0: i32) -> (i32, i32) {
    %c0_i32 = arith.constant 0 : i32
    %c0_i32_0 = arith.constant 0 : i32
    %c0_i32_1 = arith.constant 0 : i32
    return %c0_i32, %c0_i32_0 : i32, i32
  }
  func.func @transform_24(%arg0: i32) -> (i32, i32) {
    %c0_i32 = arith.constant 0 : i32
    %c0_i32_0 = arith.constant 0 : i32
    %c0_i32_1 = arith.constant 0 : i32
    return %c0_i32, %c0_i32_0 : i32, i32
  }
  func.func @transform_25(%arg0: i32) -> (i32, i32) {
    %c0_i32 = arith.constant 0 : i32
    %c0_i32_0 = arith.constant 0 : i32
    %c0_i32_1 = arith.constant 0 : i32
    return %c0_i32, %c0_i32_0 : i32, i32
  }
  func.func @transform_26(%arg0: i32) -> (i32, i32) {
    %c0_i32 = arith.constant 0 : i32
    %c0_i32_0 = arith.constant 0 : i32
    %c0_i32_1 = arith.constant 0 : i32
    return %c0_i32, %c0_i32_0 : i32, i32
  }
  func.func @transform_27(%arg0: i32) -> (i32, i32) {
    %c0_i32 = arith.constant 0 : i32
    %c0_i32_0 = arith.constant 0 : i32
    %c0_i32_1 = arith.constant 0 : i32
    return %c0_i32, %c0_i32_0 : i32, i32
  }
  func.func @transform_28(%arg0: i32) -> (i32, i32) {
    %c0_i32 = arith.constant 0 : i32
    %c0_i32_0 = arith.constant 0 : i32
    %c0_i32_1 = arith.constant 0 : i32
    return %c0_i32, %c0_i32_0 : i32, i32
  }
  func.func @transform_29(%arg0: i32) -> (i32, i32) {
    %c0_i32 = arith.constant 0 : i32
    %c0_i32_0 = arith.constant 0 : i32
    %c0_i32_1 = arith.constant 0 : i32
    return %c0_i32, %c0_i32_0 : i32, i32
  }
  func.func @transform_30(%arg0: i32) -> (i32, i32) {
    %c0_i32 = arith.constant 0 : i32
    %c0_i32_0 = arith.constant 0 : i32
    %c0_i32_1 = arith.constant 0 : i32
    return %c0_i32, %c0_i32_0 : i32, i32
  }
  func.func @transform_31(%arg0: i32) -> (i32, i32) {
    %c0_i32 = arith.constant 0 : i32
    %c0_i32_0 = arith.constant 0 : i32
    %c0_i32_1 = arith.constant 0 : i32
    return %c0_i32, %c0_i32_0 : i32, i32
  }
  func.func @transform_32(%arg0: i32) -> (i32, i32) {
    %c0_i32 = arith.constant 0 : i32
    %c0_i32_0 = arith.constant 0 : i32
    %c0_i32_1 = arith.constant 0 : i32
    return %c0_i32, %c0_i32_0 : i32, i32
  }
  func.func @transform_33(%arg0: i32) -> (i32, i32) {
    %c0_i32 = arith.constant 0 : i32
    %c0_i32_0 = arith.constant 0 : i32
    %c0_i32_1 = arith.constant 0 : i32
    return %c0_i32, %c0_i32_0 : i32, i32
  }
  func.func @transform_34(%arg0: i32) -> (i32, i32) {
    %c0_i32 = arith.constant 0 : i32
    %c0_i32_0 = arith.constant 0 : i32
    %c0_i32_1 = arith.constant 0 : i32
    return %c0_i32, %c0_i32_0 : i32, i32
  }
  func.func @transform_35(%arg0: i32) -> (i32, i32) {
    %c0_i32 = arith.constant 0 : i32
    %c0_i32_0 = arith.constant 0 : i32
    %c0_i32_1 = arith.constant 0 : i32
    return %c0_i32, %c0_i32_0 : i32, i32
  }
  func.func @transform_36(%arg0: i32) -> (i32, i32) {
    %c0_i32 = arith.constant 0 : i32
    %c0_i32_0 = arith.constant 0 : i32
    %c0_i32_1 = arith.constant 0 : i32
    return %c0_i32, %c0_i32_0 : i32, i32
  }
  func.func @transform_37(%arg0: i32) -> (i32, i32) {
    %c0_i32 = arith.constant 0 : i32
    %c0_i32_0 = arith.constant 0 : i32
    %c0_i32_1 = arith.constant 0 : i32
    return %c0_i32, %c0_i32_0 : i32, i32
  }
  func.func @transform_38(%arg0: i32) -> (i32, i32) {
    %c0_i32 = arith.constant 0 : i32
    %c0_i32_0 = arith.constant 0 : i32
    %c0_i32_1 = arith.constant 0 : i32
    return %c0_i32, %c0_i32_0 : i32, i32
  }
  func.func @transform_39(%arg0: i32) -> (i32, i32) {
    %c0_i32 = arith.constant 0 : i32
    %c0_i32_0 = arith.constant 0 : i32
    %c0_i32_1 = arith.constant 0 : i32
    return %c0_i32, %c0_i32_0 : i32, i32
  }
  func.func @transform_40(%arg0: i32) -> (i32, i32) {
    %c0_i32 = arith.constant 0 : i32
    %c0_i32_0 = arith.constant 0 : i32
    %c0_i32_1 = arith.constant 0 : i32
    return %c0_i32, %c0_i32_0 : i32, i32
  }
  func.func @transform_41(%arg0: i32) -> (i32, i32) {
    %c0_i32 = arith.constant 0 : i32
    %c0_i32_0 = arith.constant 0 : i32
    %c0_i32_1 = arith.constant 0 : i32
    return %c0_i32, %c0_i32_0 : i32, i32
  }
  func.func @transform_42(%arg0: i32) -> (i32, i32) {
    %c0_i32 = arith.constant 0 : i32
    %c0_i32_0 = arith.constant 0 : i32
    %c0_i32_1 = arith.constant 0 : i32
    return %c0_i32, %c0_i32_0 : i32, i32
  }
  func.func @transform_43(%arg0: i32) -> (i32, i32) {
    %c0_i32 = arith.constant 0 : i32
    %c0_i32_0 = arith.constant 0 : i32
    %c0_i32_1 = arith.constant 0 : i32
    return %c0_i32, %c0_i32_0 : i32, i32
  }
  func.func @transform_44(%arg0: i32) -> (i32, i32) {
    %c0_i32 = arith.constant 0 : i32
    %c0_i32_0 = arith.constant 0 : i32
    %c0_i32_1 = arith.constant 0 : i32
    return %c0_i32, %c0_i32_0 : i32, i32
  }
  func.func @transform_45(%arg0: i32) -> (i32, i32) {
    %c0_i32 = arith.constant 0 : i32
    %c0_i32_0 = arith.constant 0 : i32
    %c0_i32_1 = arith.constant 0 : i32
    return %c0_i32, %c0_i32_0 : i32, i32
  }
  func.func @transform_46(%arg0: i32) -> (i32, i32) {
    %c0_i32 = arith.constant 0 : i32
    %c0_i32_0 = arith.constant 0 : i32
    %c0_i32_1 = arith.constant 0 : i32
    return %c0_i32, %c0_i32_0 : i32, i32
  }
  func.func @transform_47(%arg0: i32) -> (i32, i32) {
    %c0_i32 = arith.constant 0 : i32
    %c0_i32_0 = arith.constant 0 : i32
    %c0_i32_1 = arith.constant 0 : i32
    return %c0_i32, %c0_i32_0 : i32, i32
  }
  func.func @transform_48(%arg0: i32) -> (i32, i32) {
    %c0_i32 = arith.constant 0 : i32
    %c0_i32_0 = arith.constant 0 : i32
    %c0_i32_1 = arith.constant 0 : i32
    return %c0_i32, %c0_i32_0 : i32, i32
  }
  func.func @transform_49(%arg0: i32) -> (i32, i32) {
    %c0_i32 = arith.constant 0 : i32
    %c0_i32_0 = arith.constant 0 : i32
    %c0_i32_1 = arith.constant 0 : i32
    return %c0_i32, %c0_i32_0 : i32, i32
  }
  func.func @transform_50(%arg0: i32) -> (i32, i32) {
    %c0_i32 = arith.constant 0 : i32
    %c0_i32_0 = arith.constant 0 : i32
    %c0_i32_1 = arith.constant 0 : i32
    return %c0_i32, %c0_i32_0 : i32, i32
  }
  func.func @transform_51(%arg0: i32) -> (i32, i32) {
    %c0_i32 = arith.constant 0 : i32
    %c0_i32_0 = arith.constant 0 : i32
    return %arg0, %c0_i32 : i32, i32
  }
  func.func @transform_52(%arg0: i32) -> (i32, i32) {
    %c0_i32 = arith.constant 0 : i32
    %c0_i32_0 = arith.constant 0 : i32
    return %arg0, %c0_i32 : i32, i32
  }
}

module attributes {stable_mosaic.version = 14 : i64} {
  func.func @_tc2_body(%arg0: i32, %arg1: memref<2000x64xf32, #tpu.memory_space<vmem>>, %arg2: memref<2000x64xf32, #tpu.memory_space<vmem>>, %arg3: memref<2000x64xf32, #tpu.memory_space<vmem>>, %arg4: memref<2000x64xf32, #tpu.memory_space<vmem>>, %arg5: memref<2000x16xf32, #tpu.memory_space<vmem>>, %arg6: memref<64x128xf32, #tpu.memory_space<vmem>>, %arg7: memref<64x128xf32, #tpu.memory_space<vmem>>, %arg8: memref<1x128xf32, #tpu.memory_space<vmem>>, %arg9: memref<64x128xf32, #tpu.memory_space<vmem>>, %arg10: memref<64x128xf32, #tpu.memory_space<vmem>>, %arg11: memref<1x128xf32, #tpu.memory_space<vmem>>, %arg12: memref<2000x64xf32, #tpu.memory_space<vmem>>, %arg13: memref<2000x64xf32, #tpu.memory_space<vmem>>, %arg14: memref<2000x64xf32, #tpu.memory_space<vmem>>, %arg15: memref<2000x64xf32, #tpu.memory_space<vmem>>) attributes {dimension_semantics = [#tpu.dimension_semantics<arbitrary>], iteration_bounds = array<i64: 5>, scalar_prefetch = 0 : i64, scratch_operands = 0 : i64, tpu.core_type = #tpu.core_type<tc>, window_params = [{transform_indices = @transform_0, window_bounds = array<i64: 2000, 64>}, {transform_indices = @transform_1, window_bounds = array<i64: 2000, 64>}, {transform_indices = @transform_2, window_bounds = array<i64: 2000, 64>}, {transform_indices = @transform_3, window_bounds = array<i64: 2000, 64>}, {transform_indices = @transform_4, window_bounds = array<i64: 2000, 16>}, {pipeline_mode = #tpu.pipeline_mode<synchronous>, transform_indices = @transform_5, window_bounds = array<i64: 64, 128>}, {pipeline_mode = #tpu.pipeline_mode<synchronous>, transform_indices = @transform_6, window_bounds = array<i64: 64, 128>}, {pipeline_mode = #tpu.pipeline_mode<synchronous>, transform_indices = @transform_7, window_bounds = array<i64: 1, 128>}, {pipeline_mode = #tpu.pipeline_mode<synchronous>, transform_indices = @transform_8, window_bounds = array<i64: 64, 128>}, {pipeline_mode = #tpu.pipeline_mode<synchronous>, transform_indices = @transform_9, window_bounds = array<i64: 64, 128>}, {pipeline_mode = #tpu.pipeline_mode<synchronous>, transform_indices = @transform_10, window_bounds = array<i64: 1, 128>}, {transform_indices = @transform_11, window_bounds = array<i64: 2000, 64>}, {transform_indices = @transform_12, window_bounds = array<i64: 2000, 64>}, {transform_indices = @transform_13, window_bounds = array<i64: 2000, 64>}, {transform_indices = @transform_14, window_bounds = array<i64: 2000, 64>}]} {
    %get3A = arith.constant 0 : index
    %get3A_0 = arith.constant 0 : index
    %get3A_1 = vector.load %arg5[%get3A, %get3A_0] : memref<2000x16xf32, #tpu.memory_space<vmem>>, vector<2000x1xf32>
    %max3A = arith.constant 1.000000e+00 : f32
    %max3A_2 = vector.broadcast %max3A : f32 to vector<2000x1xf32>
    %max3A_3 = arith.maximumf %get3A_1, %max3A_2 : vector<2000x1xf32>
    %div3A = arith.constant 1.000000e+00 : f32
    %div3A_4 = vector.broadcast %div3A : f32 to vector<2000x1xf32>
    %div3A_5 = arith.divf %div3A_4, %max3A_3 : vector<2000x1xf32>
    %get3A_6 = arith.constant 0 : index
    %get3A_7 = arith.constant 0 : index
    %get3A_8 = vector.load %arg1[%get3A_6, %get3A_7] : memref<2000x64xf32, #tpu.memory_space<vmem>>, vector<2000x64xf32>
    %mul3A = vector.broadcast %div3A_5 : vector<2000x1xf32> to vector<2000x64xf32>
    %mul3A_9 = arith.mulf %get3A_8, %mul3A : vector<2000x64xf32>
    %get3A_10 = arith.constant 0 : index
    %get3A_11 = arith.constant 0 : index
    %get3A_12 = vector.load %arg6[%get3A_10, %get3A_11] : memref<64x128xf32, #tpu.memory_space<vmem>>, vector<64x128xf32>
    %dot_general3A = arith.constant dense<0.000000e+00> : vector<2000x128xf32>
    %dot_general3A_13 = tpu.matmul %mul3A_9, %get3A_12, %dot_general3A {dimension_numbers = #tpu.dot_dimension_numbers<[1], [0], [0], [1], [0, 0, 1, 1], [], []>, transpose_lhs_hint = false} : vector<2000x64xf32>, vector<64x128xf32>, vector<2000x128xf32> -> vector<2000x128xf32>
    %get3A_14 = arith.constant 0 : index
    %get3A_15 = arith.constant 0 : index
    %get3A_16 = vector.load %arg2[%get3A_14, %get3A_15] : memref<2000x64xf32, #tpu.memory_space<vmem>>, vector<2000x64xf32>
    %mul3A_17 = vector.broadcast %div3A_5 : vector<2000x1xf32> to vector<2000x64xf32>
    %mul3A_18 = arith.mulf %get3A_16, %mul3A_17 : vector<2000x64xf32>
    %get3A_19 = arith.constant 0 : index
    %get3A_20 = arith.constant 0 : index
    %get3A_21 = vector.load %arg7[%get3A_19, %get3A_20] : memref<64x128xf32, #tpu.memory_space<vmem>>, vector<64x128xf32>
    %dot_general3A_22 = arith.constant dense<0.000000e+00> : vector<2000x128xf32>
    %dot_general3A_23 = tpu.matmul %mul3A_18, %get3A_21, %dot_general3A_22 {dimension_numbers = #tpu.dot_dimension_numbers<[1], [0], [0], [1], [0, 0, 1, 1], [], []>, transpose_lhs_hint = false} : vector<2000x64xf32>, vector<64x128xf32>, vector<2000x128xf32> -> vector<2000x128xf32>
    %add3A = arith.addf %dot_general3A_13, %dot_general3A_23 : vector<2000x128xf32>
    %get3A_24 = arith.constant 0 : index
    %get3A_25 = arith.constant 0 : index
    %get3A_26 = vector.load %arg8[%get3A_24, %get3A_25] : memref<1x128xf32, #tpu.memory_space<vmem>>, vector<1x128xf32>
    %add3A_27 = vector.broadcast %get3A_26 : vector<1x128xf32> to vector<2000x128xf32>
    %add3A_28 = arith.addf %add3A, %add3A_27 : vector<2000x128xf32>
    %max3A_29 = arith.constant 0.000000e+00 : f32
    %max3A_30 = vector.broadcast %max3A_29 : f32 to vector<2000x128xf32>
    %max3A_31 = arith.maximumf %add3A_28, %max3A_30 : vector<2000x128xf32>
    %get3A_32 = arith.constant 0 : index
    %get3A_33 = arith.constant 0 : index
    %get3A_34 = vector.load %arg3[%get3A_32, %get3A_33] : memref<2000x64xf32, #tpu.memory_space<vmem>>, vector<2000x64xf32>
    %mul3A_35 = vector.broadcast %div3A_5 : vector<2000x1xf32> to vector<2000x64xf32>
    %mul3A_36 = arith.mulf %get3A_34, %mul3A_35 : vector<2000x64xf32>
    %get3A_37 = arith.constant 0 : index
    %get3A_38 = arith.constant 0 : index
    %get3A_39 = vector.load %arg9[%get3A_37, %get3A_38] : memref<64x128xf32, #tpu.memory_space<vmem>>, vector<64x128xf32>
    %dot_general3A_40 = arith.constant dense<0.000000e+00> : vector<2000x128xf32>
    %dot_general3A_41 = tpu.matmul %mul3A_36, %get3A_39, %dot_general3A_40 {dimension_numbers = #tpu.dot_dimension_numbers<[1], [0], [0], [1], [0, 0, 1, 1], [], []>, transpose_lhs_hint = false} : vector<2000x64xf32>, vector<64x128xf32>, vector<2000x128xf32> -> vector<2000x128xf32>
    %get3A_42 = arith.constant 0 : index
    %get3A_43 = arith.constant 0 : index
    %get3A_44 = vector.load %arg4[%get3A_42, %get3A_43] : memref<2000x64xf32, #tpu.memory_space<vmem>>, vector<2000x64xf32>
    %mul3A_45 = vector.broadcast %div3A_5 : vector<2000x1xf32> to vector<2000x64xf32>
    %mul3A_46 = arith.mulf %get3A_44, %mul3A_45 : vector<2000x64xf32>
    %get3A_47 = arith.constant 0 : index
    %get3A_48 = arith.constant 0 : index
    %get3A_49 = vector.load %arg10[%get3A_47, %get3A_48] : memref<64x128xf32, #tpu.memory_space<vmem>>, vector<64x128xf32>
    %dot_general3A_50 = arith.constant dense<0.000000e+00> : vector<2000x128xf32>
    %dot_general3A_51 = tpu.matmul %mul3A_46, %get3A_49, %dot_general3A_50 {dimension_numbers = #tpu.dot_dimension_numbers<[1], [0], [0], [1], [0, 0, 1, 1], [], []>, transpose_lhs_hint = false} : vector<2000x64xf32>, vector<64x128xf32>, vector<2000x128xf32> -> vector<2000x128xf32>
    %add3A_52 = arith.addf %dot_general3A_41, %dot_general3A_51 : vector<2000x128xf32>
    %get3A_53 = arith.constant 0 : index
    %get3A_54 = arith.constant 0 : index
    %get3A_55 = vector.load %arg11[%get3A_53, %get3A_54] : memref<1x128xf32, #tpu.memory_space<vmem>>, vector<1x128xf32>
    %add3A_56 = vector.broadcast %get3A_55 : vector<1x128xf32> to vector<2000x128xf32>
    %add3A_57 = arith.addf %add3A_52, %add3A_56 : vector<2000x128xf32>
    %max3A_58 = arith.constant 0.000000e+00 : f32
    %max3A_59 = vector.broadcast %max3A_58 : f32 to vector<2000x128xf32>
    %max3A_60 = arith.maximumf %add3A_57, %max3A_59 : vector<2000x128xf32>
    %slice3A = vector.extract_strided_slice %max3A_31 {offsets = [0, 0], sizes = [2000, 64], strides = [1, 1]} : vector<2000x128xf32> to vector<2000x64xf32>
    %swap3A = arith.constant 0 : index
    %swap3A_61 = arith.constant 0 : index
    %swap3A_62 = vector.load %arg12[%swap3A, %swap3A_61] : memref<2000x64xf32, #tpu.memory_space<vmem>>, vector<2000x64xf32>
    tpu.vector_store %arg12[%swap3A, %swap3A_61], %slice3A {strides = array<i32>} : memref<2000x64xf32, #tpu.memory_space<vmem>>, vector<2000x64xf32>,
    %slice3A_63 = vector.extract_strided_slice %max3A_31 {offsets = [0, 64], sizes = [2000, 64], strides = [1, 1]} : vector<2000x128xf32> to vector<2000x64xf32>
    %swap3A_64 = arith.constant 0 : index
    %swap3A_65 = arith.constant 0 : index
    %swap3A_66 = vector.load %arg13[%swap3A_64, %swap3A_65] : memref<2000x64xf32, #tpu.memory_space<vmem>>, vector<2000x64xf32>
    tpu.vector_store %arg13[%swap3A_64, %swap3A_65], %slice3A_63 {strides = array<i32>} : memref<2000x64xf32, #tpu.memory_space<vmem>>, vector<2000x64xf32>,
    %slice3A_67 = vector.extract_strided_slice %max3A_60 {offsets = [0, 0], sizes = [2000, 64], strides = [1, 1]} : vector<2000x128xf32> to vector<2000x64xf32>
    %swap3A_68 = arith.constant 0 : index
    %swap3A_69 = arith.constant 0 : index
    %swap3A_70 = vector.load %arg14[%swap3A_68, %swap3A_69] : memref<2000x64xf32, #tpu.memory_space<vmem>>, vector<2000x64xf32>
    tpu.vector_store %arg14[%swap3A_68, %swap3A_69], %slice3A_67 {strides = array<i32>} : memref<2000x64xf32, #tpu.memory_space<vmem>>, vector<2000x64xf32>,
    %slice3A_71 = vector.extract_strided_slice %max3A_60 {offsets = [0, 64], sizes = [2000, 64], strides = [1, 1]} : vector<2000x128xf32> to vector<2000x64xf32>
    %swap3A_72 = arith.constant 0 : index
    %swap3A_73 = arith.constant 0 : index
    %swap3A_74 = vector.load %arg15[%swap3A_72, %swap3A_73] : memref<2000x64xf32, #tpu.memory_space<vmem>>, vector<2000x64xf32>
    tpu.vector_store %arg15[%swap3A_72, %swap3A_73], %slice3A_71 {strides = array<i32>} : memref<2000x64xf32, #tpu.memory_space<vmem>>, vector<2000x64xf32>,
    return
  }
  func.func @transform_0(%arg0: i32) -> (i32, i32) {
    %c0_i32 = arith.constant 0 : i32
    %c0_i32_0 = arith.constant 0 : i32
    return %arg0, %c0_i32 : i32, i32
  }
  func.func @transform_1(%arg0: i32) -> (i32, i32) {
    %c0_i32 = arith.constant 0 : i32
    %c0_i32_0 = arith.constant 0 : i32
    return %arg0, %c0_i32 : i32, i32
  }
  func.func @transform_2(%arg0: i32) -> (i32, i32) {
    %c0_i32 = arith.constant 0 : i32
    %c0_i32_0 = arith.constant 0 : i32
    return %arg0, %c0_i32 : i32, i32
  }
  func.func @transform_3(%arg0: i32) -> (i32, i32) {
    %c0_i32 = arith.constant 0 : i32
    %c0_i32_0 = arith.constant 0 : i32
    return %arg0, %c0_i32 : i32, i32
  }
  func.func @transform_4(%arg0: i32) -> (i32, i32) {
    %c0_i32 = arith.constant 0 : i32
    %c0_i32_0 = arith.constant 0 : i32
    return %arg0, %c0_i32 : i32, i32
  }
  func.func @transform_5(%arg0: i32) -> (i32, i32) {
    %c0_i32 = arith.constant 0 : i32
    %c0_i32_0 = arith.constant 0 : i32
    %c0_i32_1 = arith.constant 0 : i32
    return %c0_i32, %c0_i32_0 : i32, i32
  }
  func.func @transform_6(%arg0: i32) -> (i32, i32) {
    %c0_i32 = arith.constant 0 : i32
    %c0_i32_0 = arith.constant 0 : i32
    %c0_i32_1 = arith.constant 0 : i32
    return %c0_i32, %c0_i32_0 : i32, i32
  }
  func.func @transform_7(%arg0: i32) -> (i32, i32) {
    %c0_i32 = arith.constant 0 : i32
    %c0_i32_0 = arith.constant 0 : i32
    %c0_i32_1 = arith.constant 0 : i32
    return %c0_i32, %c0_i32_0 : i32, i32
  }
  func.func @transform_8(%arg0: i32) -> (i32, i32) {
    %c0_i32 = arith.constant 0 : i32
    %c0_i32_0 = arith.constant 0 : i32
    %c0_i32_1 = arith.constant 0 : i32
    return %c0_i32, %c0_i32_0 : i32, i32
  }
  func.func @transform_9(%arg0: i32) -> (i32, i32) {
    %c0_i32 = arith.constant 0 : i32
    %c0_i32_0 = arith.constant 0 : i32
    %c0_i32_1 = arith.constant 0 : i32
    return %c0_i32, %c0_i32_0 : i32, i32
  }
  func.func @transform_10(%arg0: i32) -> (i32, i32) {
    %c0_i32 = arith.constant 0 : i32
    %c0_i32_0 = arith.constant 0 : i32
    %c0_i32_1 = arith.constant 0 : i32
    return %c0_i32, %c0_i32_0 : i32, i32
  }
  func.func @transform_11(%arg0: i32) -> (i32, i32) {
    %c0_i32 = arith.constant 0 : i32
    %c0_i32_0 = arith.constant 0 : i32
    return %arg0, %c0_i32 : i32, i32
  }
  func.func @transform_12(%arg0: i32) -> (i32, i32) {
    %c0_i32 = arith.constant 0 : i32
    %c0_i32_0 = arith.constant 0 : i32
    return %arg0, %c0_i32 : i32, i32
  }
  func.func @transform_13(%arg0: i32) -> (i32, i32) {
    %c0_i32 = arith.constant 0 : i32
    %c0_i32_0 = arith.constant 0 : i32
    return %arg0, %c0_i32 : i32, i32
  }
  func.func @transform_14(%arg0: i32) -> (i32, i32) {
    %c0_i32 = arith.constant 0 : i32
    %c0_i32_0 = arith.constant 0 : i32
    return %arg0, %c0_i32 : i32, i32
  }
}

module attributes {stable_mosaic.version = 14 : i64} {
  func.func @_tc3_body(%arg0: i32, %arg1: memref<2000x64xf32, #tpu.memory_space<vmem>>, %arg2: memref<2000x64xf32, #tpu.memory_space<vmem>>, %arg3: memref<2000x64xf32, #tpu.memory_space<vmem>>, %arg4: memref<2000x64xf32, #tpu.memory_space<vmem>>, %arg5: memref<2000x16xf32, #tpu.memory_space<vmem>>, %arg6: memref<64x128xf32, #tpu.memory_space<vmem>>, %arg7: memref<64x128xf32, #tpu.memory_space<vmem>>, %arg8: memref<1x128xf32, #tpu.memory_space<vmem>>, %arg9: memref<64x128xf32, #tpu.memory_space<vmem>>, %arg10: memref<64x128xf32, #tpu.memory_space<vmem>>, %arg11: memref<1x128xf32, #tpu.memory_space<vmem>>, %arg12: memref<128x128xf32, #tpu.memory_space<vmem>>, %arg13: memref<128x128xf32, #tpu.memory_space<vmem>>, %arg14: memref<1x128xf32, #tpu.memory_space<vmem>>, %arg15: memref<128x128xf32, #tpu.memory_space<vmem>>, %arg16: memref<1x128xf32, #tpu.memory_space<vmem>>, %arg17: memref<128x128xf32, #tpu.memory_space<vmem>>, %arg18: memref<1x128xf32, #tpu.memory_space<vmem>>, %arg19: memref<2000x128xf32, #tpu.memory_space<vmem>>) attributes {dimension_semantics = [#tpu.dimension_semantics<arbitrary>], iteration_bounds = array<i64: 5>, scalar_prefetch = 0 : i64, scratch_operands = 0 : i64, tpu.core_type = #tpu.core_type<tc>, window_params = [{transform_indices = @transform_0, window_bounds = array<i64: 2000, 64>}, {transform_indices = @transform_1, window_bounds = array<i64: 2000, 64>}, {transform_indices = @transform_2, window_bounds = array<i64: 2000, 64>}, {transform_indices = @transform_3, window_bounds = array<i64: 2000, 64>}, {transform_indices = @transform_4, window_bounds = array<i64: 2000, 16>}, {pipeline_mode = #tpu.pipeline_mode<synchronous>, transform_indices = @transform_5, window_bounds = array<i64: 64, 128>}, {pipeline_mode = #tpu.pipeline_mode<synchronous>, transform_indices = @transform_6, window_bounds = array<i64: 64, 128>}, {pipeline_mode = #tpu.pipeline_mode<synchronous>, transform_indices = @transform_7, window_bounds = array<i64: 1, 128>}, {pipeline_mode = #tpu.pipeline_mode<synchronous>, transform_indices = @transform_8, window_bounds = array<i64: 64, 128>}, {pipeline_mode = #tpu.pipeline_mode<synchronous>, transform_indices = @transform_9, window_bounds = array<i64: 64, 128>}, {pipeline_mode = #tpu.pipeline_mode<synchronous>, transform_indices = @transform_10, window_bounds = array<i64: 1, 128>}, {pipeline_mode = #tpu.pipeline_mode<synchronous>, transform_indices = @transform_11, window_bounds = array<i64: 128, 128>}, {pipeline_mode = #tpu.pipeline_mode<synchronous>, transform_indices = @transform_12, window_bounds = array<i64: 128, 128>}, {pipeline_mode = #tpu.pipeline_mode<synchronous>, transform_indices = @transform_13, window_bounds = array<i64: 1, 128>}, {pipeline_mode = #tpu.pipeline_mode<synchronous>, transform_indices = @transform_14, window_bounds = array<i64: 128, 128>}, {pipeline_mode = #tpu.pipeline_mode<synchronous>, transform_indices = @transform_15, window_bounds = array<i64: 1, 128>}, {pipeline_mode = #tpu.pipeline_mode<synchronous>, transform_indices = @transform_16, window_bounds = array<i64: 128, 128>}, {pipeline_mode = #tpu.pipeline_mode<synchronous>, transform_indices = @transform_17, window_bounds = array<i64: 1, 128>}, {transform_indices = @transform_18, window_bounds = array<i64: 2000, 128>}]} {
    %get3A = arith.constant 0 : index
    %get3A_0 = arith.constant 0 : index
    %get3A_1 = vector.load %arg5[%get3A, %get3A_0] : memref<2000x16xf32, #tpu.memory_space<vmem>>, vector<2000x1xf32>
    %max3A = arith.constant 1.000000e+00 : f32
    %max3A_2 = vector.broadcast %max3A : f32 to vector<2000x1xf32>
    %max3A_3 = arith.maximumf %get3A_1, %max3A_2 : vector<2000x1xf32>
    %div3A = arith.constant 1.000000e+00 : f32
    %div3A_4 = vector.broadcast %div3A : f32 to vector<2000x1xf32>
    %div3A_5 = arith.divf %div3A_4, %max3A_3 : vector<2000x1xf32>
    %get3A_6 = arith.constant 0 : index
    %get3A_7 = arith.constant 0 : index
    %get3A_8 = vector.load %arg1[%get3A_6, %get3A_7] : memref<2000x64xf32, #tpu.memory_space<vmem>>, vector<2000x64xf32>
    %mul3A = vector.broadcast %div3A_5 : vector<2000x1xf32> to vector<2000x64xf32>
    %mul3A_9 = arith.mulf %get3A_8, %mul3A : vector<2000x64xf32>
    %get3A_10 = arith.constant 0 : index
    %get3A_11 = arith.constant 0 : index
    %get3A_12 = vector.load %arg6[%get3A_10, %get3A_11] : memref<64x128xf32, #tpu.memory_space<vmem>>, vector<64x128xf32>
    %dot_general3A = arith.constant dense<0.000000e+00> : vector<2000x128xf32>
    %dot_general3A_13 = tpu.matmul %mul3A_9, %get3A_12, %dot_general3A {dimension_numbers = #tpu.dot_dimension_numbers<[1], [0], [0], [1], [0, 0, 1, 1], [], []>, transpose_lhs_hint = false} : vector<2000x64xf32>, vector<64x128xf32>, vector<2000x128xf32> -> vector<2000x128xf32>
    %get3A_14 = arith.constant 0 : index
    %get3A_15 = arith.constant 0 : index
    %get3A_16 = vector.load %arg2[%get3A_14, %get3A_15] : memref<2000x64xf32, #tpu.memory_space<vmem>>, vector<2000x64xf32>
    %mul3A_17 = vector.broadcast %div3A_5 : vector<2000x1xf32> to vector<2000x64xf32>
    %mul3A_18 = arith.mulf %get3A_16, %mul3A_17 : vector<2000x64xf32>
    %get3A_19 = arith.constant 0 : index
    %get3A_20 = arith.constant 0 : index
    %get3A_21 = vector.load %arg7[%get3A_19, %get3A_20] : memref<64x128xf32, #tpu.memory_space<vmem>>, vector<64x128xf32>
    %dot_general3A_22 = arith.constant dense<0.000000e+00> : vector<2000x128xf32>
    %dot_general3A_23 = tpu.matmul %mul3A_18, %get3A_21, %dot_general3A_22 {dimension_numbers = #tpu.dot_dimension_numbers<[1], [0], [0], [1], [0, 0, 1, 1], [], []>, transpose_lhs_hint = false} : vector<2000x64xf32>, vector<64x128xf32>, vector<2000x128xf32> -> vector<2000x128xf32>
    %add3A = arith.addf %dot_general3A_13, %dot_general3A_23 : vector<2000x128xf32>
    %get3A_24 = arith.constant 0 : index
    %get3A_25 = arith.constant 0 : index
    %get3A_26 = vector.load %arg8[%get3A_24, %get3A_25] : memref<1x128xf32, #tpu.memory_space<vmem>>, vector<1x128xf32>
    %add3A_27 = vector.broadcast %get3A_26 : vector<1x128xf32> to vector<2000x128xf32>
    %add3A_28 = arith.addf %add3A, %add3A_27 : vector<2000x128xf32>
    %max3A_29 = arith.constant 0.000000e+00 : f32
    %max3A_30 = vector.broadcast %max3A_29 : f32 to vector<2000x128xf32>
    %max3A_31 = arith.maximumf %add3A_28, %max3A_30 : vector<2000x128xf32>
    %get3A_32 = arith.constant 0 : index
    %get3A_33 = arith.constant 0 : index
    %get3A_34 = vector.load %arg3[%get3A_32, %get3A_33] : memref<2000x64xf32, #tpu.memory_space<vmem>>, vector<2000x64xf32>
    %mul3A_35 = vector.broadcast %div3A_5 : vector<2000x1xf32> to vector<2000x64xf32>
    %mul3A_36 = arith.mulf %get3A_34, %mul3A_35 : vector<2000x64xf32>
    %get3A_37 = arith.constant 0 : index
    %get3A_38 = arith.constant 0 : index
    %get3A_39 = vector.load %arg9[%get3A_37, %get3A_38] : memref<64x128xf32, #tpu.memory_space<vmem>>, vector<64x128xf32>
    %dot_general3A_40 = arith.constant dense<0.000000e+00> : vector<2000x128xf32>
    %dot_general3A_41 = tpu.matmul %mul3A_36, %get3A_39, %dot_general3A_40 {dimension_numbers = #tpu.dot_dimension_numbers<[1], [0], [0], [1], [0, 0, 1, 1], [], []>, transpose_lhs_hint = false} : vector<2000x64xf32>, vector<64x128xf32>, vector<2000x128xf32> -> vector<2000x128xf32>
    %get3A_42 = arith.constant 0 : index
    %get3A_43 = arith.constant 0 : index
    %get3A_44 = vector.load %arg4[%get3A_42, %get3A_43] : memref<2000x64xf32, #tpu.memory_space<vmem>>, vector<2000x64xf32>
    %mul3A_45 = vector.broadcast %div3A_5 : vector<2000x1xf32> to vector<2000x64xf32>
    %mul3A_46 = arith.mulf %get3A_44, %mul3A_45 : vector<2000x64xf32>
    %get3A_47 = arith.constant 0 : index
    %get3A_48 = arith.constant 0 : index
    %get3A_49 = vector.load %arg10[%get3A_47, %get3A_48] : memref<64x128xf32, #tpu.memory_space<vmem>>, vector<64x128xf32>
    %dot_general3A_50 = arith.constant dense<0.000000e+00> : vector<2000x128xf32>
    %dot_general3A_51 = tpu.matmul %mul3A_46, %get3A_49, %dot_general3A_50 {dimension_numbers = #tpu.dot_dimension_numbers<[1], [0], [0], [1], [0, 0, 1, 1], [], []>, transpose_lhs_hint = false} : vector<2000x64xf32>, vector<64x128xf32>, vector<2000x128xf32> -> vector<2000x128xf32>
    %add3A_52 = arith.addf %dot_general3A_41, %dot_general3A_51 : vector<2000x128xf32>
    %get3A_53 = arith.constant 0 : index
    %get3A_54 = arith.constant 0 : index
    %get3A_55 = vector.load %arg11[%get3A_53, %get3A_54] : memref<1x128xf32, #tpu.memory_space<vmem>>, vector<1x128xf32>
    %add3A_56 = vector.broadcast %get3A_55 : vector<1x128xf32> to vector<2000x128xf32>
    %add3A_57 = arith.addf %add3A_52, %add3A_56 : vector<2000x128xf32>
    %max3A_58 = arith.constant 0.000000e+00 : f32
    %max3A_59 = vector.broadcast %max3A_58 : f32 to vector<2000x128xf32>
    %max3A_60 = arith.maximumf %add3A_57, %max3A_59 : vector<2000x128xf32>
    %get3A_61 = arith.constant 0 : index
    %get3A_62 = arith.constant 0 : index
    %get3A_63 = vector.load %arg12[%get3A_61, %get3A_62] : memref<128x128xf32, #tpu.memory_space<vmem>>, vector<128x128xf32>
    %dot_general3A_64 = arith.constant dense<0.000000e+00> : vector<2000x128xf32>
    %dot_general3A_65 = tpu.matmul %max3A_31, %get3A_63, %dot_general3A_64 {dimension_numbers = #tpu.dot_dimension_numbers<[1], [0], [0], [1], [0, 0, 1, 1], [], []>, transpose_lhs_hint = false} : vector<2000x128xf32>, vector<128x128xf32>, vector<2000x128xf32> -> vector<2000x128xf32>
    %get3A_66 = arith.constant 0 : index
    %get3A_67 = arith.constant 0 : index
    %get3A_68 = vector.load %arg13[%get3A_66, %get3A_67] : memref<128x128xf32, #tpu.memory_space<vmem>>, vector<128x128xf32>
    %dot_general3A_69 = arith.constant dense<0.000000e+00> : vector<2000x128xf32>
    %dot_general3A_70 = tpu.matmul %max3A_60, %get3A_68, %dot_general3A_69 {dimension_numbers = #tpu.dot_dimension_numbers<[1], [0], [0], [1], [0, 0, 1, 1], [], []>, transpose_lhs_hint = false} : vector<2000x128xf32>, vector<128x128xf32>, vector<2000x128xf32> -> vector<2000x128xf32>
    %add3A_71 = arith.addf %dot_general3A_65, %dot_general3A_70 : vector<2000x128xf32>
    %get3A_72 = arith.constant 0 : index
    %get3A_73 = arith.constant 0 : index
    %get3A_74 = vector.load %arg14[%get3A_72, %get3A_73] : memref<1x128xf32, #tpu.memory_space<vmem>>, vector<1x128xf32>
    %add3A_75 = vector.broadcast %get3A_74 : vector<1x128xf32> to vector<2000x128xf32>
    %add3A_76 = arith.addf %add3A_71, %add3A_75 : vector<2000x128xf32>
    %max3A_77 = arith.constant 0.000000e+00 : f32
    %max3A_78 = vector.broadcast %max3A_77 : f32 to vector<2000x128xf32>
    %max3A_79 = arith.maximumf %add3A_76, %max3A_78 : vector<2000x128xf32>
    %get3A_80 = arith.constant 0 : index
    %get3A_81 = arith.constant 0 : index
    %get3A_82 = vector.load %arg15[%get3A_80, %get3A_81] : memref<128x128xf32, #tpu.memory_space<vmem>>, vector<128x128xf32>
    %dot_general3A_83 = arith.constant dense<0.000000e+00> : vector<2000x128xf32>
    %dot_general3A_84 = tpu.matmul %max3A_79, %get3A_82, %dot_general3A_83 {dimension_numbers = #tpu.dot_dimension_numbers<[1], [0], [0], [1], [0, 0, 1, 1], [], []>, transpose_lhs_hint = false} : vector<2000x128xf32>, vector<128x128xf32>, vector<2000x128xf32> -> vector<2000x128xf32>
    %get3A_85 = arith.constant 0 : index
    %get3A_86 = arith.constant 0 : index
    %get3A_87 = vector.load %arg16[%get3A_85, %get3A_86] : memref<1x128xf32, #tpu.memory_space<vmem>>, vector<1x128xf32>
    %add3A_88 = vector.broadcast %get3A_87 : vector<1x128xf32> to vector<2000x128xf32>
    %add3A_89 = arith.addf %dot_general3A_84, %add3A_88 : vector<2000x128xf32>
    %get3A_90 = arith.constant 0 : index
    %get3A_91 = arith.constant 0 : index
    %get3A_92 = vector.load %arg17[%get3A_90, %get3A_91] : memref<128x128xf32, #tpu.memory_space<vmem>>, vector<128x128xf32>
    %dot_general3A_93 = arith.constant dense<0.000000e+00> : vector<2000x128xf32>
    %dot_general3A_94 = tpu.matmul %add3A_89, %get3A_92, %dot_general3A_93 {dimension_numbers = #tpu.dot_dimension_numbers<[1], [0], [0], [1], [0, 0, 1, 1], [], []>, transpose_lhs_hint = false} : vector<2000x128xf32>, vector<128x128xf32>, vector<2000x128xf32> -> vector<2000x128xf32>
    %get3A_95 = arith.constant 0 : index
    %get3A_96 = arith.constant 0 : index
    %get3A_97 = vector.load %arg18[%get3A_95, %get3A_96] : memref<1x128xf32, #tpu.memory_space<vmem>>, vector<1x128xf32>
    %add3A_98 = vector.broadcast %get3A_97 : vector<1x128xf32> to vector<2000x128xf32>
    %add3A_99 = arith.addf %dot_general3A_94, %add3A_98 : vector<2000x128xf32>
    %reduce_max3A = arith.constant dense<0xFF800000> : vector<2000xf32>
    %reduce_max3A_100 = vector.multi_reduction <maximumf>, %add3A_99, %reduce_max3A [1] : vector<2000x128xf32> to vector<2000xf32>
    %broadcast_in_dim3A = vector.shape_cast %reduce_max3A_100 : vector<2000xf32> to vector<2000x1xf32>
    %sub3A = vector.broadcast %broadcast_in_dim3A : vector<2000x1xf32> to vector<2000x128xf32>
    %sub3A_101 = arith.subf %add3A_99, %sub3A : vector<2000x128xf32>
    %exp3A = math.exp %sub3A_101 : vector<2000x128xf32>
    %reduce_sum3A = arith.constant dense<0.000000e+00> : vector<2000xf32>
    %reduce_sum3A_102 = vector.multi_reduction <add>, %exp3A, %reduce_sum3A [1] : vector<2000x128xf32> to vector<2000xf32>
    %broadcast_in_dim3A_103 = vector.shape_cast %reduce_sum3A_102 : vector<2000xf32> to vector<2000x1xf32>
    %log3A = math.log %broadcast_in_dim3A_103 : vector<2000x1xf32>
    %add3A_104 = arith.addf %broadcast_in_dim3A, %log3A : vector<2000x1xf32>
    %sub3A_105 = vector.broadcast %add3A_104 : vector<2000x1xf32> to vector<2000x128xf32>
    %sub3A_106 = arith.subf %add3A_99, %sub3A_105 : vector<2000x128xf32>
    %swap3A = arith.constant 0 : index
    %swap3A_107 = arith.constant 0 : index
    %swap3A_108 = vector.load %arg19[%swap3A, %swap3A_107] : memref<2000x128xf32, #tpu.memory_space<vmem>>, vector<2000x128xf32>
    tpu.vector_store %arg19[%swap3A, %swap3A_107], %sub3A_106 {strides = array<i32>} : memref<2000x128xf32, #tpu.memory_space<vmem>>, vector<2000x128xf32>,
    return
  }
  func.func @transform_0(%arg0: i32) -> (i32, i32) {
    %c0_i32 = arith.constant 0 : i32
    %c0_i32_0 = arith.constant 0 : i32
    return %arg0, %c0_i32 : i32, i32
  }
  func.func @transform_1(%arg0: i32) -> (i32, i32) {
    %c0_i32 = arith.constant 0 : i32
    %c0_i32_0 = arith.constant 0 : i32
    return %arg0, %c0_i32 : i32, i32
  }
  func.func @transform_2(%arg0: i32) -> (i32, i32) {
    %c0_i32 = arith.constant 0 : i32
    %c0_i32_0 = arith.constant 0 : i32
    return %arg0, %c0_i32 : i32, i32
  }
  func.func @transform_3(%arg0: i32) -> (i32, i32) {
    %c0_i32 = arith.constant 0 : i32
    %c0_i32_0 = arith.constant 0 : i32
    return %arg0, %c0_i32 : i32, i32
  }
  func.func @transform_4(%arg0: i32) -> (i32, i32) {
    %c0_i32 = arith.constant 0 : i32
    %c0_i32_0 = arith.constant 0 : i32
    return %arg0, %c0_i32 : i32, i32
  }
  func.func @transform_5(%arg0: i32) -> (i32, i32) {
    %c0_i32 = arith.constant 0 : i32
    %c0_i32_0 = arith.constant 0 : i32
    %c0_i32_1 = arith.constant 0 : i32
    return %c0_i32, %c0_i32_0 : i32, i32
  }
  func.func @transform_6(%arg0: i32) -> (i32, i32) {
    %c0_i32 = arith.constant 0 : i32
    %c0_i32_0 = arith.constant 0 : i32
    %c0_i32_1 = arith.constant 0 : i32
    return %c0_i32, %c0_i32_0 : i32, i32
  }
  func.func @transform_7(%arg0: i32) -> (i32, i32) {
    %c0_i32 = arith.constant 0 : i32
    %c0_i32_0 = arith.constant 0 : i32
    %c0_i32_1 = arith.constant 0 : i32
    return %c0_i32, %c0_i32_0 : i32, i32
  }
  func.func @transform_8(%arg0: i32) -> (i32, i32) {
    %c0_i32 = arith.constant 0 : i32
    %c0_i32_0 = arith.constant 0 : i32
    %c0_i32_1 = arith.constant 0 : i32
    return %c0_i32, %c0_i32_0 : i32, i32
  }
  func.func @transform_9(%arg0: i32) -> (i32, i32) {
    %c0_i32 = arith.constant 0 : i32
    %c0_i32_0 = arith.constant 0 : i32
    %c0_i32_1 = arith.constant 0 : i32
    return %c0_i32, %c0_i32_0 : i32, i32
  }
  func.func @transform_10(%arg0: i32) -> (i32, i32) {
    %c0_i32 = arith.constant 0 : i32
    %c0_i32_0 = arith.constant 0 : i32
    %c0_i32_1 = arith.constant 0 : i32
    return %c0_i32, %c0_i32_0 : i32, i32
  }
  func.func @transform_11(%arg0: i32) -> (i32, i32) {
    %c0_i32 = arith.constant 0 : i32
    %c0_i32_0 = arith.constant 0 : i32
    %c0_i32_1 = arith.constant 0 : i32
    return %c0_i32, %c0_i32_0 : i32, i32
  }
  func.func @transform_12(%arg0: i32) -> (i32, i32) {
    %c0_i32 = arith.constant 0 : i32
    %c0_i32_0 = arith.constant 0 : i32
    %c0_i32_1 = arith.constant 0 : i32
    return %c0_i32, %c0_i32_0 : i32, i32
  }
  func.func @transform_13(%arg0: i32) -> (i32, i32) {
    %c0_i32 = arith.constant 0 : i32
    %c0_i32_0 = arith.constant 0 : i32
    %c0_i32_1 = arith.constant 0 : i32
    return %c0_i32, %c0_i32_0 : i32, i32
  }
  func.func @transform_14(%arg0: i32) -> (i32, i32) {
    %c0_i32 = arith.constant 0 : i32
    %c0_i32_0 = arith.constant 0 : i32
    %c0_i32_1 = arith.constant 0 : i32
    return %c0_i32, %c0_i32_0 : i32, i32
  }
  func.func @transform_15(%arg0: i32) -> (i32, i32) {
    %c0_i32 = arith.constant 0 : i32
    %c0_i32_0 = arith.constant 0 : i32
    %c0_i32_1 = arith.constant 0 : i32
    return %c0_i32, %c0_i32_0 : i32, i32
  }
  func.func @transform_16(%arg0: i32) -> (i32, i32) {
    %c0_i32 = arith.constant 0 : i32
    %c0_i32_0 = arith.constant 0 : i32
    %c0_i32_1 = arith.constant 0 : i32
    return %c0_i32, %c0_i32_0 : i32, i32
  }
  func.func @transform_17(%arg0: i32) -> (i32, i32) {
    %c0_i32 = arith.constant 0 : i32
    %c0_i32_0 = arith.constant 0 : i32
    %c0_i32_1 = arith.constant 0 : i32
    return %c0_i32, %c0_i32_0 : i32, i32
  }
  func.func @transform_18(%arg0: i32) -> (i32, i32) {
    %c0_i32 = arith.constant 0 : i32
    %c0_i32_0 = arith.constant 0 : i32
    return %arg0, %c0_i32 : i32, i32
  }
}

</mosaic_0001>

<sc_bundles>
// kernel: kernel.11.cloned.1.call-start
scs
__scs_entry_jumppad:
0x0: {  	(pc) =	sbr.rel $0x88, $3  }
0x1: {  	(tag) =	ssettag $0x0;
	lr =	simm.s32 $0x1  }
0x2: {  	[smem:$0x3F60] =	sst lr;
	_ =	strace $0xD0000000  }
0x3: {  	_ = 	snop  }
0x4: {  	_ = 	snop  }
0x5: {  	_ = 	snop  }
0x6: {  	_ = 	snop  }
0x7: {  	_ = 	snop  }
__scs_overlays_trampoline_lowered:
0x8: {  	[smem:$0x3F6F] =	sst s0  }
0x9: {  	[smem:$0x3F70] =	sst s1  }
0xa: {  	[smem:$0x3F71] =	sst s2  }
0xb: {  	[smem:$0x3F72] =	sst s3  }
0xc: {  	[smem:$0x3F73] =	sst s4  }
0xd: {  	[smem:$0x3F74] =	sst s5  }
0xe: {  	[smem:$0x3F75] =	sst s6  }
0xf: {  	[smem:$0x3F76] =	sst s7  }
0x10: {  	[smem:$0x3F77] =	sst s8  }
0x11: {  	[smem:$0x3F78] =	sst s9;
	s0 =	simm.s32 @!p0 $0x0  }
0x12: {  	s1 =	sld [smem:$0x3F5E];
	s0 =	simm.s32 @p0 $0x1  }
0x13: {  	[smem:$0x3F79] =	sst s0;
	s0 =	simm.s32 @!p1 $0x0  }
0x14: {  	s2 =	sld [smem:$0x3F5D];
	s0 =	simm.s32 @p1 $0x1  }
0x15: {  	[smem:$0x3F7A] =	sst s0;
	s0 =	simm.s32 @!p2 $0x0  }
0x16: {  	s3 =	sld [smem:$0x3FDB];
	s0 =	simm.s32 @p2 $0x1  }
0x17: {  	s4 =	simm.s32 $0x1BF5;
	[smem:$0x3F7C] =	sst s0  }
0x18: {  	s0 =	sld [smem:$0x3F5F];
	_ =	swait.ge [sflag:s4], $0x0  }
0x19: {  	s7 =	sld [smem:$0x3F60]  }
0x1a: {  	s8 =	sadd.s32 $0xFFFFE003, lr  }
0x1b: {  	s9 =	sadd.s32 $0xFFFFFEF7, lr;
	s5 =	simm.s32 $0xFFFFFFFF;
	p2 =	slt.u32 s8, $0xFFFFF086  }
0x1c: {  	p1 =	slt.u32 s9, $0xF7A;
	s5 =	simm.s32 @!p2 $0x0  }
0x1d: {  	s5 =	simm.s32 @p1 $0x1;
	p0 =	seq.s32 s7, s2  }
0x1e: {  	s7 =	smul.u32 @!p0 $0xF7A, s2;
	p2 =	seq.s32 @!p0 s5, $0x0  }
0x1f: {  	s9 =	smul.u32 $0xF7A, s1;
	s8 =	simm.s32 @!p0 $0x1BF5;
	p2 =	por !p2, p0  }
0x20: {  	[sflag:s8] =	ssyncset.s32 @!p0 $0xFFFFF086;
	s6 =	sadd.s32 @!p0 s3, s7;
	s7 =	simm.s32 @!p0 $0x108  }
0x21: {  	s3 =	sadd.s32 s3, s9;
	s6 =	sadd.s32 @!p0 $0x88, s6;
	s7 =	simm.s32 @p2 $0x1082  }
0x22: {  	[simem:s7], [sflag:s8] =	dma.local @!p0 [hbm:s6], $0xF7A  }
0x23: {  	s9 =	sor.u32 $0xD0000000, s2;
	s6 =	simm.s32 $0x108;
	_ =	swait.ge @!p0 [sflag:s8], $0x0  }
0x24: {  	s3 =	sadd.s32 $0x88, s3;
	s6 =	simm.s32 @!p1 $0x1082;
	[sflag:s4] =	ssyncset.s32 $0xFFFFF086  }
0x25: {  	[simem:s6], [sflag:s4] =	dma.local [hbm:s3], $0xF7A  }
0x26: {  	[smem:$0x3F60] =	sst s1;
	(tag) =	ssettag s2;
	_ =	strace s9  }
0x27: {  	s1 =	sld [smem:$0x3F70]  }
0x28: {  	s2 =	sld [smem:$0x3F71]  }
0x29: {  	s4 =	sld [smem:$0x3F73]  }
0x2a: {  	p0 =	seq.s32 s5, $0x0;
	s5 =	sld [smem:$0x3F74]  }
0x2b: {  	s6 =	sld [smem:$0x3F75]  }
0x2c: {  	s7 =	sld [smem:$0x3F76]  }
0x2d: {  	s3 =	simm.s32 $0x108;
	s8 =	sld [smem:$0x3F77]  }
0x2e: {  	s3 =	simm.s32 @!p0 $0x1082;
	s9 =	sld [smem:$0x3F78]  }
0x2f: {  	lr =	sadd.s32 s0, s3;
	s0 =	sld [smem:$0x3F6F]  }
0x30: {  	s3 =	sld [smem:$0x3F72]  }
0x31: {  	[smem:$0x3F7B] =	sst s10  }
0x32: {  	s10 =	sld [smem:$0x3F79];
	_ =	sdelay $0x3  }
0x33: {  	p0 =	seq.s32 s10, $0x1;
	s10 =	sld [smem:$0x3F7B];
	_ =	sdelay $0x3  }
0x34: {  	[smem:$0x3F7B] =	sst s10  }
0x35: {  	s10 =	sld [smem:$0x3F7A];
	_ =	sdelay $0x3  }
0x36: {  	p1 =	seq.s32 s10, $0x1;
	s10 =	sld [smem:$0x3F7B];
	_ =	sdelay $0x3  }
0x37: {  	[smem:$0x3F7B] =	sst s10  }
0x38: {  	s10 =	sld [smem:$0x3F7C]  }
0x39: {  	_ = 	snop;
	(pc) =	sbr.ind lr, $3  }
0x3a: {  	_ = 	snop  }
0x3b: {  	_ = 	snop  }
0x3c: {  	p2 =	seq.s32 s10, $0x1;
	s10 =	sld [smem:$0x3F7B]  }
0x3d: {  	_ =	shalt  }
0x3e: {  	_ =	shalt  }
0x3f: {  	_ =	shalt  }
0x40: {  	_ =	shalt  }
0x41: {  	_ =	shalt  }
0x42: {  	_ =	shalt  }
0x43: {  	_ =	shalt  }
0x44: {  	_ =	shalt  }
0x45: {  	_ =	shalt  }
0x46: {  	_ =	shalt  }
0x47: {  	_ =	shalt  }
0x48: {  	_ =	shalt  }
0x49: {  	_ =	shalt  }
0x4a: {  	_ =	shalt  }
0x4b: {  	_ =	shalt  }
0x4c: {  	_ =	shalt  }
0x4d: {  	_ =	shalt  }
0x4e: {  	_ =	shalt  }
0x4f: {  	_ =	shalt  }
0x50: {  	_ =	shalt  }
0x51: {  	_ =	shalt  }
0x52: {  	_ =	shalt  }
0x53: {  	_ =	shalt  }
0x54: {  	_ =	shalt  }
0x55: {  	_ =	shalt  }
0x56: {  	_ =	shalt  }
0x57: {  	_ =	shalt  }
0x58: {  	_ =	shalt  }
0x59: {  	_ =	shalt  }
0x5a: {  	_ =	shalt  }
0x5b: {  	_ =	shalt  }
0x5c: {  	_ =	shalt  }
0x5d: {  	_ =	shalt  }
0x5e: {  	_ =	shalt  }
0x5f: {  	_ =	shalt  }
0x60: {  	_ =	shalt  }
0x61: {  	_ =	shalt  }
0x62: {  	_ =	shalt  }
0x63: {  	_ =	shalt  }
0x64: {  	_ =	shalt  }
0x65: {  	_ =	shalt  }
0x66: {  	_ =	shalt  }
0x67: {  	_ =	shalt  }
0x68: {  	_ =	shalt  }
0x69: {  	_ =	shalt  }
0x6a: {  	_ =	shalt  }
0x6b: {  	_ =	shalt  }
0x6c: {  	_ =	shalt  }
0x6d: {  	_ =	shalt  }
0x6e: {  	_ =	shalt  }
0x6f: {  	_ =	shalt  }
0x70: {  	_ =	shalt  }
0x71: {  	_ =	shalt  }
0x72: {  	_ =	shalt  }
0x73: {  	_ =	shalt  }
0x74: {  	_ =	shalt  }
0x75: {  	_ =	shalt  }
0x76: {  	_ =	shalt  }
0x77: {  	_ =	shalt  }
0x78: {  	_ =	shalt  }
0x79: {  	_ =	shalt  }
0x7a: {  	_ =	shalt  }
0x7b: {  	_ =	shalt  }
0x7c: {  	_ =	shalt  }
0x7d: {  	_ =	shalt  }
0x7e: {  	_ =	shalt  }
0x7f: {  	_ =	shalt  }
0x80: {  	_ =	shalt  }
0x81: {  	_ =	shalt  }
0x82: {  	_ =	shalt  }
0x83: {  	_ =	shalt  }
0x84: {  	_ =	shalt  }
0x85: {  	_ =	shalt  }
0x86: {  	_ =	shalt  }
0x87: {  	_ =	shalt  }
.Lfunc_end0:
.L_simem_size_0:
called_computation.1_lowered:
.L_overlay_start_0:
0x88: {  	s2 =	sld [smem:$0x3FD9]  }
0x89: {  	s3 =	sld [smem:$0x3FFE];
	_ =	sdelay $0x1  }
0x8a: {  	s1 =	srdreg.scid  }
0x8b: {  	s0 =	sand.u32 $0x1, s1  }
0x8c: {  	s17 =	sshll.u32 s0, $0xA;
	s2 =	sadd.s32 s3, s2  }
0x8d: {  	s2 =	sadd.s32 s2, s17  }
0x8e: {  	[smem:$0x3F87] =	sst s2  }
0x8f: {  	_ = 	snop  }
0x90: {  	s2 =	sld [smem:$0x3FD0];
	(tm) =	ssettm $0x1  }
0x91: {  	s18 =	sld [smem:$0x3FFB];
	_ =	sdelay $0x3  }
0x92: {  	_ =	strace s18  }
0x93: {  	s3 =	sld [smem:$0x3FFC];
	_ =	sdelay $0x3  }
0x94: {  	_ =	strace s3  }
0x95: {  	s3 =	sld [smem:$0x3FFD];
	_ =	sdelay $0x3  }
0x96: {  	_ =	strace s3  }
0x97: {  	_ =	strace $0x8FFFFFFF  }
0x98: {  	s19 =	sld [smem:$0x3FDB];
	_ =	sdelay $0x1  }
0x99: {  	s4 =	simm.s32 $_scs_section_size  }
0x9a: {  	s5 =	simm.s32 $_size__tile_overlayer_lowered;
	s6 =	simm.s32 $_tile_overlayer_lowered  }
0x9b: {  	s22 =	simm.s32 $0x1BFF;
	s21 =	sshll.u32 s6, $0x1;
	s3 =	sadd.s32 s4, s19  }
0x9c: {  	s7 =	simm.s32 $0x0;
	s20 =	sshll.u32 s5, $0x1;
	s5 =	sadd.s32 s21, s3  }
0x9d: {  	[timem:s7], [sflag:s22] =	dma.local [hbm:s5], s20  }
0x9e: {  	_ =	swait.ge [sflag:s22], s20  }
0x9f: {  	s4 =	ssub.s32 $0x0, s20;
	[sflag:s22] =	ssyncset.done $0x0  }
0xa0: {  	[sflag:s22] =	ssyncadd.s32 s4;
	_ =	sdelay $0x1  }
0xa1: {  	s23 =	simm.s32 $0x1B8B  }
0xa2: {  	_ =	swait.ge [sflag:s23], $0x1  }
0xa3: {  	[sflag:s23] =	ssyncset.done $0x0  }
0xa4: {  	s25 =	simm.s32 $0x1B8E;
	s24 =	sld [smem:$0x3FFE];
	[sflag:s23] =	ssyncadd.s32 $0xFFFFFFFF  }
0xa5: {  	s26 =	simm.s32 $execute0_lowered;
	[smem:$0x3FD2] =	sst s25  }
0xa6: {  	s5 =	sshll.u32 s26, $0x1;
	_ =	strace $0x80000046;
	[dreg:$0x1] =	wrdreg $0xFFFFFFFF  }
0xa7: {  	s28 =	simm.s32 $_size_execute0_lowered;
	s3 =	sadd.s32 s3, s5;
	[dreg:$0x0] =	wrdreg $0x0  }
0xa8: {  	s5 =	sshll.u32 s28, $0x1;
	[dreg:$0x2] =	wrdreg s3  }
0xa9: {  	[dreg:$0x3] =	wrdreg s5  }
0xaa: {  	[dreg:$0x4] =	wrdreg $0xC0  }
0xab: {  	_ =	task [dreg:s7], $0x5FFFF  }
0xac: {  	[dreg:$0x1] =	wrdreg $0xFFFFFFFF  }
0xad: {  	[dreg:$0x0] =	wrdreg $0x60  }
0xae: {  	[dreg:$0x2] =	wrdreg s24  }
0xaf: {  	[dreg:$0x3] =	wrdreg s2  }
0xb0: {  	[dreg:$0x4] =	wrdreg $0xA0000  }
0xb1: {  	[dreg:$0x5] =	wrdreg $0xA  }
0xb2: {  	_ =	task.clear_ibuf [dreg:s7], $0x6FFFF;
	_ =	strace $0x90000046  }
0xb3: {  	s29 =	simm.s32 $0xA;
	_ =	strace $0x80000048  }
0xb4: {  	_ =	swait.ge [sflag:s29], $0x1  }
0xb5: {  	[sflag:s29] =	ssyncadd.s32 $0xFFFFFFFF  }
0xb6: {  	_ =	strace $0x90000048  }
0xb7: {  	_ =	sfence  }
0xb8: {  	s30 =	sld [smem:$0x0];
	_ =	sdelay $0x2  }
0xb9: {  	s31 =	sshll.u32 s1, $0xD;
	s1 =	sshrl.u32 s1, $0x2  }
0xba: {  	s3 =	sand.u32 $0x4000, s31;
	s1 =	sadd.s32 s1, s30  }
0xbb: {  	s0 =	sor.u32 s3, s0;
	s1 =	sshll.u32 s1, $0x11  }
0xbc: {  	s0 =	sor.u32 s1, s0  }
0xbd: {  	s0 =	sadd.s32 $0x8F2B, s0  }
0xbe: {  	[sflag:s0] =	ssyncadd.remote.s32 $0x1  }
0xbf: {  	_ =	sfence.sel $0xFFFF  }
0xc0: {  	[dreg:$0x0] =	wrdreg $0xFFFFFFFF;
	(pc) =	sbr.abs _section_cstart, $3  }
0xc1: {  	[dreg:$0x1] =	wrdreg $0xFFFFFFFF  }
0xc2: {  	_ =	task.clear_ibuf [dreg:s7], $0x2FFFF;
	_ =	strace $0x9FFFFFFF  }
0xc3: {  	(tm) =	ssettm $0x7FFFFFFF  }
tec
execute0_lowered:
.L_overlay_start_1:
0x0: {  	(tag) =	ssettag $0x1  }
0x1: {  	s0 =	rddreg [dreg:$0x0]  }
0x2: {  	s3 =	rddreg [dreg:$0x2];
	s4 =	simm.s32 $0x0;
	s7 =	stileid.u32  }
0x3: {  	s2 =	srdreg.scid;
	s13 =	simm.s32 $0x5;
	s17 =	simm.s32 $0x7D  }
0x4: {  	s18 =	simm.s32 $0x14000;
	s20 =	simm.s32 $0x15F40;
	s21 =	simm.s32 $0x1  }
0x5: {  	s22 =	simm.s32 $0x17E80;
	s23 =	simm.s32 $0x19DC0;
	s28 =	simm.s32 $0x9E00  }
0x6: {  	s29 =	simm.s32 $0x9E80;
	s30 =	simm.s32 $0x4F00;
	s31 =	simm.s32 $0x4F80  }
0x7: {  	[smem:$0x7FF] =	sst s4;
	s1 =	smul.u32 $0xA00, s7;
	s5 =	sadd.s32 $0x1D400, s0  }
0x8: {  	s2 =	sand.u32 $0x1, s2;
	s6 =	sadd.s32 $0x9A00, s0;
	s8 =	sadd.s32 $0x58E00, s0  }
0x9: {  	s11 =	smul.u32 $0xA000, s7;
	s26 =	sshll.u32 s7, $0x6;
	_ =	strace $0x80000047  }
0xa: {  	s9 =	ssub.s32 $0x2, s2;
	[dreg:$0x4] =	wrdreg s8;
	s8 =	sadd.s32 $0x44E00, s0  }
0xb: {  	p0 =	seq.s32 s2, $0x1;
	s15 =	sor.u32 $0x1C05, s26;
	s26 =	simm.s32 $0x4  }
.Ltmp0:
0xc: {  	s2 =	simm.s32 $0x9F80;
	s1 =	sadd.s32 s1, s0;
	(pc) =	sbr.rel .LBB2_1-.Ltmp0, $4  }
0xd: {  	s10 =	sshrl.u32 s9, $0x1;
	s25 =	sadd.s32 s11, s3;
	s11 =	sshrl.u32 s11, $0x3  }
0xe: {  	s0 =	simm.s32 $0x9F00;
	s24 =	ssub.s32 s9, s10;
	s9 =	sadd.s32 $0x3AE00, s1  }
0xf: {  	s10 =	sadd.s32 $0x30E00, s1;
	s16 =	sshrl.u32 s25, $0x3;
	s25 =	simm.s32 $0x2  }
0x10: {  	s1 =	simm.s32 $0x0;
	s12 =	smax.u32 s24, $0x1;
	s24 =	simm.s32 $0x3  }
.LBB2_7:
0x11: {  	[sflag:s26] =	ssyncadd.s32 $0xFFFFE0C0  }
0x12: {  	_ =	swait.ge [sflag:s21], $0x1F40  }
0x13: {  	[sflag:s21] =	ssyncset.done $0x0  }
0x14: {  	[sflag:s21] =	ssyncadd.s32 $0xFFFFE0C0  }
0x15: {  	_ =	swait.ge [sflag:s21], $0x1F40  }
0x16: {  	[sflag:s21] =	ssyncset.done $0x0  }
0x17: {  	[sflag:s21] =	ssyncadd.s32 $0xFFFFE0C0  }
0x18: {  	[spmem:s3] =	stream.indirect.scatter.add.f32 [tilespmem:s18], [sflag:$0x3], $0x40, s28, s17, $0xb8;
	[tilespmem:$0x1BD00] =	vst v63  }
0x19: {  	_ = 	snop  }
0x1a: {  	[spmem:s3] =	stream.indirect.scatter.add.f32 [tilespmem:s20], [sflag:$0x3], $0x40, s29, s17, $0xb8;
	[tilespmem:$0x1BD00] =	vst v63  }
0x1b: {  	_ = 	snop  }
0x1c: {  	[tilespmem:s22], [sflag:$0x2] =	stream.indirect.gather [hbm4b:s6+s17], $0x40, s30, s17, $0xb8;
	[tilespmem:$0x1BD00] =	vst v63  }
0x1d: {  	_ = 	snop  }
0x1e: {  	[tilespmem:s23], [sflag:$0x2] =	stream.indirect.gather [hbm4b:s6+s17], $0x40, s31, s17, $0xb8;
	[tilespmem:$0x1BD00] =	vst v63  }
0x1f: {  	_ =	swait.ge [sflag:s24], $0x1F40  }
0x20: {  	[sflag:s24] =	ssyncset.done $0x0  }
0x21: {  	[sflag:s24] =	ssyncadd.s32 $0xFFFFE0C0  }
0x22: {  	_ =	swait.ge [sflag:s24], $0x1F40  }
0x23: {  	[sflag:s24] =	ssyncset.done $0x0  }
0x24: {  	[sflag:s24] =	ssyncadd.s32 $0xFFFFE0C0  }
0x25: {  	_ =	swait.ge [sflag:s25], $0x1F40  }
0x26: {  	[sflag:s25] =	ssyncset.done $0x0  }
0x27: {  	[sflag:s25] =	ssyncadd.s32 $0xFFFFE0C0  }
0x28: {  	_ =	swait.ge [sflag:s25], $0x1F40  }
0x29: {  	[sflag:s25] =	ssyncset.done $0x0  }
0x2a: {  	[sflag:s25] =	ssyncadd.s32 $0xFFFFE0C0  }
0x2b: {  	[spmem:s3] =	stream.indirect.scatter.add.f32 [tilespmem:s22], [sflag:$0x4], $0x40, s0, s17, $0xb8;
	[tilespmem:$0x1BD00] =	vst v63  }
0x2c: {  	_ = 	snop  }
0x2d: {  	[spmem:s3] =	stream.indirect.scatter.add.f32 [tilespmem:s23], [sflag:$0x4], $0x40, s2, s17, $0xb8;
	[tilespmem:$0x1BD00] =	vst v63  }
0x2e: {  	_ = 	snop  }
0x2f: {  	[tilespmem:s18], [sflag:$0x1] =	stream.indirect.gather [hbm4b:s6+s17], $0x40, s31, s17, $0xb8;
	[tilespmem:$0x1BD00] =	vst v63  }
0x30: {  	s14 =	smov.u32 s8  }
0x31: {  	[tilespmem:s20], [sflag:$0x1] =	stream.indirect.gather [hbm4b:s6+s17], $0x40, s31, s17, $0xb8;
	[tilespmem:$0x1BD00] =	vst v63  }
.LBB2_8:
0x32: {  	_ =	swait.ge [sflag:s26], $0x1F40  }
0x33: {  	[sflag:s26] =	ssyncset.done $0x0  }
0x34: {  	[sflag:s26] =	ssyncadd.s32 $0xFFFFE0C0  }
0x35: {  	_ =	swait.ge [sflag:s26], $0x1F40  }
0x36: {  	[sflag:s26] =	ssyncset.done $0x0  }
0x37: {  	[sflag:s26] =	ssyncadd.s32 $0xFFFFE0C0  }
0x38: {  	_ =	swait.ge [sflag:s21], $0x1F40  }
0x39: {  	[sflag:s21] =	ssyncset.done $0x0  }
0x3a: {  	[sflag:s21] =	ssyncadd.s32 $0xFFFFE0C0  }
0x3b: {  	_ =	swait.ge [sflag:s21], $0x1F40  }
0x3c: {  	s1 =	sadd.s32 $0x1, s1;
	[sflag:s21] =	ssyncset.done $0x0  }
0x3d: {  	p1 =	sne.s32 s1, s12;
	[sflag:s21] =	ssyncadd.s32 $0xFFFFE0C0  }
.Ltmp1:
0x3e: {  	s7 =	sadd.s32 s14, s11;
	[bflag:$0x0] =	sbarrier.arrive $0xFFFF;
	(pc) =	sbr.rel @!p1 .LBB2_9-.Ltmp1, $4  }
0x3f: {  	[hbm:s7], [sflag:s15] =	dma.local [spmem:s16], $0x1400  }
0x40: {  	_ =	swait.ge [sflag:s13], $0x1400  }
0x41: {  	[sflag:s13] =	ssyncset.done $0x0  }
0x42: {  	[sflag:s13] =	ssyncadd.s32 $0xFFFFEC00  }
.LBB2_1:
0x43: {  	[tilespmem:s4], [sflag:$0x5] =	stream.linear.gather [hbm4b:s9+s4], $0x5000, $0x38;
	[tilespmem:$0x1BD00] =	vst v63  }
0x44: {  	_ =	swait.ge [sflag:s13], $0x5000  }
0x45: {  	[sflag:s13] =	ssyncset.done $0x0  }
0x46: {  	s7 =	simm.s32 $0x5000;
	[sflag:s13] =	ssyncadd.s32 $0xFFFFB000  }
0x47: {  	[tilespmem:s7], [sflag:$0x5] =	stream.linear.gather [hbm4b:s10+s4], $0x5000, $0x38;
	[tilespmem:$0x1BD00] =	vst v63  }
0x48: {  	_ =	swait.ge [sflag:s13], $0x5000  }
0x49: {  	[sflag:s13] =	ssyncset.done $0x0  }
0x4a: {  	[sflag:s13] =	ssyncadd.s32 $0xFFFFB000  }
0x4b: {  	s19 =	rddreg [dreg:$0x1]  }
0x4c: {  	[spmem:s16], [sflag:s15] =	dma.local [hbm:s19], $0x1400  }
.Ltmp2:
0x4d: {  	_ =	swait.ge [sflag:s13], $0x1400;
	(pc) =	sbr.rel @!p0 .LBB2_2-.Ltmp2, $3  }
0x4e: {  	[sflag:s13] =	ssyncset.done $0x0  }
0x4f: {  	[sflag:s13] =	ssyncadd.s32 $0xFFFFEC00  }
0x50: {  	[bflag:$0x0] =	sbarrier.arrive $0xFFFF;
	_ =	sdelay $0x1  }
0x51: {  	s7 =	simm.s32 $0x0  }
0x52: {  	[tilespmem:s18], [sflag:$0x1] =	stream.indirect.gather [hbm4b:s6+s17], $0x40, s7, s17, $0xb8;
	[tilespmem:$0x1BD00] =	vst v63  }
0x53: {  	s19 =	simm.s32 $0x80  }
0x54: {  	[tilespmem:s20], [sflag:$0x1] =	stream.indirect.gather [hbm4b:s6+s17], $0x40, s19, s17, $0xb8;
	[tilespmem:$0x1BD00] =	vst v63  }
0x55: {  	_ =	swait.ge [sflag:s21], $0x1F40  }
0x56: {  	[sflag:s21] =	ssyncset.done $0x0  }
0x57: {  	[sflag:s21] =	ssyncadd.s32 $0xFFFFE0C0  }
0x58: {  	_ =	swait.ge [sflag:s21], $0x1F40  }
0x59: {  	[sflag:s21] =	ssyncset.done $0x0  }
0x5a: {  	s14 =	simm.s32 $0x5000;
	[sflag:s21] =	ssyncadd.s32 $0xFFFFE0C0  }
0x5b: {  	[spmem:s3] =	stream.indirect.scatter.add.f32 [tilespmem:s18], [sflag:$0x3], $0x40, s14, s17, $0xb8;
	[tilespmem:$0x1BD00] =	vst v63  }
0x5c: {  	s19 =	simm.s32 $0x5080  }
0x5d: {  	[spmem:s3] =	stream.indirect.scatter.add.f32 [tilespmem:s20], [sflag:$0x3], $0x40, s19, s17, $0xb8;
	[tilespmem:$0x1BD00] =	vst v63  }
0x5e: {  	s14 =	simm.s32 $0x100  }
0x5f: {  	[tilespmem:s22], [sflag:$0x2] =	stream.indirect.gather [hbm4b:s6+s17], $0x40, s14, s17, $0xb8;
	[tilespmem:$0x1BD00] =	vst v63  }
0x60: {  	s19 =	simm.s32 $0x180  }
0x61: {  	[tilespmem:s23], [sflag:$0x2] =	stream.indirect.gather [hbm4b:s6+s17], $0x40, s19, s17, $0xb8;
	[tilespmem:$0x1BD00] =	vst v63  }
0x62: {  	_ =	swait.ge [sflag:s24], $0x1F40  }
0x63: {  	[sflag:s24] =	ssyncset.done $0x0  }
0x64: {  	[sflag:s24] =	ssyncadd.s32 $0xFFFFE0C0  }
0x65: {  	_ =	swait.ge [sflag:s24], $0x1F40  }
0x66: {  	[sflag:s24] =	ssyncset.done $0x0  }
0x67: {  	[sflag:s24] =	ssyncadd.s32 $0xFFFFE0C0  }
0x68: {  	_ =	swait.ge [sflag:s25], $0x1F40  }
0x69: {  	[sflag:s25] =	ssyncset.done $0x0  }
0x6a: {  	[sflag:s25] =	ssyncadd.s32 $0xFFFFE0C0  }
0x6b: {  	_ =	swait.ge [sflag:s25], $0x1F40  }
0x6c: {  	[sflag:s25] =	ssyncset.done $0x0  }
0x6d: {  	s14 =	simm.s32 $0x5100;
	[sflag:s25] =	ssyncadd.s32 $0xFFFFE0C0  }
0x6e: {  	[spmem:s3] =	stream.indirect.scatter.add.f32 [tilespmem:s22], [sflag:$0x4], $0x40, s14, s17, $0xb8;
	[tilespmem:$0x1BD00] =	vst v63  }
0x6f: {  	s19 =	simm.s32 $0x5180  }
0x70: {  	[spmem:s3] =	stream.indirect.scatter.add.f32 [tilespmem:s23], [sflag:$0x4], $0x40, s19, s17, $0xb8;
	[tilespmem:$0x1BD00] =	vst v63  }
0x71: {  	s14 =	simm.s32 $0x200  }
0x72: {  	[tilespmem:s18], [sflag:$0x1] =	stream.indirect.gather [hbm4b:s6+s17], $0x40, s14, s17, $0xb8;
	[tilespmem:$0x1BD00] =	vst v63  }
0x73: {  	s19 =	simm.s32 $0x280  }
0x74: {  	[tilespmem:s20], [sflag:$0x1] =	stream.indirect.gather [hbm4b:s6+s17], $0x40, s19, s17, $0xb8;
	[tilespmem:$0x1BD00] =	vst v63  }
0x75: {  	_ =	swait.ge [sflag:s26], $0x1F40  }
0x76: {  	[sflag:s26] =	ssyncset.done $0x0  }
0x77: {  	[sflag:s26] =	ssyncadd.s32 $0xFFFFE0C0  }
0x78: {  	_ =	swait.ge [sflag:s26], $0x1F40  }
0x79: {  	s14 =	simm.s32 $0x800;
	[sflag:s26] =	ssyncset.done $0x0  }
.LBB2_6:
0x7a: {  	p1 =	sne.s32 s14, $0x13000  }
0x7b: {  	[sflag:s26] =	ssyncadd.s32 $0xFFFFE0C0;
	s7 =	smov.u32 s14;
	s14 =	sadd.s32 $0x800, s14  }
0x7c: {  	_ =	swait.ge [sflag:s21], $0x1F40  }
0x7d: {  	[sflag:s21] =	ssyncset.done $0x0  }
0x7e: {  	[sflag:s21] =	ssyncadd.s32 $0xFFFFE0C0  }
0x7f: {  	_ =	swait.ge [sflag:s21], $0x1F40  }
0x80: {  	s7 =	sshra.s32 s7, $0x2;
	[sflag:s21] =	ssyncset.done $0x0  }
0x81: {  	s19 =	sadd.s32 $0x5000, s7;
	[sflag:s21] =	ssyncadd.s32 $0xFFFFE0C0  }
0x82: {  	[spmem:s3] =	stream.indirect.scatter.add.f32 [tilespmem:s18], [sflag:$0x3], $0x40, s19, s17, $0xb8;
	[tilespmem:$0x1BD00] =	vst v63  }
0x83: {  	s19 =	sadd.s32 $0x5080, s7  }
0x84: {  	[spmem:s3] =	stream.indirect.scatter.add.f32 [tilespmem:s20], [sflag:$0x3], $0x40, s19, s17, $0xb8;
	[tilespmem:$0x1BD00] =	vst v63  }
0x85: {  	s19 =	sadd.s32 $0x100, s7  }
0x86: {  	[tilespmem:s22], [sflag:$0x2] =	stream.indirect.gather [hbm4b:s6+s17], $0x40, s19, s17, $0xb8;
	[tilespmem:$0x1BD00] =	vst v63  }
0x87: {  	s19 =	sadd.s32 $0x180, s7  }
0x88: {  	[tilespmem:s23], [sflag:$0x2] =	stream.indirect.gather [hbm4b:s6+s17], $0x40, s19, s17, $0xb8;
	[tilespmem:$0x1BD00] =	vst v63  }
0x89: {  	_ =	swait.ge [sflag:s24], $0x1F40  }
0x8a: {  	[sflag:s24] =	ssyncset.done $0x0  }
0x8b: {  	[sflag:s24] =	ssyncadd.s32 $0xFFFFE0C0  }
0x8c: {  	_ =	swait.ge [sflag:s24], $0x1F40  }
0x8d: {  	[sflag:s24] =	ssyncset.done $0x0  }
0x8e: {  	[sflag:s24] =	ssyncadd.s32 $0xFFFFE0C0  }
0x8f: {  	_ =	swait.ge [sflag:s25], $0x1F40  }
0x90: {  	[sflag:s25] =	ssyncset.done $0x0  }
0x91: {  	[sflag:s25] =	ssyncadd.s32 $0xFFFFE0C0  }
0x92: {  	_ =	swait.ge [sflag:s25], $0x1F40  }
0x93: {  	[sflag:s25] =	ssyncset.done $0x0  }
0x94: {  	s19 =	sadd.s32 $0x5100, s7;
	[sflag:s25] =	ssyncadd.s32 $0xFFFFE0C0  }
0x95: {  	[spmem:s3] =	stream.indirect.scatter.add.f32 [tilespmem:s22], [sflag:$0x4], $0x40, s19, s17, $0xb8;
	[tilespmem:$0x1BD00] =	vst v63  }
0x96: {  	s19 =	sadd.s32 $0x5180, s7  }
0x97: {  	[spmem:s3] =	stream.indirect.scatter.add.f32 [tilespmem:s23], [sflag:$0x4], $0x40, s19, s17, $0xb8;
	[tilespmem:$0x1BD00] =	vst v63  }
0x98: {  	s19 =	sadd.s32 $0x200, s7  }
0x99: {  	[tilespmem:s18], [sflag:$0x1] =	stream.indirect.gather [hbm4b:s6+s17], $0x40, s19, s17, $0xb8;
	[tilespmem:$0x1BD00] =	vst v63  }
0x9a: {  	s7 =	sadd.s32 $0x280, s7  }
0x9b: {  	[tilespmem:s20], [sflag:$0x1] =	stream.indirect.gather [hbm4b:s6+s17], $0x40, s7, s17, $0xb8;
	[tilespmem:$0x1BD00] =	vst v63  }
.Ltmp3:
0x9c: {  	_ =	swait.ge [sflag:s26], $0x1F40;
	(pc) =	sbr.rel @p1 .LBB2_6-.Ltmp3, $4  }
0x9d: {  	[sflag:s26] =	ssyncset.done $0x0  }
0x9e: {  	[sflag:s26] =	ssyncadd.s32 $0xFFFFE0C0  }
0x9f: {  	_ =	swait.ge [sflag:s26], $0x1F40  }
0xa0: {  	[sflag:s26] =	ssyncset.done $0x0  }
.Ltmp4:
0xa1: {  	_ = 	snop;
	(pc) =	sbr.rel .LBB2_7-.Ltmp4, $1  }
0xa2: {  	_ =	sdelay $0x3  }
.LBB2_2:
0xa3: {  	s14 =	simm.s32 $0x0  }
0xa4: {  	[tilespmem:s18], [sflag:$0x1] =	stream.indirect.gather [hbm4b:s5+s17], $0x40, s14, s17, $0xb8;
	[tilespmem:$0x1BD00] =	vst v63  }
0xa5: {  	s7 =	simm.s32 $0x80  }
0xa6: {  	[tilespmem:s20], [sflag:$0x1] =	stream.indirect.gather [hbm4b:s5+s17], $0x40, s7, s17, $0xb8;
	[tilespmem:$0x1BD00] =	vst v63  }
0xa7: {  	_ =	swait.ge [sflag:s21], $0x1F40  }
0xa8: {  	[sflag:s21] =	ssyncset.done $0x0  }
0xa9: {  	[sflag:s21] =	ssyncadd.s32 $0xFFFFE0C0  }
0xaa: {  	_ =	swait.ge [sflag:s21], $0x1F40  }
0xab: {  	[sflag:s21] =	ssyncset.done $0x0  }
0xac: {  	s7 =	simm.s32 $0x5000;
	[sflag:s21] =	ssyncadd.s32 $0xFFFFE0C0  }
0xad: {  	[spmem:s3] =	stream.indirect.scatter.add.f32 [tilespmem:s18], [sflag:$0x3], $0x40, s7, s17, $0xb8;
	[tilespmem:$0x1BD00] =	vst v63  }
0xae: {  	s19 =	simm.s32 $0x5080  }
0xaf: {  	[spmem:s3] =	stream.indirect.scatter.add.f32 [tilespmem:s20], [sflag:$0x3], $0x40, s19, s17, $0xb8;
	[tilespmem:$0x1BD00] =	vst v63  }
0xb0: {  	s7 =	simm.s32 $0x100  }
0xb1: {  	[tilespmem:s22], [sflag:$0x2] =	stream.indirect.gather [hbm4b:s5+s17], $0x40, s7, s17, $0xb8;
	[tilespmem:$0x1BD00] =	vst v63  }
0xb2: {  	s19 =	simm.s32 $0x180  }
0xb3: {  	[tilespmem:s23], [sflag:$0x2] =	stream.indirect.gather [hbm4b:s5+s17], $0x40, s19, s17, $0xb8;
	[tilespmem:$0x1BD00] =	vst v63  }
0xb4: {  	_ =	swait.ge [sflag:s24], $0x1F40  }
0xb5: {  	[sflag:s24] =	ssyncset.done $0x0  }
0xb6: {  	[sflag:s24] =	ssyncadd.s32 $0xFFFFE0C0  }
0xb7: {  	_ =	swait.ge [sflag:s24], $0x1F40  }
0xb8: {  	[sflag:s24] =	ssyncset.done $0x0  }
0xb9: {  	[sflag:s24] =	ssyncadd.s32 $0xFFFFE0C0  }
0xba: {  	_ =	swait.ge [sflag:s25], $0x1F40  }
0xbb: {  	[sflag:s25] =	ssyncset.done $0x0  }
0xbc: {  	[sflag:s25] =	ssyncadd.s32 $0xFFFFE0C0  }
0xbd: {  	_ =	swait.ge [sflag:s25], $0x1F40  }
0xbe: {  	[sflag:s25] =	ssyncset.done $0x0  }
0xbf: {  	s7 =	simm.s32 $0x5100;
	[sflag:s25] =	ssyncadd.s32 $0xFFFFE0C0  }
0xc0: {  	[spmem:s3] =	stream.indirect.scatter.add.f32 [tilespmem:s22], [sflag:$0x4], $0x40, s7, s17, $0xb8;
	[tilespmem:$0x1BD00] =	vst v63  }
0xc1: {  	s19 =	simm.s32 $0x5180  }
0xc2: {  	[spmem:s3] =	stream.indirect.scatter.add.f32 [tilespmem:s23], [sflag:$0x4], $0x40, s19, s17, $0xb8;
	[tilespmem:$0x1BD00] =	vst v63  }
0xc3: {  	s7 =	simm.s32 $0x200  }
0xc4: {  	[tilespmem:s18], [sflag:$0x1] =	stream.indirect.gather [hbm4b:s5+s17], $0x40, s7, s17, $0xb8;
	[tilespmem:$0x1BD00] =	vst v63  }
0xc5: {  	s19 =	simm.s32 $0x280  }
0xc6: {  	[tilespmem:s20], [sflag:$0x1] =	stream.indirect.gather [hbm4b:s5+s17], $0x40, s19, s17, $0xb8;
	[tilespmem:$0x1BD00] =	vst v63  }
0xc7: {  	_ =	swait.ge [sflag:s26], $0x1F40  }
0xc8: {  	[sflag:s26] =	ssyncset.done $0x0  }
0xc9: {  	[sflag:s26] =	ssyncadd.s32 $0xFFFFE0C0  }
0xca: {  	_ =	swait.ge [sflag:s26], $0x1F40  }
0xcb: {  	s14 =	simm.s32 $0x800;
	[sflag:s26] =	ssyncset.done $0x0  }
.LBB2_3:
0xcc: {  	p1 =	sne.s32 s14, $0x13000  }
0xcd: {  	[sflag:s26] =	ssyncadd.s32 $0xFFFFE0C0;
	s7 =	smov.u32 s14;
	s14 =	sadd.s32 $0x800, s14  }
0xce: {  	_ =	swait.ge [sflag:s21], $0x1F40  }
0xcf: {  	[sflag:s21] =	ssyncset.done $0x0  }
0xd0: {  	[sflag:s21] =	ssyncadd.s32 $0xFFFFE0C0  }
0xd1: {  	_ =	swait.ge [sflag:s21], $0x1F40  }
0xd2: {  	s7 =	sshra.s32 s7, $0x2;
	[sflag:s21] =	ssyncset.done $0x0  }
0xd3: {  	s19 =	sadd.s32 $0x5000, s7;
	[sflag:s21] =	ssyncadd.s32 $0xFFFFE0C0  }
0xd4: {  	[spmem:s3] =	stream.indirect.scatter.add.f32 [tilespmem:s18], [sflag:$0x3], $0x40, s19, s17, $0xb8;
	[tilespmem:$0x1BD00] =	vst v63  }
0xd5: {  	s19 =	sadd.s32 $0x5080, s7  }
0xd6: {  	[spmem:s3] =	stream.indirect.scatter.add.f32 [tilespmem:s20], [sflag:$0x3], $0x40, s19, s17, $0xb8;
	[tilespmem:$0x1BD00] =	vst v63  }
0xd7: {  	s19 =	sadd.s32 $0x100, s7  }
0xd8: {  	[tilespmem:s22], [sflag:$0x2] =	stream.indirect.gather [hbm4b:s5+s17], $0x40, s19, s17, $0xb8;
	[tilespmem:$0x1BD00] =	vst v63  }
0xd9: {  	s19 =	sadd.s32 $0x180, s7  }
0xda: {  	[tilespmem:s23], [sflag:$0x2] =	stream.indirect.gather [hbm4b:s5+s17], $0x40, s19, s17, $0xb8;
	[tilespmem:$0x1BD00] =	vst v63  }
0xdb: {  	_ =	swait.ge [sflag:s24], $0x1F40  }
0xdc: {  	[sflag:s24] =	ssyncset.done $0x0  }
0xdd: {  	[sflag:s24] =	ssyncadd.s32 $0xFFFFE0C0  }
0xde: {  	_ =	swait.ge [sflag:s24], $0x1F40  }
0xdf: {  	[sflag:s24] =	ssyncset.done $0x0  }
0xe0: {  	[sflag:s24] =	ssyncadd.s32 $0xFFFFE0C0  }
0xe1: {  	_ =	swait.ge [sflag:s25], $0x1F40  }
0xe2: {  	[sflag:s25] =	ssyncset.done $0x0  }
0xe3: {  	[sflag:s25] =	ssyncadd.s32 $0xFFFFE0C0  }
0xe4: {  	_ =	swait.ge [sflag:s25], $0x1F40  }
0xe5: {  	[sflag:s25] =	ssyncset.done $0x0  }
0xe6: {  	s19 =	sadd.s32 $0x5100, s7;
	[sflag:s25] =	ssyncadd.s32 $0xFFFFE0C0  }
0xe7: {  	[spmem:s3] =	stream.indirect.scatter.add.f32 [tilespmem:s22], [sflag:$0x4], $0x40, s19, s17, $0xb8;
	[tilespmem:$0x1BD00] =	vst v63  }
0xe8: {  	s19 =	sadd.s32 $0x5180, s7  }
0xe9: {  	[spmem:s3] =	stream.indirect.scatter.add.f32 [tilespmem:s23], [sflag:$0x4], $0x40, s19, s17, $0xb8;
	[tilespmem:$0x1BD00] =	vst v63  }
0xea: {  	s19 =	sadd.s32 $0x200, s7  }
0xeb: {  	[tilespmem:s18], [sflag:$0x1] =	stream.indirect.gather [hbm4b:s5+s17], $0x40, s19, s17, $0xb8;
	[tilespmem:$0x1BD00] =	vst v63  }
0xec: {  	s7 =	sadd.s32 $0x280, s7  }
0xed: {  	[tilespmem:s20], [sflag:$0x1] =	stream.indirect.gather [hbm4b:s5+s17], $0x40, s7, s17, $0xb8;
	[tilespmem:$0x1BD00] =	vst v63  }
.Ltmp5:
0xee: {  	_ =	swait.ge [sflag:s26], $0x1F40;
	(pc) =	sbr.rel @p1 .LBB2_3-.Ltmp5, $4  }
0xef: {  	[sflag:s26] =	ssyncset.done $0x0  }
0xf0: {  	[sflag:s26] =	ssyncadd.s32 $0xFFFFE0C0  }
0xf1: {  	_ =	swait.ge [sflag:s26], $0x1F40  }
0xf2: {  	[sflag:s26] =	ssyncset.done $0x0  }
0xf3: {  	[sflag:s26] =	ssyncadd.s32 $0xFFFFE0C0  }
0xf4: {  	_ =	swait.ge [sflag:s21], $0x1F40  }
0xf5: {  	[sflag:s21] =	ssyncset.done $0x0  }
0xf6: {  	[sflag:s21] =	ssyncadd.s32 $0xFFFFE0C0  }
0xf7: {  	_ =	swait.ge [sflag:s21], $0x1F40  }
0xf8: {  	[sflag:s21] =	ssyncset.done $0x0  }
0xf9: {  	[sflag:s21] =	ssyncadd.s32 $0xFFFFE0C0  }
0xfa: {  	[spmem:s3] =	stream.indirect.scatter.add.f32 [tilespmem:s18], [sflag:$0x3], $0x40, s28, s17, $0xb8;
	[tilespmem:$0x1BD00] =	vst v63  }
0xfb: {  	_ = 	snop  }
0xfc: {  	[spmem:s3] =	stream.indirect.scatter.add.f32 [tilespmem:s20], [sflag:$0x3], $0x40, s29, s17, $0xb8;
	[tilespmem:$0x1BD00] =	vst v63  }
0xfd: {  	_ = 	snop  }
0xfe: {  	[tilespmem:s22], [sflag:$0x2] =	stream.indirect.gather [hbm4b:s5+s17], $0x40, s30, s17, $0xb8;
	[tilespmem:$0x1BD00] =	vst v63  }
0xff: {  	_ = 	snop  }
0x100: {  	[tilespmem:s23], [sflag:$0x2] =	stream.indirect.gather [hbm4b:s5+s17], $0x40, s31, s17, $0xb8;
	[tilespmem:$0x1BD00] =	vst v63  }
0x101: {  	_ =	swait.ge [sflag:s24], $0x1F40  }
0x102: {  	[sflag:s24] =	ssyncset.done $0x0  }
0x103: {  	[sflag:s24] =	ssyncadd.s32 $0xFFFFE0C0  }
0x104: {  	_ =	swait.ge [sflag:s24], $0x1F40  }
0x105: {  	[sflag:s24] =	ssyncset.done $0x0  }
0x106: {  	[sflag:s24] =	ssyncadd.s32 $0xFFFFE0C0  }
0x107: {  	_ =	swait.ge [sflag:s25], $0x1F40  }
0x108: {  	[sflag:s25] =	ssyncset.done $0x0  }
0x109: {  	[sflag:s25] =	ssyncadd.s32 $0xFFFFE0C0  }
0x10a: {  	_ =	swait.ge [sflag:s25], $0x1F40  }
0x10b: {  	[sflag:s25] =	ssyncset.done $0x0  }
0x10c: {  	[sflag:s25] =	ssyncadd.s32 $0xFFFFE0C0  }
0x10d: {  	[spmem:s3] =	stream.indirect.scatter.add.f32 [tilespmem:s22], [sflag:$0x4], $0x40, s0, s17, $0xb8;
	[tilespmem:$0x1BD00] =	vst v63  }
0x10e: {  	_ = 	snop  }
0x10f: {  	[spmem:s3] =	stream.indirect.scatter.add.f32 [tilespmem:s23], [sflag:$0x4], $0x40, s2, s17, $0xb8;
	[tilespmem:$0x1BD00] =	vst v63  }
.Ltmp6:
0x110: {  	_ = 	snop;
	(pc) =	sbr.rel .LBB2_8-.Ltmp6, $4  }
0x111: {  	_ = 	snop  }
0x112: {  	[tilespmem:s18], [sflag:$0x1] =	stream.indirect.gather [hbm4b:s5+s17], $0x40, s31, s17, $0xb8;
	[tilespmem:$0x1BD00] =	vst v63  }
0x113: {  	s14 =	rddreg [dreg:$0x4]  }
0x114: {  	[tilespmem:s20], [sflag:$0x1] =	stream.indirect.gather [hbm4b:s5+s17], $0x40, s31, s17, $0xb8;
	[tilespmem:$0x1BD00] =	vst v63  }
.LBB2_9:
0x115: {  	_ =	sfence.sel $0x180000  }
0x116: {  	[bflag:$0x0] =	sbarrier.arrive $0xFFFF  }
0x117: {  	_ =	strace $0x90000047  }
0x118: {  	s0 =	stileid.u32;
	[bflag:$0x2] =	sbarrier.arrive $0xFFFF  }
0x119: {  	p0 =	sne.s32 s0, $0x0;
	s0 =	rddreg [dreg:$0x3]  }
0x11a: {  	s0 =	sadd.s32 @!p0 $0x100000, s0  }
0x11b: {  	[sflag:s0] =	ssyncadd.tile.s32 @!p0 $0x1;
	_ =	shalt  }
.Lfunc_end2:
_tile_overlayer_lowered:
.L_overlay_start_2:
0x11c: {  	(tag) =	ssettag $0x2  }
0x11d: {  	s0 =	rddreg [dreg:$0x0];
	s2 =	stileid.u32  }
0x11e: {  	s1 =	rddreg [dreg:$0x1];
	p0 =	sne.s32 s2, $0x0  }
0x11f: {  	s3 =	rddreg [dreg:$0x2];
	[bflag:$0x3] =	sbarrier.arrive $0xFFFF;
	s2 =	simm.s32 @!p0 $0x1C05  }
0x120: {  	[timem:s3], [sflag:s2] =	dma.local @!p0 [hbm:s0], s1  }
0x121: {  	s0 =	simm.s32 @!p0 $0x5  }
0x122: {  	_ =	swait.ge @!p0 [sflag:s0], s1  }
0x123: {  	s1 =	ssub.s32 @!p0 $0x0, s1;
	[sflag:s0] =	ssyncset.done @!p0 $0x0  }
0x124: {  	[sflag:s0] =	ssyncadd.s32 @!p0 s1  }
0x125: {  	[bflag:$0x3] =	sbarrier.arrive $0xFFFF  }
0x126: {  	_ =	shalt  }

// kernel: kernel.14.cloned.1.call-start
scs
__scs_entry_jumppad:
0x0: {  	(pc) =	sbr.rel $0x88, $3  }
0x1: {  	(tag) =	ssettag $0x0;
	lr =	simm.s32 $0x1  }
0x2: {  	[smem:$0x3F60] =	sst lr;
	_ =	strace $0xD0000000  }
0x3: {  	_ = 	snop  }
0x4: {  	_ = 	snop  }
0x5: {  	_ = 	snop  }
0x6: {  	_ = 	snop  }
0x7: {  	_ = 	snop  }
__scs_overlays_trampoline_lowered:
0x8: {  	[smem:$0x3F6F] =	sst s0  }
0x9: {  	[smem:$0x3F70] =	sst s1  }
0xa: {  	[smem:$0x3F71] =	sst s2  }
0xb: {  	[smem:$0x3F72] =	sst s3  }
0xc: {  	[smem:$0x3F73] =	sst s4  }
0xd: {  	[smem:$0x3F74] =	sst s5  }
0xe: {  	[smem:$0x3F75] =	sst s6  }
0xf: {  	[smem:$0x3F76] =	sst s7  }
0x10: {  	[smem:$0x3F77] =	sst s8  }
0x11: {  	[smem:$0x3F78] =	sst s9;
	s0 =	simm.s32 @!p0 $0x0  }
0x12: {  	s1 =	sld [smem:$0x3F5E];
	s0 =	simm.s32 @p0 $0x1  }
0x13: {  	[smem:$0x3F79] =	sst s0;
	s0 =	simm.s32 @!p1 $0x0  }
0x14: {  	s2 =	sld [smem:$0x3F5D];
	s0 =	simm.s32 @p1 $0x1  }
0x15: {  	[smem:$0x3F7A] =	sst s0;
	s0 =	simm.s32 @!p2 $0x0  }
0x16: {  	s3 =	sld [smem:$0x3FDB];
	s0 =	simm.s32 @p2 $0x1  }
0x17: {  	s4 =	simm.s32 $0x1BF5;
	[smem:$0x3F7C] =	sst s0  }
0x18: {  	s0 =	sld [smem:$0x3F5F];
	_ =	swait.ge [sflag:s4], $0x0  }
0x19: {  	s7 =	sld [smem:$0x3F60]  }
0x1a: {  	s8 =	sadd.s32 $0xFFFFE003, lr  }
0x1b: {  	s9 =	sadd.s32 $0xFFFFFEF7, lr;
	s5 =	simm.s32 $0xFFFFFFFF;
	p2 =	slt.u32 s8, $0xFFFFF086  }
0x1c: {  	p1 =	slt.u32 s9, $0xF7A;
	s5 =	simm.s32 @!p2 $0x0  }
0x1d: {  	s5 =	simm.s32 @p1 $0x1;
	p0 =	seq.s32 s7, s2  }
0x1e: {  	s7 =	smul.u32 @!p0 $0xF7A, s2;
	p2 =	seq.s32 @!p0 s5, $0x0  }
0x1f: {  	s9 =	smul.u32 $0xF7A, s1;
	s8 =	simm.s32 @!p0 $0x1BF5;
	p2 =	por !p2, p0  }
0x20: {  	[sflag:s8] =	ssyncset.s32 @!p0 $0xFFFFF086;
	s6 =	sadd.s32 @!p0 s3, s7;
	s7 =	simm.s32 @!p0 $0x108  }
0x21: {  	s3 =	sadd.s32 s3, s9;
	s6 =	sadd.s32 @!p0 $0x88, s6;
	s7 =	simm.s32 @p2 $0x1082  }
0x22: {  	[simem:s7], [sflag:s8] =	dma.local @!p0 [hbm:s6], $0xF7A  }
0x23: {  	s9 =	sor.u32 $0xD0000000, s2;
	s6 =	simm.s32 $0x108;
	_ =	swait.ge @!p0 [sflag:s8], $0x0  }
0x24: {  	s3 =	sadd.s32 $0x88, s3;
	s6 =	simm.s32 @!p1 $0x1082;
	[sflag:s4] =	ssyncset.s32 $0xFFFFF086  }
0x25: {  	[simem:s6], [sflag:s4] =	dma.local [hbm:s3], $0xF7A  }
0x26: {  	[smem:$0x3F60] =	sst s1;
	(tag) =	ssettag s2;
	_ =	strace s9  }
0x27: {  	s1 =	sld [smem:$0x3F70]  }
0x28: {  	s2 =	sld [smem:$0x3F71]  }
0x29: {  	s4 =	sld [smem:$0x3F73]  }
0x2a: {  	p0 =	seq.s32 s5, $0x0;
	s5 =	sld [smem:$0x3F74]  }
0x2b: {  	s6 =	sld [smem:$0x3F75]  }
0x2c: {  	s7 =	sld [smem:$0x3F76]  }
0x2d: {  	s3 =	simm.s32 $0x108;
	s8 =	sld [smem:$0x3F77]  }
0x2e: {  	s3 =	simm.s32 @!p0 $0x1082;
	s9 =	sld [smem:$0x3F78]  }
0x2f: {  	lr =	sadd.s32 s0, s3;
	s0 =	sld [smem:$0x3F6F]  }
0x30: {  	s3 =	sld [smem:$0x3F72]  }
0x31: {  	[smem:$0x3F7B] =	sst s10  }
0x32: {  	s10 =	sld [smem:$0x3F79];
	_ =	sdelay $0x3  }
0x33: {  	p0 =	seq.s32 s10, $0x1;
	s10 =	sld [smem:$0x3F7B];
	_ =	sdelay $0x3  }
0x34: {  	[smem:$0x3F7B] =	sst s10  }
0x35: {  	s10 =	sld [smem:$0x3F7A];
	_ =	sdelay $0x3  }
0x36: {  	p1 =	seq.s32 s10, $0x1;
	s10 =	sld [smem:$0x3F7B];
	_ =	sdelay $0x3  }
0x37: {  	[smem:$0x3F7B] =	sst s10  }
0x38: {  	s10 =	sld [smem:$0x3F7C]  }
0x39: {  	_ = 	snop;
	(pc) =	sbr.ind lr, $3  }
0x3a: {  	_ = 	snop  }
0x3b: {  	_ = 	snop  }
0x3c: {  	p2 =	seq.s32 s10, $0x1;
	s10 =	sld [smem:$0x3F7B]  }
0x3d: {  	_ =	shalt  }
0x3e: {  	_ =	shalt  }
0x3f: {  	_ =	shalt  }
0x40: {  	_ =	shalt  }
0x41: {  	_ =	shalt  }
0x42: {  	_ =	shalt  }
0x43: {  	_ =	shalt  }
0x44: {  	_ =	shalt  }
0x45: {  	_ =	shalt  }
0x46: {  	_ =	shalt  }
0x47: {  	_ =	shalt  }
0x48: {  	_ =	shalt  }
0x49: {  	_ =	shalt  }
0x4a: {  	_ =	shalt  }
0x4b: {  	_ =	shalt  }
0x4c: {  	_ =	shalt  }
0x4d: {  	_ =	shalt  }
0x4e: {  	_ =	shalt  }
0x4f: {  	_ =	shalt  }
0x50: {  	_ =	shalt  }
0x51: {  	_ =	shalt  }
0x52: {  	_ =	shalt  }
0x53: {  	_ =	shalt  }
0x54: {  	_ =	shalt  }
0x55: {  	_ =	shalt  }
0x56: {  	_ =	shalt  }
0x57: {  	_ =	shalt  }
0x58: {  	_ =	shalt  }
0x59: {  	_ =	shalt  }
0x5a: {  	_ =	shalt  }
0x5b: {  	_ =	shalt  }
0x5c: {  	_ =	shalt  }
0x5d: {  	_ =	shalt  }
0x5e: {  	_ =	shalt  }
0x5f: {  	_ =	shalt  }
0x60: {  	_ =	shalt  }
0x61: {  	_ =	shalt  }
0x62: {  	_ =	shalt  }
0x63: {  	_ =	shalt  }
0x64: {  	_ =	shalt  }
0x65: {  	_ =	shalt  }
0x66: {  	_ =	shalt  }
0x67: {  	_ =	shalt  }
0x68: {  	_ =	shalt  }
0x69: {  	_ =	shalt  }
0x6a: {  	_ =	shalt  }
0x6b: {  	_ =	shalt  }
0x6c: {  	_ =	shalt  }
0x6d: {  	_ =	shalt  }
0x6e: {  	_ =	shalt  }
0x6f: {  	_ =	shalt  }
0x70: {  	_ =	shalt  }
0x71: {  	_ =	shalt  }
0x72: {  	_ =	shalt  }
0x73: {  	_ =	shalt  }
0x74: {  	_ =	shalt  }
0x75: {  	_ =	shalt  }
0x76: {  	_ =	shalt  }
0x77: {  	_ =	shalt  }
0x78: {  	_ =	shalt  }
0x79: {  	_ =	shalt  }
0x7a: {  	_ =	shalt  }
0x7b: {  	_ =	shalt  }
0x7c: {  	_ =	shalt  }
0x7d: {  	_ =	shalt  }
0x7e: {  	_ =	shalt  }
0x7f: {  	_ =	shalt  }
0x80: {  	_ =	shalt  }
0x81: {  	_ =	shalt  }
0x82: {  	_ =	shalt  }
0x83: {  	_ =	shalt  }
0x84: {  	_ =	shalt  }
0x85: {  	_ =	shalt  }
0x86: {  	_ =	shalt  }
0x87: {  	_ =	shalt  }
.Lfunc_end0:
.L_simem_size_0:
called_computation.2_lowered:
.L_overlay_start_0:
0x88: {  	s2 =	sld [smem:$0x3FD9]  }
0x89: {  	s3 =	sld [smem:$0x3FFE];
	_ =	sdelay $0x1  }
0x8a: {  	s1 =	srdreg.scid  }
0x8b: {  	s0 =	sand.u32 $0x1, s1  }
0x8c: {  	s17 =	sshll.u32 s0, $0xA;
	s2 =	sadd.s32 s3, s2  }
0x8d: {  	s2 =	sadd.s32 s2, s17  }
0x8e: {  	[smem:$0x3F87] =	sst s2  }
0x8f: {  	_ = 	snop  }
0x90: {  	s2 =	sld [smem:$0x3FD0];
	(tm) =	ssettm $0x1  }
0x91: {  	s18 =	sld [smem:$0x3FFB];
	_ =	sdelay $0x3  }
0x92: {  	_ =	strace s18  }
0x93: {  	s3 =	sld [smem:$0x3FFC];
	_ =	sdelay $0x3  }
0x94: {  	_ =	strace s3  }
0x95: {  	s3 =	sld [smem:$0x3FFD];
	_ =	sdelay $0x3  }
0x96: {  	_ =	strace s3  }
0x97: {  	_ =	strace $0x8FFFFFFF  }
0x98: {  	s19 =	sld [smem:$0x3FDB];
	_ =	sdelay $0x1  }
0x99: {  	s4 =	simm.s32 $_scs_section_size  }
0x9a: {  	s5 =	simm.s32 $_size__tile_overlayer_lowered;
	s6 =	simm.s32 $_tile_overlayer_lowered  }
0x9b: {  	s22 =	simm.s32 $0x1BFF;
	s21 =	sshll.u32 s6, $0x1;
	s3 =	sadd.s32 s4, s19  }
0x9c: {  	s7 =	simm.s32 $0x0;
	s20 =	sshll.u32 s5, $0x1;
	s5 =	sadd.s32 s21, s3  }
0x9d: {  	[timem:s7], [sflag:s22] =	dma.local [hbm:s5], s20  }
0x9e: {  	_ =	swait.ge [sflag:s22], s20  }
0x9f: {  	s4 =	ssub.s32 $0x0, s20;
	[sflag:s22] =	ssyncset.done $0x0  }
0xa0: {  	[sflag:s22] =	ssyncadd.s32 s4;
	_ =	sdelay $0x1  }
0xa1: {  	s23 =	simm.s32 $0x1B8B  }
0xa2: {  	_ =	swait.ge [sflag:s23], $0x1  }
0xa3: {  	[sflag:s23] =	ssyncset.done $0x0  }
0xa4: {  	s25 =	simm.s32 $0x1B8E;
	s24 =	sld [smem:$0x3FFE];
	[sflag:s23] =	ssyncadd.s32 $0xFFFFFFFF  }
0xa5: {  	s26 =	simm.s32 $execute0_lowered;
	[smem:$0x3FD2] =	sst s25  }
0xa6: {  	s5 =	sshll.u32 s26, $0x1;
	_ =	strace $0x8000004C;
	[dreg:$0x1] =	wrdreg $0xFFFFFFFF  }
0xa7: {  	s28 =	simm.s32 $_size_execute0_lowered;
	s3 =	sadd.s32 s3, s5;
	[dreg:$0x0] =	wrdreg $0x0  }
0xa8: {  	s5 =	sshll.u32 s28, $0x1;
	[dreg:$0x2] =	wrdreg s3  }
0xa9: {  	[dreg:$0x3] =	wrdreg s5  }
0xaa: {  	[dreg:$0x4] =	wrdreg $0xC0  }
0xab: {  	_ =	task [dreg:s7], $0x5FFFF  }
0xac: {  	[dreg:$0x1] =	wrdreg $0xFFFFFFFF  }
0xad: {  	[dreg:$0x0] =	wrdreg $0x60  }
0xae: {  	[dreg:$0x2] =	wrdreg s24  }
0xaf: {  	[dreg:$0x3] =	wrdreg s2  }
0xb0: {  	[dreg:$0x4] =	wrdreg $0xA0000  }
0xb1: {  	[dreg:$0x5] =	wrdreg $0x9  }
0xb2: {  	_ =	task.clear_ibuf [dreg:s7], $0x6FFFF;
	_ =	strace $0x9000004C  }
0xb3: {  	s29 =	simm.s32 $0x9;
	_ =	strace $0x8000004E  }
0xb4: {  	_ =	swait.ge [sflag:s29], $0x1  }
0xb5: {  	[sflag:s29] =	ssyncadd.s32 $0xFFFFFFFF  }
0xb6: {  	_ =	strace $0x9000004E  }
0xb7: {  	_ =	sfence  }
0xb8: {  	s30 =	sld [smem:$0x0];
	_ =	sdelay $0x2  }
0xb9: {  	s31 =	sshll.u32 s1, $0xD;
	s1 =	sshrl.u32 s1, $0x2  }
0xba: {  	s3 =	sand.u32 $0x4000, s31;
	s1 =	sadd.s32 s1, s30  }
0xbb: {  	s0 =	sor.u32 s3, s0;
	s1 =	sshll.u32 s1, $0x11  }
0xbc: {  	s0 =	sor.u32 s1, s0  }
0xbd: {  	s0 =	sadd.s32 $0x8F2B, s0  }
0xbe: {  	[sflag:s0] =	ssyncadd.remote.s32 $0x1  }
0xbf: {  	_ =	sfence.sel $0xFFFF  }
0xc0: {  	[dreg:$0x0] =	wrdreg $0xFFFFFFFF;
	(pc) =	sbr.abs _section_cstart, $3  }
0xc1: {  	[dreg:$0x1] =	wrdreg $0xFFFFFFFF  }
0xc2: {  	_ =	task.clear_ibuf [dreg:s7], $0x2FFFF;
	_ =	strace $0x9FFFFFFF  }
0xc3: {  	(tm) =	ssettm $0x7FFFFFFF  }
tec
execute0_lowered:
.L_overlay_start_1:
0x0: {  	(tag) =	ssettag $0x1  }
0x1: {  	s0 =	rddreg [dreg:$0x0]  }
0x2: {  	s2 =	rddreg [dreg:$0x2]  }
0x3: {  	s1 =	simm.s32 $0x0;
	s4 =	stileid.u32;
	s9 =	srdreg.scid  }
0x4: {  	s17 =	simm.s32 $0x5;
	s28 =	simm.s32 $0x19DC0;
	s29 =	simm.s32 $0x3  }
0x5: {  	s30 =	simm.s32 $0x2;
	s31 =	simm.s32 $0x4;
	s18 =	simm.s32 $0x4F00  }
0x6: {  	s15 =	simm.s32 $0x0;
	[smem:$0x7FF] =	sst s1;
	s5 =	sadd.s32 $0x9A00, s0  }
0x7: {  	s6 =	sadd.s32 $0x58800, s0;
	s20 =	smul.u32 $0xA00, s4;
	s7 =	sadd.s32 $0x44E00, s0  }
0x8: {  	s3 =	smul.u32 $0xA000, s4;
	s8 =	sadd.s32 $0x1D400, s0;
	s9 =	sand.u32 $0x1, s9  }
0x9: {  	s10 =	sadd.s32 $0x94200, s0;
	s26 =	sshll.u32 s4, $0x6;
	_ =	strace $0x8000004D  }
0xa: {  	[dreg:$0x4] =	wrdreg s10;
	s11 =	ssub.s32 $0x2, s9;
	p0 =	seq.s32 s9, $0x1  }
0xb: {  	s19 =	sor.u32 $0x1C05, s26;
	s26 =	simm.s32 $0x17E80;
	s9 =	simm.s32 $0x4F80  }
0xc: {  	s1 =	sadd.s32 s20, s0;
	s10 =	sshrl.u32 s3, $0x3;
	s21 =	sshrl.u32 s11, $0x1  }
0xd: {  	s23 =	sadd.s32 s3, s2;
	s3 =	simm.s32 $0x9E80;
	s14 =	sadd.s32 s10, s0  }
0xe: {  	s0 =	sadd.s32 $0x6C200, s0;
	s22 =	sadd.s32 $0x3AE00, s1;
	s13 =	sadd.s32 $0x30E00, s1  }
0xf: {  	s20 =	sshrl.u32 s23, $0x3;
	s23 =	simm.s32 $0x80;
	[dreg:$0x5] =	wrdreg s0  }
.Ltmp0:
0x10: {  	s0 =	ssub.s32 s11, s21;
	[dreg:$0x6] =	wrdreg s22;
	(pc) =	sbr.rel .LBB2_1-.Ltmp0, $4  }
0x11: {  	s24 =	sadd.s32 $0xA8200, s14;
	s25 =	sadd.s32 $0x80200, s14;
	s21 =	simm.s32 $0x7D  }
0x12: {  	s22 =	simm.s32 $0x14000;
	s14 =	simm.s32 $0x9F00;
	[dreg:$0x7] =	wrdreg s24  }
0x13: {  	s11 =	simm.s32 $0x9F80;
	[dreg:$0x8] =	wrdreg s25;
	s16 =	smax.u32 s0, $0x1  }
0x14: {  	s24 =	simm.s32 $0x15F40;
	s25 =	simm.s32 $0x1;
	s0 =	simm.s32 $0x9E00  }
.LBB2_11:
0x15: {  	[sflag:s31] =	ssyncadd.s32 $0xFFFFE0C0  }
0x16: {  	_ =	swait.ge [sflag:s25], $0x1F40  }
0x17: {  	[sflag:s25] =	ssyncset.done $0x0  }
0x18: {  	[sflag:s25] =	ssyncadd.s32 $0xFFFFE0C0  }
0x19: {  	_ =	swait.ge [sflag:s25], $0x1F40  }
0x1a: {  	[sflag:s25] =	ssyncset.done $0x0  }
0x1b: {  	[sflag:s25] =	ssyncadd.s32 $0xFFFFE0C0  }
0x1c: {  	[spmem:s2] =	stream.indirect.scatter.add.f32 [tilespmem:s22], [sflag:$0x3], $0x40, s0, s21, $0xb8;
	[tilespmem:$0x1BD00] =	vst v63  }
0x1d: {  	_ = 	snop  }
0x1e: {  	[spmem:s2] =	stream.indirect.scatter.add.f32 [tilespmem:s24], [sflag:$0x3], $0x40, s3, s21, $0xb8;
	[tilespmem:$0x1BD00] =	vst v63  }
0x1f: {  	_ = 	snop  }
0x20: {  	[tilespmem:s26], [sflag:$0x2] =	stream.indirect.gather [hbm4b:s8+s21], $0x40, s18, s21, $0xb8;
	[tilespmem:$0x1BD00] =	vst v63  }
0x21: {  	_ = 	snop  }
0x22: {  	[tilespmem:s28], [sflag:$0x2] =	stream.indirect.gather [hbm4b:s8+s21], $0x40, s9, s21, $0xb8;
	[tilespmem:$0x1BD00] =	vst v63  }
0x23: {  	_ =	swait.ge [sflag:s29], $0x1F40  }
0x24: {  	[sflag:s29] =	ssyncset.done $0x0  }
0x25: {  	[sflag:s29] =	ssyncadd.s32 $0xFFFFE0C0  }
0x26: {  	_ =	swait.ge [sflag:s29], $0x1F40  }
0x27: {  	[sflag:s29] =	ssyncset.done $0x0  }
0x28: {  	[sflag:s29] =	ssyncadd.s32 $0xFFFFE0C0  }
0x29: {  	_ =	swait.ge [sflag:s30], $0x1F40  }
0x2a: {  	[sflag:s30] =	ssyncset.done $0x0  }
0x2b: {  	[sflag:s30] =	ssyncadd.s32 $0xFFFFE0C0  }
0x2c: {  	_ =	swait.ge [sflag:s30], $0x1F40  }
0x2d: {  	[sflag:s30] =	ssyncset.done $0x0  }
0x2e: {  	[sflag:s30] =	ssyncadd.s32 $0xFFFFE0C0  }
0x2f: {  	[spmem:s2] =	stream.indirect.scatter.add.f32 [tilespmem:s26], [sflag:$0x4], $0x40, s14, s21, $0xb8;
	[tilespmem:$0x1BD00] =	vst v63  }
0x30: {  	_ = 	snop  }
0x31: {  	[spmem:s2] =	stream.indirect.scatter.add.f32 [tilespmem:s28], [sflag:$0x4], $0x40, s11, s21, $0xb8;
	[tilespmem:$0x1BD00] =	vst v63  }
0x32: {  	_ = 	snop  }
0x33: {  	[tilespmem:s22], [sflag:$0x1] =	stream.indirect.gather [hbm4b:s8+s21], $0x40, s9, s21, $0xb8;
	[tilespmem:$0x1BD00] =	vst v63  }
0x34: {  	s1 =	rddreg [dreg:$0x5]  }
0x35: {  	[tilespmem:s24], [sflag:$0x1] =	stream.indirect.gather [hbm4b:s8+s21], $0x40, s9, s21, $0xb8;
	[tilespmem:$0x1BD00] =	vst v63  }
.LBB2_12:
0x36: {  	_ =	swait.ge [sflag:s31], $0x1F40  }
0x37: {  	[sflag:s31] =	ssyncset.done $0x0  }
0x38: {  	[sflag:s31] =	ssyncadd.s32 $0xFFFFE0C0  }
0x39: {  	_ =	swait.ge [sflag:s31], $0x1F40  }
0x3a: {  	[sflag:s31] =	ssyncset.done $0x0  }
0x3b: {  	[sflag:s31] =	ssyncadd.s32 $0xFFFFE0C0  }
0x3c: {  	_ =	swait.ge [sflag:s25], $0x1F40  }
0x3d: {  	[sflag:s25] =	ssyncset.done $0x0  }
0x3e: {  	[sflag:s25] =	ssyncadd.s32 $0xFFFFE0C0  }
0x3f: {  	_ =	swait.ge [sflag:s25], $0x1F40  }
0x40: {  	s15 =	sadd.s32 $0x1, s15;
	[sflag:s25] =	ssyncset.done $0x0  }
0x41: {  	p1 =	sne.s32 s15, s16;
	[sflag:s25] =	ssyncadd.s32 $0xFFFFE0C0  }
.Ltmp1:
0x42: {  	s1 =	sadd.s32 s1, s10;
	[bflag:$0x0] =	sbarrier.arrive $0xFFFF;
	(pc) =	sbr.rel @!p1 .LBB2_13-.Ltmp1, $4  }
0x43: {  	[hbm:s1], [sflag:s19] =	dma.local [spmem:s20], $0x1400  }
0x44: {  	_ =	swait.ge [sflag:s17], $0x1400  }
0x45: {  	[sflag:s17] =	ssyncset.done $0x0  }
0x46: {  	[sflag:s17] =	ssyncadd.s32 $0xFFFFEC00  }
.LBB2_1:
0x47: {  	s1 =	simm.s32 $0x0;
	s4 =	rddreg [dreg:$0x6]  }
0x48: {  	[tilespmem:s1], [sflag:$0x5] =	stream.linear.gather [hbm4b:s4+s1], $0x5000, $0x38;
	[tilespmem:$0x1BD00] =	vst v63  }
0x49: {  	_ =	swait.ge [sflag:s17], $0x5000  }
0x4a: {  	[sflag:s17] =	ssyncset.done $0x0  }
0x4b: {  	s12 =	simm.s32 $0x5000;
	[sflag:s17] =	ssyncadd.s32 $0xFFFFB000  }
0x4c: {  	[tilespmem:s12], [sflag:$0x5] =	stream.linear.gather [hbm4b:s13+s1], $0x5000, $0x38;
	[tilespmem:$0x1BD00] =	vst v63  }
0x4d: {  	_ =	swait.ge [sflag:s17], $0x5000  }
0x4e: {  	[sflag:s17] =	ssyncset.done $0x0  }
0x4f: {  	[sflag:s17] =	ssyncadd.s32 $0xFFFFB000  }
0x50: {  	s12 =	rddreg [dreg:$0x1]  }
0x51: {  	[spmem:s20], [sflag:s19] =	dma.local [hbm:s12], $0x1400  }
.Ltmp2:
0x52: {  	_ =	swait.ge [sflag:s17], $0x1400;
	(pc) =	sbr.rel @!p0 .LBB2_2-.Ltmp2, $4  }
0x53: {  	[sflag:s17] =	ssyncset.done $0x0  }
0x54: {  	[sflag:s17] =	ssyncadd.s32 $0xFFFFEC00  }
0x55: {  	[bflag:$0x0] =	sbarrier.arrive $0xFFFF  }
0x56: {  	s1 =	simm.s32 $0x0  }
0x57: {  	[tilespmem:s22], [sflag:$0x1] =	stream.indirect.gather [hbm4b:s7+s21], $0x40, s1, s21, $0xb8;
	[tilespmem:$0x1BD00] =	vst v63  }
0x58: {  	_ = 	snop  }
0x59: {  	[tilespmem:s24], [sflag:$0x1] =	stream.indirect.gather [hbm4b:s7+s21], $0x40, s23, s21, $0xb8;
	[tilespmem:$0x1BD00] =	vst v63  }
0x5a: {  	_ =	swait.ge [sflag:s25], $0x1F40  }
0x5b: {  	[sflag:s25] =	ssyncset.done $0x0  }
0x5c: {  	[sflag:s25] =	ssyncadd.s32 $0xFFFFE0C0  }
0x5d: {  	_ =	swait.ge [sflag:s25], $0x1F40  }
0x5e: {  	[sflag:s25] =	ssyncset.done $0x0  }
0x5f: {  	s4 =	simm.s32 $0x5000;
	[sflag:s25] =	ssyncadd.s32 $0xFFFFE0C0  }
0x60: {  	[spmem:s2] =	stream.indirect.scatter.add.f32 [tilespmem:s22], [sflag:$0x3], $0x40, s4, s21, $0xb8;
	[tilespmem:$0x1BD00] =	vst v63  }
0x61: {  	s12 =	simm.s32 $0x5080  }
0x62: {  	[spmem:s2] =	stream.indirect.scatter.add.f32 [tilespmem:s24], [sflag:$0x3], $0x40, s12, s21, $0xb8;
	[tilespmem:$0x1BD00] =	vst v63  }
0x63: {  	s4 =	simm.s32 $0x100  }
0x64: {  	[tilespmem:s26], [sflag:$0x2] =	stream.indirect.gather [hbm4b:s7+s21], $0x40, s4, s21, $0xb8;
	[tilespmem:$0x1BD00] =	vst v63  }
0x65: {  	s12 =	simm.s32 $0x180  }
0x66: {  	[tilespmem:s28], [sflag:$0x2] =	stream.indirect.gather [hbm4b:s7+s21], $0x40, s12, s21, $0xb8;
	[tilespmem:$0x1BD00] =	vst v63  }
0x67: {  	_ =	swait.ge [sflag:s29], $0x1F40  }
0x68: {  	[sflag:s29] =	ssyncset.done $0x0  }
0x69: {  	[sflag:s29] =	ssyncadd.s32 $0xFFFFE0C0  }
0x6a: {  	_ =	swait.ge [sflag:s29], $0x1F40  }
0x6b: {  	[sflag:s29] =	ssyncset.done $0x0  }
0x6c: {  	[sflag:s29] =	ssyncadd.s32 $0xFFFFE0C0  }
0x6d: {  	_ =	swait.ge [sflag:s30], $0x1F40  }
0x6e: {  	[sflag:s30] =	ssyncset.done $0x0  }
0x6f: {  	[sflag:s30] =	ssyncadd.s32 $0xFFFFE0C0  }
0x70: {  	_ =	swait.ge [sflag:s30], $0x1F40  }
0x71: {  	[sflag:s30] =	ssyncset.done $0x0  }
0x72: {  	s4 =	simm.s32 $0x5100;
	[sflag:s30] =	ssyncadd.s32 $0xFFFFE0C0  }
0x73: {  	[spmem:s2] =	stream.indirect.scatter.add.f32 [tilespmem:s26], [sflag:$0x4], $0x40, s4, s21, $0xb8;
	[tilespmem:$0x1BD00] =	vst v63  }
0x74: {  	s12 =	simm.s32 $0x5180  }
0x75: {  	[spmem:s2] =	stream.indirect.scatter.add.f32 [tilespmem:s28], [sflag:$0x4], $0x40, s12, s21, $0xb8;
	[tilespmem:$0x1BD00] =	vst v63  }
0x76: {  	s4 =	simm.s32 $0x200  }
0x77: {  	[tilespmem:s22], [sflag:$0x1] =	stream.indirect.gather [hbm4b:s7+s21], $0x40, s4, s21, $0xb8;
	[tilespmem:$0x1BD00] =	vst v63  }
0x78: {  	s12 =	simm.s32 $0x280  }
0x79: {  	[tilespmem:s24], [sflag:$0x1] =	stream.indirect.gather [hbm4b:s7+s21], $0x40, s12, s21, $0xb8;
	[tilespmem:$0x1BD00] =	vst v63  }
0x7a: {  	_ =	swait.ge [sflag:s31], $0x1F40  }
0x7b: {  	[sflag:s31] =	ssyncset.done $0x0  }
0x7c: {  	[sflag:s31] =	ssyncadd.s32 $0xFFFFE0C0  }
0x7d: {  	_ =	swait.ge [sflag:s31], $0x1F40  }
0x7e: {  	s1 =	simm.s32 $0x800;
	[sflag:s31] =	ssyncset.done $0x0  }
.LBB2_8:
0x7f: {  	p1 =	sne.s32 s1, $0x13000  }
0x80: {  	[sflag:s31] =	ssyncadd.s32 $0xFFFFE0C0;
	s4 =	smov.u32 s1;
	s1 =	sadd.s32 $0x800, s1  }
0x81: {  	_ =	swait.ge [sflag:s25], $0x1F40  }
0x82: {  	[sflag:s25] =	ssyncset.done $0x0  }
0x83: {  	[sflag:s25] =	ssyncadd.s32 $0xFFFFE0C0  }
0x84: {  	_ =	swait.ge [sflag:s25], $0x1F40  }
0x85: {  	s4 =	sshra.s32 s4, $0x2;
	[sflag:s25] =	ssyncset.done $0x0  }
0x86: {  	s12 =	sadd.s32 $0x5000, s4;
	[sflag:s25] =	ssyncadd.s32 $0xFFFFE0C0  }
0x87: {  	[spmem:s2] =	stream.indirect.scatter.add.f32 [tilespmem:s22], [sflag:$0x3], $0x40, s12, s21, $0xb8;
	[tilespmem:$0x1BD00] =	vst v63  }
0x88: {  	s12 =	sadd.s32 $0x5080, s4  }
0x89: {  	[spmem:s2] =	stream.indirect.scatter.add.f32 [tilespmem:s24], [sflag:$0x3], $0x40, s12, s21, $0xb8;
	[tilespmem:$0x1BD00] =	vst v63  }
0x8a: {  	s12 =	sadd.s32 $0x100, s4  }
0x8b: {  	[tilespmem:s26], [sflag:$0x2] =	stream.indirect.gather [hbm4b:s7+s21], $0x40, s12, s21, $0xb8;
	[tilespmem:$0x1BD00] =	vst v63  }
0x8c: {  	s12 =	sadd.s32 $0x180, s4  }
0x8d: {  	[tilespmem:s28], [sflag:$0x2] =	stream.indirect.gather [hbm4b:s7+s21], $0x40, s12, s21, $0xb8;
	[tilespmem:$0x1BD00] =	vst v63  }
0x8e: {  	_ =	swait.ge [sflag:s29], $0x1F40  }
0x8f: {  	[sflag:s29] =	ssyncset.done $0x0  }
0x90: {  	[sflag:s29] =	ssyncadd.s32 $0xFFFFE0C0  }
0x91: {  	_ =	swait.ge [sflag:s29], $0x1F40  }
0x92: {  	[sflag:s29] =	ssyncset.done $0x0  }
0x93: {  	[sflag:s29] =	ssyncadd.s32 $0xFFFFE0C0  }
0x94: {  	_ =	swait.ge [sflag:s30], $0x1F40  }
0x95: {  	[sflag:s30] =	ssyncset.done $0x0  }
0x96: {  	[sflag:s30] =	ssyncadd.s32 $0xFFFFE0C0  }
0x97: {  	_ =	swait.ge [sflag:s30], $0x1F40  }
0x98: {  	[sflag:s30] =	ssyncset.done $0x0  }
0x99: {  	s12 =	sadd.s32 $0x5100, s4;
	[sflag:s30] =	ssyncadd.s32 $0xFFFFE0C0  }
0x9a: {  	[spmem:s2] =	stream.indirect.scatter.add.f32 [tilespmem:s26], [sflag:$0x4], $0x40, s12, s21, $0xb8;
	[tilespmem:$0x1BD00] =	vst v63  }
0x9b: {  	s12 =	sadd.s32 $0x5180, s4  }
0x9c: {  	[spmem:s2] =	stream.indirect.scatter.add.f32 [tilespmem:s28], [sflag:$0x4], $0x40, s12, s21, $0xb8;
	[tilespmem:$0x1BD00] =	vst v63  }
0x9d: {  	s12 =	sadd.s32 $0x200, s4  }
0x9e: {  	[tilespmem:s22], [sflag:$0x1] =	stream.indirect.gather [hbm4b:s7+s21], $0x40, s12, s21, $0xb8;
	[tilespmem:$0x1BD00] =	vst v63  }
0x9f: {  	s4 =	sadd.s32 $0x280, s4  }
0xa0: {  	[tilespmem:s24], [sflag:$0x1] =	stream.indirect.gather [hbm4b:s7+s21], $0x40, s4, s21, $0xb8;
	[tilespmem:$0x1BD00] =	vst v63  }
.Ltmp3:
0xa1: {  	_ =	swait.ge [sflag:s31], $0x1F40;
	(pc) =	sbr.rel @p1 .LBB2_8-.Ltmp3, $4  }
0xa2: {  	[sflag:s31] =	ssyncset.done $0x0  }
0xa3: {  	[sflag:s31] =	ssyncadd.s32 $0xFFFFE0C0  }
0xa4: {  	_ =	swait.ge [sflag:s31], $0x1F40  }
0xa5: {  	[sflag:s31] =	ssyncset.done $0x0  }
0xa6: {  	[sflag:s31] =	ssyncadd.s32 $0xFFFFE0C0  }
0xa7: {  	_ =	swait.ge [sflag:s25], $0x1F40  }
0xa8: {  	[sflag:s25] =	ssyncset.done $0x0  }
0xa9: {  	[sflag:s25] =	ssyncadd.s32 $0xFFFFE0C0  }
0xaa: {  	_ =	swait.ge [sflag:s25], $0x1F40  }
0xab: {  	[sflag:s25] =	ssyncset.done $0x0  }
0xac: {  	[sflag:s25] =	ssyncadd.s32 $0xFFFFE0C0  }
0xad: {  	[spmem:s2] =	stream.indirect.scatter.add.f32 [tilespmem:s22], [sflag:$0x3], $0x40, s0, s21, $0xb8;
	[tilespmem:$0x1BD00] =	vst v63  }
0xae: {  	_ = 	snop  }
0xaf: {  	[spmem:s2] =	stream.indirect.scatter.add.f32 [tilespmem:s24], [sflag:$0x3], $0x40, s3, s21, $0xb8;
	[tilespmem:$0x1BD00] =	vst v63  }
0xb0: {  	_ = 	snop  }
0xb1: {  	[tilespmem:s26], [sflag:$0x2] =	stream.indirect.gather [hbm4b:s7+s21], $0x40, s18, s21, $0xb8;
	[tilespmem:$0x1BD00] =	vst v63  }
0xb2: {  	_ = 	snop  }
0xb3: {  	[tilespmem:s28], [sflag:$0x2] =	stream.indirect.gather [hbm4b:s7+s21], $0x40, s9, s21, $0xb8;
	[tilespmem:$0x1BD00] =	vst v63  }
0xb4: {  	_ =	swait.ge [sflag:s29], $0x1F40  }
0xb5: {  	[sflag:s29] =	ssyncset.done $0x0  }
0xb6: {  	[sflag:s29] =	ssyncadd.s32 $0xFFFFE0C0  }
0xb7: {  	_ =	swait.ge [sflag:s29], $0x1F40  }
0xb8: {  	[sflag:s29] =	ssyncset.done $0x0  }
0xb9: {  	[sflag:s29] =	ssyncadd.s32 $0xFFFFE0C0  }
0xba: {  	_ =	swait.ge [sflag:s30], $0x1F40  }
0xbb: {  	[sflag:s30] =	ssyncset.done $0x0  }
0xbc: {  	[sflag:s30] =	ssyncadd.s32 $0xFFFFE0C0  }
0xbd: {  	_ =	swait.ge [sflag:s30], $0x1F40  }
0xbe: {  	[sflag:s30] =	ssyncset.done $0x0  }
0xbf: {  	[sflag:s30] =	ssyncadd.s32 $0xFFFFE0C0  }
0xc0: {  	[spmem:s2] =	stream.indirect.scatter.add.f32 [tilespmem:s26], [sflag:$0x4], $0x40, s14, s21, $0xb8;
	[tilespmem:$0x1BD00] =	vst v63  }
0xc1: {  	_ = 	snop  }
0xc2: {  	[spmem:s2] =	stream.indirect.scatter.add.f32 [tilespmem:s28], [sflag:$0x4], $0x40, s11, s21, $0xb8;
	[tilespmem:$0x1BD00] =	vst v63  }
0xc3: {  	_ = 	snop  }
0xc4: {  	[tilespmem:s22], [sflag:$0x1] =	stream.indirect.gather [hbm4b:s7+s21], $0x40, s9, s21, $0xb8;
	[tilespmem:$0x1BD00] =	vst v63  }
0xc5: {  	_ = 	snop  }
0xc6: {  	[tilespmem:s24], [sflag:$0x1] =	stream.indirect.gather [hbm4b:s7+s21], $0x40, s9, s21, $0xb8;
	[tilespmem:$0x1BD00] =	vst v63  }
0xc7: {  	_ =	swait.ge [sflag:s31], $0x1F40  }
0xc8: {  	[sflag:s31] =	ssyncset.done $0x0  }
0xc9: {  	[sflag:s31] =	ssyncadd.s32 $0xFFFFE0C0  }
0xca: {  	_ =	swait.ge [sflag:s31], $0x1F40  }
0xcb: {  	[sflag:s31] =	ssyncset.done $0x0  }
0xcc: {  	[sflag:s31] =	ssyncadd.s32 $0xFFFFE0C0  }
0xcd: {  	_ =	swait.ge [sflag:s25], $0x1F40  }
0xce: {  	[sflag:s25] =	ssyncset.done $0x0  }
0xcf: {  	[sflag:s25] =	ssyncadd.s32 $0xFFFFE0C0  }
0xd0: {  	_ =	swait.ge [sflag:s25], $0x1F40  }
0xd1: {  	[sflag:s25] =	ssyncset.done $0x0  }
0xd2: {  	[sflag:s25] =	ssyncadd.s32 $0xFFFFE0C0  }
0xd3: {  	[bflag:$0x0] =	sbarrier.arrive $0xFFFF  }
0xd4: {  	s1 =	rddreg [dreg:$0x8]  }
0xd5: {  	[hbm:s1], [sflag:s19] =	dma.local [spmem:s20], $0x1400  }
0xd6: {  	_ =	swait.ge [sflag:s17], $0x1400  }
0xd7: {  	[sflag:s17] =	ssyncset.done $0x0  }
0xd8: {  	[sflag:s17] =	ssyncadd.s32 $0xFFFFEC00  }
0xd9: {  	[bflag:$0x0] =	sbarrier.arrive $0xFFFF  }
0xda: {  	s4 =	rddreg [dreg:$0x1]  }
0xdb: {  	[spmem:s20], [sflag:s19] =	dma.local [hbm:s4], $0x1400  }
0xdc: {  	_ =	swait.ge [sflag:s17], $0x1400  }
0xdd: {  	[sflag:s17] =	ssyncset.done $0x0  }
0xde: {  	[sflag:s17] =	ssyncadd.s32 $0xFFFFEC00  }
0xdf: {  	s12 =	simm.s32 $0x0;
	[bflag:$0x0] =	sbarrier.arrive $0xFFFF  }
0xe0: {  	[tilespmem:s22], [sflag:$0x1] =	stream.indirect.gather [hbm4b:s8+s21], $0x40, s12, s21, $0xb8;
	[tilespmem:$0x1BD00] =	vst v63  }
0xe1: {  	_ = 	snop  }
0xe2: {  	[tilespmem:s24], [sflag:$0x1] =	stream.indirect.gather [hbm4b:s8+s21], $0x40, s23, s21, $0xb8;
	[tilespmem:$0x1BD00] =	vst v63  }
0xe3: {  	_ =	swait.ge [sflag:s25], $0x1F40  }
0xe4: {  	[sflag:s25] =	ssyncset.done $0x0  }
0xe5: {  	[sflag:s25] =	ssyncadd.s32 $0xFFFFE0C0  }
0xe6: {  	_ =	swait.ge [sflag:s25], $0x1F40  }
0xe7: {  	[sflag:s25] =	ssyncset.done $0x0  }
0xe8: {  	s4 =	simm.s32 $0x5000;
	[sflag:s25] =	ssyncadd.s32 $0xFFFFE0C0  }
0xe9: {  	[spmem:s2] =	stream.indirect.scatter.add.f32 [tilespmem:s22], [sflag:$0x3], $0x40, s4, s21, $0xb8;
	[tilespmem:$0x1BD00] =	vst v63  }
0xea: {  	s12 =	simm.s32 $0x5080  }
0xeb: {  	[spmem:s2] =	stream.indirect.scatter.add.f32 [tilespmem:s24], [sflag:$0x3], $0x40, s12, s21, $0xb8;
	[tilespmem:$0x1BD00] =	vst v63  }
0xec: {  	s4 =	simm.s32 $0x100  }
0xed: {  	[tilespmem:s26], [sflag:$0x2] =	stream.indirect.gather [hbm4b:s8+s21], $0x40, s4, s21, $0xb8;
	[tilespmem:$0x1BD00] =	vst v63  }
0xee: {  	s12 =	simm.s32 $0x180  }
0xef: {  	[tilespmem:s28], [sflag:$0x2] =	stream.indirect.gather [hbm4b:s8+s21], $0x40, s12, s21, $0xb8;
	[tilespmem:$0x1BD00] =	vst v63  }
0xf0: {  	_ =	swait.ge [sflag:s29], $0x1F40  }
0xf1: {  	[sflag:s29] =	ssyncset.done $0x0  }
0xf2: {  	[sflag:s29] =	ssyncadd.s32 $0xFFFFE0C0  }
0xf3: {  	_ =	swait.ge [sflag:s29], $0x1F40  }
0xf4: {  	[sflag:s29] =	ssyncset.done $0x0  }
0xf5: {  	[sflag:s29] =	ssyncadd.s32 $0xFFFFE0C0  }
0xf6: {  	_ =	swait.ge [sflag:s30], $0x1F40  }
0xf7: {  	[sflag:s30] =	ssyncset.done $0x0  }
0xf8: {  	[sflag:s30] =	ssyncadd.s32 $0xFFFFE0C0  }
0xf9: {  	_ =	swait.ge [sflag:s30], $0x1F40  }
0xfa: {  	[sflag:s30] =	ssyncset.done $0x0  }
0xfb: {  	s4 =	simm.s32 $0x5100;
	[sflag:s30] =	ssyncadd.s32 $0xFFFFE0C0  }
0xfc: {  	[spmem:s2] =	stream.indirect.scatter.add.f32 [tilespmem:s26], [sflag:$0x4], $0x40, s4, s21, $0xb8;
	[tilespmem:$0x1BD00] =	vst v63  }
0xfd: {  	s12 =	simm.s32 $0x5180  }
0xfe: {  	[spmem:s2] =	stream.indirect.scatter.add.f32 [tilespmem:s28], [sflag:$0x4], $0x40, s12, s21, $0xb8;
	[tilespmem:$0x1BD00] =	vst v63  }
0xff: {  	s4 =	simm.s32 $0x200  }
0x100: {  	[tilespmem:s22], [sflag:$0x1] =	stream.indirect.gather [hbm4b:s8+s21], $0x40, s4, s21, $0xb8;
	[tilespmem:$0x1BD00] =	vst v63  }
0x101: {  	s12 =	simm.s32 $0x280  }
0x102: {  	[tilespmem:s24], [sflag:$0x1] =	stream.indirect.gather [hbm4b:s8+s21], $0x40, s12, s21, $0xb8;
	[tilespmem:$0x1BD00] =	vst v63  }
0x103: {  	_ =	swait.ge [sflag:s31], $0x1F40  }
0x104: {  	[sflag:s31] =	ssyncset.done $0x0  }
0x105: {  	[sflag:s31] =	ssyncadd.s32 $0xFFFFE0C0  }
0x106: {  	_ =	swait.ge [sflag:s31], $0x1F40  }
0x107: {  	s1 =	simm.s32 $0x800;
	[sflag:s31] =	ssyncset.done $0x0  }
.LBB2_10:
0x108: {  	p1 =	sne.s32 s1, $0x13000  }
0x109: {  	[sflag:s31] =	ssyncadd.s32 $0xFFFFE0C0;
	s4 =	smov.u32 s1;
	s1 =	sadd.s32 $0x800, s1  }
0x10a: {  	_ =	swait.ge [sflag:s25], $0x1F40  }
0x10b: {  	[sflag:s25] =	ssyncset.done $0x0  }
0x10c: {  	[sflag:s25] =	ssyncadd.s32 $0xFFFFE0C0  }
0x10d: {  	_ =	swait.ge [sflag:s25], $0x1F40  }
0x10e: {  	s4 =	sshra.s32 s4, $0x2;
	[sflag:s25] =	ssyncset.done $0x0  }
0x10f: {  	s12 =	sadd.s32 $0x5000, s4;
	[sflag:s25] =	ssyncadd.s32 $0xFFFFE0C0  }
0x110: {  	[spmem:s2] =	stream.indirect.scatter.add.f32 [tilespmem:s22], [sflag:$0x3], $0x40, s12, s21, $0xb8;
	[tilespmem:$0x1BD00] =	vst v63  }
0x111: {  	s12 =	sadd.s32 $0x5080, s4  }
0x112: {  	[spmem:s2] =	stream.indirect.scatter.add.f32 [tilespmem:s24], [sflag:$0x3], $0x40, s12, s21, $0xb8;
	[tilespmem:$0x1BD00] =	vst v63  }
0x113: {  	s12 =	sadd.s32 $0x100, s4  }
0x114: {  	[tilespmem:s26], [sflag:$0x2] =	stream.indirect.gather [hbm4b:s8+s21], $0x40, s12, s21, $0xb8;
	[tilespmem:$0x1BD00] =	vst v63  }
0x115: {  	s12 =	sadd.s32 $0x180, s4  }
0x116: {  	[tilespmem:s28], [sflag:$0x2] =	stream.indirect.gather [hbm4b:s8+s21], $0x40, s12, s21, $0xb8;
	[tilespmem:$0x1BD00] =	vst v63  }
0x117: {  	_ =	swait.ge [sflag:s29], $0x1F40  }
0x118: {  	[sflag:s29] =	ssyncset.done $0x0  }
0x119: {  	[sflag:s29] =	ssyncadd.s32 $0xFFFFE0C0  }
0x11a: {  	_ =	swait.ge [sflag:s29], $0x1F40  }
0x11b: {  	[sflag:s29] =	ssyncset.done $0x0  }
0x11c: {  	[sflag:s29] =	ssyncadd.s32 $0xFFFFE0C0  }
0x11d: {  	_ =	swait.ge [sflag:s30], $0x1F40  }
0x11e: {  	[sflag:s30] =	ssyncset.done $0x0  }
0x11f: {  	[sflag:s30] =	ssyncadd.s32 $0xFFFFE0C0  }
0x120: {  	_ =	swait.ge [sflag:s30], $0x1F40  }
0x121: {  	[sflag:s30] =	ssyncset.done $0x0  }
0x122: {  	s12 =	sadd.s32 $0x5100, s4;
	[sflag:s30] =	ssyncadd.s32 $0xFFFFE0C0  }
0x123: {  	[spmem:s2] =	stream.indirect.scatter.add.f32 [tilespmem:s26], [sflag:$0x4], $0x40, s12, s21, $0xb8;
	[tilespmem:$0x1BD00] =	vst v63  }
0x124: {  	s12 =	sadd.s32 $0x5180, s4  }
0x125: {  	[spmem:s2] =	stream.indirect.scatter.add.f32 [tilespmem:s28], [sflag:$0x4], $0x40, s12, s21, $0xb8;
	[tilespmem:$0x1BD00] =	vst v63  }
0x126: {  	s12 =	sadd.s32 $0x200, s4  }
0x127: {  	[tilespmem:s22], [sflag:$0x1] =	stream.indirect.gather [hbm4b:s8+s21], $0x40, s12, s21, $0xb8;
	[tilespmem:$0x1BD00] =	vst v63  }
0x128: {  	s4 =	sadd.s32 $0x280, s4  }
0x129: {  	[tilespmem:s24], [sflag:$0x1] =	stream.indirect.gather [hbm4b:s8+s21], $0x40, s4, s21, $0xb8;
	[tilespmem:$0x1BD00] =	vst v63  }
.Ltmp4:
0x12a: {  	_ =	swait.ge [sflag:s31], $0x1F40;
	(pc) =	sbr.rel @p1 .LBB2_10-.Ltmp4, $4  }
0x12b: {  	[sflag:s31] =	ssyncset.done $0x0  }
0x12c: {  	[sflag:s31] =	ssyncadd.s32 $0xFFFFE0C0  }
0x12d: {  	_ =	swait.ge [sflag:s31], $0x1F40  }
0x12e: {  	[sflag:s31] =	ssyncset.done $0x0  }
.Ltmp5:
0x12f: {  	_ = 	snop;
	(pc) =	sbr.rel .LBB2_11-.Ltmp5, $1  }
0x130: {  	_ =	sdelay $0x3  }
.LBB2_2:
0x131: {  	[tilespmem:s22], [sflag:$0x1] =	stream.indirect.gather [hbm4b:s5+s21], $0x40, s1, s21, $0xb8;
	[tilespmem:$0x1BD00] =	vst v63  }
0x132: {  	_ = 	snop  }
0x133: {  	[tilespmem:s24], [sflag:$0x1] =	stream.indirect.gather [hbm4b:s5+s21], $0x40, s23, s21, $0xb8;
	[tilespmem:$0x1BD00] =	vst v63  }
0x134: {  	_ =	swait.ge [sflag:s25], $0x1F40  }
0x135: {  	[sflag:s25] =	ssyncset.done $0x0  }
0x136: {  	[sflag:s25] =	ssyncadd.s32 $0xFFFFE0C0  }
0x137: {  	_ =	swait.ge [sflag:s25], $0x1F40  }
0x138: {  	[sflag:s25] =	ssyncset.done $0x0  }
0x139: {  	s4 =	simm.s32 $0x5000;
	[sflag:s25] =	ssyncadd.s32 $0xFFFFE0C0  }
0x13a: {  	[spmem:s2] =	stream.indirect.scatter.add.f32 [tilespmem:s22], [sflag:$0x3], $0x40, s4, s21, $0xb8;
	[tilespmem:$0x1BD00] =	vst v63  }
0x13b: {  	s12 =	simm.s32 $0x5080  }
0x13c: {  	[spmem:s2] =	stream.indirect.scatter.add.f32 [tilespmem:s24], [sflag:$0x3], $0x40, s12, s21, $0xb8;
	[tilespmem:$0x1BD00] =	vst v63  }
0x13d: {  	s4 =	simm.s32 $0x100  }
0x13e: {  	[tilespmem:s26], [sflag:$0x2] =	stream.indirect.gather [hbm4b:s5+s21], $0x40, s4, s21, $0xb8;
	[tilespmem:$0x1BD00] =	vst v63  }
0x13f: {  	s12 =	simm.s32 $0x180  }
0x140: {  	[tilespmem:s28], [sflag:$0x2] =	stream.indirect.gather [hbm4b:s5+s21], $0x40, s12, s21, $0xb8;
	[tilespmem:$0x1BD00] =	vst v63  }
0x141: {  	_ =	swait.ge [sflag:s29], $0x1F40  }
0x142: {  	[sflag:s29] =	ssyncset.done $0x0  }
0x143: {  	[sflag:s29] =	ssyncadd.s32 $0xFFFFE0C0  }
0x144: {  	_ =	swait.ge [sflag:s29], $0x1F40  }
0x145: {  	[sflag:s29] =	ssyncset.done $0x0  }
0x146: {  	[sflag:s29] =	ssyncadd.s32 $0xFFFFE0C0  }
0x147: {  	_ =	swait.ge [sflag:s30], $0x1F40  }
0x148: {  	[sflag:s30] =	ssyncset.done $0x0  }
0x149: {  	[sflag:s30] =	ssyncadd.s32 $0xFFFFE0C0  }
0x14a: {  	_ =	swait.ge [sflag:s30], $0x1F40  }
0x14b: {  	[sflag:s30] =	ssyncset.done $0x0  }
0x14c: {  	s4 =	simm.s32 $0x5100;
	[sflag:s30] =	ssyncadd.s32 $0xFFFFE0C0  }
0x14d: {  	[spmem:s2] =	stream.indirect.scatter.add.f32 [tilespmem:s26], [sflag:$0x4], $0x40, s4, s21, $0xb8;
	[tilespmem:$0x1BD00] =	vst v63  }
0x14e: {  	s12 =	simm.s32 $0x5180  }
0x14f: {  	[spmem:s2] =	stream.indirect.scatter.add.f32 [tilespmem:s28], [sflag:$0x4], $0x40, s12, s21, $0xb8;
	[tilespmem:$0x1BD00] =	vst v63  }
0x150: {  	s4 =	simm.s32 $0x200  }
0x151: {  	[tilespmem:s22], [sflag:$0x1] =	stream.indirect.gather [hbm4b:s5+s21], $0x40, s4, s21, $0xb8;
	[tilespmem:$0x1BD00] =	vst v63  }
0x152: {  	s12 =	simm.s32 $0x280  }
0x153: {  	[tilespmem:s24], [sflag:$0x1] =	stream.indirect.gather [hbm4b:s5+s21], $0x40, s12, s21, $0xb8;
	[tilespmem:$0x1BD00] =	vst v63  }
0x154: {  	_ =	swait.ge [sflag:s31], $0x1F40  }
0x155: {  	[sflag:s31] =	ssyncset.done $0x0  }
0x156: {  	[sflag:s31] =	ssyncadd.s32 $0xFFFFE0C0  }
0x157: {  	_ =	swait.ge [sflag:s31], $0x1F40  }
0x158: {  	s1 =	simm.s32 $0x800;
	[sflag:s31] =	ssyncset.done $0x0  }
.LBB2_3:
0x159: {  	p1 =	sne.s32 s1, $0x13000  }
0x15a: {  	[sflag:s31] =	ssyncadd.s32 $0xFFFFE0C0;
	s4 =	smov.u32 s1;
	s1 =	sadd.s32 $0x800, s1  }
0x15b: {  	_ =	swait.ge [sflag:s25], $0x1F40  }
0x15c: {  	[sflag:s25] =	ssyncset.done $0x0  }
0x15d: {  	[sflag:s25] =	ssyncadd.s32 $0xFFFFE0C0  }
0x15e: {  	_ =	swait.ge [sflag:s25], $0x1F40  }
0x15f: {  	s4 =	sshra.s32 s4, $0x2;
	[sflag:s25] =	ssyncset.done $0x0  }
0x160: {  	s12 =	sadd.s32 $0x5000, s4;
	[sflag:s25] =	ssyncadd.s32 $0xFFFFE0C0  }
0x161: {  	[spmem:s2] =	stream.indirect.scatter.add.f32 [tilespmem:s22], [sflag:$0x3], $0x40, s12, s21, $0xb8;
	[tilespmem:$0x1BD00] =	vst v63  }
0x162: {  	s12 =	sadd.s32 $0x5080, s4  }
0x163: {  	[spmem:s2] =	stream.indirect.scatter.add.f32 [tilespmem:s24], [sflag:$0x3], $0x40, s12, s21, $0xb8;
	[tilespmem:$0x1BD00] =	vst v63  }
0x164: {  	s12 =	sadd.s32 $0x100, s4  }
0x165: {  	[tilespmem:s26], [sflag:$0x2] =	stream.indirect.gather [hbm4b:s5+s21], $0x40, s12, s21, $0xb8;
	[tilespmem:$0x1BD00] =	vst v63  }
0x166: {  	s12 =	sadd.s32 $0x180, s4  }
0x167: {  	[tilespmem:s28], [sflag:$0x2] =	stream.indirect.gather [hbm4b:s5+s21], $0x40, s12, s21, $0xb8;
	[tilespmem:$0x1BD00] =	vst v63  }
0x168: {  	_ =	swait.ge [sflag:s29], $0x1F40  }
0x169: {  	[sflag:s29] =	ssyncset.done $0x0  }
0x16a: {  	[sflag:s29] =	ssyncadd.s32 $0xFFFFE0C0  }
0x16b: {  	_ =	swait.ge [sflag:s29], $0x1F40  }
0x16c: {  	[sflag:s29] =	ssyncset.done $0x0  }
0x16d: {  	[sflag:s29] =	ssyncadd.s32 $0xFFFFE0C0  }
0x16e: {  	_ =	swait.ge [sflag:s30], $0x1F40  }
0x16f: {  	[sflag:s30] =	ssyncset.done $0x0  }
0x170: {  	[sflag:s30] =	ssyncadd.s32 $0xFFFFE0C0  }
0x171: {  	_ =	swait.ge [sflag:s30], $0x1F40  }
0x172: {  	[sflag:s30] =	ssyncset.done $0x0  }
0x173: {  	s12 =	sadd.s32 $0x5100, s4;
	[sflag:s30] =	ssyncadd.s32 $0xFFFFE0C0  }
0x174: {  	[spmem:s2] =	stream.indirect.scatter.add.f32 [tilespmem:s26], [sflag:$0x4], $0x40, s12, s21, $0xb8;
	[tilespmem:$0x1BD00] =	vst v63  }
0x175: {  	s12 =	sadd.s32 $0x5180, s4  }
0x176: {  	[spmem:s2] =	stream.indirect.scatter.add.f32 [tilespmem:s28], [sflag:$0x4], $0x40, s12, s21, $0xb8;
	[tilespmem:$0x1BD00] =	vst v63  }
0x177: {  	s12 =	sadd.s32 $0x200, s4  }
0x178: {  	[tilespmem:s22], [sflag:$0x1] =	stream.indirect.gather [hbm4b:s5+s21], $0x40, s12, s21, $0xb8;
	[tilespmem:$0x1BD00] =	vst v63  }
0x179: {  	s4 =	sadd.s32 $0x280, s4  }
0x17a: {  	[tilespmem:s24], [sflag:$0x1] =	stream.indirect.gather [hbm4b:s5+s21], $0x40, s4, s21, $0xb8;
	[tilespmem:$0x1BD00] =	vst v63  }
.Ltmp6:
0x17b: {  	_ =	swait.ge [sflag:s31], $0x1F40;
	(pc) =	sbr.rel @p1 .LBB2_3-.Ltmp6, $4  }
0x17c: {  	[sflag:s31] =	ssyncset.done $0x0  }
0x17d: {  	[sflag:s31] =	ssyncadd.s32 $0xFFFFE0C0  }
0x17e: {  	_ =	swait.ge [sflag:s31], $0x1F40  }
0x17f: {  	[sflag:s31] =	ssyncset.done $0x0  }
0x180: {  	[sflag:s31] =	ssyncadd.s32 $0xFFFFE0C0  }
0x181: {  	_ =	swait.ge [sflag:s25], $0x1F40  }
0x182: {  	[sflag:s25] =	ssyncset.done $0x0  }
0x183: {  	[sflag:s25] =	ssyncadd.s32 $0xFFFFE0C0  }
0x184: {  	_ =	swait.ge [sflag:s25], $0x1F40  }
0x185: {  	[sflag:s25] =	ssyncset.done $0x0  }
0x186: {  	[sflag:s25] =	ssyncadd.s32 $0xFFFFE0C0  }
0x187: {  	[spmem:s2] =	stream.indirect.scatter.add.f32 [tilespmem:s22], [sflag:$0x3], $0x40, s0, s21, $0xb8;
	[tilespmem:$0x1BD00] =	vst v63  }
0x188: {  	_ = 	snop  }
0x189: {  	[spmem:s2] =	stream.indirect.scatter.add.f32 [tilespmem:s24], [sflag:$0x3], $0x40, s3, s21, $0xb8;
	[tilespmem:$0x1BD00] =	vst v63  }
0x18a: {  	_ = 	snop  }
0x18b: {  	[tilespmem:s26], [sflag:$0x2] =	stream.indirect.gather [hbm4b:s5+s21], $0x40, s18, s21, $0xb8;
	[tilespmem:$0x1BD00] =	vst v63  }
0x18c: {  	_ = 	snop  }
0x18d: {  	[tilespmem:s28], [sflag:$0x2] =	stream.indirect.gather [hbm4b:s5+s21], $0x40, s9, s21, $0xb8;
	[tilespmem:$0x1BD00] =	vst v63  }
0x18e: {  	_ =	swait.ge [sflag:s29], $0x1F40  }
0x18f: {  	[sflag:s29] =	ssyncset.done $0x0  }
0x190: {  	[sflag:s29] =	ssyncadd.s32 $0xFFFFE0C0  }
0x191: {  	_ =	swait.ge [sflag:s29], $0x1F40  }
0x192: {  	[sflag:s29] =	ssyncset.done $0x0  }
0x193: {  	[sflag:s29] =	ssyncadd.s32 $0xFFFFE0C0  }
0x194: {  	_ =	swait.ge [sflag:s30], $0x1F40  }
0x195: {  	[sflag:s30] =	ssyncset.done $0x0  }
0x196: {  	[sflag:s30] =	ssyncadd.s32 $0xFFFFE0C0  }
0x197: {  	_ =	swait.ge [sflag:s30], $0x1F40  }
0x198: {  	[sflag:s30] =	ssyncset.done $0x0  }
0x199: {  	[sflag:s30] =	ssyncadd.s32 $0xFFFFE0C0  }
0x19a: {  	[spmem:s2] =	stream.indirect.scatter.add.f32 [tilespmem:s26], [sflag:$0x4], $0x40, s14, s21, $0xb8;
	[tilespmem:$0x1BD00] =	vst v63  }
0x19b: {  	_ = 	snop  }
0x19c: {  	[spmem:s2] =	stream.indirect.scatter.add.f32 [tilespmem:s28], [sflag:$0x4], $0x40, s11, s21, $0xb8;
	[tilespmem:$0x1BD00] =	vst v63  }
0x19d: {  	_ = 	snop  }
0x19e: {  	[tilespmem:s22], [sflag:$0x1] =	stream.indirect.gather [hbm4b:s5+s21], $0x40, s9, s21, $0xb8;
	[tilespmem:$0x1BD00] =	vst v63  }
0x19f: {  	_ = 	snop  }
0x1a0: {  	[tilespmem:s24], [sflag:$0x1] =	stream.indirect.gather [hbm4b:s5+s21], $0x40, s9, s21, $0xb8;
	[tilespmem:$0x1BD00] =	vst v63  }
0x1a1: {  	_ =	swait.ge [sflag:s31], $0x1F40  }
0x1a2: {  	[sflag:s31] =	ssyncset.done $0x0  }
0x1a3: {  	[sflag:s31] =	ssyncadd.s32 $0xFFFFE0C0  }
0x1a4: {  	_ =	swait.ge [sflag:s31], $0x1F40  }
0x1a5: {  	[sflag:s31] =	ssyncset.done $0x0  }
0x1a6: {  	[sflag:s31] =	ssyncadd.s32 $0xFFFFE0C0  }
0x1a7: {  	_ =	swait.ge [sflag:s25], $0x1F40  }
0x1a8: {  	[sflag:s25] =	ssyncset.done $0x0  }
0x1a9: {  	[sflag:s25] =	ssyncadd.s32 $0xFFFFE0C0  }
0x1aa: {  	_ =	swait.ge [sflag:s25], $0x1F40  }
0x1ab: {  	[sflag:s25] =	ssyncset.done $0x0  }
0x1ac: {  	[sflag:s25] =	ssyncadd.s32 $0xFFFFE0C0  }
0x1ad: {  	[bflag:$0x0] =	sbarrier.arrive $0xFFFF  }
0x1ae: {  	s1 =	rddreg [dreg:$0x7]  }
0x1af: {  	[hbm:s1], [sflag:s19] =	dma.local [spmem:s20], $0x1400  }
0x1b0: {  	_ =	swait.ge [sflag:s17], $0x1400  }
0x1b1: {  	[sflag:s17] =	ssyncset.done $0x0  }
0x1b2: {  	[sflag:s17] =	ssyncadd.s32 $0xFFFFEC00  }
0x1b3: {  	[bflag:$0x0] =	sbarrier.arrive $0xFFFF  }
0x1b4: {  	s4 =	rddreg [dreg:$0x1]  }
0x1b5: {  	[spmem:s20], [sflag:s19] =	dma.local [hbm:s4], $0x1400  }
0x1b6: {  	_ =	swait.ge [sflag:s17], $0x1400  }
0x1b7: {  	[sflag:s17] =	ssyncset.done $0x0  }
0x1b8: {  	[sflag:s17] =	ssyncadd.s32 $0xFFFFEC00  }
0x1b9: {  	s12 =	simm.s32 $0x0;
	[bflag:$0x0] =	sbarrier.arrive $0xFFFF  }
0x1ba: {  	[tilespmem:s22], [sflag:$0x1] =	stream.indirect.gather [hbm4b:s6+s21], $0x40, s12, s21, $0xb8;
	[tilespmem:$0x1BD00] =	vst v63  }
0x1bb: {  	_ = 	snop  }
0x1bc: {  	[tilespmem:s24], [sflag:$0x1] =	stream.indirect.gather [hbm4b:s6+s21], $0x40, s23, s21, $0xb8;
	[tilespmem:$0x1BD00] =	vst v63  }
0x1bd: {  	_ =	swait.ge [sflag:s25], $0x1F40  }
0x1be: {  	[sflag:s25] =	ssyncset.done $0x0  }
0x1bf: {  	[sflag:s25] =	ssyncadd.s32 $0xFFFFE0C0  }
0x1c0: {  	_ =	swait.ge [sflag:s25], $0x1F40  }
0x1c1: {  	[sflag:s25] =	ssyncset.done $0x0  }
0x1c2: {  	s4 =	simm.s32 $0x5000;
	[sflag:s25] =	ssyncadd.s32 $0xFFFFE0C0  }
0x1c3: {  	[spmem:s2] =	stream.indirect.scatter.add.f32 [tilespmem:s22], [sflag:$0x3], $0x40, s4, s21, $0xb8;
	[tilespmem:$0x1BD00] =	vst v63  }
0x1c4: {  	s12 =	simm.s32 $0x5080  }
0x1c5: {  	[spmem:s2] =	stream.indirect.scatter.add.f32 [tilespmem:s24], [sflag:$0x3], $0x40, s12, s21, $0xb8;
	[tilespmem:$0x1BD00] =	vst v63  }
0x1c6: {  	s4 =	simm.s32 $0x100  }
0x1c7: {  	[tilespmem:s26], [sflag:$0x2] =	stream.indirect.gather [hbm4b:s6+s21], $0x40, s4, s21, $0xb8;
	[tilespmem:$0x1BD00] =	vst v63  }
0x1c8: {  	s12 =	simm.s32 $0x180  }
0x1c9: {  	[tilespmem:s28], [sflag:$0x2] =	stream.indirect.gather [hbm4b:s6+s21], $0x40, s12, s21, $0xb8;
	[tilespmem:$0x1BD00] =	vst v63  }
0x1ca: {  	_ =	swait.ge [sflag:s29], $0x1F40  }
0x1cb: {  	[sflag:s29] =	ssyncset.done $0x0  }
0x1cc: {  	[sflag:s29] =	ssyncadd.s32 $0xFFFFE0C0  }
0x1cd: {  	_ =	swait.ge [sflag:s29], $0x1F40  }
0x1ce: {  	[sflag:s29] =	ssyncset.done $0x0  }
0x1cf: {  	[sflag:s29] =	ssyncadd.s32 $0xFFFFE0C0  }
0x1d0: {  	_ =	swait.ge [sflag:s30], $0x1F40  }
0x1d1: {  	[sflag:s30] =	ssyncset.done $0x0  }
0x1d2: {  	[sflag:s30] =	ssyncadd.s32 $0xFFFFE0C0  }
0x1d3: {  	_ =	swait.ge [sflag:s30], $0x1F40  }
0x1d4: {  	[sflag:s30] =	ssyncset.done $0x0  }
0x1d5: {  	s4 =	simm.s32 $0x5100;
	[sflag:s30] =	ssyncadd.s32 $0xFFFFE0C0  }
0x1d6: {  	[spmem:s2] =	stream.indirect.scatter.add.f32 [tilespmem:s26], [sflag:$0x4], $0x40, s4, s21, $0xb8;
	[tilespmem:$0x1BD00] =	vst v63  }
0x1d7: {  	s12 =	simm.s32 $0x5180  }
0x1d8: {  	[spmem:s2] =	stream.indirect.scatter.add.f32 [tilespmem:s28], [sflag:$0x4], $0x40, s12, s21, $0xb8;
	[tilespmem:$0x1BD00] =	vst v63  }
0x1d9: {  	s4 =	simm.s32 $0x200  }
0x1da: {  	[tilespmem:s22], [sflag:$0x1] =	stream.indirect.gather [hbm4b:s6+s21], $0x40, s4, s21, $0xb8;
	[tilespmem:$0x1BD00] =	vst v63  }
0x1db: {  	s12 =	simm.s32 $0x280  }
0x1dc: {  	[tilespmem:s24], [sflag:$0x1] =	stream.indirect.gather [hbm4b:s6+s21], $0x40, s12, s21, $0xb8;
	[tilespmem:$0x1BD00] =	vst v63  }
0x1dd: {  	_ =	swait.ge [sflag:s31], $0x1F40  }
0x1de: {  	[sflag:s31] =	ssyncset.done $0x0  }
0x1df: {  	[sflag:s31] =	ssyncadd.s32 $0xFFFFE0C0  }
0x1e0: {  	_ =	swait.ge [sflag:s31], $0x1F40  }
0x1e1: {  	s1 =	simm.s32 $0x800;
	[sflag:s31] =	ssyncset.done $0x0  }
.LBB2_5:
0x1e2: {  	p1 =	sne.s32 s1, $0x13000  }
0x1e3: {  	[sflag:s31] =	ssyncadd.s32 $0xFFFFE0C0;
	s4 =	smov.u32 s1;
	s1 =	sadd.s32 $0x800, s1  }
0x1e4: {  	_ =	swait.ge [sflag:s25], $0x1F40  }
0x1e5: {  	[sflag:s25] =	ssyncset.done $0x0  }
0x1e6: {  	[sflag:s25] =	ssyncadd.s32 $0xFFFFE0C0  }
0x1e7: {  	_ =	swait.ge [sflag:s25], $0x1F40  }
0x1e8: {  	s4 =	sshra.s32 s4, $0x2;
	[sflag:s25] =	ssyncset.done $0x0  }
0x1e9: {  	s12 =	sadd.s32 $0x5000, s4;
	[sflag:s25] =	ssyncadd.s32 $0xFFFFE0C0  }
0x1ea: {  	[spmem:s2] =	stream.indirect.scatter.add.f32 [tilespmem:s22], [sflag:$0x3], $0x40, s12, s21, $0xb8;
	[tilespmem:$0x1BD00] =	vst v63  }
0x1eb: {  	s12 =	sadd.s32 $0x5080, s4  }
0x1ec: {  	[spmem:s2] =	stream.indirect.scatter.add.f32 [tilespmem:s24], [sflag:$0x3], $0x40, s12, s21, $0xb8;
	[tilespmem:$0x1BD00] =	vst v63  }
0x1ed: {  	s12 =	sadd.s32 $0x100, s4  }
0x1ee: {  	[tilespmem:s26], [sflag:$0x2] =	stream.indirect.gather [hbm4b:s6+s21], $0x40, s12, s21, $0xb8;
	[tilespmem:$0x1BD00] =	vst v63  }
0x1ef: {  	s12 =	sadd.s32 $0x180, s4  }
0x1f0: {  	[tilespmem:s28], [sflag:$0x2] =	stream.indirect.gather [hbm4b:s6+s21], $0x40, s12, s21, $0xb8;
	[tilespmem:$0x1BD00] =	vst v63  }
0x1f1: {  	_ =	swait.ge [sflag:s29], $0x1F40  }
0x1f2: {  	[sflag:s29] =	ssyncset.done $0x0  }
0x1f3: {  	[sflag:s29] =	ssyncadd.s32 $0xFFFFE0C0  }
0x1f4: {  	_ =	swait.ge [sflag:s29], $0x1F40  }
0x1f5: {  	[sflag:s29] =	ssyncset.done $0x0  }
0x1f6: {  	[sflag:s29] =	ssyncadd.s32 $0xFFFFE0C0  }
0x1f7: {  	_ =	swait.ge [sflag:s30], $0x1F40  }
0x1f8: {  	[sflag:s30] =	ssyncset.done $0x0  }
0x1f9: {  	[sflag:s30] =	ssyncadd.s32 $0xFFFFE0C0  }
0x1fa: {  	_ =	swait.ge [sflag:s30], $0x1F40  }
0x1fb: {  	[sflag:s30] =	ssyncset.done $0x0  }
0x1fc: {  	s12 =	sadd.s32 $0x5100, s4;
	[sflag:s30] =	ssyncadd.s32 $0xFFFFE0C0  }
0x1fd: {  	[spmem:s2] =	stream.indirect.scatter.add.f32 [tilespmem:s26], [sflag:$0x4], $0x40, s12, s21, $0xb8;
	[tilespmem:$0x1BD00] =	vst v63  }
0x1fe: {  	s12 =	sadd.s32 $0x5180, s4  }
0x1ff: {  	[spmem:s2] =	stream.indirect.scatter.add.f32 [tilespmem:s28], [sflag:$0x4], $0x40, s12, s21, $0xb8;
	[tilespmem:$0x1BD00] =	vst v63  }
0x200: {  	s12 =	sadd.s32 $0x200, s4  }
0x201: {  	[tilespmem:s22], [sflag:$0x1] =	stream.indirect.gather [hbm4b:s6+s21], $0x40, s12, s21, $0xb8;
	[tilespmem:$0x1BD00] =	vst v63  }
0x202: {  	s4 =	sadd.s32 $0x280, s4  }
0x203: {  	[tilespmem:s24], [sflag:$0x1] =	stream.indirect.gather [hbm4b:s6+s21], $0x40, s4, s21, $0xb8;
	[tilespmem:$0x1BD00] =	vst v63  }
.Ltmp7:
0x204: {  	_ =	swait.ge [sflag:s31], $0x1F40;
	(pc) =	sbr.rel @p1 .LBB2_5-.Ltmp7, $4  }
0x205: {  	[sflag:s31] =	ssyncset.done $0x0  }
0x206: {  	[sflag:s31] =	ssyncadd.s32 $0xFFFFE0C0  }
0x207: {  	_ =	swait.ge [sflag:s31], $0x1F40  }
0x208: {  	[sflag:s31] =	ssyncset.done $0x0  }
0x209: {  	[sflag:s31] =	ssyncadd.s32 $0xFFFFE0C0  }
0x20a: {  	_ =	swait.ge [sflag:s25], $0x1F40  }
0x20b: {  	[sflag:s25] =	ssyncset.done $0x0  }
0x20c: {  	[sflag:s25] =	ssyncadd.s32 $0xFFFFE0C0  }
0x20d: {  	_ =	swait.ge [sflag:s25], $0x1F40  }
0x20e: {  	[sflag:s25] =	ssyncset.done $0x0  }
0x20f: {  	[sflag:s25] =	ssyncadd.s32 $0xFFFFE0C0  }
0x210: {  	[spmem:s2] =	stream.indirect.scatter.add.f32 [tilespmem:s22], [sflag:$0x3], $0x40, s0, s21, $0xb8;
	[tilespmem:$0x1BD00] =	vst v63  }
0x211: {  	_ = 	snop  }
0x212: {  	[spmem:s2] =	stream.indirect.scatter.add.f32 [tilespmem:s24], [sflag:$0x3], $0x40, s3, s21, $0xb8;
	[tilespmem:$0x1BD00] =	vst v63  }
0x213: {  	_ = 	snop  }
0x214: {  	[tilespmem:s26], [sflag:$0x2] =	stream.indirect.gather [hbm4b:s6+s21], $0x40, s18, s21, $0xb8;
	[tilespmem:$0x1BD00] =	vst v63  }
0x215: {  	_ = 	snop  }
0x216: {  	[tilespmem:s28], [sflag:$0x2] =	stream.indirect.gather [hbm4b:s6+s21], $0x40, s9, s21, $0xb8;
	[tilespmem:$0x1BD00] =	vst v63  }
0x217: {  	_ =	swait.ge [sflag:s29], $0x1F40  }
0x218: {  	[sflag:s29] =	ssyncset.done $0x0  }
0x219: {  	[sflag:s29] =	ssyncadd.s32 $0xFFFFE0C0  }
0x21a: {  	_ =	swait.ge [sflag:s29], $0x1F40  }
0x21b: {  	[sflag:s29] =	ssyncset.done $0x0  }
0x21c: {  	[sflag:s29] =	ssyncadd.s32 $0xFFFFE0C0  }
0x21d: {  	_ =	swait.ge [sflag:s30], $0x1F40  }
0x21e: {  	[sflag:s30] =	ssyncset.done $0x0  }
0x21f: {  	[sflag:s30] =	ssyncadd.s32 $0xFFFFE0C0  }
0x220: {  	_ =	swait.ge [sflag:s30], $0x1F40  }
0x221: {  	[sflag:s30] =	ssyncset.done $0x0  }
0x222: {  	[sflag:s30] =	ssyncadd.s32 $0xFFFFE0C0  }
0x223: {  	[spmem:s2] =	stream.indirect.scatter.add.f32 [tilespmem:s26], [sflag:$0x4], $0x40, s14, s21, $0xb8;
	[tilespmem:$0x1BD00] =	vst v63  }
0x224: {  	_ = 	snop  }
0x225: {  	[spmem:s2] =	stream.indirect.scatter.add.f32 [tilespmem:s28], [sflag:$0x4], $0x40, s11, s21, $0xb8;
	[tilespmem:$0x1BD00] =	vst v63  }
.Ltmp8:
0x226: {  	_ = 	snop;
	(pc) =	sbr.rel .LBB2_12-.Ltmp8, $4  }
0x227: {  	_ = 	snop  }
0x228: {  	[tilespmem:s22], [sflag:$0x1] =	stream.indirect.gather [hbm4b:s6+s21], $0x40, s9, s21, $0xb8;
	[tilespmem:$0x1BD00] =	vst v63  }
0x229: {  	s1 =	rddreg [dreg:$0x4]  }
0x22a: {  	[tilespmem:s24], [sflag:$0x1] =	stream.indirect.gather [hbm4b:s6+s21], $0x40, s9, s21, $0xb8;
	[tilespmem:$0x1BD00] =	vst v63  }
.LBB2_13:
0x22b: {  	_ =	sfence.sel $0x180000  }
0x22c: {  	[bflag:$0x0] =	sbarrier.arrive $0xFFFF  }
0x22d: {  	_ =	strace $0x9000004D  }
0x22e: {  	s0 =	stileid.u32;
	[bflag:$0x2] =	sbarrier.arrive $0xFFFF  }
0x22f: {  	p0 =	sne.s32 s0, $0x0;
	s0 =	rddreg [dreg:$0x3]  }
0x230: {  	s0 =	sadd.s32 @!p0 $0x100000, s0  }
0x231: {  	[sflag:s0] =	ssyncadd.tile.s32 @!p0 $0x1;
	_ =	shalt  }
.Lfunc_end2:
_tile_overlayer_lowered:
.L_overlay_start_2:
0x232: {  	(tag) =	ssettag $0x2  }
0x233: {  	s0 =	rddreg [dreg:$0x0];
	s2 =	stileid.u32  }
0x234: {  	s1 =	rddreg [dreg:$0x1];
	p0 =	sne.s32 s2, $0x0  }
0x235: {  	s3 =	rddreg [dreg:$0x2];
	[bflag:$0x3] =	sbarrier.arrive $0xFFFF;
	s2 =	simm.s32 @!p0 $0x1C05  }
0x236: {  	[timem:s3], [sflag:s2] =	dma.local @!p0 [hbm:s0], s1  }
0x237: {  	s0 =	simm.s32 @!p0 $0x5  }
0x238: {  	_ =	swait.ge @!p0 [sflag:s0], s1  }
0x239: {  	s1 =	ssub.s32 @!p0 $0x0, s1;
	[sflag:s0] =	ssyncset.done @!p0 $0x0  }
0x23a: {  	[sflag:s0] =	ssyncadd.s32 @!p0 s1  }
0x23b: {  	[bflag:$0x3] =	sbarrier.arrive $0xFFFF  }
0x23c: {  	_ =	shalt  }

// kernel: kernel.8.cloned.1.call-start
scs
__scs_entry_jumppad:
0x0: {  	(pc) =	sbr.rel $0x88, $3  }
0x1: {  	(tag) =	ssettag $0x0;
	lr =	simm.s32 $0x1  }
0x2: {  	[smem:$0x3F60] =	sst lr;
	_ =	strace $0xD0000000  }
0x3: {  	_ = 	snop  }
0x4: {  	_ = 	snop  }
0x5: {  	_ = 	snop  }
0x6: {  	_ = 	snop  }
0x7: {  	_ = 	snop  }
__scs_overlays_trampoline_lowered:
0x8: {  	[smem:$0x3F6F] =	sst s0  }
0x9: {  	[smem:$0x3F70] =	sst s1  }
0xa: {  	[smem:$0x3F71] =	sst s2  }
0xb: {  	[smem:$0x3F72] =	sst s3  }
0xc: {  	[smem:$0x3F73] =	sst s4  }
0xd: {  	[smem:$0x3F74] =	sst s5  }
0xe: {  	[smem:$0x3F75] =	sst s6  }
0xf: {  	[smem:$0x3F76] =	sst s7  }
0x10: {  	[smem:$0x3F77] =	sst s8  }
0x11: {  	[smem:$0x3F78] =	sst s9;
	s0 =	simm.s32 @!p0 $0x0  }
0x12: {  	s1 =	sld [smem:$0x3F5E];
	s0 =	simm.s32 @p0 $0x1  }
0x13: {  	[smem:$0x3F79] =	sst s0;
	s0 =	simm.s32 @!p1 $0x0  }
0x14: {  	s2 =	sld [smem:$0x3F5D];
	s0 =	simm.s32 @p1 $0x1  }
0x15: {  	[smem:$0x3F7A] =	sst s0;
	s0 =	simm.s32 @!p2 $0x0  }
0x16: {  	s3 =	sld [smem:$0x3FDB];
	s0 =	simm.s32 @p2 $0x1  }
0x17: {  	s4 =	simm.s32 $0x1BF5;
	[smem:$0x3F7C] =	sst s0  }
0x18: {  	s0 =	sld [smem:$0x3F5F];
	_ =	swait.ge [sflag:s4], $0x0  }
0x19: {  	s7 =	sld [smem:$0x3F60]  }
0x1a: {  	s8 =	sadd.s32 $0xFFFFE003, lr  }
0x1b: {  	s9 =	sadd.s32 $0xFFFFFEF7, lr;
	s5 =	simm.s32 $0xFFFFFFFF;
	p2 =	slt.u32 s8, $0xFFFFF086  }
0x1c: {  	p1 =	slt.u32 s9, $0xF7A;
	s5 =	simm.s32 @!p2 $0x0  }
0x1d: {  	s5 =	simm.s32 @p1 $0x1;
	p0 =	seq.s32 s7, s2  }
0x1e: {  	s7 =	smul.u32 @!p0 $0xF7A, s2;
	p2 =	seq.s32 @!p0 s5, $0x0  }
0x1f: {  	s9 =	smul.u32 $0xF7A, s1;
	s8 =	simm.s32 @!p0 $0x1BF5;
	p2 =	por !p2, p0  }
0x20: {  	[sflag:s8] =	ssyncset.s32 @!p0 $0xFFFFF086;
	s6 =	sadd.s32 @!p0 s3, s7;
	s7 =	simm.s32 @!p0 $0x108  }
0x21: {  	s3 =	sadd.s32 s3, s9;
	s6 =	sadd.s32 @!p0 $0x88, s6;
	s7 =	simm.s32 @p2 $0x1082  }
0x22: {  	[simem:s7], [sflag:s8] =	dma.local @!p0 [hbm:s6], $0xF7A  }
0x23: {  	s9 =	sor.u32 $0xD0000000, s2;
	s6 =	simm.s32 $0x108;
	_ =	swait.ge @!p0 [sflag:s8], $0x0  }
0x24: {  	s3 =	sadd.s32 $0x88, s3;
	s6 =	simm.s32 @!p1 $0x1082;
	[sflag:s4] =	ssyncset.s32 $0xFFFFF086  }
0x25: {  	[simem:s6], [sflag:s4] =	dma.local [hbm:s3], $0xF7A  }
0x26: {  	[smem:$0x3F60] =	sst s1;
	(tag) =	ssettag s2;
	_ =	strace s9  }
0x27: {  	s1 =	sld [smem:$0x3F70]  }
0x28: {  	s2 =	sld [smem:$0x3F71]  }
0x29: {  	s4 =	sld [smem:$0x3F73]  }
0x2a: {  	p0 =	seq.s32 s5, $0x0;
	s5 =	sld [smem:$0x3F74]  }
0x2b: {  	s6 =	sld [smem:$0x3F75]  }
0x2c: {  	s7 =	sld [smem:$0x3F76]  }
0x2d: {  	s3 =	simm.s32 $0x108;
	s8 =	sld [smem:$0x3F77]  }
0x2e: {  	s3 =	simm.s32 @!p0 $0x1082;
	s9 =	sld [smem:$0x3F78]  }
0x2f: {  	lr =	sadd.s32 s0, s3;
	s0 =	sld [smem:$0x3F6F]  }
0x30: {  	s3 =	sld [smem:$0x3F72]  }
0x31: {  	[smem:$0x3F7B] =	sst s10  }
0x32: {  	s10 =	sld [smem:$0x3F79];
	_ =	sdelay $0x3  }
0x33: {  	p0 =	seq.s32 s10, $0x1;
	s10 =	sld [smem:$0x3F7B];
	_ =	sdelay $0x3  }
0x34: {  	[smem:$0x3F7B] =	sst s10  }
0x35: {  	s10 =	sld [smem:$0x3F7A];
	_ =	sdelay $0x3  }
0x36: {  	p1 =	seq.s32 s10, $0x1;
	s10 =	sld [smem:$0x3F7B];
	_ =	sdelay $0x3  }
0x37: {  	[smem:$0x3F7B] =	sst s10  }
0x38: {  	s10 =	sld [smem:$0x3F7C]  }
0x39: {  	_ = 	snop;
	(pc) =	sbr.ind lr, $3  }
0x3a: {  	_ = 	snop  }
0x3b: {  	_ = 	snop  }
0x3c: {  	p2 =	seq.s32 s10, $0x1;
	s10 =	sld [smem:$0x3F7B]  }
0x3d: {  	_ =	shalt  }
0x3e: {  	_ =	shalt  }
0x3f: {  	_ =	shalt  }
0x40: {  	_ =	shalt  }
0x41: {  	_ =	shalt  }
0x42: {  	_ =	shalt  }
0x43: {  	_ =	shalt  }
0x44: {  	_ =	shalt  }
0x45: {  	_ =	shalt  }
0x46: {  	_ =	shalt  }
0x47: {  	_ =	shalt  }
0x48: {  	_ =	shalt  }
0x49: {  	_ =	shalt  }
0x4a: {  	_ =	shalt  }
0x4b: {  	_ =	shalt  }
0x4c: {  	_ =	shalt  }
0x4d: {  	_ =	shalt  }
0x4e: {  	_ =	shalt  }
0x4f: {  	_ =	shalt  }
0x50: {  	_ =	shalt  }
0x51: {  	_ =	shalt  }
0x52: {  	_ =	shalt  }
0x53: {  	_ =	shalt  }
0x54: {  	_ =	shalt  }
0x55: {  	_ =	shalt  }
0x56: {  	_ =	shalt  }
0x57: {  	_ =	shalt  }
0x58: {  	_ =	shalt  }
0x59: {  	_ =	shalt  }
0x5a: {  	_ =	shalt  }
0x5b: {  	_ =	shalt  }
0x5c: {  	_ =	shalt  }
0x5d: {  	_ =	shalt  }
0x5e: {  	_ =	shalt  }
0x5f: {  	_ =	shalt  }
0x60: {  	_ =	shalt  }
0x61: {  	_ =	shalt  }
0x62: {  	_ =	shalt  }
0x63: {  	_ =	shalt  }
0x64: {  	_ =	shalt  }
0x65: {  	_ =	shalt  }
0x66: {  	_ =	shalt  }
0x67: {  	_ =	shalt  }
0x68: {  	_ =	shalt  }
0x69: {  	_ =	shalt  }
0x6a: {  	_ =	shalt  }
0x6b: {  	_ =	shalt  }
0x6c: {  	_ =	shalt  }
0x6d: {  	_ =	shalt  }
0x6e: {  	_ =	shalt  }
0x6f: {  	_ =	shalt  }
0x70: {  	_ =	shalt  }
0x71: {  	_ =	shalt  }
0x72: {  	_ =	shalt  }
0x73: {  	_ =	shalt  }
0x74: {  	_ =	shalt  }
0x75: {  	_ =	shalt  }
0x76: {  	_ =	shalt  }
0x77: {  	_ =	shalt  }
0x78: {  	_ =	shalt  }
0x79: {  	_ =	shalt  }
0x7a: {  	_ =	shalt  }
0x7b: {  	_ =	shalt  }
0x7c: {  	_ =	shalt  }
0x7d: {  	_ =	shalt  }
0x7e: {  	_ =	shalt  }
0x7f: {  	_ =	shalt  }
0x80: {  	_ =	shalt  }
0x81: {  	_ =	shalt  }
0x82: {  	_ =	shalt  }
0x83: {  	_ =	shalt  }
0x84: {  	_ =	shalt  }
0x85: {  	_ =	shalt  }
0x86: {  	_ =	shalt  }
0x87: {  	_ =	shalt  }
.Lfunc_end0:
.L_simem_size_0:
called_computation_lowered:
.L_overlay_start_0:
0x88: {  	s2 =	sld [smem:$0x3FD9]  }
0x89: {  	s3 =	sld [smem:$0x3FFE];
	_ =	sdelay $0x1  }
0x8a: {  	s1 =	srdreg.scid  }
0x8b: {  	s0 =	sand.u32 $0x1, s1  }
0x8c: {  	s17 =	sshll.u32 s0, $0xA;
	s2 =	sadd.s32 s3, s2  }
0x8d: {  	s2 =	sadd.s32 s2, s17  }
0x8e: {  	[smem:$0x3F87] =	sst s2  }
0x8f: {  	_ = 	snop  }
0x90: {  	s18 =	sld [smem:$0x3FD0];
	(tm) =	ssettm $0x1  }
0x91: {  	s19 =	sld [smem:$0x3FFB];
	_ =	sdelay $0x3  }
0x92: {  	_ =	strace s19  }
0x93: {  	s2 =	sld [smem:$0x3FFC];
	_ =	sdelay $0x3  }
0x94: {  	_ =	strace s2  }
0x95: {  	s2 =	sld [smem:$0x3FFD];
	_ =	sdelay $0x3  }
0x96: {  	_ =	strace s2  }
0x97: {  	_ =	strace $0x8FFFFFFF  }
0x98: {  	s20 =	sld [smem:$0x3FDB];
	_ =	sdelay $0x1  }
0x99: {  	s4 =	simm.s32 $_scs_section_size  }
0x9a: {  	s5 =	simm.s32 $_size__tile_overlayer_lowered;
	s6 =	simm.s32 $_tile_overlayer_lowered  }
0x9b: {  	s7 =	simm.s32 $0x1BFF;
	s21 =	sshll.u32 s6, $0x1;
	s4 =	sadd.s32 s4, s20  }
0x9c: {  	s22 =	simm.s32 $0x0;
	s5 =	sshll.u32 s5, $0x1;
	s6 =	sadd.s32 s21, s4  }
0x9d: {  	[timem:s22], [sflag:s7] =	dma.local [hbm:s6], s5  }
0x9e: {  	_ =	swait.ge [sflag:s7], s5  }
0x9f: {  	s5 =	ssub.s32 $0x0, s5;
	[sflag:s7] =	ssyncset.done $0x0  }
0xa0: {  	[sflag:s7] =	ssyncadd.s32 s5;
	_ =	sdelay $0x1  }
0xa1: {  	s23 =	simm.s32 $0x1B8B  }
0xa2: {  	_ =	swait.ge [sflag:s23], $0x1  }
0xa3: {  	[sflag:s23] =	ssyncset.done $0x0  }
0xa4: {  	[sflag:s23] =	ssyncadd.s32 $0xFFFFFFFF  }
0xa5: {  	s5 =	sld [smem:$0x0]  }
0xa6: {  	s6 =	sand.u32 $0xFFFFFFFE, s1  }
0xa7: {  	p0 =	sne.s32 s1, s6  }
0xa8: {  	s6 =	sshll.u32 @p0 s6, $0xE  }
0xa9: {  	s6 =	sadd.s32 @p0 $0x11B8D, s6;
	s7 =	sshll.u32 @p0 s5, $0x11  }
0xaa: {  	s6 =	sor.u32 @p0 s7, s6  }
0xab: {  	[sflag:s6] =	ssyncadd.remote.s32 @p0 $0x1;
	_ =	sdelay $0x1  }
0xac: {  	s6 =	simm.s32 @p0 $0x1B8D  }
0xad: {  	_ =	swait.eq @p0 [sflag:s6], $0x1  }
0xae: {  	[sflag:s6] =	ssyncadd.s32 @p0 $0xFFFFFFFF  }
0xaf: {  	s7 =	sshll.u32 @!p0 s1, $0xE  }
0xb0: {  	s7 =	sor.u32 @!p0 $0x4000, s7;
	s6 =	simm.s32 @!p0 $0x1B8D  }
0xb1: {  	s5 =	sshll.u32 @!p0 s5, $0x11;
	s7 =	sadd.s32 @!p0 $0x11B8D, s7;
	_ =	swait.eq @!p0 [sflag:s6], $0x1  }
0xb2: {  	s5 =	sor.u32 @!p0 s5, s7;
	[sflag:s6] =	ssyncadd.s32 @!p0 $0xFFFFFFFF  }
0xb3: {  	s25 =	simm.s32 $0x1B8E;
	s24 =	sld [smem:$0x3FFE];
	[sflag:s5] =	ssyncadd.remote.s32 @!p0 $0x1  }
0xb4: {  	s26 =	simm.s32 $execute0_lowered;
	[smem:$0x3FD2] =	sst s25  }
0xb5: {  	s6 =	sshll.u32 s26, $0x1;
	_ =	strace $0x80000049;
	[dreg:$0x1] =	wrdreg $0xFFFFFFFF  }
0xb6: {  	s28 =	simm.s32 $_size_execute0_lowered;
	s4 =	sadd.s32 s4, s6;
	[dreg:$0x0] =	wrdreg $0x0  }
0xb7: {  	s6 =	sshll.u32 s28, $0x1;
	[dreg:$0x2] =	wrdreg s4  }
0xb8: {  	[dreg:$0x3] =	wrdreg s6  }
0xb9: {  	[dreg:$0x4] =	wrdreg $0xC0  }
0xba: {  	_ =	task [dreg:s22], $0x5FFFF  }
0xbb: {  	[dreg:$0x1] =	wrdreg $0xFFFFFFFF  }
0xbc: {  	[dreg:$0x0] =	wrdreg $0x60  }
0xbd: {  	[dreg:$0x2] =	wrdreg s24  }
0xbe: {  	[dreg:$0x3] =	wrdreg s18  }
0xbf: {  	[dreg:$0x4] =	wrdreg $0xA0000  }
0xc0: {  	[dreg:$0x5] =	wrdreg $0x1C4D00  }
0xc1: {  	[dreg:$0x6] =	wrdreg $0x9  }
0xc2: {  	_ =	task.clear_ibuf [dreg:s22], $0x7FFFF;
	_ =	strace $0x90000049  }
0xc3: {  	s29 =	simm.s32 $0x9;
	_ =	strace $0x8000004B  }
0xc4: {  	_ =	swait.ge [sflag:s29], $0x1  }
0xc5: {  	[sflag:s29] =	ssyncadd.s32 $0xFFFFFFFF  }
0xc6: {  	_ =	strace $0x9000004B  }
0xc7: {  	_ =	sfence  }
0xc8: {  	s30 =	sld [smem:$0x0];
	_ =	sdelay $0x2  }
0xc9: {  	s31 =	sshll.u32 s1, $0xD;
	s1 =	sshrl.u32 s1, $0x2  }
0xca: {  	s4 =	sand.u32 $0x4000, s31;
	s1 =	sadd.s32 s1, s30  }
0xcb: {  	s0 =	sor.u32 s4, s0;
	s1 =	sshll.u32 s1, $0x11  }
0xcc: {  	s0 =	sor.u32 s1, s0  }
0xcd: {  	s0 =	sadd.s32 $0x8F2B, s0  }
0xce: {  	[sflag:s0] =	ssyncadd.remote.s32 $0x1  }
0xcf: {  	_ =	sfence.sel $0xFFFF  }
0xd0: {  	[dreg:$0x0] =	wrdreg $0xFFFFFFFF;
	(pc) =	sbr.abs _section_cstart, $3  }
0xd1: {  	[dreg:$0x1] =	wrdreg $0xFFFFFFFF  }
0xd2: {  	_ =	task.clear_ibuf [dreg:s22], $0x2FFFF;
	_ =	strace $0x9FFFFFFF  }
0xd3: {  	(tm) =	ssettm $0x7FFFFFFF  }
tec
execute0_lowered:
.L_overlay_start_1:
0x0: {  	(tag) =	ssettag $0x1  }
0x1: {  	s0 =	rddreg [dreg:$0x0]  }
0x2: {  	s15 =	rddreg [dreg:$0x1]  }
0x3: {  	s2 =	rddreg [dreg:$0x2]  }
0x4: {  	s4 =	rddreg [dreg:$0x3];
	s1 =	simm.s32 $0x0  }
0x5: {  	s18 =	stileid.u32;
	s8 =	srdreg.scid;
	s28 =	simm.s32 $0x19DC0  }
0x6: {  	s29 =	simm.s32 $0x3;
	s30 =	simm.s32 $0x2;
	s17 =	smul.u32 $0xA00, s18  }
0x7: {  	s31 =	simm.s32 $0x4;
	[smem:$0x7FF] =	sst s1;
	s3 =	smul.u32 $0xA000, s18  }
0x8: {  	s6 =	sadd.s32 $0x80800, s0;
	s7 =	sadd.s32 $0x6CE00, s0;
	s9 =	smul.u32 $0x2800, s18  }
0x9: {  	s8 =	sand.u32 $0x1, s8;
	s10 =	sadd.s32 $0x94800, s0;
	s19 =	sadd.s32 $0x94200, s0  }
0xa: {  	s26 =	sshll.u32 s18, $0x6;
	_ =	strace $0x8000004A;
	[dreg:$0x5] =	wrdreg s10  }
0xb: {  	s18 =	simm.s32 $0x9E00;
	[dreg:$0x6] =	wrdreg s19;
	s20 =	ssub.s32 $0x2, s8  }
0xc: {  	p0 =	seq.s32 s8, $0x1;
	s19 =	sor.u32 $0x1C06, s26;
	s26 =	simm.s32 $0x17E80  }
0xd: {  	s8 =	simm.s32 $0x4F80;
	s10 =	simm.s32 $0x9F00;
	s1 =	sadd.s32 s17, s0  }
0xe: {  	s11 =	sshrl.u32 s3, $0x3;
	s12 =	sshrl.u32 s9, $0x3;
	s13 =	sshrl.u32 s20, $0x1  }
0xf: {  	s22 =	sadd.s32 s3, s2;
	s23 =	sadd.s32 s9, s4;
	s17 =	simm.s32 $0x6  }
0x10: {  	s3 =	simm.s32 $0x5000;
	s14 =	sadd.s32 s11, s0;
	s0 =	sadd.s32 s12, s0  }
0x11: {  	s21 =	ssub.s32 s20, s13;
	s5 =	sadd.s32 $0x3AE00, s1;
	s1 =	sadd.s32 $0x30E00, s1  }
0x12: {  	[dreg:$0x7] =	wrdreg s23;
	s20 =	sshrl.u32 s22, $0x3;
	s22 =	simm.s32 $0x14000  }
0x13: {  	s11 =	simm.s32 $0x9F80;
	s23 =	simm.s32 $0x1BD00;
	s12 =	simm.s32 $0x5  }
.Ltmp0:
0x14: {  	s13 =	simm.s32 $0x0;
	[dreg:$0xb] =	wrdreg s5;
	(pc) =	sbr.rel .LBB2_1-.Ltmp0, $4  }
0x15: {  	[dreg:$0xc] =	wrdreg s1;
	s24 =	sadd.s32 $0xADA00, s14;
	s0 =	sadd.s32 $0x94A00, s0  }
0x16: {  	s25 =	sadd.s32 $0x99A00, s14;
	s16 =	smax.u32 s21, $0x1;
	[dreg:$0x8] =	wrdreg s24  }
0x17: {  	s21 =	simm.s32 $0x7D;
	s5 =	simm.s32 $0x9E80;
	[dreg:$0x9] =	wrdreg s0  }
0x18: {  	[dreg:$0xa] =	wrdreg s25;
	s24 =	simm.s32 $0x15F40;
	s25 =	simm.s32 $0x1  }
.LBB2_7:
0x19: {  	[sflag:s31] =	ssyncadd.s32 $0xFFFFE0C0  }
0x1a: {  	_ =	swait.ge [sflag:s25], $0x1F40  }
0x1b: {  	[sflag:s25] =	ssyncset.done $0x0  }
0x1c: {  	[sflag:s25] =	ssyncadd.s32 $0xFFFFE0C0  }
0x1d: {  	_ =	swait.ge [sflag:s25], $0x1F40  }
0x1e: {  	[sflag:s25] =	ssyncset.done $0x0  }
0x1f: {  	[sflag:s25] =	ssyncadd.s32 $0xFFFFE0C0  }
0x20: {  	[spmem:s2] =	stream.indirect.scatter.add.f32 [tilespmem:s22], [sflag:$0x3], $0x40, s18, s21, $0xb8;
	[tilespmem:$0x1ECD0] =	vst v63  }
0x21: {  	_ = 	snop  }
0x22: {  	[spmem:s2] =	stream.indirect.scatter.add.f32 [tilespmem:s24], [sflag:$0x3], $0x40, s5, s21, $0xb8;
	[tilespmem:$0x1ECD0] =	vst v63  }
0x23: {  	s0 =	simm.s32 $0x4F00  }
0x24: {  	[tilespmem:s26], [sflag:$0x2] =	stream.indirect.gather [hbm4b:s7+s21], $0x40, s0, s21, $0xb8;
	[tilespmem:$0x1ECD0] =	vst v63  }
0x25: {  	_ = 	snop  }
0x26: {  	[tilespmem:s28], [sflag:$0x2] =	stream.indirect.gather [hbm4b:s7+s21], $0x40, s8, s21, $0xb8;
	[tilespmem:$0x1ECD0] =	vst v63  }
0x27: {  	_ =	swait.ge [sflag:s29], $0x1F40  }
0x28: {  	[sflag:s29] =	ssyncset.done $0x0  }
0x29: {  	[sflag:s29] =	ssyncadd.s32 $0xFFFFE0C0  }
0x2a: {  	_ =	swait.ge [sflag:s29], $0x1F40  }
0x2b: {  	[sflag:s29] =	ssyncset.done $0x0  }
0x2c: {  	[sflag:s29] =	ssyncadd.s32 $0xFFFFE0C0  }
0x2d: {  	_ =	swait.ge [sflag:s30], $0x1F40  }
0x2e: {  	[sflag:s30] =	ssyncset.done $0x0  }
0x2f: {  	[sflag:s30] =	ssyncadd.s32 $0xFFFFE0C0  }
0x30: {  	_ =	swait.ge [sflag:s30], $0x1F40  }
0x31: {  	[sflag:s30] =	ssyncset.done $0x0  }
0x32: {  	[sflag:s30] =	ssyncadd.s32 $0xFFFFE0C0  }
0x33: {  	[spmem:s2] =	stream.indirect.scatter.add.f32 [tilespmem:s26], [sflag:$0x4], $0x40, s10, s21, $0xb8;
	[tilespmem:$0x1ECD0] =	vst v63  }
0x34: {  	_ = 	snop  }
0x35: {  	[spmem:s2] =	stream.indirect.scatter.add.f32 [tilespmem:s28], [sflag:$0x4], $0x40, s11, s21, $0xb8;
	[tilespmem:$0x1ECD0] =	vst v63  }
0x36: {  	_ = 	snop  }
0x37: {  	[tilespmem:s22], [sflag:$0x1] =	stream.indirect.gather [hbm4b:s7+s21], $0x40, s8, s21, $0xb8;
	[tilespmem:$0x1ECD0] =	vst v63  }
0x38: {  	_ = 	snop  }
0x39: {  	[tilespmem:s24], [sflag:$0x1] =	stream.indirect.gather [hbm4b:s7+s21], $0x40, s8, s21, $0xb8;
	[tilespmem:$0x1ECD0] =	vst v63  }
0x3a: {  	_ =	swait.ge [sflag:s31], $0x1F40  }
0x3b: {  	[sflag:s31] =	ssyncset.done $0x0  }
0x3c: {  	[sflag:s31] =	ssyncadd.s32 $0xFFFFE0C0  }
0x3d: {  	_ =	swait.ge [sflag:s31], $0x1F40  }
0x3e: {  	[sflag:s31] =	ssyncset.done $0x0  }
0x3f: {  	[sflag:s31] =	ssyncadd.s32 $0xFFFFE0C0  }
0x40: {  	_ =	swait.ge [sflag:s25], $0x1F40  }
0x41: {  	[sflag:s25] =	ssyncset.done $0x0  }
0x42: {  	[sflag:s25] =	ssyncadd.s32 $0xFFFFE0C0  }
0x43: {  	_ =	swait.ge [sflag:s25], $0x1F40  }
0x44: {  	[sflag:s25] =	ssyncset.done $0x0  }
0x45: {  	[sflag:s25] =	ssyncadd.s32 $0xFFFFE0C0  }
0x46: {  	[bflag:$0x0] =	sbarrier.arrive $0xFFFF  }
0x47: {  	s14 =	rddreg [dreg:$0xa]  }
0x48: {  	[hbm:s14], [sflag:s19] =	dma.local [spmem:s20], $0x1400  }
0x49: {  	_ =	swait.ge [sflag:s17], $0x1400  }
0x4a: {  	[sflag:s17] =	ssyncset.done $0x0  }
0x4b: {  	[sflag:s17] =	ssyncadd.s32 $0xFFFFEC00  }
.LBB2_8:
0x4c: {  	s13 =	sadd.s32 $0x1, s13  }
0x4d: {  	p1 =	sne.s32 s13, s16  }
.Ltmp1:
0x4e: {  	_ = 	snop;
	(pc) =	sbr.rel @!p1 .LBB2_9-.Ltmp1, $1  }
0x4f: {  	_ =	sdelay $0x3  }
.LBB2_1:
0x50: {  	s0 =	simm.s32 $0x0;
	s1 =	rddreg [dreg:$0xb]  }
0x51: {  	[tilespmem:s0], [sflag:$0x6] =	stream.linear.gather [hbm4b:s1+s0], $0x5000, $0x38;
	[tilespmem:$0x1ECD0] =	vst v63  }
0x52: {  	_ =	swait.ge [sflag:s17], $0x5000  }
0x53: {  	[sflag:s17] =	ssyncset.done $0x0  }
0x54: {  	s14 =	rddreg [dreg:$0xc];
	[sflag:s17] =	ssyncadd.s32 $0xFFFFB000  }
0x55: {  	[tilespmem:s3], [sflag:$0x6] =	stream.linear.gather [hbm4b:s14+s0], $0x5000, $0x38;
	[tilespmem:$0x1ECD0] =	vst v63  }
0x56: {  	_ =	swait.ge [sflag:s17], $0x5000  }
0x57: {  	[sflag:s17] =	ssyncset.done $0x0  }
.Ltmp2:
0x58: {  	[sflag:s17] =	ssyncadd.s32 $0xFFFFB000;
	(pc) =	sbr.rel @!p0 .LBB2_2-.Ltmp2, $4  }
0x59: {  	[spmem:s20], [sflag:s19] =	dma.local [hbm:s15], $0x1400  }
0x5a: {  	_ =	swait.ge [sflag:s17], $0x1400  }
0x5b: {  	[sflag:s17] =	ssyncset.done $0x0  }
0x5c: {  	[sflag:s17] =	ssyncadd.s32 $0xFFFFEC00  }
0x5d: {  	[bflag:$0x0] =	sbarrier.arrive $0xFFFF;
	s0 =	simm.s32 $0x0  }
0x5e: {  	[tilespmem:s22], [sflag:$0x1] =	stream.indirect.gather [hbm4b:s7+s21], $0x40, s0, s21, $0xb8;
	[tilespmem:$0x1ECD0] =	vst v63  }
0x5f: {  	s1 =	simm.s32 $0x80  }
0x60: {  	[tilespmem:s24], [sflag:$0x1] =	stream.indirect.gather [hbm4b:s7+s21], $0x40, s1, s21, $0xb8;
	[tilespmem:$0x1ECD0] =	vst v63  }
0x61: {  	_ =	swait.ge [sflag:s25], $0x1F40  }
0x62: {  	[sflag:s25] =	ssyncset.done $0x0  }
0x63: {  	[sflag:s25] =	ssyncadd.s32 $0xFFFFE0C0  }
0x64: {  	_ =	swait.ge [sflag:s25], $0x1F40  }
0x65: {  	[sflag:s25] =	ssyncset.done $0x0  }
0x66: {  	s9 =	simm.s32 $0x5000;
	[sflag:s25] =	ssyncadd.s32 $0xFFFFE0C0  }
0x67: {  	[spmem:s2] =	stream.indirect.scatter.add.f32 [tilespmem:s22], [sflag:$0x3], $0x40, s9, s21, $0xb8;
	[tilespmem:$0x1ECD0] =	vst v63  }
0x68: {  	s14 =	simm.s32 $0x5080  }
0x69: {  	[spmem:s2] =	stream.indirect.scatter.add.f32 [tilespmem:s24], [sflag:$0x3], $0x40, s14, s21, $0xb8;
	[tilespmem:$0x1ECD0] =	vst v63  }
0x6a: {  	s1 =	simm.s32 $0x100  }
0x6b: {  	[tilespmem:s26], [sflag:$0x2] =	stream.indirect.gather [hbm4b:s7+s21], $0x40, s1, s21, $0xb8;
	[tilespmem:$0x1ECD0] =	vst v63  }
0x6c: {  	s9 =	simm.s32 $0x180  }
0x6d: {  	[tilespmem:s28], [sflag:$0x2] =	stream.indirect.gather [hbm4b:s7+s21], $0x40, s9, s21, $0xb8;
	[tilespmem:$0x1ECD0] =	vst v63  }
0x6e: {  	_ =	swait.ge [sflag:s29], $0x1F40  }
0x6f: {  	[sflag:s29] =	ssyncset.done $0x0  }
0x70: {  	[sflag:s29] =	ssyncadd.s32 $0xFFFFE0C0  }
0x71: {  	_ =	swait.ge [sflag:s29], $0x1F40  }
0x72: {  	[sflag:s29] =	ssyncset.done $0x0  }
0x73: {  	[sflag:s29] =	ssyncadd.s32 $0xFFFFE0C0  }
0x74: {  	_ =	swait.ge [sflag:s30], $0x1F40  }
0x75: {  	[sflag:s30] =	ssyncset.done $0x0  }
0x76: {  	[sflag:s30] =	ssyncadd.s32 $0xFFFFE0C0  }
0x77: {  	_ =	swait.ge [sflag:s30], $0x1F40  }
0x78: {  	[sflag:s30] =	ssyncset.done $0x0  }
0x79: {  	s14 =	simm.s32 $0x5100;
	[sflag:s30] =	ssyncadd.s32 $0xFFFFE0C0  }
0x7a: {  	[spmem:s2] =	stream.indirect.scatter.add.f32 [tilespmem:s26], [sflag:$0x4], $0x40, s14, s21, $0xb8;
	[tilespmem:$0x1ECD0] =	vst v63  }
0x7b: {  	s1 =	simm.s32 $0x5180  }
0x7c: {  	[spmem:s2] =	stream.indirect.scatter.add.f32 [tilespmem:s28], [sflag:$0x4], $0x40, s1, s21, $0xb8;
	[tilespmem:$0x1ECD0] =	vst v63  }
0x7d: {  	s9 =	simm.s32 $0x200  }
0x7e: {  	[tilespmem:s22], [sflag:$0x1] =	stream.indirect.gather [hbm4b:s7+s21], $0x40, s9, s21, $0xb8;
	[tilespmem:$0x1ECD0] =	vst v63  }
0x7f: {  	s14 =	simm.s32 $0x280  }
0x80: {  	[tilespmem:s24], [sflag:$0x1] =	stream.indirect.gather [hbm4b:s7+s21], $0x40, s14, s21, $0xb8;
	[tilespmem:$0x1ECD0] =	vst v63  }
0x81: {  	_ =	swait.ge [sflag:s31], $0x1F40  }
0x82: {  	[sflag:s31] =	ssyncset.done $0x0  }
0x83: {  	[sflag:s31] =	ssyncadd.s32 $0xFFFFE0C0  }
0x84: {  	_ =	swait.ge [sflag:s31], $0x1F40  }
0x85: {  	s14 =	simm.s32 $0x800;
	[sflag:s31] =	ssyncset.done $0x0  }
.LBB2_6:
0x86: {  	p1 =	sne.s32 s14, $0x13000  }
0x87: {  	[sflag:s31] =	ssyncadd.s32 $0xFFFFE0C0;
	s0 =	smov.u32 s14;
	s14 =	sadd.s32 $0x800, s14  }
0x88: {  	_ =	swait.ge [sflag:s25], $0x1F40  }
0x89: {  	[sflag:s25] =	ssyncset.done $0x0  }
0x8a: {  	[sflag:s25] =	ssyncadd.s32 $0xFFFFE0C0  }
0x8b: {  	_ =	swait.ge [sflag:s25], $0x1F40  }
0x8c: {  	s0 =	sshra.s32 s0, $0x2;
	[sflag:s25] =	ssyncset.done $0x0  }
0x8d: {  	s1 =	sadd.s32 $0x5000, s0;
	[sflag:s25] =	ssyncadd.s32 $0xFFFFE0C0  }
0x8e: {  	[spmem:s2] =	stream.indirect.scatter.add.f32 [tilespmem:s22], [sflag:$0x3], $0x40, s1, s21, $0xb8;
	[tilespmem:$0x1ECD0] =	vst v63  }
0x8f: {  	s1 =	sadd.s32 $0x5080, s0  }
0x90: {  	[spmem:s2] =	stream.indirect.scatter.add.f32 [tilespmem:s24], [sflag:$0x3], $0x40, s1, s21, $0xb8;
	[tilespmem:$0x1ECD0] =	vst v63  }
0x91: {  	s1 =	sadd.s32 $0x100, s0  }
0x92: {  	[tilespmem:s26], [sflag:$0x2] =	stream.indirect.gather [hbm4b:s7+s21], $0x40, s1, s21, $0xb8;
	[tilespmem:$0x1ECD0] =	vst v63  }
0x93: {  	s1 =	sadd.s32 $0x180, s0  }
0x94: {  	[tilespmem:s28], [sflag:$0x2] =	stream.indirect.gather [hbm4b:s7+s21], $0x40, s1, s21, $0xb8;
	[tilespmem:$0x1ECD0] =	vst v63  }
0x95: {  	_ =	swait.ge [sflag:s29], $0x1F40  }
0x96: {  	[sflag:s29] =	ssyncset.done $0x0  }
0x97: {  	[sflag:s29] =	ssyncadd.s32 $0xFFFFE0C0  }
0x98: {  	_ =	swait.ge [sflag:s29], $0x1F40  }
0x99: {  	[sflag:s29] =	ssyncset.done $0x0  }
0x9a: {  	[sflag:s29] =	ssyncadd.s32 $0xFFFFE0C0  }
0x9b: {  	_ =	swait.ge [sflag:s30], $0x1F40  }
0x9c: {  	[sflag:s30] =	ssyncset.done $0x0  }
0x9d: {  	[sflag:s30] =	ssyncadd.s32 $0xFFFFE0C0  }
0x9e: {  	_ =	swait.ge [sflag:s30], $0x1F40  }
0x9f: {  	[sflag:s30] =	ssyncset.done $0x0  }
0xa0: {  	s1 =	sadd.s32 $0x5100, s0;
	[sflag:s30] =	ssyncadd.s32 $0xFFFFE0C0  }
0xa1: {  	[spmem:s2] =	stream.indirect.scatter.add.f32 [tilespmem:s26], [sflag:$0x4], $0x40, s1, s21, $0xb8;
	[tilespmem:$0x1ECD0] =	vst v63  }
0xa2: {  	s1 =	sadd.s32 $0x5180, s0  }
0xa3: {  	[spmem:s2] =	stream.indirect.scatter.add.f32 [tilespmem:s28], [sflag:$0x4], $0x40, s1, s21, $0xb8;
	[tilespmem:$0x1ECD0] =	vst v63  }
0xa4: {  	s1 =	sadd.s32 $0x200, s0  }
0xa5: {  	[tilespmem:s22], [sflag:$0x1] =	stream.indirect.gather [hbm4b:s7+s21], $0x40, s1, s21, $0xb8;
	[tilespmem:$0x1ECD0] =	vst v63  }
0xa6: {  	s0 =	sadd.s32 $0x280, s0  }
0xa7: {  	[tilespmem:s24], [sflag:$0x1] =	stream.indirect.gather [hbm4b:s7+s21], $0x40, s0, s21, $0xb8;
	[tilespmem:$0x1ECD0] =	vst v63  }
.Ltmp3:
0xa8: {  	_ =	swait.ge [sflag:s31], $0x1F40;
	(pc) =	sbr.rel @p1 .LBB2_6-.Ltmp3, $4  }
0xa9: {  	[sflag:s31] =	ssyncset.done $0x0  }
0xaa: {  	[sflag:s31] =	ssyncadd.s32 $0xFFFFE0C0  }
0xab: {  	_ =	swait.ge [sflag:s31], $0x1F40  }
0xac: {  	[sflag:s31] =	ssyncset.done $0x0  }
.Ltmp4:
0xad: {  	_ = 	snop;
	(pc) =	sbr.rel .LBB2_7-.Ltmp4, $1  }
0xae: {  	_ =	sdelay $0x3  }
.LBB2_2:
0xaf: {  	s0 =	rddreg [dreg:$0x7]  }
0xb0: {  	s10 =	rddreg [dreg:$0x6];
	s14 =	sshrl.u32 s0, $0x3  }
0xb1: {  	[spmem:s14], [sflag:s19] =	dma.local [hbm:s10], $0x500  }
0xb2: {  	_ =	swait.ge [sflag:s17], $0x500  }
0xb3: {  	[sflag:s17] =	ssyncset.done $0x0  }
0xb4: {  	s1 =	simm.s32 $0x0;
	s11 =	rddreg [dreg:$0x5];
	[sflag:s17] =	ssyncadd.s32 $0xFFFFFB00  }
0xb5: {  	[tilespmem:s23], [sflag:$0x6] =	stream.linear.gather [hbm4b:s11+s1], $0x7D0, $0x38;
	[tilespmem:$0x1ECD0] =	vst v63  }
0xb6: {  	_ =	swait.ge [sflag:s17], $0x7D0  }
0xb7: {  	[sflag:s17] =	ssyncset.done $0x0  }
0xb8: {  	[sflag:s17] =	ssyncadd.s32 $0xFFFFF830  }
0xb9: {  	[bflag:$0x0] =	sbarrier.arrive $0xFFFF  }
0xba: {  	[tilespmem:s22], [sflag:$0x1] =	stream.indirect.gather [hbm4b:s6+s21], $0x40, s1, s21, $0xb8;
	[tilespmem:$0x1ECD0] =	vst v63  }
0xbb: {  	s9 =	smov.u32 s15;
	s15 =	simm.s32 $0x80  }
0xbc: {  	[tilespmem:s24], [sflag:$0x1] =	stream.indirect.gather [hbm4b:s6+s21], $0x40, s15, s21, $0xb8;
	[tilespmem:$0x1ECD0] =	vst v63  }
0xbd: {  	_ =	swait.ge [sflag:s25], $0x1F40  }
0xbe: {  	[sflag:s25] =	ssyncset.done $0x0  }
0xbf: {  	[sflag:s25] =	ssyncadd.s32 $0xFFFFE0C0  }
0xc0: {  	_ =	swait.ge [sflag:s25], $0x1F40  }
0xc1: {  	[sflag:s25] =	ssyncset.done $0x0  }
0xc2: {  	s18 =	simm.s32 $0x5000;
	[sflag:s25] =	ssyncadd.s32 $0xFFFFE0C0  }
0xc3: {  	[spmem:s2] =	stream.indirect.scatter.add.f32 [tilespmem:s22], [sflag:$0x3], $0x40, s18, s21, $0xb8;
	[tilespmem:$0x1ECD0] =	vst v63  }
0xc4: {  	s0 =	simm.s32 $0x5080  }
0xc5: {  	[spmem:s2] =	stream.indirect.scatter.add.f32 [tilespmem:s24], [sflag:$0x3], $0x40, s0, s21, $0xb8;
	[tilespmem:$0x1ECD0] =	vst v63  }
0xc6: {  	_ = 	snop  }
0xc7: {  	[spmem:s4] =	stream.indirect.scatter.add.f32 [tilespmem:s23], [sflag:$0x5], $0x10, s18, s21, $0xb8;
	[tilespmem:$0x1ECD0] =	vst v63  }
0xc8: {  	_ = 	snop  }
0xc9: {  	[spmem:s4] =	stream.indirect.scatter.add.f32 [tilespmem:s23], [sflag:$0x5], $0x10, s0, s21, $0xb8;
	[tilespmem:$0x1ECD0] =	vst v63  }
0xca: {  	s3 =	simm.s32 $0x100  }
0xcb: {  	[tilespmem:s26], [sflag:$0x2] =	stream.indirect.gather [hbm4b:s6+s21], $0x40, s3, s21, $0xb8;
	[tilespmem:$0x1ECD0] =	vst v63  }
0xcc: {  	s5 =	simm.s32 $0x180  }
0xcd: {  	[tilespmem:s28], [sflag:$0x2] =	stream.indirect.gather [hbm4b:s6+s21], $0x40, s5, s21, $0xb8;
	[tilespmem:$0x1ECD0] =	vst v63  }
0xce: {  	_ =	swait.ge [sflag:s29], $0x1F40  }
0xcf: {  	[sflag:s29] =	ssyncset.done $0x0  }
0xd0: {  	[sflag:s29] =	ssyncadd.s32 $0xFFFFE0C0  }
0xd1: {  	_ =	swait.ge [sflag:s29], $0x1F40  }
0xd2: {  	[sflag:s29] =	ssyncset.done $0x0  }
0xd3: {  	[sflag:s29] =	ssyncadd.s32 $0xFFFFE0C0  }
0xd4: {  	_ =	swait.ge [sflag:s12], $0x7D0  }
0xd5: {  	[sflag:s12] =	ssyncset.done $0x0  }
0xd6: {  	[sflag:s12] =	ssyncadd.s32 $0xFFFFF830  }
0xd7: {  	_ =	swait.ge [sflag:s12], $0x7D0  }
0xd8: {  	[sflag:s12] =	ssyncset.done $0x0  }
0xd9: {  	[sflag:s12] =	ssyncadd.s32 $0xFFFFF830  }
0xda: {  	_ =	swait.ge [sflag:s30], $0x1F40  }
0xdb: {  	[sflag:s30] =	ssyncset.done $0x0  }
0xdc: {  	[sflag:s30] =	ssyncadd.s32 $0xFFFFE0C0  }
0xdd: {  	_ =	swait.ge [sflag:s30], $0x1F40  }
0xde: {  	[sflag:s30] =	ssyncset.done $0x0  }
0xdf: {  	s10 =	simm.s32 $0x5100;
	[sflag:s30] =	ssyncadd.s32 $0xFFFFE0C0  }
0xe0: {  	[spmem:s2] =	stream.indirect.scatter.add.f32 [tilespmem:s26], [sflag:$0x4], $0x40, s10, s21, $0xb8;
	[tilespmem:$0x1ECD0] =	vst v63  }
0xe1: {  	s11 =	simm.s32 $0x5180  }
0xe2: {  	[spmem:s2] =	stream.indirect.scatter.add.f32 [tilespmem:s28], [sflag:$0x4], $0x40, s11, s21, $0xb8;
	[tilespmem:$0x1ECD0] =	vst v63  }
0xe3: {  	_ = 	snop  }
0xe4: {  	[spmem:s4] =	stream.indirect.scatter.add.f32 [tilespmem:s23], [sflag:$0x5], $0x10, s10, s21, $0xb8;
	[tilespmem:$0x1ECD0] =	vst v63  }
0xe5: {  	_ = 	snop  }
0xe6: {  	[spmem:s4] =	stream.indirect.scatter.add.f32 [tilespmem:s23], [sflag:$0x5], $0x10, s11, s21, $0xb8;
	[tilespmem:$0x1ECD0] =	vst v63  }
0xe7: {  	s15 =	simm.s32 $0x200  }
0xe8: {  	[tilespmem:s22], [sflag:$0x1] =	stream.indirect.gather [hbm4b:s6+s21], $0x40, s15, s21, $0xb8;
	[tilespmem:$0x1ECD0] =	vst v63  }
0xe9: {  	s18 =	simm.s32 $0x280  }
0xea: {  	[tilespmem:s24], [sflag:$0x1] =	stream.indirect.gather [hbm4b:s6+s21], $0x40, s18, s21, $0xb8;
	[tilespmem:$0x1ECD0] =	vst v63  }
0xeb: {  	_ =	swait.ge [sflag:s31], $0x1F40  }
0xec: {  	[sflag:s31] =	ssyncset.done $0x0  }
0xed: {  	[sflag:s31] =	ssyncadd.s32 $0xFFFFE0C0  }
0xee: {  	_ =	swait.ge [sflag:s31], $0x1F40  }
0xef: {  	[sflag:s31] =	ssyncset.done $0x0  }
0xf0: {  	[sflag:s31] =	ssyncadd.s32 $0xFFFFE0C0  }
0xf1: {  	_ =	swait.ge [sflag:s12], $0x7D0  }
0xf2: {  	[sflag:s12] =	ssyncset.done $0x0  }
0xf3: {  	[sflag:s12] =	ssyncadd.s32 $0xFFFFF830  }
0xf4: {  	_ =	swait.ge [sflag:s12], $0x7D0  }
0xf5: {  	s15 =	simm.s32 $0x800;
	[sflag:s12] =	ssyncset.done $0x0  }
.LBB2_3:
0xf6: {  	p1 =	sne.s32 s15, $0x13000  }
0xf7: {  	[sflag:s12] =	ssyncadd.s32 $0xFFFFF830;
	s1 =	smov.u32 s15;
	s15 =	sadd.s32 $0x800, s15  }
0xf8: {  	_ =	swait.ge [sflag:s25], $0x1F40  }
0xf9: {  	[sflag:s25] =	ssyncset.done $0x0  }
0xfa: {  	[sflag:s25] =	ssyncadd.s32 $0xFFFFE0C0  }
0xfb: {  	_ =	swait.ge [sflag:s25], $0x1F40  }
0xfc: {  	s1 =	sshra.s32 s1, $0x2;
	[sflag:s25] =	ssyncset.done $0x0  }
0xfd: {  	s0 =	sadd.s32 $0x5000, s1;
	[sflag:s25] =	ssyncadd.s32 $0xFFFFE0C0  }
0xfe: {  	[spmem:s2] =	stream.indirect.scatter.add.f32 [tilespmem:s22], [sflag:$0x3], $0x40, s0, s21, $0xb8;
	[tilespmem:$0x1ECD0] =	vst v63  }
0xff: {  	s3 =	sadd.s32 $0x5080, s1  }
0x100: {  	[spmem:s2] =	stream.indirect.scatter.add.f32 [tilespmem:s24], [sflag:$0x3], $0x40, s3, s21, $0xb8;
	[tilespmem:$0x1ECD0] =	vst v63  }
0x101: {  	_ = 	snop  }
0x102: {  	[spmem:s4] =	stream.indirect.scatter.add.f32 [tilespmem:s23], [sflag:$0x5], $0x10, s0, s21, $0xb8;
	[tilespmem:$0x1ECD0] =	vst v63  }
0x103: {  	_ = 	snop  }
0x104: {  	[spmem:s4] =	stream.indirect.scatter.add.f32 [tilespmem:s23], [sflag:$0x5], $0x10, s3, s21, $0xb8;
	[tilespmem:$0x1ECD0] =	vst v63  }
0x105: {  	s0 =	sadd.s32 $0x100, s1  }
0x106: {  	[tilespmem:s26], [sflag:$0x2] =	stream.indirect.gather [hbm4b:s6+s21], $0x40, s0, s21, $0xb8;
	[tilespmem:$0x1ECD0] =	vst v63  }
0x107: {  	s0 =	sadd.s32 $0x180, s1  }
0x108: {  	[tilespmem:s28], [sflag:$0x2] =	stream.indirect.gather [hbm4b:s6+s21], $0x40, s0, s21, $0xb8;
	[tilespmem:$0x1ECD0] =	vst v63  }
0x109: {  	_ =	swait.ge [sflag:s29], $0x1F40  }
0x10a: {  	[sflag:s29] =	ssyncset.done $0x0  }
0x10b: {  	[sflag:s29] =	ssyncadd.s32 $0xFFFFE0C0  }
0x10c: {  	_ =	swait.ge [sflag:s29], $0x1F40  }
0x10d: {  	[sflag:s29] =	ssyncset.done $0x0  }
0x10e: {  	[sflag:s29] =	ssyncadd.s32 $0xFFFFE0C0  }
0x10f: {  	_ =	swait.ge [sflag:s12], $0x7D0  }
0x110: {  	[sflag:s12] =	ssyncset.done $0x0  }
0x111: {  	[sflag:s12] =	ssyncadd.s32 $0xFFFFF830  }
0x112: {  	_ =	swait.ge [sflag:s12], $0x7D0  }
0x113: {  	[sflag:s12] =	ssyncset.done $0x0  }
0x114: {  	[sflag:s12] =	ssyncadd.s32 $0xFFFFF830  }
0x115: {  	_ =	swait.ge [sflag:s30], $0x1F40  }
0x116: {  	[sflag:s30] =	ssyncset.done $0x0  }
0x117: {  	[sflag:s30] =	ssyncadd.s32 $0xFFFFE0C0  }
0x118: {  	_ =	swait.ge [sflag:s30], $0x1F40  }
0x119: {  	[sflag:s30] =	ssyncset.done $0x0  }
0x11a: {  	s0 =	sadd.s32 $0x5100, s1;
	[sflag:s30] =	ssyncadd.s32 $0xFFFFE0C0  }
0x11b: {  	[spmem:s2] =	stream.indirect.scatter.add.f32 [tilespmem:s26], [sflag:$0x4], $0x40, s0, s21, $0xb8;
	[tilespmem:$0x1ECD0] =	vst v63  }
0x11c: {  	s3 =	sadd.s32 $0x5180, s1  }
0x11d: {  	[spmem:s2] =	stream.indirect.scatter.add.f32 [tilespmem:s28], [sflag:$0x4], $0x40, s3, s21, $0xb8;
	[tilespmem:$0x1ECD0] =	vst v63  }
0x11e: {  	_ = 	snop  }
0x11f: {  	[spmem:s4] =	stream.indirect.scatter.add.f32 [tilespmem:s23], [sflag:$0x5], $0x10, s0, s21, $0xb8;
	[tilespmem:$0x1ECD0] =	vst v63  }
0x120: {  	_ = 	snop  }
0x121: {  	[spmem:s4] =	stream.indirect.scatter.add.f32 [tilespmem:s23], [sflag:$0x5], $0x10, s3, s21, $0xb8;
	[tilespmem:$0x1ECD0] =	vst v63  }
0x122: {  	s0 =	sadd.s32 $0x200, s1  }
0x123: {  	[tilespmem:s22], [sflag:$0x1] =	stream.indirect.gather [hbm4b:s6+s21], $0x40, s0, s21, $0xb8;
	[tilespmem:$0x1ECD0] =	vst v63  }
0x124: {  	s0 =	sadd.s32 $0x280, s1  }
0x125: {  	[tilespmem:s24], [sflag:$0x1] =	stream.indirect.gather [hbm4b:s6+s21], $0x40, s0, s21, $0xb8;
	[tilespmem:$0x1ECD0] =	vst v63  }
0x126: {  	_ =	swait.ge [sflag:s31], $0x1F40  }
0x127: {  	[sflag:s31] =	ssyncset.done $0x0  }
0x128: {  	[sflag:s31] =	ssyncadd.s32 $0xFFFFE0C0  }
0x129: {  	_ =	swait.ge [sflag:s31], $0x1F40  }
0x12a: {  	[sflag:s31] =	ssyncset.done $0x0  }
0x12b: {  	[sflag:s31] =	ssyncadd.s32 $0xFFFFE0C0  }
.Ltmp5:
0x12c: {  	_ =	swait.ge [sflag:s12], $0x7D0;
	(pc) =	sbr.rel @p1 .LBB2_3-.Ltmp5, $4  }
0x12d: {  	[sflag:s12] =	ssyncset.done $0x0  }
0x12e: {  	[sflag:s12] =	ssyncadd.s32 $0xFFFFF830  }
0x12f: {  	_ =	swait.ge [sflag:s12], $0x7D0  }
0x130: {  	[sflag:s12] =	ssyncset.done $0x0  }
0x131: {  	[sflag:s12] =	ssyncadd.s32 $0xFFFFF830  }
0x132: {  	_ =	swait.ge [sflag:s25], $0x1F40  }
0x133: {  	[sflag:s25] =	ssyncset.done $0x0  }
0x134: {  	[sflag:s25] =	ssyncadd.s32 $0xFFFFE0C0  }
0x135: {  	_ =	swait.ge [sflag:s25], $0x1F40  }
0x136: {  	[sflag:s25] =	ssyncset.done $0x0  }
0x137: {  	s0 =	simm.s32 $0x9E00;
	[sflag:s25] =	ssyncadd.s32 $0xFFFFE0C0  }
0x138: {  	[spmem:s2] =	stream.indirect.scatter.add.f32 [tilespmem:s22], [sflag:$0x3], $0x40, s0, s21, $0xb8;
	[tilespmem:$0x1ECD0] =	vst v63  }
0x139: {  	s1 =	simm.s32 $0x9E80  }
0x13a: {  	[spmem:s2] =	stream.indirect.scatter.add.f32 [tilespmem:s24], [sflag:$0x3], $0x40, s1, s21, $0xb8;
	[tilespmem:$0x1ECD0] =	vst v63  }
0x13b: {  	_ = 	snop  }
0x13c: {  	[spmem:s4] =	stream.indirect.scatter.add.f32 [tilespmem:s23], [sflag:$0x5], $0x10, s0, s21, $0xb8;
	[tilespmem:$0x1ECD0] =	vst v63  }
0x13d: {  	_ = 	snop  }
0x13e: {  	[spmem:s4] =	stream.indirect.scatter.add.f32 [tilespmem:s23], [sflag:$0x5], $0x10, s1, s21, $0xb8;
	[tilespmem:$0x1ECD0] =	vst v63  }
0x13f: {  	s10 =	simm.s32 $0x4F00  }
0x140: {  	[tilespmem:s26], [sflag:$0x2] =	stream.indirect.gather [hbm4b:s6+s21], $0x40, s10, s21, $0xb8;
	[tilespmem:$0x1ECD0] =	vst v63  }
0x141: {  	_ = 	snop  }
0x142: {  	[tilespmem:s28], [sflag:$0x2] =	stream.indirect.gather [hbm4b:s6+s21], $0x40, s8, s21, $0xb8;
	[tilespmem:$0x1ECD0] =	vst v63  }
0x143: {  	_ =	swait.ge [sflag:s29], $0x1F40  }
0x144: {  	[sflag:s29] =	ssyncset.done $0x0  }
0x145: {  	[sflag:s29] =	ssyncadd.s32 $0xFFFFE0C0  }
0x146: {  	_ =	swait.ge [sflag:s29], $0x1F40  }
0x147: {  	[sflag:s29] =	ssyncset.done $0x0  }
0x148: {  	[sflag:s29] =	ssyncadd.s32 $0xFFFFE0C0  }
0x149: {  	_ =	swait.ge [sflag:s12], $0x7D0  }
0x14a: {  	[sflag:s12] =	ssyncset.done $0x0  }
0x14b: {  	[sflag:s12] =	ssyncadd.s32 $0xFFFFF830  }
0x14c: {  	_ =	swait.ge [sflag:s12], $0x7D0  }
0x14d: {  	[sflag:s12] =	ssyncset.done $0x0  }
0x14e: {  	[sflag:s12] =	ssyncadd.s32 $0xFFFFF830  }
0x14f: {  	_ =	swait.ge [sflag:s30], $0x1F40  }
0x150: {  	[sflag:s30] =	ssyncset.done $0x0  }
0x151: {  	[sflag:s30] =	ssyncadd.s32 $0xFFFFE0C0  }
0x152: {  	_ =	swait.ge [sflag:s30], $0x1F40  }
0x153: {  	[sflag:s30] =	ssyncset.done $0x0  }
0x154: {  	s11 =	simm.s32 $0x9F00;
	[sflag:s30] =	ssyncadd.s32 $0xFFFFE0C0  }
0x155: {  	[spmem:s2] =	stream.indirect.scatter.add.f32 [tilespmem:s26], [sflag:$0x4], $0x40, s11, s21, $0xb8;
	[tilespmem:$0x1ECD0] =	vst v63  }
0x156: {  	s15 =	simm.s32 $0x9F80  }
0x157: {  	[spmem:s2] =	stream.indirect.scatter.add.f32 [tilespmem:s28], [sflag:$0x4], $0x40, s15, s21, $0xb8;
	[tilespmem:$0x1ECD0] =	vst v63  }
0x158: {  	_ = 	snop  }
0x159: {  	[spmem:s4] =	stream.indirect.scatter.add.f32 [tilespmem:s23], [sflag:$0x5], $0x10, s11, s21, $0xb8;
	[tilespmem:$0x1ECD0] =	vst v63  }
0x15a: {  	_ = 	snop  }
0x15b: {  	[spmem:s4] =	stream.indirect.scatter.add.f32 [tilespmem:s23], [sflag:$0x5], $0x10, s15, s21, $0xb8;
	[tilespmem:$0x1ECD0] =	vst v63  }
0x15c: {  	_ = 	snop  }
0x15d: {  	[tilespmem:s22], [sflag:$0x1] =	stream.indirect.gather [hbm4b:s6+s21], $0x40, s8, s21, $0xb8;
	[tilespmem:$0x1ECD0] =	vst v63  }
0x15e: {  	_ = 	snop  }
0x15f: {  	[tilespmem:s24], [sflag:$0x1] =	stream.indirect.gather [hbm4b:s6+s21], $0x40, s8, s21, $0xb8;
	[tilespmem:$0x1ECD0] =	vst v63  }
0x160: {  	_ =	swait.ge [sflag:s31], $0x1F40  }
0x161: {  	[sflag:s31] =	ssyncset.done $0x0  }
0x162: {  	[sflag:s31] =	ssyncadd.s32 $0xFFFFE0C0  }
0x163: {  	_ =	swait.ge [sflag:s31], $0x1F40  }
0x164: {  	[sflag:s31] =	ssyncset.done $0x0  }
0x165: {  	[sflag:s31] =	ssyncadd.s32 $0xFFFFE0C0  }
0x166: {  	_ =	swait.ge [sflag:s12], $0x7D0  }
0x167: {  	[sflag:s12] =	ssyncset.done $0x0  }
0x168: {  	[sflag:s12] =	ssyncadd.s32 $0xFFFFF830  }
0x169: {  	_ =	swait.ge [sflag:s12], $0x7D0  }
0x16a: {  	[sflag:s12] =	ssyncset.done $0x0  }
0x16b: {  	[sflag:s12] =	ssyncadd.s32 $0xFFFFF830  }
0x16c: {  	_ =	swait.ge [sflag:s25], $0x1F40  }
0x16d: {  	[sflag:s25] =	ssyncset.done $0x0  }
0x16e: {  	[sflag:s25] =	ssyncadd.s32 $0xFFFFE0C0  }
0x16f: {  	_ =	swait.ge [sflag:s25], $0x1F40  }
0x170: {  	[sflag:s25] =	ssyncset.done $0x0  }
0x171: {  	[sflag:s25] =	ssyncadd.s32 $0xFFFFE0C0  }
0x172: {  	[bflag:$0x0] =	sbarrier.arrive $0xFFFF  }
0x173: {  	s3 =	rddreg [dreg:$0x8]  }
0x174: {  	[hbm:s3], [sflag:s19] =	dma.local [spmem:s20], $0x1400  }
0x175: {  	_ =	swait.ge [sflag:s17], $0x1400  }
0x176: {  	[sflag:s17] =	ssyncset.done $0x0  }
.Ltmp6:
0x177: {  	s15 =	rddreg [dreg:$0x9];
	[sflag:s17] =	ssyncadd.s32 $0xFFFFEC00;
	(pc) =	sbr.rel .LBB2_8-.Ltmp6, $4  }
0x178: {  	[hbm:s15], [sflag:s19] =	dma.local [spmem:s14], $0x500  }
0x179: {  	s18 =	simm.s32 $0x9E00;
	s5 =	simm.s32 $0x9E80;
	_ =	swait.ge [sflag:s17], $0x500  }
0x17a: {  	s10 =	simm.s32 $0x9F00;
	s11 =	simm.s32 $0x9F80;
	[sflag:s17] =	ssyncset.done $0x0  }
0x17b: {  	s3 =	simm.s32 $0x5000;
	s15 =	smov.u32 s9;
	[sflag:s17] =	ssyncadd.s32 $0xFFFFFB00  }
.LBB2_9:
0x17c: {  	_ =	sfence.sel $0x180000  }
0x17d: {  	[bflag:$0x0] =	sbarrier.arrive $0xFFFF  }
0x17e: {  	_ =	strace $0x9000004A  }
0x17f: {  	s0 =	stileid.u32;
	[bflag:$0x2] =	sbarrier.arrive $0xFFFF  }
0x180: {  	p0 =	sne.s32 s0, $0x0;
	s0 =	rddreg [dreg:$0x4]  }
0x181: {  	s0 =	sadd.s32 @!p0 $0x100000, s0  }
0x182: {  	[sflag:s0] =	ssyncadd.tile.s32 @!p0 $0x1;
	_ =	shalt  }
.Lfunc_end2:
_tile_overlayer_lowered:
.L_overlay_start_2:
0x183: {  	(tag) =	ssettag $0x2  }
0x184: {  	s0 =	rddreg [dreg:$0x0];
	s2 =	stileid.u32  }
0x185: {  	s1 =	rddreg [dreg:$0x1];
	p0 =	sne.s32 s2, $0x0  }
0x186: {  	s3 =	rddreg [dreg:$0x2];
	[bflag:$0x3] =	sbarrier.arrive $0xFFFF;
	s2 =	simm.s32 @!p0 $0x1C06  }
0x187: {  	[timem:s3], [sflag:s2] =	dma.local @!p0 [hbm:s0], s1  }
0x188: {  	s0 =	simm.s32 @!p0 $0x6  }
0x189: {  	_ =	swait.ge @!p0 [sflag:s0], s1  }
0x18a: {  	s1 =	ssub.s32 @!p0 $0x0, s1;
	[sflag:s0] =	ssyncset.done @!p0 $0x0  }
0x18b: {  	[sflag:s0] =	ssyncadd.s32 @!p0 s1  }
0x18c: {  	[bflag:$0x3] =	sbarrier.arrive $0xFFFF  }
0x18d: {  	_ =	shalt  }

</sc_bundles>
